<compile_context>
chip_gen: v7x
topology: tpu7x:2x2x1
jax: 0.10.2.dev20260603
libtpu: 0.0.44.dev20260713+nightly
codegen_flags: <defaults>
</compile_context>

<pallas_src>
import functools

import jax
import jax.numpy as jnp
from jax import lax
from jax.experimental import pallas as pl
from jax.experimental.pallas import tpu as pltpu
from jax.experimental.pallas import tpu_sc as plsc

N_NODES = 50000
N_EDGES = 1600000
NS = 16
L = 16

N_PAD = 50176
TSPAN = N_PAD // NS
EPT = N_EDGES // NS
EBLK = 10000
NBLK = EPT // EBLK
NPAIR = NBLK // 2
LAST_W = N_NODES - (N_PAD - TSPAN)
SU = 5


NRING = 3


def _mask_body(edge_hbm, vparam_hbm, out_hbm, pub_hbm,
               reach, colA, colB, colC, rowbuf, vparam, redbuf, outbuf,
               flagbuf, allflags, dirty, shared_flags, semA, semB, semC):
    sid = lax.axis_index("s")
    ebase = sid * EPT
    cbufs = (colA, colB, colC)
    sems = (semA, semB, semC)

    def start_col(b, cbuf, sem):
        off = ebase + b * EBLK
        pltpu.make_async_copy(edge_hbm.at[pl.ds(N_EDGES + off, EBLK)], cbuf,
                              sem).start()

    def wait_col(cbuf, sem):
        pltpu.make_async_copy(edge_hbm.at[pl.ds(0, EBLK)], cbuf,
                              sem).wait()

    for b in range(NRING):
        start_col(b, cbufs[b], sems[b])

    pltpu.sync_copy(vparam_hbm, vparam)
    vtx = vparam[...]

    zero_f = jnp.zeros((L,), jnp.float32)
    one_f = jnp.ones((L,), jnp.float32)
    ninf = jnp.full((L,), -jnp.inf, jnp.float32)
    zero_i = jnp.zeros((L,), jnp.int32)
    one_i = jnp.ones((L,), jnp.int32)

    dirty[0] = 0

    def scan_blk(b, cbuf):
        @plsc.parallel_loop(0, EBLK, step=L, unroll=SU, carry=zero_i)
        def acc(i, a):
            return a + jnp.where(cbuf[pl.ds(i, L)] == vtx, one_i, zero_i)
        cnt = jnp.max(acc)

        @pl.when(cnt > 0)
        def _():
            off = ebase + b * EBLK
            pltpu.sync_copy(edge_hbm.at[pl.ds(off, EBLK)], rowbuf)

            @pl.when(dirty[0] == 0)
            def _():
                @plsc.parallel_loop(0, N_PAD, step=L, unroll=8)
                def _z(i):
                    reach[pl.ds(i, L)] = zero_f
            dirty[0] = 1

            @plsc.parallel_loop(0, EBLK, step=L, unroll=SU)
            def _s2(i):
                s = pl.ds(i, L)
                cv = cbuf[s]
                rv = rowbuf[s]
                hit = (cv == vtx) & (rv != vtx)
                plsc.store_scatter(reach, [rv], one_f, mask=hit)

    for b in range(NBLK):
        s = b % NRING
        wait_col(cbufs[s], sems[s])
        scan_blk(b, cbufs[s])
        if b + NRING < NBLK:
            start_col(b + NRING, cbufs[s], sems[s])

    d = dirty[0]

    @pl.when(d > 0)
    def _():
        pltpu.sync_copy(reach, pub_hbm.at[pl.ds(sid * N_PAD, N_PAD)])

    flagbuf[pl.ds(0, L)] = jnp.full((L,), d, dtype=jnp.int32)
    pltpu.sync_copy(flagbuf, shared_flags.at[pl.ds(sid * L, L)])
    plsc.subcore_barrier()

    myoff = sid * TSPAN

    @plsc.parallel_loop(0, TSPAN, step=L, unroll=8)
    def _zo(i):
        outbuf[pl.ds(i, L)] = zero_f

    pltpu.sync_copy(shared_flags, allflags)

    for t in range(NS):
        ft = jnp.max(allflags[pl.ds(t * L, L)])

        @pl.when(ft > 0)
        def _(_t=t):
            pltpu.sync_copy(pub_hbm.at[pl.ds(_t * N_PAD + myoff, TSPAN)],
                            redbuf)

            @plsc.parallel_loop(0, TSPAN, step=L, unroll=8)
            def _ab(i):
                s0 = pl.ds(i, L)
                outbuf[s0] = outbuf[s0] + redbuf[s0]

    neg1 = vtx == jnp.full((L,), -1, dtype=jnp.int32)

    @plsc.parallel_loop(0, TSPAN, step=L, unroll=8)
    def _fv(i):
        s0 = pl.ds(i, L)
        a = outbuf[s0]
        o = jnp.where(a > zero_f, zero_f, ninf)
        o = jnp.where(neg1, zero_f, o)
        outbuf[s0] = o

    is_last = sid == NS - 1

    @pl.when(jnp.logical_not(is_last))
    def _():
        pltpu.sync_copy(outbuf, out_hbm.at[pl.ds(myoff, TSPAN)])

    @pl.when(is_last)
    def _():
        pltpu.sync_copy(outbuf.at[pl.ds(0, LAST_W)],
                        out_hbm.at[pl.ds(myoff, LAST_W)])


_sc_mask = functools.partial(
    pl.kernel,
    mesh=plsc.VectorSubcoreMesh(core_axis_name="c", subcore_axis_name="s",
                                num_cores=1),
    out_type=(jax.ShapeDtypeStruct((N_NODES,), jnp.float32),
              jax.ShapeDtypeStruct((NS * N_PAD,), jnp.float32)),
    compiler_params=pltpu.CompilerParams(needs_layout_passes=False),
    scratch_types=[
        pltpu.VMEM((N_PAD,), jnp.float32),
        pltpu.VMEM((EBLK,), jnp.int32),
        pltpu.VMEM((EBLK,), jnp.int32),
        pltpu.VMEM((EBLK,), jnp.int32),
        pltpu.VMEM((EBLK,), jnp.int32),
        pltpu.VMEM((L,), jnp.int32),
        pltpu.VMEM((TSPAN,), jnp.float32),
        pltpu.VMEM((TSPAN,), jnp.float32),
        pltpu.VMEM((L,), jnp.int32),
        pltpu.VMEM((NS * L,), jnp.int32),
        pltpu.SMEM((1,), jnp.int32),
        pltpu.VMEM_SHARED((NS * L,), jnp.int32),
        pltpu.SemaphoreType.DMA,
        pltpu.SemaphoreType.DMA,
        pltpu.SemaphoreType.DMA,
    ],
)(_mask_body)


def kernel(logits, edge_index, vertex):
    del logits
    vparam = jnp.full((L,), vertex, dtype=jnp.int32)
    mask, _ = _sc_mask(edge_index.reshape(-1), vparam)
    return mask.reshape(-1, 1)

# --- scband reference (transcript-rebuilt; emitter-appended) ---
"""Pipeline reference for scband-mask-6468220747891 (READ-ONLY COPY).

The authoritative reference and input builder live on the scoring server;
editing this copy changes nothing except your own understanding.
"""

import jax, jax.numpy as jnp
import numpy as np

N_NODES = 50000
N_EDGES = 1600000
VERTEX = 1234


def setup_inputs(seed: int = 0) -> dict:
    key = jax.random.key(seed)
    k1, k2 = jax.random.split(key)
    logits = jax.random.normal(k1, (N_NODES,), dtype=jnp.float32)
    edge_index = jax.random.randint(k2, (2, N_EDGES), 0, N_NODES, dtype=jnp.int32)
    return {"logits": logits, "edge_index": edge_index, "vertex": VERTEX}


def reference(logits, edge_index, vertex):
    # Faithful translation of Mask.forward.
    n = logits.shape[0]
    row = edge_index[0]  # source nodes
    col = edge_index[1]  # target nodes
    # k_hop_subgraph(vertex, 1, edge_index) with default flow='source_to_target':
    # subset = {vertex} U {row[e] : col[e] == vertex}
    hits = jnp.where(col == vertex, 1.0, 0.0).astype(jnp.float32)
    reach = jnp.zeros((n,), dtype=jnp.float32).at[row].add(hits)  # scatter-add over edges
    node_mask = (reach > 0) | (jnp.arange(n) == vertex)
    # mask = -inf everywhere, scatter 0 at subgraph indices
    mask = jnp.where(node_mask, jnp.float32(0.0), jnp.float32(-jnp.inf))
    # mask[vertex] = -inf
    mask = mask.at[vertex].set(-jnp.inf)
    mask = jnp.where(vertex == -1, jnp.zeros_like(logits), mask)
    return mask.reshape(-1, 1)

if __name__ == "__main__":
    import jax
    _d = setup_inputs()
    print(jax.jit(kernel)(*tuple(_d.values())))

</pallas_src>

<mosaic_0001>
#map = affine_map<(d0, d1) -> (0)>
module attributes {stable_mosaic.version = 14 : i64} {
  func.func @_mask_body(%arg0: i32, %arg1: i32, %arg2: memref<3200000xi32, #tpu.memory_space<hbm>>, %arg3: memref<16xi32, #tpu.memory_space<hbm>>, %arg4: memref<50000xf32, #tpu.memory_space<hbm>>, %arg5: memref<802816xf32, #tpu.memory_space<hbm>>, %arg6: memref<50176xf32, #tpu.memory_space<vmem>>, %arg7: memref<10000xi32, #tpu.memory_space<vmem>>, %arg8: memref<10000xi32, #tpu.memory_space<vmem>>, %arg9: memref<10000xi32, #tpu.memory_space<vmem>>, %arg10: memref<10000xi32, #tpu.memory_space<vmem>>, %arg11: memref<16xi32, #tpu.memory_space<vmem>>, %arg12: memref<3136xf32, #tpu.memory_space<vmem>>, %arg13: memref<3136xf32, #tpu.memory_space<vmem>>, %arg14: memref<16xi32, #tpu.memory_space<vmem>>, %arg15: memref<256xi32, #tpu.memory_space<vmem>>, %arg16: memref<1xi32, #tpu.memory_space<smem>>, %arg17: memref<256xi32, #tpu.memory_space<vmem_shared>>, %arg18: memref<!tpu.dma_semaphore, #tpu.memory_space<semaphore_mem>>, %arg19: memref<!tpu.dma_semaphore, #tpu.memory_space<semaphore_mem>>, %arg20: memref<!tpu.dma_semaphore, #tpu.memory_space<semaphore_mem>>) attributes {dimension_semantics = [#tpu.dimension_semantics<core_parallel>, #tpu.dimension_semantics<subcore_parallel>], iteration_bounds = array<i64: 1, 16>, scalar_prefetch = 0 : i64, scratch_operands = 15 : i64, tpu.core_type = #tpu.core_type<sc_vector_subcore>, window_params = [{transform_indices = #map}, {transform_indices = #map}, {transform_indices = #map}, {transform_indices = #map}]} {
    %mul3A = arith.constant 100000 : i32
    %mul3A_0 = arith.muli %arg1, %mul3A : i32
    %add3A = arith.constant 0 : i32
    %add3A_1 = arith.addi %mul3A_0, %add3A : i32
    %add3A_2 = arith.constant 1600000 : i32
    %add3A_3 = arith.addi %add3A_2, %add3A_1 : i32
    %dma_start3A = tpu.memref_slice %arg2[%add3A_3] : memref<3200000xi32, #tpu.memory_space<hbm>> -> memref<10000xi32, #tpu.memory_space<hbm>>
    %dma_start3A_4 = tpu.memref_slice %arg2[%add3A_3] : memref<3200000xi32, #tpu.memory_space<hbm>> -> memref<10000xi32, #tpu.memory_space<hbm>>
    tpu.enqueue_dma source(%dma_start3A_4 : memref<10000xi32, #tpu.memory_space<hbm>>) target(%arg7 : memref<10000xi32, #tpu.memory_space<vmem>>) target_semaphore(%arg18 : memref<!tpu.dma_semaphore, #tpu.memory_space<semaphore_mem>>)
    %add3A_5 = arith.constant 10000 : i32
    %add3A_6 = arith.addi %mul3A_0, %add3A_5 : i32
    %add3A_7 = arith.constant 1600000 : i32
    %add3A_8 = arith.addi %add3A_7, %add3A_6 : i32
    %dma_start3A_9 = tpu.memref_slice %arg2[%add3A_8] : memref<3200000xi32, #tpu.memory_space<hbm>> -> memref<10000xi32, #tpu.memory_space<hbm>>
    %dma_start3A_10 = tpu.memref_slice %arg2[%add3A_8] : memref<3200000xi32, #tpu.memory_space<hbm>> -> memref<10000xi32, #tpu.memory_space<hbm>>
    tpu.enqueue_dma source(%dma_start3A_10 : memref<10000xi32, #tpu.memory_space<hbm>>) target(%arg8 : memref<10000xi32, #tpu.memory_space<vmem>>) target_semaphore(%arg19 : memref<!tpu.dma_semaphore, #tpu.memory_space<semaphore_mem>>)
    %add3A_11 = arith.constant 20000 : i32
    %add3A_12 = arith.addi %mul3A_0, %add3A_11 : i32
    %add3A_13 = arith.constant 1600000 : i32
    %add3A_14 = arith.addi %add3A_13, %add3A_12 : i32
    %dma_start3A_15 = tpu.memref_slice %arg2[%add3A_14] : memref<3200000xi32, #tpu.memory_space<hbm>> -> memref<10000xi32, #tpu.memory_space<hbm>>
    %dma_start3A_16 = tpu.memref_slice %arg2[%add3A_14] : memref<3200000xi32, #tpu.memory_space<hbm>> -> memref<10000xi32, #tpu.memory_space<hbm>>
    tpu.enqueue_dma source(%dma_start3A_16 : memref<10000xi32, #tpu.memory_space<hbm>>) target(%arg9 : memref<10000xi32, #tpu.memory_space<vmem>>) target_semaphore(%arg20 : memref<!tpu.dma_semaphore, #tpu.memory_space<semaphore_mem>>)
    "tpu.region"() ({
      %run_scoped3A = tpu.sem_alloc : memref<!tpu.dma_semaphore, #tpu.memory_space<semaphore_mem>>
      tpu.enqueue_dma source(%arg3 : memref<16xi32, #tpu.memory_space<hbm>>) target(%arg11 : memref<16xi32, #tpu.memory_space<vmem>>) target_semaphore(%run_scoped3A : memref<!tpu.dma_semaphore, #tpu.memory_space<semaphore_mem>>)
      tpu.wait_dma2 semaphore(%run_scoped3A : memref<!tpu.dma_semaphore, #tpu.memory_space<semaphore_mem>>) src(%arg3 : memref<16xi32, #tpu.memory_space<hbm>>) dst(%arg11 : memref<16xi32, #tpu.memory_space<vmem>>)
      tpu.yield
    }) : () -> ()
    %get3A = arith.constant 0 : index
    %get3A_17 = tpu.vector_load %arg11[%get3A] {strides = array<i32>} : memref<16xi32, #tpu.memory_space<vmem>>, vector<16xi32>,
    %broadcast_in_dim3A = arith.constant 0.000000e+00 : f32
    %broadcast_in_dim3A_18 = vector.broadcast %broadcast_in_dim3A : f32 to vector<16xf32>
    %broadcast_in_dim3A_19 = arith.constant 1.000000e+00 : f32
    %broadcast_in_dim3A_20 = vector.broadcast %broadcast_in_dim3A_19 : f32 to vector<16xf32>
    %broadcast_in_dim3A_21 = arith.constant 0xFF800000 : f32
    %broadcast_in_dim3A_22 = vector.broadcast %broadcast_in_dim3A_21 : f32 to vector<16xf32>
    %broadcast_in_dim3A_23 = arith.constant 0 : i32
    %broadcast_in_dim3A_24 = vector.broadcast %broadcast_in_dim3A_23 : i32 to vector<16xi32>
    %broadcast_in_dim3A_25 = arith.constant 1 : i32
    %broadcast_in_dim3A_26 = vector.broadcast %broadcast_in_dim3A_25 : i32 to vector<16xi32>
    %swap3A = arith.constant 0 : i32
    %swap3A_27 = arith.constant 0 : i32
    %swap3A_28 = arith.index_cast %swap3A_27 : i32 to index
    %swap3A_29 = memref.load %arg16[%swap3A_28] : memref<1xi32, #tpu.memory_space<smem>>
    memref.store %swap3A, %arg16[%swap3A_28] : memref<1xi32, #tpu.memory_space<smem>>
    %dma_wait3A = arith.constant 0 : i32
    %dma_wait3A_30 = tpu.memref_slice %arg2[%dma_wait3A] : memref<3200000xi32, #tpu.memory_space<hbm>> -> memref<10000xi32, #tpu.memory_space<hbm>>
    %dma_wait3A_31 = arith.constant 0 : i32
    %dma_wait3A_32 = tpu.memref_slice %arg2[%dma_wait3A_31] : memref<3200000xi32, #tpu.memory_space<hbm>> -> memref<10000xi32, #tpu.memory_space<hbm>>
    tpu.wait_dma2 semaphore(%arg18 : memref<!tpu.dma_semaphore, #tpu.memory_space<semaphore_mem>>) src(%dma_wait3A_32 : memref<10000xi32, #tpu.memory_space<hbm>>) dst(%arg7 : memref<10000xi32, #tpu.memory_space<vmem>>)
    %parallel_loop3A = arith.constant 0 : i32
    %parallel_loop3A_33 = arith.constant 10000 : i32
    %parallel_loop3A_34 = arith.constant 16 : i32
    %parallel_loop3A_35 = scf.for %parallel_loop3A_548 = %parallel_loop3A to %parallel_loop3A_33 step %parallel_loop3A_34 iter_args(%parallel_loop3A_549 = %broadcast_in_dim3A_24) -> (vector<16xi32>)  : i32 {
      %parallel_loop3A_550 = arith.index_cast %parallel_loop3A_548 : i32 to index
      %parallel_loop3A_551 = tpu.vector_load %arg7[%parallel_loop3A_550] {strides = array<i32>} : memref<10000xi32, #tpu.memory_space<vmem>>, vector<16xi32>,
      %parallel_loop3A_552 = arith.cmpi eq, %parallel_loop3A_551, %get3A_17 : vector<16xi32>
      %parallel_loop3A_553 = arith.select %parallel_loop3A_552, %broadcast_in_dim3A_26, %broadcast_in_dim3A_24 : vector<16xi1>, vector<16xi32>
      %parallel_loop3A_554 = arith.addi %parallel_loop3A_549, %parallel_loop3A_553 : vector<16xi32>
      scf.yield %parallel_loop3A_554 : vector<16xi32>
    } {sc.loop_unroll_factor = 5 : i64, sc.parallel_access}
    %reduce_max3A = arith.constant true
    %reduce_max3A_36 = vector.broadcast %reduce_max3A : i1 to vector<16xi1>
    %reduce_max3A_37 = arith.constant -2147483648 : i32
    %reduce_max3A_38 = vector.broadcast %reduce_max3A_37 : i32 to vector<16xi32>
    %reduce_max3A_39 = arith.xori %parallel_loop3A_35, %reduce_max3A_38 : vector<16xi32>
    %reduce_max3A_40 = tpu.scan <max>, %reduce_max3A_39 masked %reduce_max3A_36 : vector<16xi32>, vector<16xi1> -> vector<16xi32>
    %reduce_max3A_41 = arith.xori %reduce_max3A_40, %reduce_max3A_38 : vector<16xi32>
    %reduce_max3A_42 = vector.extract %reduce_max3A_41[15] : i32 from vector<16xi32>
    %gt3A = arith.constant 0 : i32
    %gt3A_43 = arith.cmpi sgt, %reduce_max3A_42, %gt3A : i32
    %convert_element_type3A = arith.extui %gt3A_43 : i1 to i32
    %cond3A = arith.constant 0 : i32
    %cond3A_44 = arith.cmpi ne, %convert_element_type3A, %cond3A : i32
    scf.if %cond3A_44 {
      %add3A_548 = arith.constant 0 : i32
      %add3A_549 = arith.addi %mul3A_0, %add3A_548 : i32
      "tpu.region"() ({
        %run_scoped3A = tpu.sem_alloc : memref<!tpu.dma_semaphore, #tpu.memory_space<semaphore_mem>>
        %dma_start3A_565 = tpu.memref_slice %arg2[%add3A_549] : memref<3200000xi32, #tpu.memory_space<hbm>> -> memref<10000xi32, #tpu.memory_space<hbm>>
        %dma_start3A_566 = tpu.memref_slice %arg2[%add3A_549] : memref<3200000xi32, #tpu.memory_space<hbm>> -> memref<10000xi32, #tpu.memory_space<hbm>>
        tpu.enqueue_dma source(%dma_start3A_566 : memref<10000xi32, #tpu.memory_space<hbm>>) target(%arg10 : memref<10000xi32, #tpu.memory_space<vmem>>) target_semaphore(%run_scoped3A : memref<!tpu.dma_semaphore, #tpu.memory_space<semaphore_mem>>)
        %dma_wait3A_567 = tpu.memref_slice %arg2[%add3A_549] : memref<3200000xi32, #tpu.memory_space<hbm>> -> memref<10000xi32, #tpu.memory_space<hbm>>
        %dma_wait3A_568 = tpu.memref_slice %arg2[%add3A_549] : memref<3200000xi32, #tpu.memory_space<hbm>> -> memref<10000xi32, #tpu.memory_space<hbm>>
        tpu.wait_dma2 semaphore(%run_scoped3A : memref<!tpu.dma_semaphore, #tpu.memory_space<semaphore_mem>>) src(%dma_wait3A_568 : memref<10000xi32, #tpu.memory_space<hbm>>) dst(%arg10 : memref<10000xi32, #tpu.memory_space<vmem>>)
        tpu.yield
      }) : () -> ()
      %get3A_550 = arith.constant 0 : i32
      %get3A_551 = arith.index_cast %get3A_550 : i32 to index
      %get3A_552 = memref.load %arg16[%get3A_551] : memref<1xi32, #tpu.memory_space<smem>>
      %eq3A_553 = arith.constant 0 : i32
      %eq3A_554 = arith.cmpi eq, %get3A_552, %eq3A_553 : i32
      %convert_element_type3A_555 = arith.extui %eq3A_554 : i1 to i32
      %cond3A_556 = arith.constant 0 : i32
      %cond3A_557 = arith.cmpi ne, %convert_element_type3A_555, %cond3A_556 : i32
      scf.if %cond3A_557 {
        %parallel_loop3A_565 = arith.constant 0 : i32
        %parallel_loop3A_566 = arith.constant 50176 : i32
        %parallel_loop3A_567 = arith.constant 16 : i32
        scf.for %parallel_loop3A_568 = %parallel_loop3A_565 to %parallel_loop3A_566 step %parallel_loop3A_567  : i32 {
          %parallel_loop3A_569 = arith.index_cast %parallel_loop3A_568 : i32 to index
          %parallel_loop3A_570 = tpu.vector_load %arg6[%parallel_loop3A_569] {strides = array<i32>} : memref<50176xf32, #tpu.memory_space<vmem>>, vector<16xf32>,
          tpu.vector_store %arg6[%parallel_loop3A_569], %broadcast_in_dim3A_18 {strides = array<i32>} : memref<50176xf32, #tpu.memory_space<vmem>>, vector<16xf32>,
        } {sc.loop_unroll_factor = 8 : i64, sc.parallel_access}
      } else {
      }
      %swap3A_558 = arith.constant 1 : i32
      %swap3A_559 = arith.constant 0 : i32
      %swap3A_560 = arith.index_cast %swap3A_559 : i32 to index
      %swap3A_561 = memref.load %arg16[%swap3A_560] : memref<1xi32, #tpu.memory_space<smem>>
      memref.store %swap3A_558, %arg16[%swap3A_560] : memref<1xi32, #tpu.memory_space<smem>>
      %parallel_loop3A_562 = arith.constant 0 : i32
      %parallel_loop3A_563 = arith.constant 10000 : i32
      %parallel_loop3A_564 = arith.constant 16 : i32
      scf.for %parallel_loop3A_565 = %parallel_loop3A_562 to %parallel_loop3A_563 step %parallel_loop3A_564  : i32 {
        %parallel_loop3A_566 = arith.index_cast %parallel_loop3A_565 : i32 to index
        %parallel_loop3A_567 = tpu.vector_load %arg7[%parallel_loop3A_566] {strides = array<i32>} : memref<10000xi32, #tpu.memory_space<vmem>>, vector<16xi32>,
        %parallel_loop3A_568 = arith.index_cast %parallel_loop3A_565 : i32 to index
        %parallel_loop3A_569 = tpu.vector_load %arg10[%parallel_loop3A_568] {strides = array<i32>} : memref<10000xi32, #tpu.memory_space<vmem>>, vector<16xi32>,
        %parallel_loop3A_570 = arith.cmpi eq, %parallel_loop3A_567, %get3A_17 : vector<16xi32>
        %parallel_loop3A_571 = arith.cmpi ne, %parallel_loop3A_569, %get3A_17 : vector<16xi32>
        %parallel_loop3A_572 = arith.andi %parallel_loop3A_570, %parallel_loop3A_571 : vector<16xi1>
        tpu.vector_store_idx %arg6[%parallel_loop3A_569], %broadcast_in_dim3A_20 masked %parallel_loop3A_572 : memref<50176xf32, #tpu.memory_space<vmem>>[vector<16xi32>], vector<16xf32>, vector<16xi1>
      } {sc.loop_unroll_factor = 5 : i64, sc.parallel_access}
    } else {
    }
    %add3A_45 = arith.constant 30000 : i32
    %add3A_46 = arith.addi %mul3A_0, %add3A_45 : i32
    %add3A_47 = arith.constant 1600000 : i32
    %add3A_48 = arith.addi %add3A_47, %add3A_46 : i32
    %dma_start3A_49 = tpu.memref_slice %arg2[%add3A_48] : memref<3200000xi32, #tpu.memory_space<hbm>> -> memref<10000xi32, #tpu.memory_space<hbm>>
    %dma_start3A_50 = tpu.memref_slice %arg2[%add3A_48] : memref<3200000xi32, #tpu.memory_space<hbm>> -> memref<10000xi32, #tpu.memory_space<hbm>>
    tpu.enqueue_dma source(%dma_start3A_50 : memref<10000xi32, #tpu.memory_space<hbm>>) target(%arg7 : memref<10000xi32, #tpu.memory_space<vmem>>) target_semaphore(%arg18 : memref<!tpu.dma_semaphore, #tpu.memory_space<semaphore_mem>>)
    %dma_wait3A_51 = arith.constant 0 : i32
    %dma_wait3A_52 = tpu.memref_slice %arg2[%dma_wait3A_51] : memref<3200000xi32, #tpu.memory_space<hbm>> -> memref<10000xi32, #tpu.memory_space<hbm>>
    %dma_wait3A_53 = arith.constant 0 : i32
    %dma_wait3A_54 = tpu.memref_slice %arg2[%dma_wait3A_53] : memref<3200000xi32, #tpu.memory_space<hbm>> -> memref<10000xi32, #tpu.memory_space<hbm>>
    tpu.wait_dma2 semaphore(%arg19 : memref<!tpu.dma_semaphore, #tpu.memory_space<semaphore_mem>>) src(%dma_wait3A_54 : memref<10000xi32, #tpu.memory_space<hbm>>) dst(%arg8 : memref<10000xi32, #tpu.memory_space<vmem>>)
    %parallel_loop3A_55 = arith.constant 0 : i32
    %parallel_loop3A_56 = arith.constant 10000 : i32
    %parallel_loop3A_57 = arith.constant 16 : i32
    %parallel_loop3A_58 = scf.for %parallel_loop3A_548 = %parallel_loop3A_55 to %parallel_loop3A_56 step %parallel_loop3A_57 iter_args(%parallel_loop3A_549 = %broadcast_in_dim3A_24) -> (vector<16xi32>)  : i32 {
      %parallel_loop3A_550 = arith.index_cast %parallel_loop3A_548 : i32 to index
      %parallel_loop3A_551 = tpu.vector_load %arg8[%parallel_loop3A_550] {strides = array<i32>} : memref<10000xi32, #tpu.memory_space<vmem>>, vector<16xi32>,
      %parallel_loop3A_552 = arith.cmpi eq, %parallel_loop3A_551, %get3A_17 : vector<16xi32>
      %parallel_loop3A_553 = arith.select %parallel_loop3A_552, %broadcast_in_dim3A_26, %broadcast_in_dim3A_24 : vector<16xi1>, vector<16xi32>
      %parallel_loop3A_554 = arith.addi %parallel_loop3A_549, %parallel_loop3A_553 : vector<16xi32>
      scf.yield %parallel_loop3A_554 : vector<16xi32>
    } {sc.loop_unroll_factor = 5 : i64, sc.parallel_access}
    %reduce_max3A_59 = arith.constant true
    %reduce_max3A_60 = vector.broadcast %reduce_max3A_59 : i1 to vector<16xi1>
    %reduce_max3A_61 = arith.constant -2147483648 : i32
    %reduce_max3A_62 = vector.broadcast %reduce_max3A_61 : i32 to vector<16xi32>
    %reduce_max3A_63 = arith.xori %parallel_loop3A_58, %reduce_max3A_62 : vector<16xi32>
    %reduce_max3A_64 = tpu.scan <max>, %reduce_max3A_63 masked %reduce_max3A_60 : vector<16xi32>, vector<16xi1> -> vector<16xi32>
    %reduce_max3A_65 = arith.xori %reduce_max3A_64, %reduce_max3A_62 : vector<16xi32>
    %reduce_max3A_66 = vector.extract %reduce_max3A_65[15] : i32 from vector<16xi32>
    %gt3A_67 = arith.constant 0 : i32
    %gt3A_68 = arith.cmpi sgt, %reduce_max3A_66, %gt3A_67 : i32
    %convert_element_type3A_69 = arith.extui %gt3A_68 : i1 to i32
    %cond3A_70 = arith.constant 0 : i32
    %cond3A_71 = arith.cmpi ne, %convert_element_type3A_69, %cond3A_70 : i32
    scf.if %cond3A_71 {
      %add3A_548 = arith.constant 10000 : i32
      %add3A_549 = arith.addi %mul3A_0, %add3A_548 : i32
      "tpu.region"() ({
        %run_scoped3A = tpu.sem_alloc : memref<!tpu.dma_semaphore, #tpu.memory_space<semaphore_mem>>
        %dma_start3A_565 = tpu.memref_slice %arg2[%add3A_549] : memref<3200000xi32, #tpu.memory_space<hbm>> -> memref<10000xi32, #tpu.memory_space<hbm>>
        %dma_start3A_566 = tpu.memref_slice %arg2[%add3A_549] : memref<3200000xi32, #tpu.memory_space<hbm>> -> memref<10000xi32, #tpu.memory_space<hbm>>
        tpu.enqueue_dma source(%dma_start3A_566 : memref<10000xi32, #tpu.memory_space<hbm>>) target(%arg10 : memref<10000xi32, #tpu.memory_space<vmem>>) target_semaphore(%run_scoped3A : memref<!tpu.dma_semaphore, #tpu.memory_space<semaphore_mem>>)
        %dma_wait3A_567 = tpu.memref_slice %arg2[%add3A_549] : memref<3200000xi32, #tpu.memory_space<hbm>> -> memref<10000xi32, #tpu.memory_space<hbm>>
        %dma_wait3A_568 = tpu.memref_slice %arg2[%add3A_549] : memref<3200000xi32, #tpu.memory_space<hbm>> -> memref<10000xi32, #tpu.memory_space<hbm>>
        tpu.wait_dma2 semaphore(%run_scoped3A : memref<!tpu.dma_semaphore, #tpu.memory_space<semaphore_mem>>) src(%dma_wait3A_568 : memref<10000xi32, #tpu.memory_space<hbm>>) dst(%arg10 : memref<10000xi32, #tpu.memory_space<vmem>>)
        tpu.yield
      }) : () -> ()
      %get3A_550 = arith.constant 0 : i32
      %get3A_551 = arith.index_cast %get3A_550 : i32 to index
      %get3A_552 = memref.load %arg16[%get3A_551] : memref<1xi32, #tpu.memory_space<smem>>
      %eq3A_553 = arith.constant 0 : i32
      %eq3A_554 = arith.cmpi eq, %get3A_552, %eq3A_553 : i32
      %convert_element_type3A_555 = arith.extui %eq3A_554 : i1 to i32
      %cond3A_556 = arith.constant 0 : i32
      %cond3A_557 = arith.cmpi ne, %convert_element_type3A_555, %cond3A_556 : i32
      scf.if %cond3A_557 {
        %parallel_loop3A_565 = arith.constant 0 : i32
        %parallel_loop3A_566 = arith.constant 50176 : i32
        %parallel_loop3A_567 = arith.constant 16 : i32
        scf.for %parallel_loop3A_568 = %parallel_loop3A_565 to %parallel_loop3A_566 step %parallel_loop3A_567  : i32 {
          %parallel_loop3A_569 = arith.index_cast %parallel_loop3A_568 : i32 to index
          %parallel_loop3A_570 = tpu.vector_load %arg6[%parallel_loop3A_569] {strides = array<i32>} : memref<50176xf32, #tpu.memory_space<vmem>>, vector<16xf32>,
          tpu.vector_store %arg6[%parallel_loop3A_569], %broadcast_in_dim3A_18 {strides = array<i32>} : memref<50176xf32, #tpu.memory_space<vmem>>, vector<16xf32>,
        } {sc.loop_unroll_factor = 8 : i64, sc.parallel_access}
      } else {
      }
      %swap3A_558 = arith.constant 1 : i32
      %swap3A_559 = arith.constant 0 : i32
      %swap3A_560 = arith.index_cast %swap3A_559 : i32 to index
      %swap3A_561 = memref.load %arg16[%swap3A_560] : memref<1xi32, #tpu.memory_space<smem>>
      memref.store %swap3A_558, %arg16[%swap3A_560] : memref<1xi32, #tpu.memory_space<smem>>
      %parallel_loop3A_562 = arith.constant 0 : i32
      %parallel_loop3A_563 = arith.constant 10000 : i32
      %parallel_loop3A_564 = arith.constant 16 : i32
      scf.for %parallel_loop3A_565 = %parallel_loop3A_562 to %parallel_loop3A_563 step %parallel_loop3A_564  : i32 {
        %parallel_loop3A_566 = arith.index_cast %parallel_loop3A_565 : i32 to index
        %parallel_loop3A_567 = tpu.vector_load %arg8[%parallel_loop3A_566] {strides = array<i32>} : memref<10000xi32, #tpu.memory_space<vmem>>, vector<16xi32>,
        %parallel_loop3A_568 = arith.index_cast %parallel_loop3A_565 : i32 to index
        %parallel_loop3A_569 = tpu.vector_load %arg10[%parallel_loop3A_568] {strides = array<i32>} : memref<10000xi32, #tpu.memory_space<vmem>>, vector<16xi32>,
        %parallel_loop3A_570 = arith.cmpi eq, %parallel_loop3A_567, %get3A_17 : vector<16xi32>
        %parallel_loop3A_571 = arith.cmpi ne, %parallel_loop3A_569, %get3A_17 : vector<16xi32>
        %parallel_loop3A_572 = arith.andi %parallel_loop3A_570, %parallel_loop3A_571 : vector<16xi1>
        tpu.vector_store_idx %arg6[%parallel_loop3A_569], %broadcast_in_dim3A_20 masked %parallel_loop3A_572 : memref<50176xf32, #tpu.memory_space<vmem>>[vector<16xi32>], vector<16xf32>, vector<16xi1>
      } {sc.loop_unroll_factor = 5 : i64, sc.parallel_access}
    } else {
    }
    %add3A_72 = arith.constant 40000 : i32
    %add3A_73 = arith.addi %mul3A_0, %add3A_72 : i32
    %add3A_74 = arith.constant 1600000 : i32
    %add3A_75 = arith.addi %add3A_74, %add3A_73 : i32
    %dma_start3A_76 = tpu.memref_slice %arg2[%add3A_75] : memref<3200000xi32, #tpu.memory_space<hbm>> -> memref<10000xi32, #tpu.memory_space<hbm>>
    %dma_start3A_77 = tpu.memref_slice %arg2[%add3A_75] : memref<3200000xi32, #tpu.memory_space<hbm>> -> memref<10000xi32, #tpu.memory_space<hbm>>
    tpu.enqueue_dma source(%dma_start3A_77 : memref<10000xi32, #tpu.memory_space<hbm>>) target(%arg8 : memref<10000xi32, #tpu.memory_space<vmem>>) target_semaphore(%arg19 : memref<!tpu.dma_semaphore, #tpu.memory_space<semaphore_mem>>)
    %dma_wait3A_78 = arith.constant 0 : i32
    %dma_wait3A_79 = tpu.memref_slice %arg2[%dma_wait3A_78] : memref<3200000xi32, #tpu.memory_space<hbm>> -> memref<10000xi32, #tpu.memory_space<hbm>>
    %dma_wait3A_80 = arith.constant 0 : i32
    %dma_wait3A_81 = tpu.memref_slice %arg2[%dma_wait3A_80] : memref<3200000xi32, #tpu.memory_space<hbm>> -> memref<10000xi32, #tpu.memory_space<hbm>>
    tpu.wait_dma2 semaphore(%arg20 : memref<!tpu.dma_semaphore, #tpu.memory_space<semaphore_mem>>) src(%dma_wait3A_81 : memref<10000xi32, #tpu.memory_space<hbm>>) dst(%arg9 : memref<10000xi32, #tpu.memory_space<vmem>>)
    %parallel_loop3A_82 = arith.constant 0 : i32
    %parallel_loop3A_83 = arith.constant 10000 : i32
    %parallel_loop3A_84 = arith.constant 16 : i32
    %parallel_loop3A_85 = scf.for %parallel_loop3A_548 = %parallel_loop3A_82 to %parallel_loop3A_83 step %parallel_loop3A_84 iter_args(%parallel_loop3A_549 = %broadcast_in_dim3A_24) -> (vector<16xi32>)  : i32 {
      %parallel_loop3A_550 = arith.index_cast %parallel_loop3A_548 : i32 to index
      %parallel_loop3A_551 = tpu.vector_load %arg9[%parallel_loop3A_550] {strides = array<i32>} : memref<10000xi32, #tpu.memory_space<vmem>>, vector<16xi32>,
      %parallel_loop3A_552 = arith.cmpi eq, %parallel_loop3A_551, %get3A_17 : vector<16xi32>
      %parallel_loop3A_553 = arith.select %parallel_loop3A_552, %broadcast_in_dim3A_26, %broadcast_in_dim3A_24 : vector<16xi1>, vector<16xi32>
      %parallel_loop3A_554 = arith.addi %parallel_loop3A_549, %parallel_loop3A_553 : vector<16xi32>
      scf.yield %parallel_loop3A_554 : vector<16xi32>
    } {sc.loop_unroll_factor = 5 : i64, sc.parallel_access}
    %reduce_max3A_86 = arith.constant true
    %reduce_max3A_87 = vector.broadcast %reduce_max3A_86 : i1 to vector<16xi1>
    %reduce_max3A_88 = arith.constant -2147483648 : i32
    %reduce_max3A_89 = vector.broadcast %reduce_max3A_88 : i32 to vector<16xi32>
    %reduce_max3A_90 = arith.xori %parallel_loop3A_85, %reduce_max3A_89 : vector<16xi32>
    %reduce_max3A_91 = tpu.scan <max>, %reduce_max3A_90 masked %reduce_max3A_87 : vector<16xi32>, vector<16xi1> -> vector<16xi32>
    %reduce_max3A_92 = arith.xori %reduce_max3A_91, %reduce_max3A_89 : vector<16xi32>
    %reduce_max3A_93 = vector.extract %reduce_max3A_92[15] : i32 from vector<16xi32>
    %gt3A_94 = arith.constant 0 : i32
    %gt3A_95 = arith.cmpi sgt, %reduce_max3A_93, %gt3A_94 : i32
    %convert_element_type3A_96 = arith.extui %gt3A_95 : i1 to i32
    %cond3A_97 = arith.constant 0 : i32
    %cond3A_98 = arith.cmpi ne, %convert_element_type3A_96, %cond3A_97 : i32
    scf.if %cond3A_98 {
      %add3A_548 = arith.constant 20000 : i32
      %add3A_549 = arith.addi %mul3A_0, %add3A_548 : i32
      "tpu.region"() ({
        %run_scoped3A = tpu.sem_alloc : memref<!tpu.dma_semaphore, #tpu.memory_space<semaphore_mem>>
        %dma_start3A_565 = tpu.memref_slice %arg2[%add3A_549] : memref<3200000xi32, #tpu.memory_space<hbm>> -> memref<10000xi32, #tpu.memory_space<hbm>>
        %dma_start3A_566 = tpu.memref_slice %arg2[%add3A_549] : memref<3200000xi32, #tpu.memory_space<hbm>> -> memref<10000xi32, #tpu.memory_space<hbm>>
        tpu.enqueue_dma source(%dma_start3A_566 : memref<10000xi32, #tpu.memory_space<hbm>>) target(%arg10 : memref<10000xi32, #tpu.memory_space<vmem>>) target_semaphore(%run_scoped3A : memref<!tpu.dma_semaphore, #tpu.memory_space<semaphore_mem>>)
        %dma_wait3A_567 = tpu.memref_slice %arg2[%add3A_549] : memref<3200000xi32, #tpu.memory_space<hbm>> -> memref<10000xi32, #tpu.memory_space<hbm>>
        %dma_wait3A_568 = tpu.memref_slice %arg2[%add3A_549] : memref<3200000xi32, #tpu.memory_space<hbm>> -> memref<10000xi32, #tpu.memory_space<hbm>>
        tpu.wait_dma2 semaphore(%run_scoped3A : memref<!tpu.dma_semaphore, #tpu.memory_space<semaphore_mem>>) src(%dma_wait3A_568 : memref<10000xi32, #tpu.memory_space<hbm>>) dst(%arg10 : memref<10000xi32, #tpu.memory_space<vmem>>)
        tpu.yield
      }) : () -> ()
      %get3A_550 = arith.constant 0 : i32
      %get3A_551 = arith.index_cast %get3A_550 : i32 to index
      %get3A_552 = memref.load %arg16[%get3A_551] : memref<1xi32, #tpu.memory_space<smem>>
      %eq3A_553 = arith.constant 0 : i32
      %eq3A_554 = arith.cmpi eq, %get3A_552, %eq3A_553 : i32
      %convert_element_type3A_555 = arith.extui %eq3A_554 : i1 to i32
      %cond3A_556 = arith.constant 0 : i32
      %cond3A_557 = arith.cmpi ne, %convert_element_type3A_555, %cond3A_556 : i32
      scf.if %cond3A_557 {
        %parallel_loop3A_565 = arith.constant 0 : i32
        %parallel_loop3A_566 = arith.constant 50176 : i32
        %parallel_loop3A_567 = arith.constant 16 : i32
        scf.for %parallel_loop3A_568 = %parallel_loop3A_565 to %parallel_loop3A_566 step %parallel_loop3A_567  : i32 {
          %parallel_loop3A_569 = arith.index_cast %parallel_loop3A_568 : i32 to index
          %parallel_loop3A_570 = tpu.vector_load %arg6[%parallel_loop3A_569] {strides = array<i32>} : memref<50176xf32, #tpu.memory_space<vmem>>, vector<16xf32>,
          tpu.vector_store %arg6[%parallel_loop3A_569], %broadcast_in_dim3A_18 {strides = array<i32>} : memref<50176xf32, #tpu.memory_space<vmem>>, vector<16xf32>,
        } {sc.loop_unroll_factor = 8 : i64, sc.parallel_access}
      } else {
      }
      %swap3A_558 = arith.constant 1 : i32
      %swap3A_559 = arith.constant 0 : i32
      %swap3A_560 = arith.index_cast %swap3A_559 : i32 to index
      %swap3A_561 = memref.load %arg16[%swap3A_560] : memref<1xi32, #tpu.memory_space<smem>>
      memref.store %swap3A_558, %arg16[%swap3A_560] : memref<1xi32, #tpu.memory_space<smem>>
      %parallel_loop3A_562 = arith.constant 0 : i32
      %parallel_loop3A_563 = arith.constant 10000 : i32
      %parallel_loop3A_564 = arith.constant 16 : i32
      scf.for %parallel_loop3A_565 = %parallel_loop3A_562 to %parallel_loop3A_563 step %parallel_loop3A_564  : i32 {
        %parallel_loop3A_566 = arith.index_cast %parallel_loop3A_565 : i32 to index
        %parallel_loop3A_567 = tpu.vector_load %arg9[%parallel_loop3A_566] {strides = array<i32>} : memref<10000xi32, #tpu.memory_space<vmem>>, vector<16xi32>,
        %parallel_loop3A_568 = arith.index_cast %parallel_loop3A_565 : i32 to index
        %parallel_loop3A_569 = tpu.vector_load %arg10[%parallel_loop3A_568] {strides = array<i32>} : memref<10000xi32, #tpu.memory_space<vmem>>, vector<16xi32>,
        %parallel_loop3A_570 = arith.cmpi eq, %parallel_loop3A_567, %get3A_17 : vector<16xi32>
        %parallel_loop3A_571 = arith.cmpi ne, %parallel_loop3A_569, %get3A_17 : vector<16xi32>
        %parallel_loop3A_572 = arith.andi %parallel_loop3A_570, %parallel_loop3A_571 : vector<16xi1>
        tpu.vector_store_idx %arg6[%parallel_loop3A_569], %broadcast_in_dim3A_20 masked %parallel_loop3A_572 : memref<50176xf32, #tpu.memory_space<vmem>>[vector<16xi32>], vector<16xf32>, vector<16xi1>
      } {sc.loop_unroll_factor = 5 : i64, sc.parallel_access}
    } else {
    }
    %add3A_99 = arith.constant 50000 : i32
    %add3A_100 = arith.addi %mul3A_0, %add3A_99 : i32
    %add3A_101 = arith.constant 1600000 : i32
    %add3A_102 = arith.addi %add3A_101, %add3A_100 : i32
    %dma_start3A_103 = tpu.memref_slice %arg2[%add3A_102] : memref<3200000xi32, #tpu.memory_space<hbm>> -> memref<10000xi32, #tpu.memory_space<hbm>>
    %dma_start3A_104 = tpu.memref_slice %arg2[%add3A_102] : memref<3200000xi32, #tpu.memory_space<hbm>> -> memref<10000xi32, #tpu.memory_space<hbm>>
    tpu.enqueue_dma source(%dma_start3A_104 : memref<10000xi32, #tpu.memory_space<hbm>>) target(%arg9 : memref<10000xi32, #tpu.memory_space<vmem>>) target_semaphore(%arg20 : memref<!tpu.dma_semaphore, #tpu.memory_space<semaphore_mem>>)
    %dma_wait3A_105 = arith.constant 0 : i32
    %dma_wait3A_106 = tpu.memref_slice %arg2[%dma_wait3A_105] : memref<3200000xi32, #tpu.memory_space<hbm>> -> memref<10000xi32, #tpu.memory_space<hbm>>
    %dma_wait3A_107 = arith.constant 0 : i32
    %dma_wait3A_108 = tpu.memref_slice %arg2[%dma_wait3A_107] : memref<3200000xi32, #tpu.memory_space<hbm>> -> memref<10000xi32, #tpu.memory_space<hbm>>
    tpu.wait_dma2 semaphore(%arg18 : memref<!tpu.dma_semaphore, #tpu.memory_space<semaphore_mem>>) src(%dma_wait3A_108 : memref<10000xi32, #tpu.memory_space<hbm>>) dst(%arg7 : memref<10000xi32, #tpu.memory_space<vmem>>)
    %parallel_loop3A_109 = arith.constant 0 : i32
    %parallel_loop3A_110 = arith.constant 10000 : i32
    %parallel_loop3A_111 = arith.constant 16 : i32
    %parallel_loop3A_112 = scf.for %parallel_loop3A_548 = %parallel_loop3A_109 to %parallel_loop3A_110 step %parallel_loop3A_111 iter_args(%parallel_loop3A_549 = %broadcast_in_dim3A_24) -> (vector<16xi32>)  : i32 {
      %parallel_loop3A_550 = arith.index_cast %parallel_loop3A_548 : i32 to index
      %parallel_loop3A_551 = tpu.vector_load %arg7[%parallel_loop3A_550] {strides = array<i32>} : memref<10000xi32, #tpu.memory_space<vmem>>, vector<16xi32>,
      %parallel_loop3A_552 = arith.cmpi eq, %parallel_loop3A_551, %get3A_17 : vector<16xi32>
      %parallel_loop3A_553 = arith.select %parallel_loop3A_552, %broadcast_in_dim3A_26, %broadcast_in_dim3A_24 : vector<16xi1>, vector<16xi32>
      %parallel_loop3A_554 = arith.addi %parallel_loop3A_549, %parallel_loop3A_553 : vector<16xi32>
      scf.yield %parallel_loop3A_554 : vector<16xi32>
    } {sc.loop_unroll_factor = 5 : i64, sc.parallel_access}
    %reduce_max3A_113 = arith.constant true
    %reduce_max3A_114 = vector.broadcast %reduce_max3A_113 : i1 to vector<16xi1>
    %reduce_max3A_115 = arith.constant -2147483648 : i32
    %reduce_max3A_116 = vector.broadcast %reduce_max3A_115 : i32 to vector<16xi32>
    %reduce_max3A_117 = arith.xori %parallel_loop3A_112, %reduce_max3A_116 : vector<16xi32>
    %reduce_max3A_118 = tpu.scan <max>, %reduce_max3A_117 masked %reduce_max3A_114 : vector<16xi32>, vector<16xi1> -> vector<16xi32>
    %reduce_max3A_119 = arith.xori %reduce_max3A_118, %reduce_max3A_116 : vector<16xi32>
    %reduce_max3A_120 = vector.extract %reduce_max3A_119[15] : i32 from vector<16xi32>
    %gt3A_121 = arith.constant 0 : i32
    %gt3A_122 = arith.cmpi sgt, %reduce_max3A_120, %gt3A_121 : i32
    %convert_element_type3A_123 = arith.extui %gt3A_122 : i1 to i32
    %cond3A_124 = arith.constant 0 : i32
    %cond3A_125 = arith.cmpi ne, %convert_element_type3A_123, %cond3A_124 : i32
    scf.if %cond3A_125 {
      %add3A_548 = arith.constant 30000 : i32
      %add3A_549 = arith.addi %mul3A_0, %add3A_548 : i32
      "tpu.region"() ({
        %run_scoped3A = tpu.sem_alloc : memref<!tpu.dma_semaphore, #tpu.memory_space<semaphore_mem>>
        %dma_start3A_565 = tpu.memref_slice %arg2[%add3A_549] : memref<3200000xi32, #tpu.memory_space<hbm>> -> memref<10000xi32, #tpu.memory_space<hbm>>
        %dma_start3A_566 = tpu.memref_slice %arg2[%add3A_549] : memref<3200000xi32, #tpu.memory_space<hbm>> -> memref<10000xi32, #tpu.memory_space<hbm>>
        tpu.enqueue_dma source(%dma_start3A_566 : memref<10000xi32, #tpu.memory_space<hbm>>) target(%arg10 : memref<10000xi32, #tpu.memory_space<vmem>>) target_semaphore(%run_scoped3A : memref<!tpu.dma_semaphore, #tpu.memory_space<semaphore_mem>>)
        %dma_wait3A_567 = tpu.memref_slice %arg2[%add3A_549] : memref<3200000xi32, #tpu.memory_space<hbm>> -> memref<10000xi32, #tpu.memory_space<hbm>>
        %dma_wait3A_568 = tpu.memref_slice %arg2[%add3A_549] : memref<3200000xi32, #tpu.memory_space<hbm>> -> memref<10000xi32, #tpu.memory_space<hbm>>
        tpu.wait_dma2 semaphore(%run_scoped3A : memref<!tpu.dma_semaphore, #tpu.memory_space<semaphore_mem>>) src(%dma_wait3A_568 : memref<10000xi32, #tpu.memory_space<hbm>>) dst(%arg10 : memref<10000xi32, #tpu.memory_space<vmem>>)
        tpu.yield
      }) : () -> ()
      %get3A_550 = arith.constant 0 : i32
      %get3A_551 = arith.index_cast %get3A_550 : i32 to index
      %get3A_552 = memref.load %arg16[%get3A_551] : memref<1xi32, #tpu.memory_space<smem>>
      %eq3A_553 = arith.constant 0 : i32
      %eq3A_554 = arith.cmpi eq, %get3A_552, %eq3A_553 : i32
      %convert_element_type3A_555 = arith.extui %eq3A_554 : i1 to i32
      %cond3A_556 = arith.constant 0 : i32
      %cond3A_557 = arith.cmpi ne, %convert_element_type3A_555, %cond3A_556 : i32
      scf.if %cond3A_557 {
        %parallel_loop3A_565 = arith.constant 0 : i32
        %parallel_loop3A_566 = arith.constant 50176 : i32
        %parallel_loop3A_567 = arith.constant 16 : i32
        scf.for %parallel_loop3A_568 = %parallel_loop3A_565 to %parallel_loop3A_566 step %parallel_loop3A_567  : i32 {
          %parallel_loop3A_569 = arith.index_cast %parallel_loop3A_568 : i32 to index
          %parallel_loop3A_570 = tpu.vector_load %arg6[%parallel_loop3A_569] {strides = array<i32>} : memref<50176xf32, #tpu.memory_space<vmem>>, vector<16xf32>,
          tpu.vector_store %arg6[%parallel_loop3A_569], %broadcast_in_dim3A_18 {strides = array<i32>} : memref<50176xf32, #tpu.memory_space<vmem>>, vector<16xf32>,
        } {sc.loop_unroll_factor = 8 : i64, sc.parallel_access}
      } else {
      }
      %swap3A_558 = arith.constant 1 : i32
      %swap3A_559 = arith.constant 0 : i32
      %swap3A_560 = arith.index_cast %swap3A_559 : i32 to index
      %swap3A_561 = memref.load %arg16[%swap3A_560] : memref<1xi32, #tpu.memory_space<smem>>
      memref.store %swap3A_558, %arg16[%swap3A_560] : memref<1xi32, #tpu.memory_space<smem>>
      %parallel_loop3A_562 = arith.constant 0 : i32
      %parallel_loop3A_563 = arith.constant 10000 : i32
      %parallel_loop3A_564 = arith.constant 16 : i32
      scf.for %parallel_loop3A_565 = %parallel_loop3A_562 to %parallel_loop3A_563 step %parallel_loop3A_564  : i32 {
        %parallel_loop3A_566 = arith.index_cast %parallel_loop3A_565 : i32 to index
        %parallel_loop3A_567 = tpu.vector_load %arg7[%parallel_loop3A_566] {strides = array<i32>} : memref<10000xi32, #tpu.memory_space<vmem>>, vector<16xi32>,
        %parallel_loop3A_568 = arith.index_cast %parallel_loop3A_565 : i32 to index
        %parallel_loop3A_569 = tpu.vector_load %arg10[%parallel_loop3A_568] {strides = array<i32>} : memref<10000xi32, #tpu.memory_space<vmem>>, vector<16xi32>,
        %parallel_loop3A_570 = arith.cmpi eq, %parallel_loop3A_567, %get3A_17 : vector<16xi32>
        %parallel_loop3A_571 = arith.cmpi ne, %parallel_loop3A_569, %get3A_17 : vector<16xi32>
        %parallel_loop3A_572 = arith.andi %parallel_loop3A_570, %parallel_loop3A_571 : vector<16xi1>
        tpu.vector_store_idx %arg6[%parallel_loop3A_569], %broadcast_in_dim3A_20 masked %parallel_loop3A_572 : memref<50176xf32, #tpu.memory_space<vmem>>[vector<16xi32>], vector<16xf32>, vector<16xi1>
      } {sc.loop_unroll_factor = 5 : i64, sc.parallel_access}
    } else {
    }
    %add3A_126 = arith.constant 60000 : i32
    %add3A_127 = arith.addi %mul3A_0, %add3A_126 : i32
    %add3A_128 = arith.constant 1600000 : i32
    %add3A_129 = arith.addi %add3A_128, %add3A_127 : i32
    %dma_start3A_130 = tpu.memref_slice %arg2[%add3A_129] : memref<3200000xi32, #tpu.memory_space<hbm>> -> memref<10000xi32, #tpu.memory_space<hbm>>
    %dma_start3A_131 = tpu.memref_slice %arg2[%add3A_129] : memref<3200000xi32, #tpu.memory_space<hbm>> -> memref<10000xi32, #tpu.memory_space<hbm>>
    tpu.enqueue_dma source(%dma_start3A_131 : memref<10000xi32, #tpu.memory_space<hbm>>) target(%arg7 : memref<10000xi32, #tpu.memory_space<vmem>>) target_semaphore(%arg18 : memref<!tpu.dma_semaphore, #tpu.memory_space<semaphore_mem>>)
    %dma_wait3A_132 = arith.constant 0 : i32
    %dma_wait3A_133 = tpu.memref_slice %arg2[%dma_wait3A_132] : memref<3200000xi32, #tpu.memory_space<hbm>> -> memref<10000xi32, #tpu.memory_space<hbm>>
    %dma_wait3A_134 = arith.constant 0 : i32
    %dma_wait3A_135 = tpu.memref_slice %arg2[%dma_wait3A_134] : memref<3200000xi32, #tpu.memory_space<hbm>> -> memref<10000xi32, #tpu.memory_space<hbm>>
    tpu.wait_dma2 semaphore(%arg19 : memref<!tpu.dma_semaphore, #tpu.memory_space<semaphore_mem>>) src(%dma_wait3A_135 : memref<10000xi32, #tpu.memory_space<hbm>>) dst(%arg8 : memref<10000xi32, #tpu.memory_space<vmem>>)
    %parallel_loop3A_136 = arith.constant 0 : i32
    %parallel_loop3A_137 = arith.constant 10000 : i32
    %parallel_loop3A_138 = arith.constant 16 : i32
    %parallel_loop3A_139 = scf.for %parallel_loop3A_548 = %parallel_loop3A_136 to %parallel_loop3A_137 step %parallel_loop3A_138 iter_args(%parallel_loop3A_549 = %broadcast_in_dim3A_24) -> (vector<16xi32>)  : i32 {
      %parallel_loop3A_550 = arith.index_cast %parallel_loop3A_548 : i32 to index
      %parallel_loop3A_551 = tpu.vector_load %arg8[%parallel_loop3A_550] {strides = array<i32>} : memref<10000xi32, #tpu.memory_space<vmem>>, vector<16xi32>,
      %parallel_loop3A_552 = arith.cmpi eq, %parallel_loop3A_551, %get3A_17 : vector<16xi32>
      %parallel_loop3A_553 = arith.select %parallel_loop3A_552, %broadcast_in_dim3A_26, %broadcast_in_dim3A_24 : vector<16xi1>, vector<16xi32>
      %parallel_loop3A_554 = arith.addi %parallel_loop3A_549, %parallel_loop3A_553 : vector<16xi32>
      scf.yield %parallel_loop3A_554 : vector<16xi32>
    } {sc.loop_unroll_factor = 5 : i64, sc.parallel_access}
    %reduce_max3A_140 = arith.constant true
    %reduce_max3A_141 = vector.broadcast %reduce_max3A_140 : i1 to vector<16xi1>
    %reduce_max3A_142 = arith.constant -2147483648 : i32
    %reduce_max3A_143 = vector.broadcast %reduce_max3A_142 : i32 to vector<16xi32>
    %reduce_max3A_144 = arith.xori %parallel_loop3A_139, %reduce_max3A_143 : vector<16xi32>
    %reduce_max3A_145 = tpu.scan <max>, %reduce_max3A_144 masked %reduce_max3A_141 : vector<16xi32>, vector<16xi1> -> vector<16xi32>
    %reduce_max3A_146 = arith.xori %reduce_max3A_145, %reduce_max3A_143 : vector<16xi32>
    %reduce_max3A_147 = vector.extract %reduce_max3A_146[15] : i32 from vector<16xi32>
    %gt3A_148 = arith.constant 0 : i32
    %gt3A_149 = arith.cmpi sgt, %reduce_max3A_147, %gt3A_148 : i32
    %convert_element_type3A_150 = arith.extui %gt3A_149 : i1 to i32
    %cond3A_151 = arith.constant 0 : i32
    %cond3A_152 = arith.cmpi ne, %convert_element_type3A_150, %cond3A_151 : i32
    scf.if %cond3A_152 {
      %add3A_548 = arith.constant 40000 : i32
      %add3A_549 = arith.addi %mul3A_0, %add3A_548 : i32
      "tpu.region"() ({
        %run_scoped3A = tpu.sem_alloc : memref<!tpu.dma_semaphore, #tpu.memory_space<semaphore_mem>>
        %dma_start3A_565 = tpu.memref_slice %arg2[%add3A_549] : memref<3200000xi32, #tpu.memory_space<hbm>> -> memref<10000xi32, #tpu.memory_space<hbm>>
        %dma_start3A_566 = tpu.memref_slice %arg2[%add3A_549] : memref<3200000xi32, #tpu.memory_space<hbm>> -> memref<10000xi32, #tpu.memory_space<hbm>>
        tpu.enqueue_dma source(%dma_start3A_566 : memref<10000xi32, #tpu.memory_space<hbm>>) target(%arg10 : memref<10000xi32, #tpu.memory_space<vmem>>) target_semaphore(%run_scoped3A : memref<!tpu.dma_semaphore, #tpu.memory_space<semaphore_mem>>)
        %dma_wait3A_567 = tpu.memref_slice %arg2[%add3A_549] : memref<3200000xi32, #tpu.memory_space<hbm>> -> memref<10000xi32, #tpu.memory_space<hbm>>
        %dma_wait3A_568 = tpu.memref_slice %arg2[%add3A_549] : memref<3200000xi32, #tpu.memory_space<hbm>> -> memref<10000xi32, #tpu.memory_space<hbm>>
        tpu.wait_dma2 semaphore(%run_scoped3A : memref<!tpu.dma_semaphore, #tpu.memory_space<semaphore_mem>>) src(%dma_wait3A_568 : memref<10000xi32, #tpu.memory_space<hbm>>) dst(%arg10 : memref<10000xi32, #tpu.memory_space<vmem>>)
        tpu.yield
      }) : () -> ()
      %get3A_550 = arith.constant 0 : i32
      %get3A_551 = arith.index_cast %get3A_550 : i32 to index
      %get3A_552 = memref.load %arg16[%get3A_551] : memref<1xi32, #tpu.memory_space<smem>>
      %eq3A_553 = arith.constant 0 : i32
      %eq3A_554 = arith.cmpi eq, %get3A_552, %eq3A_553 : i32
      %convert_element_type3A_555 = arith.extui %eq3A_554 : i1 to i32
      %cond3A_556 = arith.constant 0 : i32
      %cond3A_557 = arith.cmpi ne, %convert_element_type3A_555, %cond3A_556 : i32
      scf.if %cond3A_557 {
        %parallel_loop3A_565 = arith.constant 0 : i32
        %parallel_loop3A_566 = arith.constant 50176 : i32
        %parallel_loop3A_567 = arith.constant 16 : i32
        scf.for %parallel_loop3A_568 = %parallel_loop3A_565 to %parallel_loop3A_566 step %parallel_loop3A_567  : i32 {
          %parallel_loop3A_569 = arith.index_cast %parallel_loop3A_568 : i32 to index
          %parallel_loop3A_570 = tpu.vector_load %arg6[%parallel_loop3A_569] {strides = array<i32>} : memref<50176xf32, #tpu.memory_space<vmem>>, vector<16xf32>,
          tpu.vector_store %arg6[%parallel_loop3A_569], %broadcast_in_dim3A_18 {strides = array<i32>} : memref<50176xf32, #tpu.memory_space<vmem>>, vector<16xf32>,
        } {sc.loop_unroll_factor = 8 : i64, sc.parallel_access}
      } else {
      }
      %swap3A_558 = arith.constant 1 : i32
      %swap3A_559 = arith.constant 0 : i32
      %swap3A_560 = arith.index_cast %swap3A_559 : i32 to index
      %swap3A_561 = memref.load %arg16[%swap3A_560] : memref<1xi32, #tpu.memory_space<smem>>
      memref.store %swap3A_558, %arg16[%swap3A_560] : memref<1xi32, #tpu.memory_space<smem>>
      %parallel_loop3A_562 = arith.constant 0 : i32
      %parallel_loop3A_563 = arith.constant 10000 : i32
      %parallel_loop3A_564 = arith.constant 16 : i32
      scf.for %parallel_loop3A_565 = %parallel_loop3A_562 to %parallel_loop3A_563 step %parallel_loop3A_564  : i32 {
        %parallel_loop3A_566 = arith.index_cast %parallel_loop3A_565 : i32 to index
        %parallel_loop3A_567 = tpu.vector_load %arg8[%parallel_loop3A_566] {strides = array<i32>} : memref<10000xi32, #tpu.memory_space<vmem>>, vector<16xi32>,
        %parallel_loop3A_568 = arith.index_cast %parallel_loop3A_565 : i32 to index
        %parallel_loop3A_569 = tpu.vector_load %arg10[%parallel_loop3A_568] {strides = array<i32>} : memref<10000xi32, #tpu.memory_space<vmem>>, vector<16xi32>,
        %parallel_loop3A_570 = arith.cmpi eq, %parallel_loop3A_567, %get3A_17 : vector<16xi32>
        %parallel_loop3A_571 = arith.cmpi ne, %parallel_loop3A_569, %get3A_17 : vector<16xi32>
        %parallel_loop3A_572 = arith.andi %parallel_loop3A_570, %parallel_loop3A_571 : vector<16xi1>
        tpu.vector_store_idx %arg6[%parallel_loop3A_569], %broadcast_in_dim3A_20 masked %parallel_loop3A_572 : memref<50176xf32, #tpu.memory_space<vmem>>[vector<16xi32>], vector<16xf32>, vector<16xi1>
      } {sc.loop_unroll_factor = 5 : i64, sc.parallel_access}
    } else {
    }
    %add3A_153 = arith.constant 70000 : i32
    %add3A_154 = arith.addi %mul3A_0, %add3A_153 : i32
    %add3A_155 = arith.constant 1600000 : i32
    %add3A_156 = arith.addi %add3A_155, %add3A_154 : i32
    %dma_start3A_157 = tpu.memref_slice %arg2[%add3A_156] : memref<3200000xi32, #tpu.memory_space<hbm>> -> memref<10000xi32, #tpu.memory_space<hbm>>
    %dma_start3A_158 = tpu.memref_slice %arg2[%add3A_156] : memref<3200000xi32, #tpu.memory_space<hbm>> -> memref<10000xi32, #tpu.memory_space<hbm>>
    tpu.enqueue_dma source(%dma_start3A_158 : memref<10000xi32, #tpu.memory_space<hbm>>) target(%arg8 : memref<10000xi32, #tpu.memory_space<vmem>>) target_semaphore(%arg19 : memref<!tpu.dma_semaphore, #tpu.memory_space<semaphore_mem>>)
    %dma_wait3A_159 = arith.constant 0 : i32
    %dma_wait3A_160 = tpu.memref_slice %arg2[%dma_wait3A_159] : memref<3200000xi32, #tpu.memory_space<hbm>> -> memref<10000xi32, #tpu.memory_space<hbm>>
    %dma_wait3A_161 = arith.constant 0 : i32
    %dma_wait3A_162 = tpu.memref_slice %arg2[%dma_wait3A_161] : memref<3200000xi32, #tpu.memory_space<hbm>> -> memref<10000xi32, #tpu.memory_space<hbm>>
    tpu.wait_dma2 semaphore(%arg20 : memref<!tpu.dma_semaphore, #tpu.memory_space<semaphore_mem>>) src(%dma_wait3A_162 : memref<10000xi32, #tpu.memory_space<hbm>>) dst(%arg9 : memref<10000xi32, #tpu.memory_space<vmem>>)
    %parallel_loop3A_163 = arith.constant 0 : i32
    %parallel_loop3A_164 = arith.constant 10000 : i32
    %parallel_loop3A_165 = arith.constant 16 : i32
    %parallel_loop3A_166 = scf.for %parallel_loop3A_548 = %parallel_loop3A_163 to %parallel_loop3A_164 step %parallel_loop3A_165 iter_args(%parallel_loop3A_549 = %broadcast_in_dim3A_24) -> (vector<16xi32>)  : i32 {
      %parallel_loop3A_550 = arith.index_cast %parallel_loop3A_548 : i32 to index
      %parallel_loop3A_551 = tpu.vector_load %arg9[%parallel_loop3A_550] {strides = array<i32>} : memref<10000xi32, #tpu.memory_space<vmem>>, vector<16xi32>,
      %parallel_loop3A_552 = arith.cmpi eq, %parallel_loop3A_551, %get3A_17 : vector<16xi32>
      %parallel_loop3A_553 = arith.select %parallel_loop3A_552, %broadcast_in_dim3A_26, %broadcast_in_dim3A_24 : vector<16xi1>, vector<16xi32>
      %parallel_loop3A_554 = arith.addi %parallel_loop3A_549, %parallel_loop3A_553 : vector<16xi32>
      scf.yield %parallel_loop3A_554 : vector<16xi32>
    } {sc.loop_unroll_factor = 5 : i64, sc.parallel_access}
    %reduce_max3A_167 = arith.constant true
    %reduce_max3A_168 = vector.broadcast %reduce_max3A_167 : i1 to vector<16xi1>
    %reduce_max3A_169 = arith.constant -2147483648 : i32
    %reduce_max3A_170 = vector.broadcast %reduce_max3A_169 : i32 to vector<16xi32>
    %reduce_max3A_171 = arith.xori %parallel_loop3A_166, %reduce_max3A_170 : vector<16xi32>
    %reduce_max3A_172 = tpu.scan <max>, %reduce_max3A_171 masked %reduce_max3A_168 : vector<16xi32>, vector<16xi1> -> vector<16xi32>
    %reduce_max3A_173 = arith.xori %reduce_max3A_172, %reduce_max3A_170 : vector<16xi32>
    %reduce_max3A_174 = vector.extract %reduce_max3A_173[15] : i32 from vector<16xi32>
    %gt3A_175 = arith.constant 0 : i32
    %gt3A_176 = arith.cmpi sgt, %reduce_max3A_174, %gt3A_175 : i32
    %convert_element_type3A_177 = arith.extui %gt3A_176 : i1 to i32
    %cond3A_178 = arith.constant 0 : i32
    %cond3A_179 = arith.cmpi ne, %convert_element_type3A_177, %cond3A_178 : i32
    scf.if %cond3A_179 {
      %add3A_548 = arith.constant 50000 : i32
      %add3A_549 = arith.addi %mul3A_0, %add3A_548 : i32
      "tpu.region"() ({
        %run_scoped3A = tpu.sem_alloc : memref<!tpu.dma_semaphore, #tpu.memory_space<semaphore_mem>>
        %dma_start3A_565 = tpu.memref_slice %arg2[%add3A_549] : memref<3200000xi32, #tpu.memory_space<hbm>> -> memref<10000xi32, #tpu.memory_space<hbm>>
        %dma_start3A_566 = tpu.memref_slice %arg2[%add3A_549] : memref<3200000xi32, #tpu.memory_space<hbm>> -> memref<10000xi32, #tpu.memory_space<hbm>>
        tpu.enqueue_dma source(%dma_start3A_566 : memref<10000xi32, #tpu.memory_space<hbm>>) target(%arg10 : memref<10000xi32, #tpu.memory_space<vmem>>) target_semaphore(%run_scoped3A : memref<!tpu.dma_semaphore, #tpu.memory_space<semaphore_mem>>)
        %dma_wait3A_567 = tpu.memref_slice %arg2[%add3A_549] : memref<3200000xi32, #tpu.memory_space<hbm>> -> memref<10000xi32, #tpu.memory_space<hbm>>
        %dma_wait3A_568 = tpu.memref_slice %arg2[%add3A_549] : memref<3200000xi32, #tpu.memory_space<hbm>> -> memref<10000xi32, #tpu.memory_space<hbm>>
        tpu.wait_dma2 semaphore(%run_scoped3A : memref<!tpu.dma_semaphore, #tpu.memory_space<semaphore_mem>>) src(%dma_wait3A_568 : memref<10000xi32, #tpu.memory_space<hbm>>) dst(%arg10 : memref<10000xi32, #tpu.memory_space<vmem>>)
        tpu.yield
      }) : () -> ()
      %get3A_550 = arith.constant 0 : i32
      %get3A_551 = arith.index_cast %get3A_550 : i32 to index
      %get3A_552 = memref.load %arg16[%get3A_551] : memref<1xi32, #tpu.memory_space<smem>>
      %eq3A_553 = arith.constant 0 : i32
      %eq3A_554 = arith.cmpi eq, %get3A_552, %eq3A_553 : i32
      %convert_element_type3A_555 = arith.extui %eq3A_554 : i1 to i32
      %cond3A_556 = arith.constant 0 : i32
      %cond3A_557 = arith.cmpi ne, %convert_element_type3A_555, %cond3A_556 : i32
      scf.if %cond3A_557 {
        %parallel_loop3A_565 = arith.constant 0 : i32
        %parallel_loop3A_566 = arith.constant 50176 : i32
        %parallel_loop3A_567 = arith.constant 16 : i32
        scf.for %parallel_loop3A_568 = %parallel_loop3A_565 to %parallel_loop3A_566 step %parallel_loop3A_567  : i32 {
          %parallel_loop3A_569 = arith.index_cast %parallel_loop3A_568 : i32 to index
          %parallel_loop3A_570 = tpu.vector_load %arg6[%parallel_loop3A_569] {strides = array<i32>} : memref<50176xf32, #tpu.memory_space<vmem>>, vector<16xf32>,
          tpu.vector_store %arg6[%parallel_loop3A_569], %broadcast_in_dim3A_18 {strides = array<i32>} : memref<50176xf32, #tpu.memory_space<vmem>>, vector<16xf32>,
        } {sc.loop_unroll_factor = 8 : i64, sc.parallel_access}
      } else {
      }
      %swap3A_558 = arith.constant 1 : i32
      %swap3A_559 = arith.constant 0 : i32
      %swap3A_560 = arith.index_cast %swap3A_559 : i32 to index
      %swap3A_561 = memref.load %arg16[%swap3A_560] : memref<1xi32, #tpu.memory_space<smem>>
      memref.store %swap3A_558, %arg16[%swap3A_560] : memref<1xi32, #tpu.memory_space<smem>>
      %parallel_loop3A_562 = arith.constant 0 : i32
      %parallel_loop3A_563 = arith.constant 10000 : i32
      %parallel_loop3A_564 = arith.constant 16 : i32
      scf.for %parallel_loop3A_565 = %parallel_loop3A_562 to %parallel_loop3A_563 step %parallel_loop3A_564  : i32 {
        %parallel_loop3A_566 = arith.index_cast %parallel_loop3A_565 : i32 to index
        %parallel_loop3A_567 = tpu.vector_load %arg9[%parallel_loop3A_566] {strides = array<i32>} : memref<10000xi32, #tpu.memory_space<vmem>>, vector<16xi32>,
        %parallel_loop3A_568 = arith.index_cast %parallel_loop3A_565 : i32 to index
        %parallel_loop3A_569 = tpu.vector_load %arg10[%parallel_loop3A_568] {strides = array<i32>} : memref<10000xi32, #tpu.memory_space<vmem>>, vector<16xi32>,
        %parallel_loop3A_570 = arith.cmpi eq, %parallel_loop3A_567, %get3A_17 : vector<16xi32>
        %parallel_loop3A_571 = arith.cmpi ne, %parallel_loop3A_569, %get3A_17 : vector<16xi32>
        %parallel_loop3A_572 = arith.andi %parallel_loop3A_570, %parallel_loop3A_571 : vector<16xi1>
        tpu.vector_store_idx %arg6[%parallel_loop3A_569], %broadcast_in_dim3A_20 masked %parallel_loop3A_572 : memref<50176xf32, #tpu.memory_space<vmem>>[vector<16xi32>], vector<16xf32>, vector<16xi1>
      } {sc.loop_unroll_factor = 5 : i64, sc.parallel_access}
    } else {
    }
    %add3A_180 = arith.constant 80000 : i32
    %add3A_181 = arith.addi %mul3A_0, %add3A_180 : i32
    %add3A_182 = arith.constant 1600000 : i32
    %add3A_183 = arith.addi %add3A_182, %add3A_181 : i32
    %dma_start3A_184 = tpu.memref_slice %arg2[%add3A_183] : memref<3200000xi32, #tpu.memory_space<hbm>> -> memref<10000xi32, #tpu.memory_space<hbm>>
    %dma_start3A_185 = tpu.memref_slice %arg2[%add3A_183] : memref<3200000xi32, #tpu.memory_space<hbm>> -> memref<10000xi32, #tpu.memory_space<hbm>>
    tpu.enqueue_dma source(%dma_start3A_185 : memref<10000xi32, #tpu.memory_space<hbm>>) target(%arg9 : memref<10000xi32, #tpu.memory_space<vmem>>) target_semaphore(%arg20 : memref<!tpu.dma_semaphore, #tpu.memory_space<semaphore_mem>>)
    %dma_wait3A_186 = arith.constant 0 : i32
    %dma_wait3A_187 = tpu.memref_slice %arg2[%dma_wait3A_186] : memref<3200000xi32, #tpu.memory_space<hbm>> -> memref<10000xi32, #tpu.memory_space<hbm>>
    %dma_wait3A_188 = arith.constant 0 : i32
    %dma_wait3A_189 = tpu.memref_slice %arg2[%dma_wait3A_188] : memref<3200000xi32, #tpu.memory_space<hbm>> -> memref<10000xi32, #tpu.memory_space<hbm>>
    tpu.wait_dma2 semaphore(%arg18 : memref<!tpu.dma_semaphore, #tpu.memory_space<semaphore_mem>>) src(%dma_wait3A_189 : memref<10000xi32, #tpu.memory_space<hbm>>) dst(%arg7 : memref<10000xi32, #tpu.memory_space<vmem>>)
    %parallel_loop3A_190 = arith.constant 0 : i32
    %parallel_loop3A_191 = arith.constant 10000 : i32
    %parallel_loop3A_192 = arith.constant 16 : i32
    %parallel_loop3A_193 = scf.for %parallel_loop3A_548 = %parallel_loop3A_190 to %parallel_loop3A_191 step %parallel_loop3A_192 iter_args(%parallel_loop3A_549 = %broadcast_in_dim3A_24) -> (vector<16xi32>)  : i32 {
      %parallel_loop3A_550 = arith.index_cast %parallel_loop3A_548 : i32 to index
      %parallel_loop3A_551 = tpu.vector_load %arg7[%parallel_loop3A_550] {strides = array<i32>} : memref<10000xi32, #tpu.memory_space<vmem>>, vector<16xi32>,
      %parallel_loop3A_552 = arith.cmpi eq, %parallel_loop3A_551, %get3A_17 : vector<16xi32>
      %parallel_loop3A_553 = arith.select %parallel_loop3A_552, %broadcast_in_dim3A_26, %broadcast_in_dim3A_24 : vector<16xi1>, vector<16xi32>
      %parallel_loop3A_554 = arith.addi %parallel_loop3A_549, %parallel_loop3A_553 : vector<16xi32>
      scf.yield %parallel_loop3A_554 : vector<16xi32>
    } {sc.loop_unroll_factor = 5 : i64, sc.parallel_access}
    %reduce_max3A_194 = arith.constant true
    %reduce_max3A_195 = vector.broadcast %reduce_max3A_194 : i1 to vector<16xi1>
    %reduce_max3A_196 = arith.constant -2147483648 : i32
    %reduce_max3A_197 = vector.broadcast %reduce_max3A_196 : i32 to vector<16xi32>
    %reduce_max3A_198 = arith.xori %parallel_loop3A_193, %reduce_max3A_197 : vector<16xi32>
    %reduce_max3A_199 = tpu.scan <max>, %reduce_max3A_198 masked %reduce_max3A_195 : vector<16xi32>, vector<16xi1> -> vector<16xi32>
    %reduce_max3A_200 = arith.xori %reduce_max3A_199, %reduce_max3A_197 : vector<16xi32>
    %reduce_max3A_201 = vector.extract %reduce_max3A_200[15] : i32 from vector<16xi32>
    %gt3A_202 = arith.constant 0 : i32
    %gt3A_203 = arith.cmpi sgt, %reduce_max3A_201, %gt3A_202 : i32
    %convert_element_type3A_204 = arith.extui %gt3A_203 : i1 to i32
    %cond3A_205 = arith.constant 0 : i32
    %cond3A_206 = arith.cmpi ne, %convert_element_type3A_204, %cond3A_205 : i32
    scf.if %cond3A_206 {
      %add3A_548 = arith.constant 60000 : i32
      %add3A_549 = arith.addi %mul3A_0, %add3A_548 : i32
      "tpu.region"() ({
        %run_scoped3A = tpu.sem_alloc : memref<!tpu.dma_semaphore, #tpu.memory_space<semaphore_mem>>
        %dma_start3A_565 = tpu.memref_slice %arg2[%add3A_549] : memref<3200000xi32, #tpu.memory_space<hbm>> -> memref<10000xi32, #tpu.memory_space<hbm>>
        %dma_start3A_566 = tpu.memref_slice %arg2[%add3A_549] : memref<3200000xi32, #tpu.memory_space<hbm>> -> memref<10000xi32, #tpu.memory_space<hbm>>
        tpu.enqueue_dma source(%dma_start3A_566 : memref<10000xi32, #tpu.memory_space<hbm>>) target(%arg10 : memref<10000xi32, #tpu.memory_space<vmem>>) target_semaphore(%run_scoped3A : memref<!tpu.dma_semaphore, #tpu.memory_space<semaphore_mem>>)
        %dma_wait3A_567 = tpu.memref_slice %arg2[%add3A_549] : memref<3200000xi32, #tpu.memory_space<hbm>> -> memref<10000xi32, #tpu.memory_space<hbm>>
        %dma_wait3A_568 = tpu.memref_slice %arg2[%add3A_549] : memref<3200000xi32, #tpu.memory_space<hbm>> -> memref<10000xi32, #tpu.memory_space<hbm>>
        tpu.wait_dma2 semaphore(%run_scoped3A : memref<!tpu.dma_semaphore, #tpu.memory_space<semaphore_mem>>) src(%dma_wait3A_568 : memref<10000xi32, #tpu.memory_space<hbm>>) dst(%arg10 : memref<10000xi32, #tpu.memory_space<vmem>>)
        tpu.yield
      }) : () -> ()
      %get3A_550 = arith.constant 0 : i32
      %get3A_551 = arith.index_cast %get3A_550 : i32 to index
      %get3A_552 = memref.load %arg16[%get3A_551] : memref<1xi32, #tpu.memory_space<smem>>
      %eq3A_553 = arith.constant 0 : i32
      %eq3A_554 = arith.cmpi eq, %get3A_552, %eq3A_553 : i32
      %convert_element_type3A_555 = arith.extui %eq3A_554 : i1 to i32
      %cond3A_556 = arith.constant 0 : i32
      %cond3A_557 = arith.cmpi ne, %convert_element_type3A_555, %cond3A_556 : i32
      scf.if %cond3A_557 {
        %parallel_loop3A_565 = arith.constant 0 : i32
        %parallel_loop3A_566 = arith.constant 50176 : i32
        %parallel_loop3A_567 = arith.constant 16 : i32
        scf.for %parallel_loop3A_568 = %parallel_loop3A_565 to %parallel_loop3A_566 step %parallel_loop3A_567  : i32 {
          %parallel_loop3A_569 = arith.index_cast %parallel_loop3A_568 : i32 to index
          %parallel_loop3A_570 = tpu.vector_load %arg6[%parallel_loop3A_569] {strides = array<i32>} : memref<50176xf32, #tpu.memory_space<vmem>>, vector<16xf32>,
          tpu.vector_store %arg6[%parallel_loop3A_569], %broadcast_in_dim3A_18 {strides = array<i32>} : memref<50176xf32, #tpu.memory_space<vmem>>, vector<16xf32>,
        } {sc.loop_unroll_factor = 8 : i64, sc.parallel_access}
      } else {
      }
      %swap3A_558 = arith.constant 1 : i32
      %swap3A_559 = arith.constant 0 : i32
      %swap3A_560 = arith.index_cast %swap3A_559 : i32 to index
      %swap3A_561 = memref.load %arg16[%swap3A_560] : memref<1xi32, #tpu.memory_space<smem>>
      memref.store %swap3A_558, %arg16[%swap3A_560] : memref<1xi32, #tpu.memory_space<smem>>
      %parallel_loop3A_562 = arith.constant 0 : i32
      %parallel_loop3A_563 = arith.constant 10000 : i32
      %parallel_loop3A_564 = arith.constant 16 : i32
      scf.for %parallel_loop3A_565 = %parallel_loop3A_562 to %parallel_loop3A_563 step %parallel_loop3A_564  : i32 {
        %parallel_loop3A_566 = arith.index_cast %parallel_loop3A_565 : i32 to index
        %parallel_loop3A_567 = tpu.vector_load %arg7[%parallel_loop3A_566] {strides = array<i32>} : memref<10000xi32, #tpu.memory_space<vmem>>, vector<16xi32>,
        %parallel_loop3A_568 = arith.index_cast %parallel_loop3A_565 : i32 to index
        %parallel_loop3A_569 = tpu.vector_load %arg10[%parallel_loop3A_568] {strides = array<i32>} : memref<10000xi32, #tpu.memory_space<vmem>>, vector<16xi32>,
        %parallel_loop3A_570 = arith.cmpi eq, %parallel_loop3A_567, %get3A_17 : vector<16xi32>
        %parallel_loop3A_571 = arith.cmpi ne, %parallel_loop3A_569, %get3A_17 : vector<16xi32>
        %parallel_loop3A_572 = arith.andi %parallel_loop3A_570, %parallel_loop3A_571 : vector<16xi1>
        tpu.vector_store_idx %arg6[%parallel_loop3A_569], %broadcast_in_dim3A_20 masked %parallel_loop3A_572 : memref<50176xf32, #tpu.memory_space<vmem>>[vector<16xi32>], vector<16xf32>, vector<16xi1>
      } {sc.loop_unroll_factor = 5 : i64, sc.parallel_access}
    } else {
    }
    %add3A_207 = arith.constant 90000 : i32
    %add3A_208 = arith.addi %mul3A_0, %add3A_207 : i32
    %add3A_209 = arith.constant 1600000 : i32
    %add3A_210 = arith.addi %add3A_209, %add3A_208 : i32
    %dma_start3A_211 = tpu.memref_slice %arg2[%add3A_210] : memref<3200000xi32, #tpu.memory_space<hbm>> -> memref<10000xi32, #tpu.memory_space<hbm>>
    %dma_start3A_212 = tpu.memref_slice %arg2[%add3A_210] : memref<3200000xi32, #tpu.memory_space<hbm>> -> memref<10000xi32, #tpu.memory_space<hbm>>
    tpu.enqueue_dma source(%dma_start3A_212 : memref<10000xi32, #tpu.memory_space<hbm>>) target(%arg7 : memref<10000xi32, #tpu.memory_space<vmem>>) target_semaphore(%arg18 : memref<!tpu.dma_semaphore, #tpu.memory_space<semaphore_mem>>)
    %dma_wait3A_213 = arith.constant 0 : i32
    %dma_wait3A_214 = tpu.memref_slice %arg2[%dma_wait3A_213] : memref<3200000xi32, #tpu.memory_space<hbm>> -> memref<10000xi32, #tpu.memory_space<hbm>>
    %dma_wait3A_215 = arith.constant 0 : i32
    %dma_wait3A_216 = tpu.memref_slice %arg2[%dma_wait3A_215] : memref<3200000xi32, #tpu.memory_space<hbm>> -> memref<10000xi32, #tpu.memory_space<hbm>>
    tpu.wait_dma2 semaphore(%arg19 : memref<!tpu.dma_semaphore, #tpu.memory_space<semaphore_mem>>) src(%dma_wait3A_216 : memref<10000xi32, #tpu.memory_space<hbm>>) dst(%arg8 : memref<10000xi32, #tpu.memory_space<vmem>>)
    %parallel_loop3A_217 = arith.constant 0 : i32
    %parallel_loop3A_218 = arith.constant 10000 : i32
    %parallel_loop3A_219 = arith.constant 16 : i32
    %parallel_loop3A_220 = scf.for %parallel_loop3A_548 = %parallel_loop3A_217 to %parallel_loop3A_218 step %parallel_loop3A_219 iter_args(%parallel_loop3A_549 = %broadcast_in_dim3A_24) -> (vector<16xi32>)  : i32 {
      %parallel_loop3A_550 = arith.index_cast %parallel_loop3A_548 : i32 to index
      %parallel_loop3A_551 = tpu.vector_load %arg8[%parallel_loop3A_550] {strides = array<i32>} : memref<10000xi32, #tpu.memory_space<vmem>>, vector<16xi32>,
      %parallel_loop3A_552 = arith.cmpi eq, %parallel_loop3A_551, %get3A_17 : vector<16xi32>
      %parallel_loop3A_553 = arith.select %parallel_loop3A_552, %broadcast_in_dim3A_26, %broadcast_in_dim3A_24 : vector<16xi1>, vector<16xi32>
      %parallel_loop3A_554 = arith.addi %parallel_loop3A_549, %parallel_loop3A_553 : vector<16xi32>
      scf.yield %parallel_loop3A_554 : vector<16xi32>
    } {sc.loop_unroll_factor = 5 : i64, sc.parallel_access}
    %reduce_max3A_221 = arith.constant true
    %reduce_max3A_222 = vector.broadcast %reduce_max3A_221 : i1 to vector<16xi1>
    %reduce_max3A_223 = arith.constant -2147483648 : i32
    %reduce_max3A_224 = vector.broadcast %reduce_max3A_223 : i32 to vector<16xi32>
    %reduce_max3A_225 = arith.xori %parallel_loop3A_220, %reduce_max3A_224 : vector<16xi32>
    %reduce_max3A_226 = tpu.scan <max>, %reduce_max3A_225 masked %reduce_max3A_222 : vector<16xi32>, vector<16xi1> -> vector<16xi32>
    %reduce_max3A_227 = arith.xori %reduce_max3A_226, %reduce_max3A_224 : vector<16xi32>
    %reduce_max3A_228 = vector.extract %reduce_max3A_227[15] : i32 from vector<16xi32>
    %gt3A_229 = arith.constant 0 : i32
    %gt3A_230 = arith.cmpi sgt, %reduce_max3A_228, %gt3A_229 : i32
    %convert_element_type3A_231 = arith.extui %gt3A_230 : i1 to i32
    %cond3A_232 = arith.constant 0 : i32
    %cond3A_233 = arith.cmpi ne, %convert_element_type3A_231, %cond3A_232 : i32
    scf.if %cond3A_233 {
      %add3A_548 = arith.constant 70000 : i32
      %add3A_549 = arith.addi %mul3A_0, %add3A_548 : i32
      "tpu.region"() ({
        %run_scoped3A = tpu.sem_alloc : memref<!tpu.dma_semaphore, #tpu.memory_space<semaphore_mem>>
        %dma_start3A_565 = tpu.memref_slice %arg2[%add3A_549] : memref<3200000xi32, #tpu.memory_space<hbm>> -> memref<10000xi32, #tpu.memory_space<hbm>>
        %dma_start3A_566 = tpu.memref_slice %arg2[%add3A_549] : memref<3200000xi32, #tpu.memory_space<hbm>> -> memref<10000xi32, #tpu.memory_space<hbm>>
        tpu.enqueue_dma source(%dma_start3A_566 : memref<10000xi32, #tpu.memory_space<hbm>>) target(%arg10 : memref<10000xi32, #tpu.memory_space<vmem>>) target_semaphore(%run_scoped3A : memref<!tpu.dma_semaphore, #tpu.memory_space<semaphore_mem>>)
        %dma_wait3A_567 = tpu.memref_slice %arg2[%add3A_549] : memref<3200000xi32, #tpu.memory_space<hbm>> -> memref<10000xi32, #tpu.memory_space<hbm>>
        %dma_wait3A_568 = tpu.memref_slice %arg2[%add3A_549] : memref<3200000xi32, #tpu.memory_space<hbm>> -> memref<10000xi32, #tpu.memory_space<hbm>>
        tpu.wait_dma2 semaphore(%run_scoped3A : memref<!tpu.dma_semaphore, #tpu.memory_space<semaphore_mem>>) src(%dma_wait3A_568 : memref<10000xi32, #tpu.memory_space<hbm>>) dst(%arg10 : memref<10000xi32, #tpu.memory_space<vmem>>)
        tpu.yield
      }) : () -> ()
      %get3A_550 = arith.constant 0 : i32
      %get3A_551 = arith.index_cast %get3A_550 : i32 to index
      %get3A_552 = memref.load %arg16[%get3A_551] : memref<1xi32, #tpu.memory_space<smem>>
      %eq3A_553 = arith.constant 0 : i32
      %eq3A_554 = arith.cmpi eq, %get3A_552, %eq3A_553 : i32
      %convert_element_type3A_555 = arith.extui %eq3A_554 : i1 to i32
      %cond3A_556 = arith.constant 0 : i32
      %cond3A_557 = arith.cmpi ne, %convert_element_type3A_555, %cond3A_556 : i32
      scf.if %cond3A_557 {
        %parallel_loop3A_565 = arith.constant 0 : i32
        %parallel_loop3A_566 = arith.constant 50176 : i32
        %parallel_loop3A_567 = arith.constant 16 : i32
        scf.for %parallel_loop3A_568 = %parallel_loop3A_565 to %parallel_loop3A_566 step %parallel_loop3A_567  : i32 {
          %parallel_loop3A_569 = arith.index_cast %parallel_loop3A_568 : i32 to index
          %parallel_loop3A_570 = tpu.vector_load %arg6[%parallel_loop3A_569] {strides = array<i32>} : memref<50176xf32, #tpu.memory_space<vmem>>, vector<16xf32>,
          tpu.vector_store %arg6[%parallel_loop3A_569], %broadcast_in_dim3A_18 {strides = array<i32>} : memref<50176xf32, #tpu.memory_space<vmem>>, vector<16xf32>,
        } {sc.loop_unroll_factor = 8 : i64, sc.parallel_access}
      } else {
      }
      %swap3A_558 = arith.constant 1 : i32
      %swap3A_559 = arith.constant 0 : i32
      %swap3A_560 = arith.index_cast %swap3A_559 : i32 to index
      %swap3A_561 = memref.load %arg16[%swap3A_560] : memref<1xi32, #tpu.memory_space<smem>>
      memref.store %swap3A_558, %arg16[%swap3A_560] : memref<1xi32, #tpu.memory_space<smem>>
      %parallel_loop3A_562 = arith.constant 0 : i32
      %parallel_loop3A_563 = arith.constant 10000 : i32
      %parallel_loop3A_564 = arith.constant 16 : i32
      scf.for %parallel_loop3A_565 = %parallel_loop3A_562 to %parallel_loop3A_563 step %parallel_loop3A_564  : i32 {
        %parallel_loop3A_566 = arith.index_cast %parallel_loop3A_565 : i32 to index
        %parallel_loop3A_567 = tpu.vector_load %arg8[%parallel_loop3A_566] {strides = array<i32>} : memref<10000xi32, #tpu.memory_space<vmem>>, vector<16xi32>,
        %parallel_loop3A_568 = arith.index_cast %parallel_loop3A_565 : i32 to index
        %parallel_loop3A_569 = tpu.vector_load %arg10[%parallel_loop3A_568] {strides = array<i32>} : memref<10000xi32, #tpu.memory_space<vmem>>, vector<16xi32>,
        %parallel_loop3A_570 = arith.cmpi eq, %parallel_loop3A_567, %get3A_17 : vector<16xi32>
        %parallel_loop3A_571 = arith.cmpi ne, %parallel_loop3A_569, %get3A_17 : vector<16xi32>
        %parallel_loop3A_572 = arith.andi %parallel_loop3A_570, %parallel_loop3A_571 : vector<16xi1>
        tpu.vector_store_idx %arg6[%parallel_loop3A_569], %broadcast_in_dim3A_20 masked %parallel_loop3A_572 : memref<50176xf32, #tpu.memory_space<vmem>>[vector<16xi32>], vector<16xf32>, vector<16xi1>
      } {sc.loop_unroll_factor = 5 : i64, sc.parallel_access}
    } else {
    }
    %dma_wait3A_234 = arith.constant 0 : i32
    %dma_wait3A_235 = tpu.memref_slice %arg2[%dma_wait3A_234] : memref<3200000xi32, #tpu.memory_space<hbm>> -> memref<10000xi32, #tpu.memory_space<hbm>>
    %dma_wait3A_236 = arith.constant 0 : i32
    %dma_wait3A_237 = tpu.memref_slice %arg2[%dma_wait3A_236] : memref<3200000xi32, #tpu.memory_space<hbm>> -> memref<10000xi32, #tpu.memory_space<hbm>>
    tpu.wait_dma2 semaphore(%arg20 : memref<!tpu.dma_semaphore, #tpu.memory_space<semaphore_mem>>) src(%dma_wait3A_237 : memref<10000xi32, #tpu.memory_space<hbm>>) dst(%arg9 : memref<10000xi32, #tpu.memory_space<vmem>>)
    %parallel_loop3A_238 = arith.constant 0 : i32
    %parallel_loop3A_239 = arith.constant 10000 : i32
    %parallel_loop3A_240 = arith.constant 16 : i32
    %parallel_loop3A_241 = scf.for %parallel_loop3A_548 = %parallel_loop3A_238 to %parallel_loop3A_239 step %parallel_loop3A_240 iter_args(%parallel_loop3A_549 = %broadcast_in_dim3A_24) -> (vector<16xi32>)  : i32 {
      %parallel_loop3A_550 = arith.index_cast %parallel_loop3A_548 : i32 to index
      %parallel_loop3A_551 = tpu.vector_load %arg9[%parallel_loop3A_550] {strides = array<i32>} : memref<10000xi32, #tpu.memory_space<vmem>>, vector<16xi32>,
      %parallel_loop3A_552 = arith.cmpi eq, %parallel_loop3A_551, %get3A_17 : vector<16xi32>
      %parallel_loop3A_553 = arith.select %parallel_loop3A_552, %broadcast_in_dim3A_26, %broadcast_in_dim3A_24 : vector<16xi1>, vector<16xi32>
      %parallel_loop3A_554 = arith.addi %parallel_loop3A_549, %parallel_loop3A_553 : vector<16xi32>
      scf.yield %parallel_loop3A_554 : vector<16xi32>
    } {sc.loop_unroll_factor = 5 : i64, sc.parallel_access}
    %reduce_max3A_242 = arith.constant true
    %reduce_max3A_243 = vector.broadcast %reduce_max3A_242 : i1 to vector<16xi1>
    %reduce_max3A_244 = arith.constant -2147483648 : i32
    %reduce_max3A_245 = vector.broadcast %reduce_max3A_244 : i32 to vector<16xi32>
    %reduce_max3A_246 = arith.xori %parallel_loop3A_241, %reduce_max3A_245 : vector<16xi32>
    %reduce_max3A_247 = tpu.scan <max>, %reduce_max3A_246 masked %reduce_max3A_243 : vector<16xi32>, vector<16xi1> -> vector<16xi32>
    %reduce_max3A_248 = arith.xori %reduce_max3A_247, %reduce_max3A_245 : vector<16xi32>
    %reduce_max3A_249 = vector.extract %reduce_max3A_248[15] : i32 from vector<16xi32>
    %gt3A_250 = arith.constant 0 : i32
    %gt3A_251 = arith.cmpi sgt, %reduce_max3A_249, %gt3A_250 : i32
    %convert_element_type3A_252 = arith.extui %gt3A_251 : i1 to i32
    %cond3A_253 = arith.constant 0 : i32
    %cond3A_254 = arith.cmpi ne, %convert_element_type3A_252, %cond3A_253 : i32
    scf.if %cond3A_254 {
      %add3A_548 = arith.constant 80000 : i32
      %add3A_549 = arith.addi %mul3A_0, %add3A_548 : i32
      "tpu.region"() ({
        %run_scoped3A = tpu.sem_alloc : memref<!tpu.dma_semaphore, #tpu.memory_space<semaphore_mem>>
        %dma_start3A_565 = tpu.memref_slice %arg2[%add3A_549] : memref<3200000xi32, #tpu.memory_space<hbm>> -> memref<10000xi32, #tpu.memory_space<hbm>>
        %dma_start3A_566 = tpu.memref_slice %arg2[%add3A_549] : memref<3200000xi32, #tpu.memory_space<hbm>> -> memref<10000xi32, #tpu.memory_space<hbm>>
        tpu.enqueue_dma source(%dma_start3A_566 : memref<10000xi32, #tpu.memory_space<hbm>>) target(%arg10 : memref<10000xi32, #tpu.memory_space<vmem>>) target_semaphore(%run_scoped3A : memref<!tpu.dma_semaphore, #tpu.memory_space<semaphore_mem>>)
        %dma_wait3A_567 = tpu.memref_slice %arg2[%add3A_549] : memref<3200000xi32, #tpu.memory_space<hbm>> -> memref<10000xi32, #tpu.memory_space<hbm>>
        %dma_wait3A_568 = tpu.memref_slice %arg2[%add3A_549] : memref<3200000xi32, #tpu.memory_space<hbm>> -> memref<10000xi32, #tpu.memory_space<hbm>>
        tpu.wait_dma2 semaphore(%run_scoped3A : memref<!tpu.dma_semaphore, #tpu.memory_space<semaphore_mem>>) src(%dma_wait3A_568 : memref<10000xi32, #tpu.memory_space<hbm>>) dst(%arg10 : memref<10000xi32, #tpu.memory_space<vmem>>)
        tpu.yield
      }) : () -> ()
      %get3A_550 = arith.constant 0 : i32
      %get3A_551 = arith.index_cast %get3A_550 : i32 to index
      %get3A_552 = memref.load %arg16[%get3A_551] : memref<1xi32, #tpu.memory_space<smem>>
      %eq3A_553 = arith.constant 0 : i32
      %eq3A_554 = arith.cmpi eq, %get3A_552, %eq3A_553 : i32
      %convert_element_type3A_555 = arith.extui %eq3A_554 : i1 to i32
      %cond3A_556 = arith.constant 0 : i32
      %cond3A_557 = arith.cmpi ne, %convert_element_type3A_555, %cond3A_556 : i32
      scf.if %cond3A_557 {
        %parallel_loop3A_565 = arith.constant 0 : i32
        %parallel_loop3A_566 = arith.constant 50176 : i32
        %parallel_loop3A_567 = arith.constant 16 : i32
        scf.for %parallel_loop3A_568 = %parallel_loop3A_565 to %parallel_loop3A_566 step %parallel_loop3A_567  : i32 {
          %parallel_loop3A_569 = arith.index_cast %parallel_loop3A_568 : i32 to index
          %parallel_loop3A_570 = tpu.vector_load %arg6[%parallel_loop3A_569] {strides = array<i32>} : memref<50176xf32, #tpu.memory_space<vmem>>, vector<16xf32>,
          tpu.vector_store %arg6[%parallel_loop3A_569], %broadcast_in_dim3A_18 {strides = array<i32>} : memref<50176xf32, #tpu.memory_space<vmem>>, vector<16xf32>,
        } {sc.loop_unroll_factor = 8 : i64, sc.parallel_access}
      } else {
      }
      %swap3A_558 = arith.constant 1 : i32
      %swap3A_559 = arith.constant 0 : i32
      %swap3A_560 = arith.index_cast %swap3A_559 : i32 to index
      %swap3A_561 = memref.load %arg16[%swap3A_560] : memref<1xi32, #tpu.memory_space<smem>>
      memref.store %swap3A_558, %arg16[%swap3A_560] : memref<1xi32, #tpu.memory_space<smem>>
      %parallel_loop3A_562 = arith.constant 0 : i32
      %parallel_loop3A_563 = arith.constant 10000 : i32
      %parallel_loop3A_564 = arith.constant 16 : i32
      scf.for %parallel_loop3A_565 = %parallel_loop3A_562 to %parallel_loop3A_563 step %parallel_loop3A_564  : i32 {
        %parallel_loop3A_566 = arith.index_cast %parallel_loop3A_565 : i32 to index
        %parallel_loop3A_567 = tpu.vector_load %arg9[%parallel_loop3A_566] {strides = array<i32>} : memref<10000xi32, #tpu.memory_space<vmem>>, vector<16xi32>,
        %parallel_loop3A_568 = arith.index_cast %parallel_loop3A_565 : i32 to index
        %parallel_loop3A_569 = tpu.vector_load %arg10[%parallel_loop3A_568] {strides = array<i32>} : memref<10000xi32, #tpu.memory_space<vmem>>, vector<16xi32>,
        %parallel_loop3A_570 = arith.cmpi eq, %parallel_loop3A_567, %get3A_17 : vector<16xi32>
        %parallel_loop3A_571 = arith.cmpi ne, %parallel_loop3A_569, %get3A_17 : vector<16xi32>
        %parallel_loop3A_572 = arith.andi %parallel_loop3A_570, %parallel_loop3A_571 : vector<16xi1>
        tpu.vector_store_idx %arg6[%parallel_loop3A_569], %broadcast_in_dim3A_20 masked %parallel_loop3A_572 : memref<50176xf32, #tpu.memory_space<vmem>>[vector<16xi32>], vector<16xf32>, vector<16xi1>
      } {sc.loop_unroll_factor = 5 : i64, sc.parallel_access}
    } else {
    }
    %dma_wait3A_255 = arith.constant 0 : i32
    %dma_wait3A_256 = tpu.memref_slice %arg2[%dma_wait3A_255] : memref<3200000xi32, #tpu.memory_space<hbm>> -> memref<10000xi32, #tpu.memory_space<hbm>>
    %dma_wait3A_257 = arith.constant 0 : i32
    %dma_wait3A_258 = tpu.memref_slice %arg2[%dma_wait3A_257] : memref<3200000xi32, #tpu.memory_space<hbm>> -> memref<10000xi32, #tpu.memory_space<hbm>>
    tpu.wait_dma2 semaphore(%arg18 : memref<!tpu.dma_semaphore, #tpu.memory_space<semaphore_mem>>) src(%dma_wait3A_258 : memref<10000xi32, #tpu.memory_space<hbm>>) dst(%arg7 : memref<10000xi32, #tpu.memory_space<vmem>>)
    %parallel_loop3A_259 = arith.constant 0 : i32
    %parallel_loop3A_260 = arith.constant 10000 : i32
    %parallel_loop3A_261 = arith.constant 16 : i32
    %parallel_loop3A_262 = scf.for %parallel_loop3A_548 = %parallel_loop3A_259 to %parallel_loop3A_260 step %parallel_loop3A_261 iter_args(%parallel_loop3A_549 = %broadcast_in_dim3A_24) -> (vector<16xi32>)  : i32 {
      %parallel_loop3A_550 = arith.index_cast %parallel_loop3A_548 : i32 to index
      %parallel_loop3A_551 = tpu.vector_load %arg7[%parallel_loop3A_550] {strides = array<i32>} : memref<10000xi32, #tpu.memory_space<vmem>>, vector<16xi32>,
      %parallel_loop3A_552 = arith.cmpi eq, %parallel_loop3A_551, %get3A_17 : vector<16xi32>
      %parallel_loop3A_553 = arith.select %parallel_loop3A_552, %broadcast_in_dim3A_26, %broadcast_in_dim3A_24 : vector<16xi1>, vector<16xi32>
      %parallel_loop3A_554 = arith.addi %parallel_loop3A_549, %parallel_loop3A_553 : vector<16xi32>
      scf.yield %parallel_loop3A_554 : vector<16xi32>
    } {sc.loop_unroll_factor = 5 : i64, sc.parallel_access}
    %reduce_max3A_263 = arith.constant true
    %reduce_max3A_264 = vector.broadcast %reduce_max3A_263 : i1 to vector<16xi1>
    %reduce_max3A_265 = arith.constant -2147483648 : i32
    %reduce_max3A_266 = vector.broadcast %reduce_max3A_265 : i32 to vector<16xi32>
    %reduce_max3A_267 = arith.xori %parallel_loop3A_262, %reduce_max3A_266 : vector<16xi32>
    %reduce_max3A_268 = tpu.scan <max>, %reduce_max3A_267 masked %reduce_max3A_264 : vector<16xi32>, vector<16xi1> -> vector<16xi32>
    %reduce_max3A_269 = arith.xori %reduce_max3A_268, %reduce_max3A_266 : vector<16xi32>
    %reduce_max3A_270 = vector.extract %reduce_max3A_269[15] : i32 from vector<16xi32>
    %gt3A_271 = arith.constant 0 : i32
    %gt3A_272 = arith.cmpi sgt, %reduce_max3A_270, %gt3A_271 : i32
    %convert_element_type3A_273 = arith.extui %gt3A_272 : i1 to i32
    %cond3A_274 = arith.constant 0 : i32
    %cond3A_275 = arith.cmpi ne, %convert_element_type3A_273, %cond3A_274 : i32
    scf.if %cond3A_275 {
      %add3A_548 = arith.constant 90000 : i32
      %add3A_549 = arith.addi %mul3A_0, %add3A_548 : i32
      "tpu.region"() ({
        %run_scoped3A = tpu.sem_alloc : memref<!tpu.dma_semaphore, #tpu.memory_space<semaphore_mem>>
        %dma_start3A_565 = tpu.memref_slice %arg2[%add3A_549] : memref<3200000xi32, #tpu.memory_space<hbm>> -> memref<10000xi32, #tpu.memory_space<hbm>>
        %dma_start3A_566 = tpu.memref_slice %arg2[%add3A_549] : memref<3200000xi32, #tpu.memory_space<hbm>> -> memref<10000xi32, #tpu.memory_space<hbm>>
        tpu.enqueue_dma source(%dma_start3A_566 : memref<10000xi32, #tpu.memory_space<hbm>>) target(%arg10 : memref<10000xi32, #tpu.memory_space<vmem>>) target_semaphore(%run_scoped3A : memref<!tpu.dma_semaphore, #tpu.memory_space<semaphore_mem>>)
        %dma_wait3A_567 = tpu.memref_slice %arg2[%add3A_549] : memref<3200000xi32, #tpu.memory_space<hbm>> -> memref<10000xi32, #tpu.memory_space<hbm>>
        %dma_wait3A_568 = tpu.memref_slice %arg2[%add3A_549] : memref<3200000xi32, #tpu.memory_space<hbm>> -> memref<10000xi32, #tpu.memory_space<hbm>>
        tpu.wait_dma2 semaphore(%run_scoped3A : memref<!tpu.dma_semaphore, #tpu.memory_space<semaphore_mem>>) src(%dma_wait3A_568 : memref<10000xi32, #tpu.memory_space<hbm>>) dst(%arg10 : memref<10000xi32, #tpu.memory_space<vmem>>)
        tpu.yield
      }) : () -> ()
      %get3A_550 = arith.constant 0 : i32
      %get3A_551 = arith.index_cast %get3A_550 : i32 to index
      %get3A_552 = memref.load %arg16[%get3A_551] : memref<1xi32, #tpu.memory_space<smem>>
      %eq3A_553 = arith.constant 0 : i32
      %eq3A_554 = arith.cmpi eq, %get3A_552, %eq3A_553 : i32
      %convert_element_type3A_555 = arith.extui %eq3A_554 : i1 to i32
      %cond3A_556 = arith.constant 0 : i32
      %cond3A_557 = arith.cmpi ne, %convert_element_type3A_555, %cond3A_556 : i32
      scf.if %cond3A_557 {
        %parallel_loop3A_565 = arith.constant 0 : i32
        %parallel_loop3A_566 = arith.constant 50176 : i32
        %parallel_loop3A_567 = arith.constant 16 : i32
        scf.for %parallel_loop3A_568 = %parallel_loop3A_565 to %parallel_loop3A_566 step %parallel_loop3A_567  : i32 {
          %parallel_loop3A_569 = arith.index_cast %parallel_loop3A_568 : i32 to index
          %parallel_loop3A_570 = tpu.vector_load %arg6[%parallel_loop3A_569] {strides = array<i32>} : memref<50176xf32, #tpu.memory_space<vmem>>, vector<16xf32>,
          tpu.vector_store %arg6[%parallel_loop3A_569], %broadcast_in_dim3A_18 {strides = array<i32>} : memref<50176xf32, #tpu.memory_space<vmem>>, vector<16xf32>,
        } {sc.loop_unroll_factor = 8 : i64, sc.parallel_access}
      } else {
      }
      %swap3A_558 = arith.constant 1 : i32
      %swap3A_559 = arith.constant 0 : i32
      %swap3A_560 = arith.index_cast %swap3A_559 : i32 to index
      %swap3A_561 = memref.load %arg16[%swap3A_560] : memref<1xi32, #tpu.memory_space<smem>>
      memref.store %swap3A_558, %arg16[%swap3A_560] : memref<1xi32, #tpu.memory_space<smem>>
      %parallel_loop3A_562 = arith.constant 0 : i32
      %parallel_loop3A_563 = arith.constant 10000 : i32
      %parallel_loop3A_564 = arith.constant 16 : i32
      scf.for %parallel_loop3A_565 = %parallel_loop3A_562 to %parallel_loop3A_563 step %parallel_loop3A_564  : i32 {
        %parallel_loop3A_566 = arith.index_cast %parallel_loop3A_565 : i32 to index
        %parallel_loop3A_567 = tpu.vector_load %arg7[%parallel_loop3A_566] {strides = array<i32>} : memref<10000xi32, #tpu.memory_space<vmem>>, vector<16xi32>,
        %parallel_loop3A_568 = arith.index_cast %parallel_loop3A_565 : i32 to index
        %parallel_loop3A_569 = tpu.vector_load %arg10[%parallel_loop3A_568] {strides = array<i32>} : memref<10000xi32, #tpu.memory_space<vmem>>, vector<16xi32>,
        %parallel_loop3A_570 = arith.cmpi eq, %parallel_loop3A_567, %get3A_17 : vector<16xi32>
        %parallel_loop3A_571 = arith.cmpi ne, %parallel_loop3A_569, %get3A_17 : vector<16xi32>
        %parallel_loop3A_572 = arith.andi %parallel_loop3A_570, %parallel_loop3A_571 : vector<16xi1>
        tpu.vector_store_idx %arg6[%parallel_loop3A_569], %broadcast_in_dim3A_20 masked %parallel_loop3A_572 : memref<50176xf32, #tpu.memory_space<vmem>>[vector<16xi32>], vector<16xf32>, vector<16xi1>
      } {sc.loop_unroll_factor = 5 : i64, sc.parallel_access}
    } else {
    }
    %get3A_276 = arith.constant 0 : i32
    %get3A_277 = arith.index_cast %get3A_276 : i32 to index
    %get3A_278 = memref.load %arg16[%get3A_277] : memref<1xi32, #tpu.memory_space<smem>>
    %gt3A_279 = arith.constant 0 : i32
    %gt3A_280 = arith.cmpi sgt, %get3A_278, %gt3A_279 : i32
    %convert_element_type3A_281 = arith.extui %gt3A_280 : i1 to i32
    %cond3A_282 = arith.constant 0 : i32
    %cond3A_283 = arith.cmpi ne, %convert_element_type3A_281, %cond3A_282 : i32
    scf.if %cond3A_283 {
      %mul3A_548 = arith.constant 50176 : i32
      %mul3A_549 = arith.muli %arg1, %mul3A_548 : i32
      "tpu.region"() ({
        %run_scoped3A = tpu.sem_alloc : memref<!tpu.dma_semaphore, #tpu.memory_space<semaphore_mem>>
        %dma_start3A_550 = tpu.memref_slice %arg5[%mul3A_549] : memref<802816xf32, #tpu.memory_space<hbm>> -> memref<50176xf32, #tpu.memory_space<hbm>>
        %dma_start3A_551 = tpu.memref_slice %arg5[%mul3A_549] : memref<802816xf32, #tpu.memory_space<hbm>> -> memref<50176xf32, #tpu.memory_space<hbm>>
        tpu.enqueue_dma source(%arg6 : memref<50176xf32, #tpu.memory_space<vmem>>) target(%dma_start3A_551 : memref<50176xf32, #tpu.memory_space<hbm>>) target_semaphore(%run_scoped3A : memref<!tpu.dma_semaphore, #tpu.memory_space<semaphore_mem>>)
        %dma_wait3A_552 = tpu.memref_slice %arg5[%mul3A_549] : memref<802816xf32, #tpu.memory_space<hbm>> -> memref<50176xf32, #tpu.memory_space<hbm>>
        %dma_wait3A_553 = tpu.memref_slice %arg5[%mul3A_549] : memref<802816xf32, #tpu.memory_space<hbm>> -> memref<50176xf32, #tpu.memory_space<hbm>>
        tpu.wait_dma2 semaphore(%run_scoped3A : memref<!tpu.dma_semaphore, #tpu.memory_space<semaphore_mem>>) src(%arg6 : memref<50176xf32, #tpu.memory_space<vmem>>) dst(%dma_wait3A_553 : memref<50176xf32, #tpu.memory_space<hbm>>)
        tpu.yield
      }) : () -> ()
    } else {
    }
    %broadcast_in_dim3A_284 = vector.broadcast %get3A_278 : i32 to vector<16xi32>
    %swap3A_285 = arith.constant 0 : index
    %swap3A_286 = tpu.vector_load %arg14[%swap3A_285] {strides = array<i32>} : memref<16xi32, #tpu.memory_space<vmem>>, vector<16xi32>,
    tpu.vector_store %arg14[%swap3A_285], %broadcast_in_dim3A_284 {strides = array<i32>} : memref<16xi32, #tpu.memory_space<vmem>>, vector<16xi32>,
    %mul3A_287 = arith.constant 16 : i32
    %mul3A_288 = arith.muli %arg1, %mul3A_287 : i32
    "tpu.region"() ({
      %run_scoped3A = tpu.sem_alloc : memref<!tpu.dma_semaphore, #tpu.memory_space<semaphore_mem>>
      %dma_start3A_548 = tpu.memref_slice %arg17[%mul3A_288] : memref<256xi32, #tpu.memory_space<vmem_shared>> -> memref<16xi32, #tpu.memory_space<vmem_shared>>
      %dma_start3A_549 = tpu.memref_slice %arg17[%mul3A_288] : memref<256xi32, #tpu.memory_space<vmem_shared>> -> memref<16xi32, #tpu.memory_space<vmem_shared>>
      tpu.enqueue_dma source(%arg14 : memref<16xi32, #tpu.memory_space<vmem>>) target(%dma_start3A_549 : memref<16xi32, #tpu.memory_space<vmem_shared>>) target_semaphore(%run_scoped3A : memref<!tpu.dma_semaphore, #tpu.memory_space<semaphore_mem>>)
      %dma_wait3A_550 = tpu.memref_slice %arg17[%mul3A_288] : memref<256xi32, #tpu.memory_space<vmem_shared>> -> memref<16xi32, #tpu.memory_space<vmem_shared>>
      %dma_wait3A_551 = tpu.memref_slice %arg17[%mul3A_288] : memref<256xi32, #tpu.memory_space<vmem_shared>> -> memref<16xi32, #tpu.memory_space<vmem_shared>>
      tpu.wait_dma2 semaphore(%run_scoped3A : memref<!tpu.dma_semaphore, #tpu.memory_space<semaphore_mem>>) src(%arg14 : memref<16xi32, #tpu.memory_space<vmem>>) dst(%dma_wait3A_551 : memref<16xi32, #tpu.memory_space<vmem_shared>>)
      tpu.yield
    }) : () -> ()
    %barrier3A = arith.constant 0 : index
    tpu.barrier barrier_id(%barrier3A)
    %mul3A_289 = arith.constant 3136 : i32
    %mul3A_290 = arith.muli %arg1, %mul3A_289 : i32
    %parallel_loop3A_291 = arith.constant 0 : i32
    %parallel_loop3A_292 = arith.constant 3136 : i32
    %parallel_loop3A_293 = arith.constant 16 : i32
    scf.for %parallel_loop3A_548 = %parallel_loop3A_291 to %parallel_loop3A_292 step %parallel_loop3A_293  : i32 {
      %parallel_loop3A_549 = arith.index_cast %parallel_loop3A_548 : i32 to index
      %parallel_loop3A_550 = tpu.vector_load %arg13[%parallel_loop3A_549] {strides = array<i32>} : memref<3136xf32, #tpu.memory_space<vmem>>, vector<16xf32>,
      tpu.vector_store %arg13[%parallel_loop3A_549], %broadcast_in_dim3A_18 {strides = array<i32>} : memref<3136xf32, #tpu.memory_space<vmem>>, vector<16xf32>,
    } {sc.loop_unroll_factor = 8 : i64, sc.parallel_access}
    "tpu.region"() ({
      %run_scoped3A = tpu.sem_alloc : memref<!tpu.dma_semaphore, #tpu.memory_space<semaphore_mem>>
      tpu.enqueue_dma source(%arg17 : memref<256xi32, #tpu.memory_space<vmem_shared>>) target(%arg15 : memref<256xi32, #tpu.memory_space<vmem>>) target_semaphore(%run_scoped3A : memref<!tpu.dma_semaphore, #tpu.memory_space<semaphore_mem>>)
      tpu.wait_dma2 semaphore(%run_scoped3A : memref<!tpu.dma_semaphore, #tpu.memory_space<semaphore_mem>>) src(%arg17 : memref<256xi32, #tpu.memory_space<vmem_shared>>) dst(%arg15 : memref<256xi32, #tpu.memory_space<vmem>>)
      tpu.yield
    }) : () -> ()
    %get3A_294 = arith.constant 0 : index
    %get3A_295 = tpu.vector_load %arg15[%get3A_294] {strides = array<i32>} : memref<256xi32, #tpu.memory_space<vmem>>, vector<16xi32>,
    %reduce_max3A_296 = arith.constant true
    %reduce_max3A_297 = vector.broadcast %reduce_max3A_296 : i1 to vector<16xi1>
    %reduce_max3A_298 = arith.constant -2147483648 : i32
    %reduce_max3A_299 = vector.broadcast %reduce_max3A_298 : i32 to vector<16xi32>
    %reduce_max3A_300 = arith.xori %get3A_295, %reduce_max3A_299 : vector<16xi32>
    %reduce_max3A_301 = tpu.scan <max>, %reduce_max3A_300 masked %reduce_max3A_297 : vector<16xi32>, vector<16xi1> -> vector<16xi32>
    %reduce_max3A_302 = arith.xori %reduce_max3A_301, %reduce_max3A_299 : vector<16xi32>
    %reduce_max3A_303 = vector.extract %reduce_max3A_302[15] : i32 from vector<16xi32>
    %gt3A_304 = arith.constant 0 : i32
    %gt3A_305 = arith.cmpi sgt, %reduce_max3A_303, %gt3A_304 : i32
    %convert_element_type3A_306 = arith.extui %gt3A_305 : i1 to i32
    %cond3A_307 = arith.constant 0 : i32
    %cond3A_308 = arith.cmpi ne, %convert_element_type3A_306, %cond3A_307 : i32
    scf.if %cond3A_308 {
      %add3A_548 = arith.constant 0 : i32
      %add3A_549 = arith.addi %add3A_548, %mul3A_290 : i32
      "tpu.region"() ({
        %run_scoped3A = tpu.sem_alloc : memref<!tpu.dma_semaphore, #tpu.memory_space<semaphore_mem>>
        %dma_start3A_553 = tpu.memref_slice %arg5[%add3A_549] : memref<802816xf32, #tpu.memory_space<hbm>> -> memref<3136xf32, #tpu.memory_space<hbm>>
        %dma_start3A_554 = tpu.memref_slice %arg5[%add3A_549] : memref<802816xf32, #tpu.memory_space<hbm>> -> memref<3136xf32, #tpu.memory_space<hbm>>
        tpu.enqueue_dma source(%dma_start3A_554 : memref<3136xf32, #tpu.memory_space<hbm>>) target(%arg12 : memref<3136xf32, #tpu.memory_space<vmem>>) target_semaphore(%run_scoped3A : memref<!tpu.dma_semaphore, #tpu.memory_space<semaphore_mem>>)
        %dma_wait3A_555 = tpu.memref_slice %arg5[%add3A_549] : memref<802816xf32, #tpu.memory_space<hbm>> -> memref<3136xf32, #tpu.memory_space<hbm>>
        %dma_wait3A_556 = tpu.memref_slice %arg5[%add3A_549] : memref<802816xf32, #tpu.memory_space<hbm>> -> memref<3136xf32, #tpu.memory_space<hbm>>
        tpu.wait_dma2 semaphore(%run_scoped3A : memref<!tpu.dma_semaphore, #tpu.memory_space<semaphore_mem>>) src(%dma_wait3A_556 : memref<3136xf32, #tpu.memory_space<hbm>>) dst(%arg12 : memref<3136xf32, #tpu.memory_space<vmem>>)
        tpu.yield
      }) : () -> ()
      %parallel_loop3A_550 = arith.constant 0 : i32
      %parallel_loop3A_551 = arith.constant 3136 : i32
      %parallel_loop3A_552 = arith.constant 16 : i32
      scf.for %parallel_loop3A_553 = %parallel_loop3A_550 to %parallel_loop3A_551 step %parallel_loop3A_552  : i32 {
        %parallel_loop3A_554 = arith.index_cast %parallel_loop3A_553 : i32 to index
        %parallel_loop3A_555 = tpu.vector_load %arg13[%parallel_loop3A_554] {strides = array<i32>} : memref<3136xf32, #tpu.memory_space<vmem>>, vector<16xf32>,
        %parallel_loop3A_556 = arith.index_cast %parallel_loop3A_553 : i32 to index
        %parallel_loop3A_557 = tpu.vector_load %arg12[%parallel_loop3A_556] {strides = array<i32>} : memref<3136xf32, #tpu.memory_space<vmem>>, vector<16xf32>,
        %parallel_loop3A_558 = arith.addf %parallel_loop3A_555, %parallel_loop3A_557 : vector<16xf32>
        %parallel_loop3A_559 = arith.index_cast %parallel_loop3A_553 : i32 to index
        %parallel_loop3A_560 = tpu.vector_load %arg13[%parallel_loop3A_559] {strides = array<i32>} : memref<3136xf32, #tpu.memory_space<vmem>>, vector<16xf32>,
        tpu.vector_store %arg13[%parallel_loop3A_559], %parallel_loop3A_558 {strides = array<i32>} : memref<3136xf32, #tpu.memory_space<vmem>>, vector<16xf32>,
      } {sc.loop_unroll_factor = 8 : i64, sc.parallel_access}
    } else {
    }
    %get3A_309 = arith.constant 16 : index
    %get3A_310 = tpu.vector_load %arg15[%get3A_309] {strides = array<i32>} : memref<256xi32, #tpu.memory_space<vmem>>, vector<16xi32>,
    %reduce_max3A_311 = arith.constant true
    %reduce_max3A_312 = vector.broadcast %reduce_max3A_311 : i1 to vector<16xi1>
    %reduce_max3A_313 = arith.constant -2147483648 : i32
    %reduce_max3A_314 = vector.broadcast %reduce_max3A_313 : i32 to vector<16xi32>
    %reduce_max3A_315 = arith.xori %get3A_310, %reduce_max3A_314 : vector<16xi32>
    %reduce_max3A_316 = tpu.scan <max>, %reduce_max3A_315 masked %reduce_max3A_312 : vector<16xi32>, vector<16xi1> -> vector<16xi32>
    %reduce_max3A_317 = arith.xori %reduce_max3A_316, %reduce_max3A_314 : vector<16xi32>
    %reduce_max3A_318 = vector.extract %reduce_max3A_317[15] : i32 from vector<16xi32>
    %gt3A_319 = arith.constant 0 : i32
    %gt3A_320 = arith.cmpi sgt, %reduce_max3A_318, %gt3A_319 : i32
    %convert_element_type3A_321 = arith.extui %gt3A_320 : i1 to i32
    %cond3A_322 = arith.constant 0 : i32
    %cond3A_323 = arith.cmpi ne, %convert_element_type3A_321, %cond3A_322 : i32
    scf.if %cond3A_323 {
      %add3A_548 = arith.constant 50176 : i32
      %add3A_549 = arith.addi %add3A_548, %mul3A_290 : i32
      "tpu.region"() ({
        %run_scoped3A = tpu.sem_alloc : memref<!tpu.dma_semaphore, #tpu.memory_space<semaphore_mem>>
        %dma_start3A_553 = tpu.memref_slice %arg5[%add3A_549] : memref<802816xf32, #tpu.memory_space<hbm>> -> memref<3136xf32, #tpu.memory_space<hbm>>
        %dma_start3A_554 = tpu.memref_slice %arg5[%add3A_549] : memref<802816xf32, #tpu.memory_space<hbm>> -> memref<3136xf32, #tpu.memory_space<hbm>>
        tpu.enqueue_dma source(%dma_start3A_554 : memref<3136xf32, #tpu.memory_space<hbm>>) target(%arg12 : memref<3136xf32, #tpu.memory_space<vmem>>) target_semaphore(%run_scoped3A : memref<!tpu.dma_semaphore, #tpu.memory_space<semaphore_mem>>)
        %dma_wait3A_555 = tpu.memref_slice %arg5[%add3A_549] : memref<802816xf32, #tpu.memory_space<hbm>> -> memref<3136xf32, #tpu.memory_space<hbm>>
        %dma_wait3A_556 = tpu.memref_slice %arg5[%add3A_549] : memref<802816xf32, #tpu.memory_space<hbm>> -> memref<3136xf32, #tpu.memory_space<hbm>>
        tpu.wait_dma2 semaphore(%run_scoped3A : memref<!tpu.dma_semaphore, #tpu.memory_space<semaphore_mem>>) src(%dma_wait3A_556 : memref<3136xf32, #tpu.memory_space<hbm>>) dst(%arg12 : memref<3136xf32, #tpu.memory_space<vmem>>)
        tpu.yield
      }) : () -> ()
      %parallel_loop3A_550 = arith.constant 0 : i32
      %parallel_loop3A_551 = arith.constant 3136 : i32
      %parallel_loop3A_552 = arith.constant 16 : i32
      scf.for %parallel_loop3A_553 = %parallel_loop3A_550 to %parallel_loop3A_551 step %parallel_loop3A_552  : i32 {
        %parallel_loop3A_554 = arith.index_cast %parallel_loop3A_553 : i32 to index
        %parallel_loop3A_555 = tpu.vector_load %arg13[%parallel_loop3A_554] {strides = array<i32>} : memref<3136xf32, #tpu.memory_space<vmem>>, vector<16xf32>,
        %parallel_loop3A_556 = arith.index_cast %parallel_loop3A_553 : i32 to index
        %parallel_loop3A_557 = tpu.vector_load %arg12[%parallel_loop3A_556] {strides = array<i32>} : memref<3136xf32, #tpu.memory_space<vmem>>, vector<16xf32>,
        %parallel_loop3A_558 = arith.addf %parallel_loop3A_555, %parallel_loop3A_557 : vector<16xf32>
        %parallel_loop3A_559 = arith.index_cast %parallel_loop3A_553 : i32 to index
        %parallel_loop3A_560 = tpu.vector_load %arg13[%parallel_loop3A_559] {strides = array<i32>} : memref<3136xf32, #tpu.memory_space<vmem>>, vector<16xf32>,
        tpu.vector_store %arg13[%parallel_loop3A_559], %parallel_loop3A_558 {strides = array<i32>} : memref<3136xf32, #tpu.memory_space<vmem>>, vector<16xf32>,
      } {sc.loop_unroll_factor = 8 : i64, sc.parallel_access}
    } else {
    }
    %get3A_324 = arith.constant 32 : index
    %get3A_325 = tpu.vector_load %arg15[%get3A_324] {strides = array<i32>} : memref<256xi32, #tpu.memory_space<vmem>>, vector<16xi32>,
    %reduce_max3A_326 = arith.constant true
    %reduce_max3A_327 = vector.broadcast %reduce_max3A_326 : i1 to vector<16xi1>
    %reduce_max3A_328 = arith.constant -2147483648 : i32
    %reduce_max3A_329 = vector.broadcast %reduce_max3A_328 : i32 to vector<16xi32>
    %reduce_max3A_330 = arith.xori %get3A_325, %reduce_max3A_329 : vector<16xi32>
    %reduce_max3A_331 = tpu.scan <max>, %reduce_max3A_330 masked %reduce_max3A_327 : vector<16xi32>, vector<16xi1> -> vector<16xi32>
    %reduce_max3A_332 = arith.xori %reduce_max3A_331, %reduce_max3A_329 : vector<16xi32>
    %reduce_max3A_333 = vector.extract %reduce_max3A_332[15] : i32 from vector<16xi32>
    %gt3A_334 = arith.constant 0 : i32
    %gt3A_335 = arith.cmpi sgt, %reduce_max3A_333, %gt3A_334 : i32
    %convert_element_type3A_336 = arith.extui %gt3A_335 : i1 to i32
    %cond3A_337 = arith.constant 0 : i32
    %cond3A_338 = arith.cmpi ne, %convert_element_type3A_336, %cond3A_337 : i32
    scf.if %cond3A_338 {
      %add3A_548 = arith.constant 100352 : i32
      %add3A_549 = arith.addi %add3A_548, %mul3A_290 : i32
      "tpu.region"() ({
        %run_scoped3A = tpu.sem_alloc : memref<!tpu.dma_semaphore, #tpu.memory_space<semaphore_mem>>
        %dma_start3A_553 = tpu.memref_slice %arg5[%add3A_549] : memref<802816xf32, #tpu.memory_space<hbm>> -> memref<3136xf32, #tpu.memory_space<hbm>>
        %dma_start3A_554 = tpu.memref_slice %arg5[%add3A_549] : memref<802816xf32, #tpu.memory_space<hbm>> -> memref<3136xf32, #tpu.memory_space<hbm>>
        tpu.enqueue_dma source(%dma_start3A_554 : memref<3136xf32, #tpu.memory_space<hbm>>) target(%arg12 : memref<3136xf32, #tpu.memory_space<vmem>>) target_semaphore(%run_scoped3A : memref<!tpu.dma_semaphore, #tpu.memory_space<semaphore_mem>>)
        %dma_wait3A_555 = tpu.memref_slice %arg5[%add3A_549] : memref<802816xf32, #tpu.memory_space<hbm>> -> memref<3136xf32, #tpu.memory_space<hbm>>
        %dma_wait3A_556 = tpu.memref_slice %arg5[%add3A_549] : memref<802816xf32, #tpu.memory_space<hbm>> -> memref<3136xf32, #tpu.memory_space<hbm>>
        tpu.wait_dma2 semaphore(%run_scoped3A : memref<!tpu.dma_semaphore, #tpu.memory_space<semaphore_mem>>) src(%dma_wait3A_556 : memref<3136xf32, #tpu.memory_space<hbm>>) dst(%arg12 : memref<3136xf32, #tpu.memory_space<vmem>>)
        tpu.yield
      }) : () -> ()
      %parallel_loop3A_550 = arith.constant 0 : i32
      %parallel_loop3A_551 = arith.constant 3136 : i32
      %parallel_loop3A_552 = arith.constant 16 : i32
      scf.for %parallel_loop3A_553 = %parallel_loop3A_550 to %parallel_loop3A_551 step %parallel_loop3A_552  : i32 {
        %parallel_loop3A_554 = arith.index_cast %parallel_loop3A_553 : i32 to index
        %parallel_loop3A_555 = tpu.vector_load %arg13[%parallel_loop3A_554] {strides = array<i32>} : memref<3136xf32, #tpu.memory_space<vmem>>, vector<16xf32>,
        %parallel_loop3A_556 = arith.index_cast %parallel_loop3A_553 : i32 to index
        %parallel_loop3A_557 = tpu.vector_load %arg12[%parallel_loop3A_556] {strides = array<i32>} : memref<3136xf32, #tpu.memory_space<vmem>>, vector<16xf32>,
        %parallel_loop3A_558 = arith.addf %parallel_loop3A_555, %parallel_loop3A_557 : vector<16xf32>
        %parallel_loop3A_559 = arith.index_cast %parallel_loop3A_553 : i32 to index
        %parallel_loop3A_560 = tpu.vector_load %arg13[%parallel_loop3A_559] {strides = array<i32>} : memref<3136xf32, #tpu.memory_space<vmem>>, vector<16xf32>,
        tpu.vector_store %arg13[%parallel_loop3A_559], %parallel_loop3A_558 {strides = array<i32>} : memref<3136xf32, #tpu.memory_space<vmem>>, vector<16xf32>,
      } {sc.loop_unroll_factor = 8 : i64, sc.parallel_access}
    } else {
    }
    %get3A_339 = arith.constant 48 : index
    %get3A_340 = tpu.vector_load %arg15[%get3A_339] {strides = array<i32>} : memref<256xi32, #tpu.memory_space<vmem>>, vector<16xi32>,
    %reduce_max3A_341 = arith.constant true
    %reduce_max3A_342 = vector.broadcast %reduce_max3A_341 : i1 to vector<16xi1>
    %reduce_max3A_343 = arith.constant -2147483648 : i32
    %reduce_max3A_344 = vector.broadcast %reduce_max3A_343 : i32 to vector<16xi32>
    %reduce_max3A_345 = arith.xori %get3A_340, %reduce_max3A_344 : vector<16xi32>
    %reduce_max3A_346 = tpu.scan <max>, %reduce_max3A_345 masked %reduce_max3A_342 : vector<16xi32>, vector<16xi1> -> vector<16xi32>
    %reduce_max3A_347 = arith.xori %reduce_max3A_346, %reduce_max3A_344 : vector<16xi32>
    %reduce_max3A_348 = vector.extract %reduce_max3A_347[15] : i32 from vector<16xi32>
    %gt3A_349 = arith.constant 0 : i32
    %gt3A_350 = arith.cmpi sgt, %reduce_max3A_348, %gt3A_349 : i32
    %convert_element_type3A_351 = arith.extui %gt3A_350 : i1 to i32
    %cond3A_352 = arith.constant 0 : i32
    %cond3A_353 = arith.cmpi ne, %convert_element_type3A_351, %cond3A_352 : i32
    scf.if %cond3A_353 {
      %add3A_548 = arith.constant 150528 : i32
      %add3A_549 = arith.addi %add3A_548, %mul3A_290 : i32
      "tpu.region"() ({
        %run_scoped3A = tpu.sem_alloc : memref<!tpu.dma_semaphore, #tpu.memory_space<semaphore_mem>>
        %dma_start3A_553 = tpu.memref_slice %arg5[%add3A_549] : memref<802816xf32, #tpu.memory_space<hbm>> -> memref<3136xf32, #tpu.memory_space<hbm>>
        %dma_start3A_554 = tpu.memref_slice %arg5[%add3A_549] : memref<802816xf32, #tpu.memory_space<hbm>> -> memref<3136xf32, #tpu.memory_space<hbm>>
        tpu.enqueue_dma source(%dma_start3A_554 : memref<3136xf32, #tpu.memory_space<hbm>>) target(%arg12 : memref<3136xf32, #tpu.memory_space<vmem>>) target_semaphore(%run_scoped3A : memref<!tpu.dma_semaphore, #tpu.memory_space<semaphore_mem>>)
        %dma_wait3A_555 = tpu.memref_slice %arg5[%add3A_549] : memref<802816xf32, #tpu.memory_space<hbm>> -> memref<3136xf32, #tpu.memory_space<hbm>>
        %dma_wait3A_556 = tpu.memref_slice %arg5[%add3A_549] : memref<802816xf32, #tpu.memory_space<hbm>> -> memref<3136xf32, #tpu.memory_space<hbm>>
        tpu.wait_dma2 semaphore(%run_scoped3A : memref<!tpu.dma_semaphore, #tpu.memory_space<semaphore_mem>>) src(%dma_wait3A_556 : memref<3136xf32, #tpu.memory_space<hbm>>) dst(%arg12 : memref<3136xf32, #tpu.memory_space<vmem>>)
        tpu.yield
      }) : () -> ()
      %parallel_loop3A_550 = arith.constant 0 : i32
      %parallel_loop3A_551 = arith.constant 3136 : i32
      %parallel_loop3A_552 = arith.constant 16 : i32
      scf.for %parallel_loop3A_553 = %parallel_loop3A_550 to %parallel_loop3A_551 step %parallel_loop3A_552  : i32 {
        %parallel_loop3A_554 = arith.index_cast %parallel_loop3A_553 : i32 to index
        %parallel_loop3A_555 = tpu.vector_load %arg13[%parallel_loop3A_554] {strides = array<i32>} : memref<3136xf32, #tpu.memory_space<vmem>>, vector<16xf32>,
        %parallel_loop3A_556 = arith.index_cast %parallel_loop3A_553 : i32 to index
        %parallel_loop3A_557 = tpu.vector_load %arg12[%parallel_loop3A_556] {strides = array<i32>} : memref<3136xf32, #tpu.memory_space<vmem>>, vector<16xf32>,
        %parallel_loop3A_558 = arith.addf %parallel_loop3A_555, %parallel_loop3A_557 : vector<16xf32>
        %parallel_loop3A_559 = arith.index_cast %parallel_loop3A_553 : i32 to index
        %parallel_loop3A_560 = tpu.vector_load %arg13[%parallel_loop3A_559] {strides = array<i32>} : memref<3136xf32, #tpu.memory_space<vmem>>, vector<16xf32>,
        tpu.vector_store %arg13[%parallel_loop3A_559], %parallel_loop3A_558 {strides = array<i32>} : memref<3136xf32, #tpu.memory_space<vmem>>, vector<16xf32>,
      } {sc.loop_unroll_factor = 8 : i64, sc.parallel_access}
    } else {
    }
    %get3A_354 = arith.constant 64 : index
    %get3A_355 = tpu.vector_load %arg15[%get3A_354] {strides = array<i32>} : memref<256xi32, #tpu.memory_space<vmem>>, vector<16xi32>,
    %reduce_max3A_356 = arith.constant true
    %reduce_max3A_357 = vector.broadcast %reduce_max3A_356 : i1 to vector<16xi1>
    %reduce_max3A_358 = arith.constant -2147483648 : i32
    %reduce_max3A_359 = vector.broadcast %reduce_max3A_358 : i32 to vector<16xi32>
    %reduce_max3A_360 = arith.xori %get3A_355, %reduce_max3A_359 : vector<16xi32>
    %reduce_max3A_361 = tpu.scan <max>, %reduce_max3A_360 masked %reduce_max3A_357 : vector<16xi32>, vector<16xi1> -> vector<16xi32>
    %reduce_max3A_362 = arith.xori %reduce_max3A_361, %reduce_max3A_359 : vector<16xi32>
    %reduce_max3A_363 = vector.extract %reduce_max3A_362[15] : i32 from vector<16xi32>
    %gt3A_364 = arith.constant 0 : i32
    %gt3A_365 = arith.cmpi sgt, %reduce_max3A_363, %gt3A_364 : i32
    %convert_element_type3A_366 = arith.extui %gt3A_365 : i1 to i32
    %cond3A_367 = arith.constant 0 : i32
    %cond3A_368 = arith.cmpi ne, %convert_element_type3A_366, %cond3A_367 : i32
    scf.if %cond3A_368 {
      %add3A_548 = arith.constant 200704 : i32
      %add3A_549 = arith.addi %add3A_548, %mul3A_290 : i32
      "tpu.region"() ({
        %run_scoped3A = tpu.sem_alloc : memref<!tpu.dma_semaphore, #tpu.memory_space<semaphore_mem>>
        %dma_start3A_553 = tpu.memref_slice %arg5[%add3A_549] : memref<802816xf32, #tpu.memory_space<hbm>> -> memref<3136xf32, #tpu.memory_space<hbm>>
        %dma_start3A_554 = tpu.memref_slice %arg5[%add3A_549] : memref<802816xf32, #tpu.memory_space<hbm>> -> memref<3136xf32, #tpu.memory_space<hbm>>
        tpu.enqueue_dma source(%dma_start3A_554 : memref<3136xf32, #tpu.memory_space<hbm>>) target(%arg12 : memref<3136xf32, #tpu.memory_space<vmem>>) target_semaphore(%run_scoped3A : memref<!tpu.dma_semaphore, #tpu.memory_space<semaphore_mem>>)
        %dma_wait3A_555 = tpu.memref_slice %arg5[%add3A_549] : memref<802816xf32, #tpu.memory_space<hbm>> -> memref<3136xf32, #tpu.memory_space<hbm>>
        %dma_wait3A_556 = tpu.memref_slice %arg5[%add3A_549] : memref<802816xf32, #tpu.memory_space<hbm>> -> memref<3136xf32, #tpu.memory_space<hbm>>
        tpu.wait_dma2 semaphore(%run_scoped3A : memref<!tpu.dma_semaphore, #tpu.memory_space<semaphore_mem>>) src(%dma_wait3A_556 : memref<3136xf32, #tpu.memory_space<hbm>>) dst(%arg12 : memref<3136xf32, #tpu.memory_space<vmem>>)
        tpu.yield
      }) : () -> ()
      %parallel_loop3A_550 = arith.constant 0 : i32
      %parallel_loop3A_551 = arith.constant 3136 : i32
      %parallel_loop3A_552 = arith.constant 16 : i32
      scf.for %parallel_loop3A_553 = %parallel_loop3A_550 to %parallel_loop3A_551 step %parallel_loop3A_552  : i32 {
        %parallel_loop3A_554 = arith.index_cast %parallel_loop3A_553 : i32 to index
        %parallel_loop3A_555 = tpu.vector_load %arg13[%parallel_loop3A_554] {strides = array<i32>} : memref<3136xf32, #tpu.memory_space<vmem>>, vector<16xf32>,
        %parallel_loop3A_556 = arith.index_cast %parallel_loop3A_553 : i32 to index
        %parallel_loop3A_557 = tpu.vector_load %arg12[%parallel_loop3A_556] {strides = array<i32>} : memref<3136xf32, #tpu.memory_space<vmem>>, vector<16xf32>,
        %parallel_loop3A_558 = arith.addf %parallel_loop3A_555, %parallel_loop3A_557 : vector<16xf32>
        %parallel_loop3A_559 = arith.index_cast %parallel_loop3A_553 : i32 to index
        %parallel_loop3A_560 = tpu.vector_load %arg13[%parallel_loop3A_559] {strides = array<i32>} : memref<3136xf32, #tpu.memory_space<vmem>>, vector<16xf32>,
        tpu.vector_store %arg13[%parallel_loop3A_559], %parallel_loop3A_558 {strides = array<i32>} : memref<3136xf32, #tpu.memory_space<vmem>>, vector<16xf32>,
      } {sc.loop_unroll_factor = 8 : i64, sc.parallel_access}
    } else {
    }
    %get3A_369 = arith.constant 80 : index
    %get3A_370 = tpu.vector_load %arg15[%get3A_369] {strides = array<i32>} : memref<256xi32, #tpu.memory_space<vmem>>, vector<16xi32>,
    %reduce_max3A_371 = arith.constant true
    %reduce_max3A_372 = vector.broadcast %reduce_max3A_371 : i1 to vector<16xi1>
    %reduce_max3A_373 = arith.constant -2147483648 : i32
    %reduce_max3A_374 = vector.broadcast %reduce_max3A_373 : i32 to vector<16xi32>
    %reduce_max3A_375 = arith.xori %get3A_370, %reduce_max3A_374 : vector<16xi32>
    %reduce_max3A_376 = tpu.scan <max>, %reduce_max3A_375 masked %reduce_max3A_372 : vector<16xi32>, vector<16xi1> -> vector<16xi32>
    %reduce_max3A_377 = arith.xori %reduce_max3A_376, %reduce_max3A_374 : vector<16xi32>
    %reduce_max3A_378 = vector.extract %reduce_max3A_377[15] : i32 from vector<16xi32>
    %gt3A_379 = arith.constant 0 : i32
    %gt3A_380 = arith.cmpi sgt, %reduce_max3A_378, %gt3A_379 : i32
    %convert_element_type3A_381 = arith.extui %gt3A_380 : i1 to i32
    %cond3A_382 = arith.constant 0 : i32
    %cond3A_383 = arith.cmpi ne, %convert_element_type3A_381, %cond3A_382 : i32
    scf.if %cond3A_383 {
      %add3A_548 = arith.constant 250880 : i32
      %add3A_549 = arith.addi %add3A_548, %mul3A_290 : i32
      "tpu.region"() ({
        %run_scoped3A = tpu.sem_alloc : memref<!tpu.dma_semaphore, #tpu.memory_space<semaphore_mem>>
        %dma_start3A_553 = tpu.memref_slice %arg5[%add3A_549] : memref<802816xf32, #tpu.memory_space<hbm>> -> memref<3136xf32, #tpu.memory_space<hbm>>
        %dma_start3A_554 = tpu.memref_slice %arg5[%add3A_549] : memref<802816xf32, #tpu.memory_space<hbm>> -> memref<3136xf32, #tpu.memory_space<hbm>>
        tpu.enqueue_dma source(%dma_start3A_554 : memref<3136xf32, #tpu.memory_space<hbm>>) target(%arg12 : memref<3136xf32, #tpu.memory_space<vmem>>) target_semaphore(%run_scoped3A : memref<!tpu.dma_semaphore, #tpu.memory_space<semaphore_mem>>)
        %dma_wait3A_555 = tpu.memref_slice %arg5[%add3A_549] : memref<802816xf32, #tpu.memory_space<hbm>> -> memref<3136xf32, #tpu.memory_space<hbm>>
        %dma_wait3A_556 = tpu.memref_slice %arg5[%add3A_549] : memref<802816xf32, #tpu.memory_space<hbm>> -> memref<3136xf32, #tpu.memory_space<hbm>>
        tpu.wait_dma2 semaphore(%run_scoped3A : memref<!tpu.dma_semaphore, #tpu.memory_space<semaphore_mem>>) src(%dma_wait3A_556 : memref<3136xf32, #tpu.memory_space<hbm>>) dst(%arg12 : memref<3136xf32, #tpu.memory_space<vmem>>)
        tpu.yield
      }) : () -> ()
      %parallel_loop3A_550 = arith.constant 0 : i32
      %parallel_loop3A_551 = arith.constant 3136 : i32
      %parallel_loop3A_552 = arith.constant 16 : i32
      scf.for %parallel_loop3A_553 = %parallel_loop3A_550 to %parallel_loop3A_551 step %parallel_loop3A_552  : i32 {
        %parallel_loop3A_554 = arith.index_cast %parallel_loop3A_553 : i32 to index
        %parallel_loop3A_555 = tpu.vector_load %arg13[%parallel_loop3A_554] {strides = array<i32>} : memref<3136xf32, #tpu.memory_space<vmem>>, vector<16xf32>,
        %parallel_loop3A_556 = arith.index_cast %parallel_loop3A_553 : i32 to index
        %parallel_loop3A_557 = tpu.vector_load %arg12[%parallel_loop3A_556] {strides = array<i32>} : memref<3136xf32, #tpu.memory_space<vmem>>, vector<16xf32>,
        %parallel_loop3A_558 = arith.addf %parallel_loop3A_555, %parallel_loop3A_557 : vector<16xf32>
        %parallel_loop3A_559 = arith.index_cast %parallel_loop3A_553 : i32 to index
        %parallel_loop3A_560 = tpu.vector_load %arg13[%parallel_loop3A_559] {strides = array<i32>} : memref<3136xf32, #tpu.memory_space<vmem>>, vector<16xf32>,
        tpu.vector_store %arg13[%parallel_loop3A_559], %parallel_loop3A_558 {strides = array<i32>} : memref<3136xf32, #tpu.memory_space<vmem>>, vector<16xf32>,
      } {sc.loop_unroll_factor = 8 : i64, sc.parallel_access}
    } else {
    }
    %get3A_384 = arith.constant 96 : index
    %get3A_385 = tpu.vector_load %arg15[%get3A_384] {strides = array<i32>} : memref<256xi32, #tpu.memory_space<vmem>>, vector<16xi32>,
    %reduce_max3A_386 = arith.constant true
    %reduce_max3A_387 = vector.broadcast %reduce_max3A_386 : i1 to vector<16xi1>
    %reduce_max3A_388 = arith.constant -2147483648 : i32
    %reduce_max3A_389 = vector.broadcast %reduce_max3A_388 : i32 to vector<16xi32>
    %reduce_max3A_390 = arith.xori %get3A_385, %reduce_max3A_389 : vector<16xi32>
    %reduce_max3A_391 = tpu.scan <max>, %reduce_max3A_390 masked %reduce_max3A_387 : vector<16xi32>, vector<16xi1> -> vector<16xi32>
    %reduce_max3A_392 = arith.xori %reduce_max3A_391, %reduce_max3A_389 : vector<16xi32>
    %reduce_max3A_393 = vector.extract %reduce_max3A_392[15] : i32 from vector<16xi32>
    %gt3A_394 = arith.constant 0 : i32
    %gt3A_395 = arith.cmpi sgt, %reduce_max3A_393, %gt3A_394 : i32
    %convert_element_type3A_396 = arith.extui %gt3A_395 : i1 to i32
    %cond3A_397 = arith.constant 0 : i32
    %cond3A_398 = arith.cmpi ne, %convert_element_type3A_396, %cond3A_397 : i32
    scf.if %cond3A_398 {
      %add3A_548 = arith.constant 301056 : i32
      %add3A_549 = arith.addi %add3A_548, %mul3A_290 : i32
      "tpu.region"() ({
        %run_scoped3A = tpu.sem_alloc : memref<!tpu.dma_semaphore, #tpu.memory_space<semaphore_mem>>
        %dma_start3A_553 = tpu.memref_slice %arg5[%add3A_549] : memref<802816xf32, #tpu.memory_space<hbm>> -> memref<3136xf32, #tpu.memory_space<hbm>>
        %dma_start3A_554 = tpu.memref_slice %arg5[%add3A_549] : memref<802816xf32, #tpu.memory_space<hbm>> -> memref<3136xf32, #tpu.memory_space<hbm>>
        tpu.enqueue_dma source(%dma_start3A_554 : memref<3136xf32, #tpu.memory_space<hbm>>) target(%arg12 : memref<3136xf32, #tpu.memory_space<vmem>>) target_semaphore(%run_scoped3A : memref<!tpu.dma_semaphore, #tpu.memory_space<semaphore_mem>>)
        %dma_wait3A_555 = tpu.memref_slice %arg5[%add3A_549] : memref<802816xf32, #tpu.memory_space<hbm>> -> memref<3136xf32, #tpu.memory_space<hbm>>
        %dma_wait3A_556 = tpu.memref_slice %arg5[%add3A_549] : memref<802816xf32, #tpu.memory_space<hbm>> -> memref<3136xf32, #tpu.memory_space<hbm>>
        tpu.wait_dma2 semaphore(%run_scoped3A : memref<!tpu.dma_semaphore, #tpu.memory_space<semaphore_mem>>) src(%dma_wait3A_556 : memref<3136xf32, #tpu.memory_space<hbm>>) dst(%arg12 : memref<3136xf32, #tpu.memory_space<vmem>>)
        tpu.yield
      }) : () -> ()
      %parallel_loop3A_550 = arith.constant 0 : i32
      %parallel_loop3A_551 = arith.constant 3136 : i32
      %parallel_loop3A_552 = arith.constant 16 : i32
      scf.for %parallel_loop3A_553 = %parallel_loop3A_550 to %parallel_loop3A_551 step %parallel_loop3A_552  : i32 {
        %parallel_loop3A_554 = arith.index_cast %parallel_loop3A_553 : i32 to index
        %parallel_loop3A_555 = tpu.vector_load %arg13[%parallel_loop3A_554] {strides = array<i32>} : memref<3136xf32, #tpu.memory_space<vmem>>, vector<16xf32>,
        %parallel_loop3A_556 = arith.index_cast %parallel_loop3A_553 : i32 to index
        %parallel_loop3A_557 = tpu.vector_load %arg12[%parallel_loop3A_556] {strides = array<i32>} : memref<3136xf32, #tpu.memory_space<vmem>>, vector<16xf32>,
        %parallel_loop3A_558 = arith.addf %parallel_loop3A_555, %parallel_loop3A_557 : vector<16xf32>
        %parallel_loop3A_559 = arith.index_cast %parallel_loop3A_553 : i32 to index
        %parallel_loop3A_560 = tpu.vector_load %arg13[%parallel_loop3A_559] {strides = array<i32>} : memref<3136xf32, #tpu.memory_space<vmem>>, vector<16xf32>,
        tpu.vector_store %arg13[%parallel_loop3A_559], %parallel_loop3A_558 {strides = array<i32>} : memref<3136xf32, #tpu.memory_space<vmem>>, vector<16xf32>,
      } {sc.loop_unroll_factor = 8 : i64, sc.parallel_access}
    } else {
    }
    %get3A_399 = arith.constant 112 : index
    %get3A_400 = tpu.vector_load %arg15[%get3A_399] {strides = array<i32>} : memref<256xi32, #tpu.memory_space<vmem>>, vector<16xi32>,
    %reduce_max3A_401 = arith.constant true
    %reduce_max3A_402 = vector.broadcast %reduce_max3A_401 : i1 to vector<16xi1>
    %reduce_max3A_403 = arith.constant -2147483648 : i32
    %reduce_max3A_404 = vector.broadcast %reduce_max3A_403 : i32 to vector<16xi32>
    %reduce_max3A_405 = arith.xori %get3A_400, %reduce_max3A_404 : vector<16xi32>
    %reduce_max3A_406 = tpu.scan <max>, %reduce_max3A_405 masked %reduce_max3A_402 : vector<16xi32>, vector<16xi1> -> vector<16xi32>
    %reduce_max3A_407 = arith.xori %reduce_max3A_406, %reduce_max3A_404 : vector<16xi32>
    %reduce_max3A_408 = vector.extract %reduce_max3A_407[15] : i32 from vector<16xi32>
    %gt3A_409 = arith.constant 0 : i32
    %gt3A_410 = arith.cmpi sgt, %reduce_max3A_408, %gt3A_409 : i32
    %convert_element_type3A_411 = arith.extui %gt3A_410 : i1 to i32
    %cond3A_412 = arith.constant 0 : i32
    %cond3A_413 = arith.cmpi ne, %convert_element_type3A_411, %cond3A_412 : i32
    scf.if %cond3A_413 {
      %add3A_548 = arith.constant 351232 : i32
      %add3A_549 = arith.addi %add3A_548, %mul3A_290 : i32
      "tpu.region"() ({
        %run_scoped3A = tpu.sem_alloc : memref<!tpu.dma_semaphore, #tpu.memory_space<semaphore_mem>>
        %dma_start3A_553 = tpu.memref_slice %arg5[%add3A_549] : memref<802816xf32, #tpu.memory_space<hbm>> -> memref<3136xf32, #tpu.memory_space<hbm>>
        %dma_start3A_554 = tpu.memref_slice %arg5[%add3A_549] : memref<802816xf32, #tpu.memory_space<hbm>> -> memref<3136xf32, #tpu.memory_space<hbm>>
        tpu.enqueue_dma source(%dma_start3A_554 : memref<3136xf32, #tpu.memory_space<hbm>>) target(%arg12 : memref<3136xf32, #tpu.memory_space<vmem>>) target_semaphore(%run_scoped3A : memref<!tpu.dma_semaphore, #tpu.memory_space<semaphore_mem>>)
        %dma_wait3A_555 = tpu.memref_slice %arg5[%add3A_549] : memref<802816xf32, #tpu.memory_space<hbm>> -> memref<3136xf32, #tpu.memory_space<hbm>>
        %dma_wait3A_556 = tpu.memref_slice %arg5[%add3A_549] : memref<802816xf32, #tpu.memory_space<hbm>> -> memref<3136xf32, #tpu.memory_space<hbm>>
        tpu.wait_dma2 semaphore(%run_scoped3A : memref<!tpu.dma_semaphore, #tpu.memory_space<semaphore_mem>>) src(%dma_wait3A_556 : memref<3136xf32, #tpu.memory_space<hbm>>) dst(%arg12 : memref<3136xf32, #tpu.memory_space<vmem>>)
        tpu.yield
      }) : () -> ()
      %parallel_loop3A_550 = arith.constant 0 : i32
      %parallel_loop3A_551 = arith.constant 3136 : i32
      %parallel_loop3A_552 = arith.constant 16 : i32
      scf.for %parallel_loop3A_553 = %parallel_loop3A_550 to %parallel_loop3A_551 step %parallel_loop3A_552  : i32 {
        %parallel_loop3A_554 = arith.index_cast %parallel_loop3A_553 : i32 to index
        %parallel_loop3A_555 = tpu.vector_load %arg13[%parallel_loop3A_554] {strides = array<i32>} : memref<3136xf32, #tpu.memory_space<vmem>>, vector<16xf32>,
        %parallel_loop3A_556 = arith.index_cast %parallel_loop3A_553 : i32 to index
        %parallel_loop3A_557 = tpu.vector_load %arg12[%parallel_loop3A_556] {strides = array<i32>} : memref<3136xf32, #tpu.memory_space<vmem>>, vector<16xf32>,
        %parallel_loop3A_558 = arith.addf %parallel_loop3A_555, %parallel_loop3A_557 : vector<16xf32>
        %parallel_loop3A_559 = arith.index_cast %parallel_loop3A_553 : i32 to index
        %parallel_loop3A_560 = tpu.vector_load %arg13[%parallel_loop3A_559] {strides = array<i32>} : memref<3136xf32, #tpu.memory_space<vmem>>, vector<16xf32>,
        tpu.vector_store %arg13[%parallel_loop3A_559], %parallel_loop3A_558 {strides = array<i32>} : memref<3136xf32, #tpu.memory_space<vmem>>, vector<16xf32>,
      } {sc.loop_unroll_factor = 8 : i64, sc.parallel_access}
    } else {
    }
    %get3A_414 = arith.constant 128 : index
    %get3A_415 = tpu.vector_load %arg15[%get3A_414] {strides = array<i32>} : memref<256xi32, #tpu.memory_space<vmem>>, vector<16xi32>,
    %reduce_max3A_416 = arith.constant true
    %reduce_max3A_417 = vector.broadcast %reduce_max3A_416 : i1 to vector<16xi1>
    %reduce_max3A_418 = arith.constant -2147483648 : i32
    %reduce_max3A_419 = vector.broadcast %reduce_max3A_418 : i32 to vector<16xi32>
    %reduce_max3A_420 = arith.xori %get3A_415, %reduce_max3A_419 : vector<16xi32>
    %reduce_max3A_421 = tpu.scan <max>, %reduce_max3A_420 masked %reduce_max3A_417 : vector<16xi32>, vector<16xi1> -> vector<16xi32>
    %reduce_max3A_422 = arith.xori %reduce_max3A_421, %reduce_max3A_419 : vector<16xi32>
    %reduce_max3A_423 = vector.extract %reduce_max3A_422[15] : i32 from vector<16xi32>
    %gt3A_424 = arith.constant 0 : i32
    %gt3A_425 = arith.cmpi sgt, %reduce_max3A_423, %gt3A_424 : i32
    %convert_element_type3A_426 = arith.extui %gt3A_425 : i1 to i32
    %cond3A_427 = arith.constant 0 : i32
    %cond3A_428 = arith.cmpi ne, %convert_element_type3A_426, %cond3A_427 : i32
    scf.if %cond3A_428 {
      %add3A_548 = arith.constant 401408 : i32
      %add3A_549 = arith.addi %add3A_548, %mul3A_290 : i32
      "tpu.region"() ({
        %run_scoped3A = tpu.sem_alloc : memref<!tpu.dma_semaphore, #tpu.memory_space<semaphore_mem>>
        %dma_start3A_553 = tpu.memref_slice %arg5[%add3A_549] : memref<802816xf32, #tpu.memory_space<hbm>> -> memref<3136xf32, #tpu.memory_space<hbm>>
        %dma_start3A_554 = tpu.memref_slice %arg5[%add3A_549] : memref<802816xf32, #tpu.memory_space<hbm>> -> memref<3136xf32, #tpu.memory_space<hbm>>
        tpu.enqueue_dma source(%dma_start3A_554 : memref<3136xf32, #tpu.memory_space<hbm>>) target(%arg12 : memref<3136xf32, #tpu.memory_space<vmem>>) target_semaphore(%run_scoped3A : memref<!tpu.dma_semaphore, #tpu.memory_space<semaphore_mem>>)
        %dma_wait3A_555 = tpu.memref_slice %arg5[%add3A_549] : memref<802816xf32, #tpu.memory_space<hbm>> -> memref<3136xf32, #tpu.memory_space<hbm>>
        %dma_wait3A_556 = tpu.memref_slice %arg5[%add3A_549] : memref<802816xf32, #tpu.memory_space<hbm>> -> memref<3136xf32, #tpu.memory_space<hbm>>
        tpu.wait_dma2 semaphore(%run_scoped3A : memref<!tpu.dma_semaphore, #tpu.memory_space<semaphore_mem>>) src(%dma_wait3A_556 : memref<3136xf32, #tpu.memory_space<hbm>>) dst(%arg12 : memref<3136xf32, #tpu.memory_space<vmem>>)
        tpu.yield
      }) : () -> ()
      %parallel_loop3A_550 = arith.constant 0 : i32
      %parallel_loop3A_551 = arith.constant 3136 : i32
      %parallel_loop3A_552 = arith.constant 16 : i32
      scf.for %parallel_loop3A_553 = %parallel_loop3A_550 to %parallel_loop3A_551 step %parallel_loop3A_552  : i32 {
        %parallel_loop3A_554 = arith.index_cast %parallel_loop3A_553 : i32 to index
        %parallel_loop3A_555 = tpu.vector_load %arg13[%parallel_loop3A_554] {strides = array<i32>} : memref<3136xf32, #tpu.memory_space<vmem>>, vector<16xf32>,
        %parallel_loop3A_556 = arith.index_cast %parallel_loop3A_553 : i32 to index
        %parallel_loop3A_557 = tpu.vector_load %arg12[%parallel_loop3A_556] {strides = array<i32>} : memref<3136xf32, #tpu.memory_space<vmem>>, vector<16xf32>,
        %parallel_loop3A_558 = arith.addf %parallel_loop3A_555, %parallel_loop3A_557 : vector<16xf32>
        %parallel_loop3A_559 = arith.index_cast %parallel_loop3A_553 : i32 to index
        %parallel_loop3A_560 = tpu.vector_load %arg13[%parallel_loop3A_559] {strides = array<i32>} : memref<3136xf32, #tpu.memory_space<vmem>>, vector<16xf32>,
        tpu.vector_store %arg13[%parallel_loop3A_559], %parallel_loop3A_558 {strides = array<i32>} : memref<3136xf32, #tpu.memory_space<vmem>>, vector<16xf32>,
      } {sc.loop_unroll_factor = 8 : i64, sc.parallel_access}
    } else {
    }
    %get3A_429 = arith.constant 144 : index
    %get3A_430 = tpu.vector_load %arg15[%get3A_429] {strides = array<i32>} : memref<256xi32, #tpu.memory_space<vmem>>, vector<16xi32>,
    %reduce_max3A_431 = arith.constant true
    %reduce_max3A_432 = vector.broadcast %reduce_max3A_431 : i1 to vector<16xi1>
    %reduce_max3A_433 = arith.constant -2147483648 : i32
    %reduce_max3A_434 = vector.broadcast %reduce_max3A_433 : i32 to vector<16xi32>
    %reduce_max3A_435 = arith.xori %get3A_430, %reduce_max3A_434 : vector<16xi32>
    %reduce_max3A_436 = tpu.scan <max>, %reduce_max3A_435 masked %reduce_max3A_432 : vector<16xi32>, vector<16xi1> -> vector<16xi32>
    %reduce_max3A_437 = arith.xori %reduce_max3A_436, %reduce_max3A_434 : vector<16xi32>
    %reduce_max3A_438 = vector.extract %reduce_max3A_437[15] : i32 from vector<16xi32>
    %gt3A_439 = arith.constant 0 : i32
    %gt3A_440 = arith.cmpi sgt, %reduce_max3A_438, %gt3A_439 : i32
    %convert_element_type3A_441 = arith.extui %gt3A_440 : i1 to i32
    %cond3A_442 = arith.constant 0 : i32
    %cond3A_443 = arith.cmpi ne, %convert_element_type3A_441, %cond3A_442 : i32
    scf.if %cond3A_443 {
      %add3A_548 = arith.constant 451584 : i32
      %add3A_549 = arith.addi %add3A_548, %mul3A_290 : i32
      "tpu.region"() ({
        %run_scoped3A = tpu.sem_alloc : memref<!tpu.dma_semaphore, #tpu.memory_space<semaphore_mem>>
        %dma_start3A_553 = tpu.memref_slice %arg5[%add3A_549] : memref<802816xf32, #tpu.memory_space<hbm>> -> memref<3136xf32, #tpu.memory_space<hbm>>
        %dma_start3A_554 = tpu.memref_slice %arg5[%add3A_549] : memref<802816xf32, #tpu.memory_space<hbm>> -> memref<3136xf32, #tpu.memory_space<hbm>>
        tpu.enqueue_dma source(%dma_start3A_554 : memref<3136xf32, #tpu.memory_space<hbm>>) target(%arg12 : memref<3136xf32, #tpu.memory_space<vmem>>) target_semaphore(%run_scoped3A : memref<!tpu.dma_semaphore, #tpu.memory_space<semaphore_mem>>)
        %dma_wait3A_555 = tpu.memref_slice %arg5[%add3A_549] : memref<802816xf32, #tpu.memory_space<hbm>> -> memref<3136xf32, #tpu.memory_space<hbm>>
        %dma_wait3A_556 = tpu.memref_slice %arg5[%add3A_549] : memref<802816xf32, #tpu.memory_space<hbm>> -> memref<3136xf32, #tpu.memory_space<hbm>>
        tpu.wait_dma2 semaphore(%run_scoped3A : memref<!tpu.dma_semaphore, #tpu.memory_space<semaphore_mem>>) src(%dma_wait3A_556 : memref<3136xf32, #tpu.memory_space<hbm>>) dst(%arg12 : memref<3136xf32, #tpu.memory_space<vmem>>)
        tpu.yield
      }) : () -> ()
      %parallel_loop3A_550 = arith.constant 0 : i32
      %parallel_loop3A_551 = arith.constant 3136 : i32
      %parallel_loop3A_552 = arith.constant 16 : i32
      scf.for %parallel_loop3A_553 = %parallel_loop3A_550 to %parallel_loop3A_551 step %parallel_loop3A_552  : i32 {
        %parallel_loop3A_554 = arith.index_cast %parallel_loop3A_553 : i32 to index
        %parallel_loop3A_555 = tpu.vector_load %arg13[%parallel_loop3A_554] {strides = array<i32>} : memref<3136xf32, #tpu.memory_space<vmem>>, vector<16xf32>,
        %parallel_loop3A_556 = arith.index_cast %parallel_loop3A_553 : i32 to index
        %parallel_loop3A_557 = tpu.vector_load %arg12[%parallel_loop3A_556] {strides = array<i32>} : memref<3136xf32, #tpu.memory_space<vmem>>, vector<16xf32>,
        %parallel_loop3A_558 = arith.addf %parallel_loop3A_555, %parallel_loop3A_557 : vector<16xf32>
        %parallel_loop3A_559 = arith.index_cast %parallel_loop3A_553 : i32 to index
        %parallel_loop3A_560 = tpu.vector_load %arg13[%parallel_loop3A_559] {strides = array<i32>} : memref<3136xf32, #tpu.memory_space<vmem>>, vector<16xf32>,
        tpu.vector_store %arg13[%parallel_loop3A_559], %parallel_loop3A_558 {strides = array<i32>} : memref<3136xf32, #tpu.memory_space<vmem>>, vector<16xf32>,
      } {sc.loop_unroll_factor = 8 : i64, sc.parallel_access}
    } else {
    }
    %get3A_444 = arith.constant 160 : index
    %get3A_445 = tpu.vector_load %arg15[%get3A_444] {strides = array<i32>} : memref<256xi32, #tpu.memory_space<vmem>>, vector<16xi32>,
    %reduce_max3A_446 = arith.constant true
    %reduce_max3A_447 = vector.broadcast %reduce_max3A_446 : i1 to vector<16xi1>
    %reduce_max3A_448 = arith.constant -2147483648 : i32
    %reduce_max3A_449 = vector.broadcast %reduce_max3A_448 : i32 to vector<16xi32>
    %reduce_max3A_450 = arith.xori %get3A_445, %reduce_max3A_449 : vector<16xi32>
    %reduce_max3A_451 = tpu.scan <max>, %reduce_max3A_450 masked %reduce_max3A_447 : vector<16xi32>, vector<16xi1> -> vector<16xi32>
    %reduce_max3A_452 = arith.xori %reduce_max3A_451, %reduce_max3A_449 : vector<16xi32>
    %reduce_max3A_453 = vector.extract %reduce_max3A_452[15] : i32 from vector<16xi32>
    %gt3A_454 = arith.constant 0 : i32
    %gt3A_455 = arith.cmpi sgt, %reduce_max3A_453, %gt3A_454 : i32
    %convert_element_type3A_456 = arith.extui %gt3A_455 : i1 to i32
    %cond3A_457 = arith.constant 0 : i32
    %cond3A_458 = arith.cmpi ne, %convert_element_type3A_456, %cond3A_457 : i32
    scf.if %cond3A_458 {
      %add3A_548 = arith.constant 501760 : i32
      %add3A_549 = arith.addi %add3A_548, %mul3A_290 : i32
      "tpu.region"() ({
        %run_scoped3A = tpu.sem_alloc : memref<!tpu.dma_semaphore, #tpu.memory_space<semaphore_mem>>
        %dma_start3A_553 = tpu.memref_slice %arg5[%add3A_549] : memref<802816xf32, #tpu.memory_space<hbm>> -> memref<3136xf32, #tpu.memory_space<hbm>>
        %dma_start3A_554 = tpu.memref_slice %arg5[%add3A_549] : memref<802816xf32, #tpu.memory_space<hbm>> -> memref<3136xf32, #tpu.memory_space<hbm>>
        tpu.enqueue_dma source(%dma_start3A_554 : memref<3136xf32, #tpu.memory_space<hbm>>) target(%arg12 : memref<3136xf32, #tpu.memory_space<vmem>>) target_semaphore(%run_scoped3A : memref<!tpu.dma_semaphore, #tpu.memory_space<semaphore_mem>>)
        %dma_wait3A_555 = tpu.memref_slice %arg5[%add3A_549] : memref<802816xf32, #tpu.memory_space<hbm>> -> memref<3136xf32, #tpu.memory_space<hbm>>
        %dma_wait3A_556 = tpu.memref_slice %arg5[%add3A_549] : memref<802816xf32, #tpu.memory_space<hbm>> -> memref<3136xf32, #tpu.memory_space<hbm>>
        tpu.wait_dma2 semaphore(%run_scoped3A : memref<!tpu.dma_semaphore, #tpu.memory_space<semaphore_mem>>) src(%dma_wait3A_556 : memref<3136xf32, #tpu.memory_space<hbm>>) dst(%arg12 : memref<3136xf32, #tpu.memory_space<vmem>>)
        tpu.yield
      }) : () -> ()
      %parallel_loop3A_550 = arith.constant 0 : i32
      %parallel_loop3A_551 = arith.constant 3136 : i32
      %parallel_loop3A_552 = arith.constant 16 : i32
      scf.for %parallel_loop3A_553 = %parallel_loop3A_550 to %parallel_loop3A_551 step %parallel_loop3A_552  : i32 {
        %parallel_loop3A_554 = arith.index_cast %parallel_loop3A_553 : i32 to index
        %parallel_loop3A_555 = tpu.vector_load %arg13[%parallel_loop3A_554] {strides = array<i32>} : memref<3136xf32, #tpu.memory_space<vmem>>, vector<16xf32>,
        %parallel_loop3A_556 = arith.index_cast %parallel_loop3A_553 : i32 to index
        %parallel_loop3A_557 = tpu.vector_load %arg12[%parallel_loop3A_556] {strides = array<i32>} : memref<3136xf32, #tpu.memory_space<vmem>>, vector<16xf32>,
        %parallel_loop3A_558 = arith.addf %parallel_loop3A_555, %parallel_loop3A_557 : vector<16xf32>
        %parallel_loop3A_559 = arith.index_cast %parallel_loop3A_553 : i32 to index
        %parallel_loop3A_560 = tpu.vector_load %arg13[%parallel_loop3A_559] {strides = array<i32>} : memref<3136xf32, #tpu.memory_space<vmem>>, vector<16xf32>,
        tpu.vector_store %arg13[%parallel_loop3A_559], %parallel_loop3A_558 {strides = array<i32>} : memref<3136xf32, #tpu.memory_space<vmem>>, vector<16xf32>,
      } {sc.loop_unroll_factor = 8 : i64, sc.parallel_access}
    } else {
    }
    %get3A_459 = arith.constant 176 : index
    %get3A_460 = tpu.vector_load %arg15[%get3A_459] {strides = array<i32>} : memref<256xi32, #tpu.memory_space<vmem>>, vector<16xi32>,
    %reduce_max3A_461 = arith.constant true
    %reduce_max3A_462 = vector.broadcast %reduce_max3A_461 : i1 to vector<16xi1>
    %reduce_max3A_463 = arith.constant -2147483648 : i32
    %reduce_max3A_464 = vector.broadcast %reduce_max3A_463 : i32 to vector<16xi32>
    %reduce_max3A_465 = arith.xori %get3A_460, %reduce_max3A_464 : vector<16xi32>
    %reduce_max3A_466 = tpu.scan <max>, %reduce_max3A_465 masked %reduce_max3A_462 : vector<16xi32>, vector<16xi1> -> vector<16xi32>
    %reduce_max3A_467 = arith.xori %reduce_max3A_466, %reduce_max3A_464 : vector<16xi32>
    %reduce_max3A_468 = vector.extract %reduce_max3A_467[15] : i32 from vector<16xi32>
    %gt3A_469 = arith.constant 0 : i32
    %gt3A_470 = arith.cmpi sgt, %reduce_max3A_468, %gt3A_469 : i32
    %convert_element_type3A_471 = arith.extui %gt3A_470 : i1 to i32
    %cond3A_472 = arith.constant 0 : i32
    %cond3A_473 = arith.cmpi ne, %convert_element_type3A_471, %cond3A_472 : i32
    scf.if %cond3A_473 {
      %add3A_548 = arith.constant 551936 : i32
      %add3A_549 = arith.addi %add3A_548, %mul3A_290 : i32
      "tpu.region"() ({
        %run_scoped3A = tpu.sem_alloc : memref<!tpu.dma_semaphore, #tpu.memory_space<semaphore_mem>>
        %dma_start3A_553 = tpu.memref_slice %arg5[%add3A_549] : memref<802816xf32, #tpu.memory_space<hbm>> -> memref<3136xf32, #tpu.memory_space<hbm>>
        %dma_start3A_554 = tpu.memref_slice %arg5[%add3A_549] : memref<802816xf32, #tpu.memory_space<hbm>> -> memref<3136xf32, #tpu.memory_space<hbm>>
        tpu.enqueue_dma source(%dma_start3A_554 : memref<3136xf32, #tpu.memory_space<hbm>>) target(%arg12 : memref<3136xf32, #tpu.memory_space<vmem>>) target_semaphore(%run_scoped3A : memref<!tpu.dma_semaphore, #tpu.memory_space<semaphore_mem>>)
        %dma_wait3A_555 = tpu.memref_slice %arg5[%add3A_549] : memref<802816xf32, #tpu.memory_space<hbm>> -> memref<3136xf32, #tpu.memory_space<hbm>>
        %dma_wait3A_556 = tpu.memref_slice %arg5[%add3A_549] : memref<802816xf32, #tpu.memory_space<hbm>> -> memref<3136xf32, #tpu.memory_space<hbm>>
        tpu.wait_dma2 semaphore(%run_scoped3A : memref<!tpu.dma_semaphore, #tpu.memory_space<semaphore_mem>>) src(%dma_wait3A_556 : memref<3136xf32, #tpu.memory_space<hbm>>) dst(%arg12 : memref<3136xf32, #tpu.memory_space<vmem>>)
        tpu.yield
      }) : () -> ()
      %parallel_loop3A_550 = arith.constant 0 : i32
      %parallel_loop3A_551 = arith.constant 3136 : i32
      %parallel_loop3A_552 = arith.constant 16 : i32
      scf.for %parallel_loop3A_553 = %parallel_loop3A_550 to %parallel_loop3A_551 step %parallel_loop3A_552  : i32 {
        %parallel_loop3A_554 = arith.index_cast %parallel_loop3A_553 : i32 to index
        %parallel_loop3A_555 = tpu.vector_load %arg13[%parallel_loop3A_554] {strides = array<i32>} : memref<3136xf32, #tpu.memory_space<vmem>>, vector<16xf32>,
        %parallel_loop3A_556 = arith.index_cast %parallel_loop3A_553 : i32 to index
        %parallel_loop3A_557 = tpu.vector_load %arg12[%parallel_loop3A_556] {strides = array<i32>} : memref<3136xf32, #tpu.memory_space<vmem>>, vector<16xf32>,
        %parallel_loop3A_558 = arith.addf %parallel_loop3A_555, %parallel_loop3A_557 : vector<16xf32>
        %parallel_loop3A_559 = arith.index_cast %parallel_loop3A_553 : i32 to index
        %parallel_loop3A_560 = tpu.vector_load %arg13[%parallel_loop3A_559] {strides = array<i32>} : memref<3136xf32, #tpu.memory_space<vmem>>, vector<16xf32>,
        tpu.vector_store %arg13[%parallel_loop3A_559], %parallel_loop3A_558 {strides = array<i32>} : memref<3136xf32, #tpu.memory_space<vmem>>, vector<16xf32>,
      } {sc.loop_unroll_factor = 8 : i64, sc.parallel_access}
    } else {
    }
    %get3A_474 = arith.constant 192 : index
    %get3A_475 = tpu.vector_load %arg15[%get3A_474] {strides = array<i32>} : memref<256xi32, #tpu.memory_space<vmem>>, vector<16xi32>,
    %reduce_max3A_476 = arith.constant true
    %reduce_max3A_477 = vector.broadcast %reduce_max3A_476 : i1 to vector<16xi1>
    %reduce_max3A_478 = arith.constant -2147483648 : i32
    %reduce_max3A_479 = vector.broadcast %reduce_max3A_478 : i32 to vector<16xi32>
    %reduce_max3A_480 = arith.xori %get3A_475, %reduce_max3A_479 : vector<16xi32>
    %reduce_max3A_481 = tpu.scan <max>, %reduce_max3A_480 masked %reduce_max3A_477 : vector<16xi32>, vector<16xi1> -> vector<16xi32>
    %reduce_max3A_482 = arith.xori %reduce_max3A_481, %reduce_max3A_479 : vector<16xi32>
    %reduce_max3A_483 = vector.extract %reduce_max3A_482[15] : i32 from vector<16xi32>
    %gt3A_484 = arith.constant 0 : i32
    %gt3A_485 = arith.cmpi sgt, %reduce_max3A_483, %gt3A_484 : i32
    %convert_element_type3A_486 = arith.extui %gt3A_485 : i1 to i32
    %cond3A_487 = arith.constant 0 : i32
    %cond3A_488 = arith.cmpi ne, %convert_element_type3A_486, %cond3A_487 : i32
    scf.if %cond3A_488 {
      %add3A_548 = arith.constant 602112 : i32
      %add3A_549 = arith.addi %add3A_548, %mul3A_290 : i32
      "tpu.region"() ({
        %run_scoped3A = tpu.sem_alloc : memref<!tpu.dma_semaphore, #tpu.memory_space<semaphore_mem>>
        %dma_start3A_553 = tpu.memref_slice %arg5[%add3A_549] : memref<802816xf32, #tpu.memory_space<hbm>> -> memref<3136xf32, #tpu.memory_space<hbm>>
        %dma_start3A_554 = tpu.memref_slice %arg5[%add3A_549] : memref<802816xf32, #tpu.memory_space<hbm>> -> memref<3136xf32, #tpu.memory_space<hbm>>
        tpu.enqueue_dma source(%dma_start3A_554 : memref<3136xf32, #tpu.memory_space<hbm>>) target(%arg12 : memref<3136xf32, #tpu.memory_space<vmem>>) target_semaphore(%run_scoped3A : memref<!tpu.dma_semaphore, #tpu.memory_space<semaphore_mem>>)
        %dma_wait3A_555 = tpu.memref_slice %arg5[%add3A_549] : memref<802816xf32, #tpu.memory_space<hbm>> -> memref<3136xf32, #tpu.memory_space<hbm>>
        %dma_wait3A_556 = tpu.memref_slice %arg5[%add3A_549] : memref<802816xf32, #tpu.memory_space<hbm>> -> memref<3136xf32, #tpu.memory_space<hbm>>
        tpu.wait_dma2 semaphore(%run_scoped3A : memref<!tpu.dma_semaphore, #tpu.memory_space<semaphore_mem>>) src(%dma_wait3A_556 : memref<3136xf32, #tpu.memory_space<hbm>>) dst(%arg12 : memref<3136xf32, #tpu.memory_space<vmem>>)
        tpu.yield
      }) : () -> ()
      %parallel_loop3A_550 = arith.constant 0 : i32
      %parallel_loop3A_551 = arith.constant 3136 : i32
      %parallel_loop3A_552 = arith.constant 16 : i32
      scf.for %parallel_loop3A_553 = %parallel_loop3A_550 to %parallel_loop3A_551 step %parallel_loop3A_552  : i32 {
        %parallel_loop3A_554 = arith.index_cast %parallel_loop3A_553 : i32 to index
        %parallel_loop3A_555 = tpu.vector_load %arg13[%parallel_loop3A_554] {strides = array<i32>} : memref<3136xf32, #tpu.memory_space<vmem>>, vector<16xf32>,
        %parallel_loop3A_556 = arith.index_cast %parallel_loop3A_553 : i32 to index
        %parallel_loop3A_557 = tpu.vector_load %arg12[%parallel_loop3A_556] {strides = array<i32>} : memref<3136xf32, #tpu.memory_space<vmem>>, vector<16xf32>,
        %parallel_loop3A_558 = arith.addf %parallel_loop3A_555, %parallel_loop3A_557 : vector<16xf32>
        %parallel_loop3A_559 = arith.index_cast %parallel_loop3A_553 : i32 to index
        %parallel_loop3A_560 = tpu.vector_load %arg13[%parallel_loop3A_559] {strides = array<i32>} : memref<3136xf32, #tpu.memory_space<vmem>>, vector<16xf32>,
        tpu.vector_store %arg13[%parallel_loop3A_559], %parallel_loop3A_558 {strides = array<i32>} : memref<3136xf32, #tpu.memory_space<vmem>>, vector<16xf32>,
      } {sc.loop_unroll_factor = 8 : i64, sc.parallel_access}
    } else {
    }
    %get3A_489 = arith.constant 208 : index
    %get3A_490 = tpu.vector_load %arg15[%get3A_489] {strides = array<i32>} : memref<256xi32, #tpu.memory_space<vmem>>, vector<16xi32>,
    %reduce_max3A_491 = arith.constant true
    %reduce_max3A_492 = vector.broadcast %reduce_max3A_491 : i1 to vector<16xi1>
    %reduce_max3A_493 = arith.constant -2147483648 : i32
    %reduce_max3A_494 = vector.broadcast %reduce_max3A_493 : i32 to vector<16xi32>
    %reduce_max3A_495 = arith.xori %get3A_490, %reduce_max3A_494 : vector<16xi32>
    %reduce_max3A_496 = tpu.scan <max>, %reduce_max3A_495 masked %reduce_max3A_492 : vector<16xi32>, vector<16xi1> -> vector<16xi32>
    %reduce_max3A_497 = arith.xori %reduce_max3A_496, %reduce_max3A_494 : vector<16xi32>
    %reduce_max3A_498 = vector.extract %reduce_max3A_497[15] : i32 from vector<16xi32>
    %gt3A_499 = arith.constant 0 : i32
    %gt3A_500 = arith.cmpi sgt, %reduce_max3A_498, %gt3A_499 : i32
    %convert_element_type3A_501 = arith.extui %gt3A_500 : i1 to i32
    %cond3A_502 = arith.constant 0 : i32
    %cond3A_503 = arith.cmpi ne, %convert_element_type3A_501, %cond3A_502 : i32
    scf.if %cond3A_503 {
      %add3A_548 = arith.constant 652288 : i32
      %add3A_549 = arith.addi %add3A_548, %mul3A_290 : i32
      "tpu.region"() ({
        %run_scoped3A = tpu.sem_alloc : memref<!tpu.dma_semaphore, #tpu.memory_space<semaphore_mem>>
        %dma_start3A_553 = tpu.memref_slice %arg5[%add3A_549] : memref<802816xf32, #tpu.memory_space<hbm>> -> memref<3136xf32, #tpu.memory_space<hbm>>
        %dma_start3A_554 = tpu.memref_slice %arg5[%add3A_549] : memref<802816xf32, #tpu.memory_space<hbm>> -> memref<3136xf32, #tpu.memory_space<hbm>>
        tpu.enqueue_dma source(%dma_start3A_554 : memref<3136xf32, #tpu.memory_space<hbm>>) target(%arg12 : memref<3136xf32, #tpu.memory_space<vmem>>) target_semaphore(%run_scoped3A : memref<!tpu.dma_semaphore, #tpu.memory_space<semaphore_mem>>)
        %dma_wait3A_555 = tpu.memref_slice %arg5[%add3A_549] : memref<802816xf32, #tpu.memory_space<hbm>> -> memref<3136xf32, #tpu.memory_space<hbm>>
        %dma_wait3A_556 = tpu.memref_slice %arg5[%add3A_549] : memref<802816xf32, #tpu.memory_space<hbm>> -> memref<3136xf32, #tpu.memory_space<hbm>>
        tpu.wait_dma2 semaphore(%run_scoped3A : memref<!tpu.dma_semaphore, #tpu.memory_space<semaphore_mem>>) src(%dma_wait3A_556 : memref<3136xf32, #tpu.memory_space<hbm>>) dst(%arg12 : memref<3136xf32, #tpu.memory_space<vmem>>)
        tpu.yield
      }) : () -> ()
      %parallel_loop3A_550 = arith.constant 0 : i32
      %parallel_loop3A_551 = arith.constant 3136 : i32
      %parallel_loop3A_552 = arith.constant 16 : i32
      scf.for %parallel_loop3A_553 = %parallel_loop3A_550 to %parallel_loop3A_551 step %parallel_loop3A_552  : i32 {
        %parallel_loop3A_554 = arith.index_cast %parallel_loop3A_553 : i32 to index
        %parallel_loop3A_555 = tpu.vector_load %arg13[%parallel_loop3A_554] {strides = array<i32>} : memref<3136xf32, #tpu.memory_space<vmem>>, vector<16xf32>,
        %parallel_loop3A_556 = arith.index_cast %parallel_loop3A_553 : i32 to index
        %parallel_loop3A_557 = tpu.vector_load %arg12[%parallel_loop3A_556] {strides = array<i32>} : memref<3136xf32, #tpu.memory_space<vmem>>, vector<16xf32>,
        %parallel_loop3A_558 = arith.addf %parallel_loop3A_555, %parallel_loop3A_557 : vector<16xf32>
        %parallel_loop3A_559 = arith.index_cast %parallel_loop3A_553 : i32 to index
        %parallel_loop3A_560 = tpu.vector_load %arg13[%parallel_loop3A_559] {strides = array<i32>} : memref<3136xf32, #tpu.memory_space<vmem>>, vector<16xf32>,
        tpu.vector_store %arg13[%parallel_loop3A_559], %parallel_loop3A_558 {strides = array<i32>} : memref<3136xf32, #tpu.memory_space<vmem>>, vector<16xf32>,
      } {sc.loop_unroll_factor = 8 : i64, sc.parallel_access}
    } else {
    }
    %get3A_504 = arith.constant 224 : index
    %get3A_505 = tpu.vector_load %arg15[%get3A_504] {strides = array<i32>} : memref<256xi32, #tpu.memory_space<vmem>>, vector<16xi32>,
    %reduce_max3A_506 = arith.constant true
    %reduce_max3A_507 = vector.broadcast %reduce_max3A_506 : i1 to vector<16xi1>
    %reduce_max3A_508 = arith.constant -2147483648 : i32
    %reduce_max3A_509 = vector.broadcast %reduce_max3A_508 : i32 to vector<16xi32>
    %reduce_max3A_510 = arith.xori %get3A_505, %reduce_max3A_509 : vector<16xi32>
    %reduce_max3A_511 = tpu.scan <max>, %reduce_max3A_510 masked %reduce_max3A_507 : vector<16xi32>, vector<16xi1> -> vector<16xi32>
    %reduce_max3A_512 = arith.xori %reduce_max3A_511, %reduce_max3A_509 : vector<16xi32>
    %reduce_max3A_513 = vector.extract %reduce_max3A_512[15] : i32 from vector<16xi32>
    %gt3A_514 = arith.constant 0 : i32
    %gt3A_515 = arith.cmpi sgt, %reduce_max3A_513, %gt3A_514 : i32
    %convert_element_type3A_516 = arith.extui %gt3A_515 : i1 to i32
    %cond3A_517 = arith.constant 0 : i32
    %cond3A_518 = arith.cmpi ne, %convert_element_type3A_516, %cond3A_517 : i32
    scf.if %cond3A_518 {
      %add3A_548 = arith.constant 702464 : i32
      %add3A_549 = arith.addi %add3A_548, %mul3A_290 : i32
      "tpu.region"() ({
        %run_scoped3A = tpu.sem_alloc : memref<!tpu.dma_semaphore, #tpu.memory_space<semaphore_mem>>
        %dma_start3A_553 = tpu.memref_slice %arg5[%add3A_549] : memref<802816xf32, #tpu.memory_space<hbm>> -> memref<3136xf32, #tpu.memory_space<hbm>>
        %dma_start3A_554 = tpu.memref_slice %arg5[%add3A_549] : memref<802816xf32, #tpu.memory_space<hbm>> -> memref<3136xf32, #tpu.memory_space<hbm>>
        tpu.enqueue_dma source(%dma_start3A_554 : memref<3136xf32, #tpu.memory_space<hbm>>) target(%arg12 : memref<3136xf32, #tpu.memory_space<vmem>>) target_semaphore(%run_scoped3A : memref<!tpu.dma_semaphore, #tpu.memory_space<semaphore_mem>>)
        %dma_wait3A_555 = tpu.memref_slice %arg5[%add3A_549] : memref<802816xf32, #tpu.memory_space<hbm>> -> memref<3136xf32, #tpu.memory_space<hbm>>
        %dma_wait3A_556 = tpu.memref_slice %arg5[%add3A_549] : memref<802816xf32, #tpu.memory_space<hbm>> -> memref<3136xf32, #tpu.memory_space<hbm>>
        tpu.wait_dma2 semaphore(%run_scoped3A : memref<!tpu.dma_semaphore, #tpu.memory_space<semaphore_mem>>) src(%dma_wait3A_556 : memref<3136xf32, #tpu.memory_space<hbm>>) dst(%arg12 : memref<3136xf32, #tpu.memory_space<vmem>>)
        tpu.yield
      }) : () -> ()
      %parallel_loop3A_550 = arith.constant 0 : i32
      %parallel_loop3A_551 = arith.constant 3136 : i32
      %parallel_loop3A_552 = arith.constant 16 : i32
      scf.for %parallel_loop3A_553 = %parallel_loop3A_550 to %parallel_loop3A_551 step %parallel_loop3A_552  : i32 {
        %parallel_loop3A_554 = arith.index_cast %parallel_loop3A_553 : i32 to index
        %parallel_loop3A_555 = tpu.vector_load %arg13[%parallel_loop3A_554] {strides = array<i32>} : memref<3136xf32, #tpu.memory_space<vmem>>, vector<16xf32>,
        %parallel_loop3A_556 = arith.index_cast %parallel_loop3A_553 : i32 to index
        %parallel_loop3A_557 = tpu.vector_load %arg12[%parallel_loop3A_556] {strides = array<i32>} : memref<3136xf32, #tpu.memory_space<vmem>>, vector<16xf32>,
        %parallel_loop3A_558 = arith.addf %parallel_loop3A_555, %parallel_loop3A_557 : vector<16xf32>
        %parallel_loop3A_559 = arith.index_cast %parallel_loop3A_553 : i32 to index
        %parallel_loop3A_560 = tpu.vector_load %arg13[%parallel_loop3A_559] {strides = array<i32>} : memref<3136xf32, #tpu.memory_space<vmem>>, vector<16xf32>,
        tpu.vector_store %arg13[%parallel_loop3A_559], %parallel_loop3A_558 {strides = array<i32>} : memref<3136xf32, #tpu.memory_space<vmem>>, vector<16xf32>,
      } {sc.loop_unroll_factor = 8 : i64, sc.parallel_access}
    } else {
    }
    %get3A_519 = arith.constant 240 : index
    %get3A_520 = tpu.vector_load %arg15[%get3A_519] {strides = array<i32>} : memref<256xi32, #tpu.memory_space<vmem>>, vector<16xi32>,
    %reduce_max3A_521 = arith.constant true
    %reduce_max3A_522 = vector.broadcast %reduce_max3A_521 : i1 to vector<16xi1>
    %reduce_max3A_523 = arith.constant -2147483648 : i32
    %reduce_max3A_524 = vector.broadcast %reduce_max3A_523 : i32 to vector<16xi32>
    %reduce_max3A_525 = arith.xori %get3A_520, %reduce_max3A_524 : vector<16xi32>
    %reduce_max3A_526 = tpu.scan <max>, %reduce_max3A_525 masked %reduce_max3A_522 : vector<16xi32>, vector<16xi1> -> vector<16xi32>
    %reduce_max3A_527 = arith.xori %reduce_max3A_526, %reduce_max3A_524 : vector<16xi32>
    %reduce_max3A_528 = vector.extract %reduce_max3A_527[15] : i32 from vector<16xi32>
    %gt3A_529 = arith.constant 0 : i32
    %gt3A_530 = arith.cmpi sgt, %reduce_max3A_528, %gt3A_529 : i32
    %convert_element_type3A_531 = arith.extui %gt3A_530 : i1 to i32
    %cond3A_532 = arith.constant 0 : i32
    %cond3A_533 = arith.cmpi ne, %convert_element_type3A_531, %cond3A_532 : i32
    scf.if %cond3A_533 {
      %add3A_548 = arith.constant 752640 : i32
      %add3A_549 = arith.addi %add3A_548, %mul3A_290 : i32
      "tpu.region"() ({
        %run_scoped3A = tpu.sem_alloc : memref<!tpu.dma_semaphore, #tpu.memory_space<semaphore_mem>>
        %dma_start3A_553 = tpu.memref_slice %arg5[%add3A_549] : memref<802816xf32, #tpu.memory_space<hbm>> -> memref<3136xf32, #tpu.memory_space<hbm>>
        %dma_start3A_554 = tpu.memref_slice %arg5[%add3A_549] : memref<802816xf32, #tpu.memory_space<hbm>> -> memref<3136xf32, #tpu.memory_space<hbm>>
        tpu.enqueue_dma source(%dma_start3A_554 : memref<3136xf32, #tpu.memory_space<hbm>>) target(%arg12 : memref<3136xf32, #tpu.memory_space<vmem>>) target_semaphore(%run_scoped3A : memref<!tpu.dma_semaphore, #tpu.memory_space<semaphore_mem>>)
        %dma_wait3A_555 = tpu.memref_slice %arg5[%add3A_549] : memref<802816xf32, #tpu.memory_space<hbm>> -> memref<3136xf32, #tpu.memory_space<hbm>>
        %dma_wait3A_556 = tpu.memref_slice %arg5[%add3A_549] : memref<802816xf32, #tpu.memory_space<hbm>> -> memref<3136xf32, #tpu.memory_space<hbm>>
        tpu.wait_dma2 semaphore(%run_scoped3A : memref<!tpu.dma_semaphore, #tpu.memory_space<semaphore_mem>>) src(%dma_wait3A_556 : memref<3136xf32, #tpu.memory_space<hbm>>) dst(%arg12 : memref<3136xf32, #tpu.memory_space<vmem>>)
        tpu.yield
      }) : () -> ()
      %parallel_loop3A_550 = arith.constant 0 : i32
      %parallel_loop3A_551 = arith.constant 3136 : i32
      %parallel_loop3A_552 = arith.constant 16 : i32
      scf.for %parallel_loop3A_553 = %parallel_loop3A_550 to %parallel_loop3A_551 step %parallel_loop3A_552  : i32 {
        %parallel_loop3A_554 = arith.index_cast %parallel_loop3A_553 : i32 to index
        %parallel_loop3A_555 = tpu.vector_load %arg13[%parallel_loop3A_554] {strides = array<i32>} : memref<3136xf32, #tpu.memory_space<vmem>>, vector<16xf32>,
        %parallel_loop3A_556 = arith.index_cast %parallel_loop3A_553 : i32 to index
        %parallel_loop3A_557 = tpu.vector_load %arg12[%parallel_loop3A_556] {strides = array<i32>} : memref<3136xf32, #tpu.memory_space<vmem>>, vector<16xf32>,
        %parallel_loop3A_558 = arith.addf %parallel_loop3A_555, %parallel_loop3A_557 : vector<16xf32>
        %parallel_loop3A_559 = arith.index_cast %parallel_loop3A_553 : i32 to index
        %parallel_loop3A_560 = tpu.vector_load %arg13[%parallel_loop3A_559] {strides = array<i32>} : memref<3136xf32, #tpu.memory_space<vmem>>, vector<16xf32>,
        tpu.vector_store %arg13[%parallel_loop3A_559], %parallel_loop3A_558 {strides = array<i32>} : memref<3136xf32, #tpu.memory_space<vmem>>, vector<16xf32>,
      } {sc.loop_unroll_factor = 8 : i64, sc.parallel_access}
    } else {
    }
    %broadcast_in_dim3A_534 = arith.constant -1 : i32
    %broadcast_in_dim3A_535 = vector.broadcast %broadcast_in_dim3A_534 : i32 to vector<16xi32>
    %eq3A = arith.cmpi eq, %get3A_17, %broadcast_in_dim3A_535 : vector<16xi32>
    %parallel_loop3A_536 = arith.constant 0 : i32
    %parallel_loop3A_537 = arith.constant 3136 : i32
    %parallel_loop3A_538 = arith.constant 16 : i32
    scf.for %parallel_loop3A_548 = %parallel_loop3A_536 to %parallel_loop3A_537 step %parallel_loop3A_538  : i32 {
      %parallel_loop3A_549 = arith.index_cast %parallel_loop3A_548 : i32 to index
      %parallel_loop3A_550 = tpu.vector_load %arg13[%parallel_loop3A_549] {strides = array<i32>} : memref<3136xf32, #tpu.memory_space<vmem>>, vector<16xf32>,
      %parallel_loop3A_551 = arith.cmpf ogt, %parallel_loop3A_550, %broadcast_in_dim3A_18 : vector<16xf32>
      %parallel_loop3A_552 = arith.select %parallel_loop3A_551, %broadcast_in_dim3A_18, %broadcast_in_dim3A_22 : vector<16xi1>, vector<16xf32>
      %parallel_loop3A_553 = arith.select %eq3A, %broadcast_in_dim3A_18, %parallel_loop3A_552 : vector<16xi1>, vector<16xf32>
      %parallel_loop3A_554 = arith.index_cast %parallel_loop3A_548 : i32 to index
      %parallel_loop3A_555 = tpu.vector_load %arg13[%parallel_loop3A_554] {strides = array<i32>} : memref<3136xf32, #tpu.memory_space<vmem>>, vector<16xf32>,
      tpu.vector_store %arg13[%parallel_loop3A_554], %parallel_loop3A_553 {strides = array<i32>} : memref<3136xf32, #tpu.memory_space<vmem>>, vector<16xf32>,
    } {sc.loop_unroll_factor = 8 : i64, sc.parallel_access}
    %eq3A_539 = arith.constant 15 : i32
    %eq3A_540 = arith.cmpi eq, %arg1, %eq3A_539 : i32
    %not3A = arith.constant true
    %not3A_541 = arith.xori %eq3A_540, %not3A : i1
    %convert_element_type3A_542 = arith.extui %not3A_541 : i1 to i32
    %cond3A_543 = arith.constant 0 : i32
    %cond3A_544 = arith.cmpi ne, %convert_element_type3A_542, %cond3A_543 : i32
    scf.if %cond3A_544 {
      "tpu.region"() ({
        %run_scoped3A = tpu.sem_alloc : memref<!tpu.dma_semaphore, #tpu.memory_space<semaphore_mem>>
        %dma_start3A_548 = tpu.memref_slice %arg4[%mul3A_290] : memref<50000xf32, #tpu.memory_space<hbm>> -> memref<3136xf32, #tpu.memory_space<hbm>>
        %dma_start3A_549 = tpu.memref_slice %arg4[%mul3A_290] : memref<50000xf32, #tpu.memory_space<hbm>> -> memref<3136xf32, #tpu.memory_space<hbm>>
        tpu.enqueue_dma source(%arg13 : memref<3136xf32, #tpu.memory_space<vmem>>) target(%dma_start3A_549 : memref<3136xf32, #tpu.memory_space<hbm>>) target_semaphore(%run_scoped3A : memref<!tpu.dma_semaphore, #tpu.memory_space<semaphore_mem>>)
        %dma_wait3A_550 = tpu.memref_slice %arg4[%mul3A_290] : memref<50000xf32, #tpu.memory_space<hbm>> -> memref<3136xf32, #tpu.memory_space<hbm>>
        %dma_wait3A_551 = tpu.memref_slice %arg4[%mul3A_290] : memref<50000xf32, #tpu.memory_space<hbm>> -> memref<3136xf32, #tpu.memory_space<hbm>>
        tpu.wait_dma2 semaphore(%run_scoped3A : memref<!tpu.dma_semaphore, #tpu.memory_space<semaphore_mem>>) src(%arg13 : memref<3136xf32, #tpu.memory_space<vmem>>) dst(%dma_wait3A_551 : memref<3136xf32, #tpu.memory_space<hbm>>)
        tpu.yield
      }) : () -> ()
    } else {
    }
    %convert_element_type3A_545 = arith.extui %eq3A_540 : i1 to i32
    %cond3A_546 = arith.constant 0 : i32
    %cond3A_547 = arith.cmpi ne, %convert_element_type3A_545, %cond3A_546 : i32
    scf.if %cond3A_547 {
      "tpu.region"() ({
        %run_scoped3A = tpu.sem_alloc : memref<!tpu.dma_semaphore, #tpu.memory_space<semaphore_mem>>
        %dma_start3A_548 = arith.constant 0 : i32
        %dma_start3A_549 = tpu.memref_slice %arg13[%dma_start3A_548] : memref<3136xf32, #tpu.memory_space<vmem>> -> memref<2960xf32, #tpu.memory_space<vmem>>
        %dma_start3A_550 = tpu.memref_slice %arg4[%mul3A_290] : memref<50000xf32, #tpu.memory_space<hbm>> -> memref<2960xf32, #tpu.memory_space<hbm>>
        %dma_start3A_551 = tpu.memref_slice %arg4[%mul3A_290] : memref<50000xf32, #tpu.memory_space<hbm>> -> memref<2960xf32, #tpu.memory_space<hbm>>
        %dma_start3A_552 = arith.constant 0 : i32
        %dma_start3A_553 = tpu.memref_slice %arg13[%dma_start3A_552] : memref<3136xf32, #tpu.memory_space<vmem>> -> memref<2960xf32, #tpu.memory_space<vmem>>
        tpu.enqueue_dma source(%dma_start3A_553 : memref<2960xf32, #tpu.memory_space<vmem>>) target(%dma_start3A_551 : memref<2960xf32, #tpu.memory_space<hbm>>) target_semaphore(%run_scoped3A : memref<!tpu.dma_semaphore, #tpu.memory_space<semaphore_mem>>)
        %dma_wait3A_554 = arith.constant 0 : i32
        %dma_wait3A_555 = tpu.memref_slice %arg13[%dma_wait3A_554] : memref<3136xf32, #tpu.memory_space<vmem>> -> memref<2960xf32, #tpu.memory_space<vmem>>
        %dma_wait3A_556 = tpu.memref_slice %arg4[%mul3A_290] : memref<50000xf32, #tpu.memory_space<hbm>> -> memref<2960xf32, #tpu.memory_space<hbm>>
        %dma_wait3A_557 = tpu.memref_slice %arg4[%mul3A_290] : memref<50000xf32, #tpu.memory_space<hbm>> -> memref<2960xf32, #tpu.memory_space<hbm>>
        %dma_wait3A_558 = arith.constant 0 : i32
        %dma_wait3A_559 = tpu.memref_slice %arg13[%dma_wait3A_558] : memref<3136xf32, #tpu.memory_space<vmem>> -> memref<2960xf32, #tpu.memory_space<vmem>>
        tpu.wait_dma2 semaphore(%run_scoped3A : memref<!tpu.dma_semaphore, #tpu.memory_space<semaphore_mem>>) src(%dma_wait3A_559 : memref<2960xf32, #tpu.memory_space<vmem>>) dst(%dma_wait3A_557 : memref<2960xf32, #tpu.memory_space<hbm>>)
        tpu.yield
      }) : () -> ()
    } else {
    }
    return
  }
}

</mosaic_0001>

<sc_bundles>
// kernel: kernel.3.cloned.1.call-start
scs
__scs_entry_jumppad:
0x0: {  	(pc) =	sbr.rel $0x88, $3  }
0x1: {  	(tag) =	ssettag $0x0;
	lr =	simm.s32 $0x1  }
0x2: {  	[smem:$0x3F9F] =	sst lr;
	_ =	strace $0xD0000000  }
0x3: {  	_ = 	snop  }
0x4: {  	_ = 	snop  }
0x5: {  	_ = 	snop  }
0x6: {  	_ = 	snop  }
0x7: {  	_ = 	snop  }
__scs_overlays_trampoline_lowered:
0x8: {  	[smem:$0x3FAE] =	sst s0  }
0x9: {  	[smem:$0x3FAF] =	sst s1  }
0xa: {  	[smem:$0x3FB0] =	sst s2  }
0xb: {  	[smem:$0x3FB1] =	sst s3  }
0xc: {  	[smem:$0x3FB2] =	sst s4  }
0xd: {  	[smem:$0x3FB3] =	sst s5  }
0xe: {  	[smem:$0x3FB4] =	sst s6  }
0xf: {  	[smem:$0x3FB5] =	sst s7  }
0x10: {  	[smem:$0x3FB6] =	sst s8  }
0x11: {  	[smem:$0x3FB7] =	sst s9;
	s0 =	simm.s32 @!p0 $0x0  }
0x12: {  	s1 =	sld [smem:$0x3F9D];
	s0 =	simm.s32 @p0 $0x1  }
0x13: {  	[smem:$0x3FB8] =	sst s0;
	s0 =	simm.s32 @!p1 $0x0  }
0x14: {  	s2 =	sld [smem:$0x3F9C];
	s0 =	simm.s32 @p1 $0x1  }
0x15: {  	[smem:$0x3FB9] =	sst s0;
	s0 =	simm.s32 @!p2 $0x0  }
0x16: {  	s3 =	sld [smem:$0x3FDB];
	s0 =	simm.s32 @p2 $0x1  }
0x17: {  	s4 =	simm.s32 $0x1BF5;
	[smem:$0x3FBB] =	sst s0  }
0x18: {  	s0 =	sld [smem:$0x3F9E];
	_ =	swait.ge [sflag:s4], $0x0  }
0x19: {  	s7 =	sld [smem:$0x3F9F]  }
0x1a: {  	s8 =	sadd.s32 $0xFFFFE003, lr  }
0x1b: {  	s9 =	sadd.s32 $0xFFFFFEF7, lr;
	s5 =	simm.s32 $0xFFFFFFFF;
	p2 =	slt.u32 s8, $0xFFFFF086  }
0x1c: {  	p1 =	slt.u32 s9, $0xF7A;
	s5 =	simm.s32 @!p2 $0x0  }
0x1d: {  	s5 =	simm.s32 @p1 $0x1;
	p0 =	seq.s32 s7, s2  }
0x1e: {  	s7 =	smul.u32 @!p0 $0xF7A, s2;
	p2 =	seq.s32 @!p0 s5, $0x0  }
0x1f: {  	s9 =	smul.u32 $0xF7A, s1;
	s8 =	simm.s32 @!p0 $0x1BF5;
	p2 =	por !p2, p0  }
0x20: {  	[sflag:s8] =	ssyncset.s32 @!p0 $0xFFFFF086;
	s6 =	sadd.s32 @!p0 s3, s7;
	s7 =	simm.s32 @!p0 $0x108  }
0x21: {  	s3 =	sadd.s32 s3, s9;
	s6 =	sadd.s32 @!p0 $0x88, s6;
	s7 =	simm.s32 @p2 $0x1082  }
0x22: {  	[simem:s7], [sflag:s8] =	dma.local @!p0 [hbm:s6], $0xF7A  }
0x23: {  	s9 =	sor.u32 $0xD0000000, s2;
	s6 =	simm.s32 $0x108;
	_ =	swait.ge @!p0 [sflag:s8], $0x0  }
0x24: {  	s3 =	sadd.s32 $0x88, s3;
	s6 =	simm.s32 @!p1 $0x1082;
	[sflag:s4] =	ssyncset.s32 $0xFFFFF086  }
0x25: {  	[simem:s6], [sflag:s4] =	dma.local [hbm:s3], $0xF7A  }
0x26: {  	[smem:$0x3F9F] =	sst s1;
	(tag) =	ssettag s2;
	_ =	strace s9  }
0x27: {  	s1 =	sld [smem:$0x3FAF]  }
0x28: {  	s2 =	sld [smem:$0x3FB0]  }
0x29: {  	s4 =	sld [smem:$0x3FB2]  }
0x2a: {  	p0 =	seq.s32 s5, $0x0;
	s5 =	sld [smem:$0x3FB3]  }
0x2b: {  	s6 =	sld [smem:$0x3FB4]  }
0x2c: {  	s7 =	sld [smem:$0x3FB5]  }
0x2d: {  	s3 =	simm.s32 $0x108;
	s8 =	sld [smem:$0x3FB6]  }
0x2e: {  	s3 =	simm.s32 @!p0 $0x1082;
	s9 =	sld [smem:$0x3FB7]  }
0x2f: {  	lr =	sadd.s32 s0, s3;
	s0 =	sld [smem:$0x3FAE]  }
0x30: {  	s3 =	sld [smem:$0x3FB1]  }
0x31: {  	[smem:$0x3FBA] =	sst s10  }
0x32: {  	s10 =	sld [smem:$0x3FB8];
	_ =	sdelay $0x3  }
0x33: {  	p0 =	seq.s32 s10, $0x1;
	s10 =	sld [smem:$0x3FBA];
	_ =	sdelay $0x3  }
0x34: {  	[smem:$0x3FBA] =	sst s10  }
0x35: {  	s10 =	sld [smem:$0x3FB9];
	_ =	sdelay $0x3  }
0x36: {  	p1 =	seq.s32 s10, $0x1;
	s10 =	sld [smem:$0x3FBA];
	_ =	sdelay $0x3  }
0x37: {  	[smem:$0x3FBA] =	sst s10  }
0x38: {  	s10 =	sld [smem:$0x3FBB]  }
0x39: {  	_ = 	snop;
	(pc) =	sbr.ind lr, $3  }
0x3a: {  	_ = 	snop  }
0x3b: {  	_ = 	snop  }
0x3c: {  	p2 =	seq.s32 s10, $0x1;
	s10 =	sld [smem:$0x3FBA]  }
0x3d: {  	_ =	shalt  }
0x3e: {  	_ =	shalt  }
0x3f: {  	_ =	shalt  }
0x40: {  	_ =	shalt  }
0x41: {  	_ =	shalt  }
0x42: {  	_ =	shalt  }
0x43: {  	_ =	shalt  }
0x44: {  	_ =	shalt  }
0x45: {  	_ =	shalt  }
0x46: {  	_ =	shalt  }
0x47: {  	_ =	shalt  }
0x48: {  	_ =	shalt  }
0x49: {  	_ =	shalt  }
0x4a: {  	_ =	shalt  }
0x4b: {  	_ =	shalt  }
0x4c: {  	_ =	shalt  }
0x4d: {  	_ =	shalt  }
0x4e: {  	_ =	shalt  }
0x4f: {  	_ =	shalt  }
0x50: {  	_ =	shalt  }
0x51: {  	_ =	shalt  }
0x52: {  	_ =	shalt  }
0x53: {  	_ =	shalt  }
0x54: {  	_ =	shalt  }
0x55: {  	_ =	shalt  }
0x56: {  	_ =	shalt  }
0x57: {  	_ =	shalt  }
0x58: {  	_ =	shalt  }
0x59: {  	_ =	shalt  }
0x5a: {  	_ =	shalt  }
0x5b: {  	_ =	shalt  }
0x5c: {  	_ =	shalt  }
0x5d: {  	_ =	shalt  }
0x5e: {  	_ =	shalt  }
0x5f: {  	_ =	shalt  }
0x60: {  	_ =	shalt  }
0x61: {  	_ =	shalt  }
0x62: {  	_ =	shalt  }
0x63: {  	_ =	shalt  }
0x64: {  	_ =	shalt  }
0x65: {  	_ =	shalt  }
0x66: {  	_ =	shalt  }
0x67: {  	_ =	shalt  }
0x68: {  	_ =	shalt  }
0x69: {  	_ =	shalt  }
0x6a: {  	_ =	shalt  }
0x6b: {  	_ =	shalt  }
0x6c: {  	_ =	shalt  }
0x6d: {  	_ =	shalt  }
0x6e: {  	_ =	shalt  }
0x6f: {  	_ =	shalt  }
0x70: {  	_ =	shalt  }
0x71: {  	_ =	shalt  }
0x72: {  	_ =	shalt  }
0x73: {  	_ =	shalt  }
0x74: {  	_ =	shalt  }
0x75: {  	_ =	shalt  }
0x76: {  	_ =	shalt  }
0x77: {  	_ =	shalt  }
0x78: {  	_ =	shalt  }
0x79: {  	_ =	shalt  }
0x7a: {  	_ =	shalt  }
0x7b: {  	_ =	shalt  }
0x7c: {  	_ =	shalt  }
0x7d: {  	_ =	shalt  }
0x7e: {  	_ =	shalt  }
0x7f: {  	_ =	shalt  }
0x80: {  	_ =	shalt  }
0x81: {  	_ =	shalt  }
0x82: {  	_ =	shalt  }
0x83: {  	_ =	shalt  }
0x84: {  	_ =	shalt  }
0x85: {  	_ =	shalt  }
0x86: {  	_ =	shalt  }
0x87: {  	_ =	shalt  }
.Lfunc_end0:
.L_simem_size_0:
called_computation_lowered:
.L_overlay_start_0:
0x88: {  	s0 =	sld [smem:$0x3FD9]  }
0x89: {  	s1 =	sld [smem:$0x3FFE];
	_ =	sdelay $0x3  }
0x8a: {  	s0 =	sadd.s32 s1, s0  }
0x8b: {  	[smem:$0x3FC6] =	sst s0  }
0x8c: {  	_ = 	snop  }
0x8d: {  	s0 =	sld [smem:$0x3FD0];
	(tm) =	ssettm $0x1  }
0x8e: {  	s16 =	sld [smem:$0x3FFB];
	_ =	sdelay $0x3  }
0x8f: {  	_ =	strace s16  }
0x90: {  	s1 =	sld [smem:$0x3FFC];
	_ =	sdelay $0x3  }
0x91: {  	_ =	strace s1  }
0x92: {  	s1 =	sld [smem:$0x3FFD];
	_ =	sdelay $0x3  }
0x93: {  	_ =	strace s1  }
0x94: {  	_ =	strace $0x8FFFFFFF  }
0x95: {  	s17 =	sld [smem:$0x3FDB];
	_ =	sdelay $0x1  }
0x96: {  	s2 =	simm.s32 $_scs_section_size  }
0x97: {  	s3 =	simm.s32 $_size__tile_overlayer_lowered;
	s4 =	simm.s32 $_tile_overlayer_lowered  }
0x98: {  	s20 =	simm.s32 $0x1BFF;
	s19 =	sshll.u32 s4, $0x1;
	s1 =	sadd.s32 s2, s17  }
0x99: {  	s5 =	simm.s32 $0x0;
	s18 =	sshll.u32 s3, $0x1;
	s3 =	sadd.s32 s19, s1  }
0x9a: {  	[timem:s5], [sflag:s20] =	dma.local [hbm:s3], s18  }
0x9b: {  	_ =	swait.ge [sflag:s20], s18  }
0x9c: {  	s2 =	ssub.s32 $0x0, s18;
	[sflag:s20] =	ssyncset.done $0x0  }
0x9d: {  	[sflag:s20] =	ssyncadd.s32 s2;
	_ =	sdelay $0x1  }
0x9e: {  	s21 =	simm.s32 $0x1B8B  }
0x9f: {  	_ =	swait.ge [sflag:s21], $0x1  }
0xa0: {  	[sflag:s21] =	ssyncset.done $0x0  }
0xa1: {  	s23 =	simm.s32 $0x1B8E;
	s22 =	sld [smem:$0x3FFE];
	[sflag:s21] =	ssyncadd.s32 $0xFFFFFFFF  }
0xa2: {  	s24 =	simm.s32 $execute0_lowered;
	[smem:$0x3FD2] =	sst s23  }
0xa3: {  	s3 =	sshll.u32 s24, $0x1;
	_ =	strace $0x80000046;
	[dreg:$0x1] =	wrdreg $0xFFFFFFFF  }
0xa4: {  	s25 =	simm.s32 $_size_execute0_lowered;
	s1 =	sadd.s32 s1, s3;
	[dreg:$0x0] =	wrdreg $0x0  }
0xa5: {  	s3 =	sshll.u32 s25, $0x1;
	[dreg:$0x2] =	wrdreg s1  }
0xa6: {  	[dreg:$0x3] =	wrdreg s3  }
0xa7: {  	[dreg:$0x4] =	wrdreg $0xC0  }
0xa8: {  	_ =	task [dreg:s5], $0x5FFFF  }
0xa9: {  	[dreg:$0x1] =	wrdreg $0xFFFFFFFF  }
0xaa: {  	[dreg:$0x0] =	wrdreg $0x60  }
0xab: {  	[dreg:$0x2] =	wrdreg s22  }
0xac: {  	[dreg:$0x3] =	wrdreg s0  }
0xad: {  	[dreg:$0x4] =	wrdreg $0x17D000  }
0xae: {  	[dreg:$0x5] =	wrdreg $0x9  }
0xaf: {  	_ =	task.clear_ibuf [dreg:s5], $0x6FFFF;
	_ =	strace $0x90000046  }
0xb0: {  	s26 =	simm.s32 $0x9;
	_ =	strace $0x80000048  }
0xb1: {  	_ =	swait.ge [sflag:s26], $0x1  }
0xb2: {  	[sflag:s26] =	ssyncadd.s32 $0xFFFFFFFF  }
0xb3: {  	_ =	strace $0x90000048  }
0xb4: {  	_ =	sfence  }
0xb5: {  	s28 =	sld [smem:$0x0];
	_ =	sdelay $0x1  }
0xb6: {  	s29 =	srdreg.scid  }
0xb7: {  	s30 =	sshll.u32 s29, $0xD;
	s31 =	sshrl.u32 s29, $0x2  }
0xb8: {  	s2 =	sand.u32 $0x4000, s30;
	s1 =	sand.u32 $0x1, s29;
	s0 =	sadd.s32 s31, s28  }
0xb9: {  	s1 =	sor.u32 s2, s1;
	s0 =	sshll.u32 s0, $0x11  }
0xba: {  	s0 =	sor.u32 s0, s1  }
0xbb: {  	s0 =	sadd.s32 $0x8F2B, s0  }
0xbc: {  	[sflag:s0] =	ssyncadd.remote.s32 $0x1  }
0xbd: {  	_ =	sfence.sel $0xFFFF  }
0xbe: {  	[dreg:$0x0] =	wrdreg $0xFFFFFFFF;
	(pc) =	sbr.abs _section_cstart, $3  }
0xbf: {  	[dreg:$0x1] =	wrdreg $0xFFFFFFFF  }
0xc0: {  	_ =	task.clear_ibuf [dreg:s5], $0x2FFFF;
	_ =	strace $0x9FFFFFFF  }
0xc1: {  	(tm) =	ssettm $0x7FFFFFFF  }
tec
execute0_lowered:
.L_overlay_start_1:
0x0: {  	(tag) =	ssettag $0x1  }
0x1: {  	s4 =	rddreg [dreg:$0x0];
	s0 =	stileid.u32  }
0x2: {  	s1 =	rddreg [dreg:$0x1];
	s2 =	smul.u32 $0x186A0, s0  }
0x3: {  	s15 =	rddreg [dreg:$0x2]  }
0x4: {  	s3 =	simm.s32 $0x0;
	s5 =	sadd.s32 $0x800, s4;
	s2 =	sshrl.u32 s2, $0x3  }
0x5: {  	[smem:$0x7FF] =	sst s3;
	s2 =	sadd.s32 s5, s2  }
0x6: {  	s6 =	simm.s32 $0xC400;
	_ =	strace $0x80000047;
	s5 =	sadd.s32 $0x30D40, s2  }
0x7: {  	[tilespmem:s6], [sflag:$0x1] =	stream.linear.gather [hbm4b:s5+s3], $0x2710, $0x38;
	[tilespmem:$0x17D10] =	vst v63  }
0x8: {  	s24 =	simm.s32 $0xEB80;
	s23 =	sadd.s32 $0x31222, s2  }
0x9: {  	[tilespmem:s24], [sflag:$0x2] =	stream.linear.gather [hbm4b:s23+s3], $0x2710, $0x38;
	[tilespmem:$0x17D10] =	vst v63  }
0xa: {  	s26 =	simm.s32 $0x11300;
	s25 =	sadd.s32 $0x31704, s2  }
0xb: {  	[tilespmem:s26], [sflag:$0x3] =	stream.linear.gather [hbm4b:s25+s3], $0x2710, $0x38;
	[tilespmem:$0x17D10] =	vst v63  }
0xc: {  	s28 =	simm.s32 $0x16200;
	s29 =	simm.s32 $0x4  }
0xd: {  	[tilespmem:s28], [sflag:$0x4] =	stream.linear.gather [hbm4b:s1+s3], $0x80, $0x38;
	[tilespmem:$0x17D10] =	vst v63  }
0xe: {  	_ =	swait.ge [sflag:s29], $0x80  }
0xf: {  	[sflag:s29] =	ssyncset.done $0x0  }
0x10: {  	[sflag:s29] =	ssyncadd.s32 $0xFFFFFF80  }
0x11: {  	s30 =	simm.s32 $0x1;
	[smem:$0x0] =	sst s3  }
0x12: {  	v0 =	vld [tilespmem:$0x16200];
	_ =	swait.ge [sflag:s30], $0x2710  }
0x13: {  	[sflag:s30] =	ssyncset.done $0x0  }
0x14: {  	s31 =	simm.s32 $0xC420;
	[sflag:s30] =	ssyncadd.s32 $0xFFFFD8F0  }
0x15: {  	v2 =	vld [tilespmem:s31+$0xFFFFFFE0]  }
0x16: {  	v3 =	vld [tilespmem:s31+$0xFFFFFFF0]  }
0x17: {  	v5 =	vld [tilespmem:s31+$0x0]  }
0x18: {  	v6 =	vld [tilespmem:s31+$0x10]  }
0x19: {  	v7 =	vld [tilespmem:s31+$0x20]  }
0x1a: {  	v1 =	vimm.s32 $0x0;
	s1 =	simm.s32 $0xC470;
	vm0 =	veq.s32 v2, v0  }
0x1b: {  	v4 =	vld [tilespmem:s1+$0xFFFFFFE0];
	vm12 =	veq.s32 v3, v0;
	v8 =	vsel vm0, $0x1, v1  }
0x1c: {  	v2 =	vld [tilespmem:s1+$0xFFFFFFF0];
	vm13 =	veq.s32 v5, v0;
	v9 =	vsel vm12, $0x1, v1;
	v8 =	vadd.s32 v8, v1  }
0x1d: {  	v3 =	vld [tilespmem:s1+$0x0];
	vm14 =	veq.s32 v6, v0;
	v8 =	vadd.s32 v9, v8;
	v9 =	vsel vm13, $0x1, v1  }
0x1e: {  	v5 =	vld [tilespmem:s1+$0x10];
	vm15 =	veq.s32 v7, v0;
	v8 =	vadd.s32 v9, v8;
	v9 =	vsel vm14, $0x1, v1  }
0x1f: {  	s9 =	sadd.s32 $0x62400, s4;
	s3 =	sadd.s32 $0x7AC00, s4;
	s4 =	simm.s32 $0x50;
	v6 =	vld [tilespmem:s1+$0x20];
	v7 =	vadd.s32 v9, v8;
	v8 =	vsel vm15, $0x1, v1  }
.LBB2_1:
0x20: {  	s4 =	sadd.s32 $0x50, s4  }
0x21: {  	vm0 =	veq.s32 v4, v0;
	s1 =	sadd.s32 $0x50, s1;
	v7 =	vadd.s32 v8, v7;
	p0 =	slt.u32 s4, $0x26C0  }
.Ltmp0:
0x22: {  	v4 =	vld [tilespmem:s1+$0xFFFFFFE0];
	v8 =	vsel vm0, $0x1, v1;
	vm0 =	veq.s32 v2, v0;
	(pc) =	sbr.rel @p0 .LBB2_1-.Ltmp0, $4  }
0x23: {  	v2 =	vld [tilespmem:s1+$0xFFFFFFF0];
	v7 =	vadd.s32 v8, v7;
	v8 =	vsel vm0, $0x1, v1;
	vm0 =	veq.s32 v3, v0  }
0x24: {  	v3 =	vld [tilespmem:s1+$0x0];
	v7 =	vadd.s32 v8, v7;
	v8 =	vsel vm0, $0x1, v1;
	vm0 =	veq.s32 v5, v0  }
0x25: {  	v5 =	vld [tilespmem:s1+$0x10];
	v7 =	vadd.s32 v8, v7;
	v8 =	vsel vm0, $0x1, v1;
	vm0 =	veq.s32 v6, v0  }
0x26: {  	v6 =	vld [tilespmem:s1+$0x20];
	v7 =	vadd.s32 v8, v7;
	v8 =	vsel vm0, $0x1, v1  }
0x27: {  	vm0 =	veq.s32 v4, v0  }
0x28: {  	v61 =	vadd.s32 v8, v7;
	v62 =	vsel vm0, $0x1, v1;
	vm12 =	veq.s32 v2, v0  }
0x29: {  	v2 =	vadd.s32 v62, v61;
	v63 =	vsel vm12, $0x1, v1;
	vm13 =	veq.s32 v3, v0  }
0x2a: {  	v2 =	vadd.s32 v63, v2;
	v3 =	vsel vm13, $0x1, v1;
	vm14 =	veq.s32 v5, v0  }
0x2b: {  	v2 =	vadd.s32 v3, v2;
	v3 =	vsel vm14, $0x1, v1;
	vm15 =	veq.s32 v6, v0  }
0x2c: {  	v2 =	vadd.s32 v3, v2;
	v1 =	vsel vm15, $0x1, v1  }
0x2d: {  	v1 =	vadd.s32 v1, v2  }
0x2e: {  	v1 =	vxor.u32 $0x80000000, v1  }
0x2f: {  	(xrf0) =	vmax.scan.msk.u32 $0xffff, v1;
	_ =	sdelay $0x5  }
0x30: {  	v1, _, _ =	vpop (xrf0)  }
0x31: {  	(v2sf) =	vpush v1, $0xF;
	_ =	sdelay $0xe  }
0x32: {  	s5 =	spop (v2sf)  }
0x33: {  	p0 =	slt.u32 s5, $0x80000001  }
.Ltmp1:
0x34: {  	_ = 	snop;
	(pc) =	sbr.rel @p0 .LBB2_8-.Ltmp1, $3  }
0x35: {  	s4 =	smul.u32 $0xC40, s0;
	_ =	sdelay $0x1  }
0x36: {  	s1 =	sadd.s32 $0x31BE6, s2;
	s10 =	sshrl.u32 s4, $0x3  }
0x37: {  	s11 =	smul.u32 $0x1880, s0;
	s12 =	sshll.u32 s0, $0x4;
	s19 =	sadd.s32 s9, s10  }
0x38: {  	s4 =	simm.s32 $0x0;
	s5 =	simm.s32 $0x13A80;
	s31 =	simm.s32 $0x4  }
0x39: {  	[tilespmem:s5], [sflag:$0x4] =	stream.linear.gather [hbm4b:s2+s4], $0x2710, $0x38;
	[tilespmem:$0x17D10] =	vst v63  }
0x3a: {  	_ =	swait.ge [sflag:s31], $0x2710  }
0x3b: {  	[sflag:s31] =	ssyncset.done $0x0  }
0x3c: {  	v1 =	vimm.f32 $0.0e+00;
	s4 =	simm.s32 $0x40;
	[sflag:s31] =	ssyncadd.s32 $0xFFFFD8F0  }
0x3d: {  	[tilespmem:s4+$0xFFFFFFC0] =	vst v1  }
0x3e: {  	[tilespmem:s4+$0x30] =	vst v1  }
0x3f: {  	[tilespmem:s4+$0x20] =	vst v1  }
0x40: {  	[tilespmem:s4+$0x10] =	vst v1  }
0x41: {  	[tilespmem:s4+$0x0] =	vst v1  }
0x42: {  	[tilespmem:s4+$0xFFFFFFF0] =	vst v1  }
0x43: {  	s5 =	simm.s32 $0x0;
	[tilespmem:s4+$0xFFFFFFE0] =	vst v1  }
.LBB2_4:
0x44: {  	s5 =	sadd.s32 $0x80, s5;
	[tilespmem:s4+$0xFFFFFFD0] =	vst v1;
	s4 =	sadd.s32 $0x80, s4  }
0x45: {  	[tilespmem:s4+$0xFFFFFFC0] =	vst v1;
	p0 =	slt.u32 s5, $0xC380  }
0x46: {  	[tilespmem:s4+$0x30] =	vst v1  }
.Ltmp2:
0x47: {  	[tilespmem:s4+$0x20] =	vst v1;
	(pc) =	sbr.rel @p0 .LBB2_4-.Ltmp2, $4  }
0x48: {  	[tilespmem:s4+$0x10] =	vst v1  }
0x49: {  	[tilespmem:s4+$0x0] =	vst v1  }
0x4a: {  	[tilespmem:s4+$0xFFFFFFF0] =	vst v1  }
0x4b: {  	[tilespmem:s4+$0xFFFFFFE0] =	vst v1  }
0x4c: {  	[tilespmem:s4+$0xFFFFFFD0] =	vst v1;
	s31 =	simm.s32 $0xC420  }
0x4d: {  	s5 =	simm.s32 $0x13AA0;
	v2 =	vld [tilespmem:s31+$0x20]  }
0x4e: {  	v8 =	vld [tilespmem:s5+$0x20]  }
0x4f: {  	v1 =	vld [tilespmem:s5+$0xFFFFFFE0]  }
0x50: {  	v3 =	vld [tilespmem:s31+$0xFFFFFFF0]  }
0x51: {  	v11 =	vld [tilespmem:s5+$0xFFFFFFF0]  }
0x52: {  	v6 =	vld [tilespmem:s31+$0x0]  }
0x53: {  	v12 =	vld [tilespmem:s5+$0x0]  }
0x54: {  	v7 =	vld [tilespmem:s31+$0x10];
	vm0 =	veq.s32 v2, v0;
	vm1 =	vne.s32 v8, v0  }
0x55: {  	v4 =	vld [tilespmem:s5+$0x10];
	vm0 =	vmand vm0, vm1  }
0x56: {  	s7 =	simm.s32 $0xC470;
	v10 =	vld [tilespmem:s31+$0xFFFFFFE0]  }
0x57: {  	v13 =	vld [tilespmem:s7+$0x20];
	s5 =	simm.s32 $0x13AF0;
	vm2 =	vne.s32 v11, v0;
	vm1 =	veq.s32 v3, v0  }
0x58: {  	v5 =	vld [tilespmem:s5+$0x20];
	vm3 =	vmand vm1, vm2  }
0x59: {  	v14 =	vld [tilespmem:s7+$0xFFFFFFF0];
	v3 =	vimm.f32 $1.000000000e+00;
	vm1 =	veq.s32 v6, v0;
	vm2 =	vne.s32 v12, v0  }
0x5a: {  	s4 =	simm.s32 $0x0;
	v2 =	vld [tilespmem:s5+$0xFFFFFFE0];
	vm5 =	vmand vm1, vm2;
	vm1 =	veq.s32 v7, v0;
	vm2 =	vne.s32 v4, v0  }
0x5b: {  	vm4 =	veq.s32 v10, v0;
	v6 =	vld [tilespmem:s5+$0xFFFFFFF0];
	vm1 =	vmand vm1, vm2;
	[tilespmem:v8+s4+$0x0] =	vst.idx.msk vm0, v3;
	vm0 =	vne.s32 v1, v0  }
0x5c: {  	v9 =	vld [tilespmem:s7+$0x0];
	vm2 =	vmand vm4, vm0  }
0x5d: {  	vm6 =	veq.s32 v13, v0;
	v7 =	vld [tilespmem:s5+$0x0];
	vm4 =	vne.s32 v5, v0  }
0x5e: {  	v10 =	vld [tilespmem:s7+$0x10];
	[tilespmem:v11+s4+$0x0] =	vst.idx.msk vm3, v3;
	vm3 =	vmand vm6, vm4  }
0x5f: {  	s6 =	simm.s32 $0x1;
	v8 =	vld [tilespmem:s5+$0x10];
	vm0 =	vne.s32 v2, v0  }
0x60: {  	[smem:$0x0] =	sst s6;
	s6 =	simm.s32 $0x50;
	v11 =	vld [tilespmem:s7+$0xFFFFFFE0];
	s7 =	simm.s32 $0xC4C0;
	vm4 =	veq.s32 v14, v0;
	[tilespmem:v12+s4+$0x0] =	vst.idx.msk vm5, v3;
	vm5 =	vne.s32 v6, v0  }
.LBB2_6:
0x61: {  	v12 =	vld [tilespmem:s7+$0x20];
	vm4 =	vmand vm4, vm5;
	vm5 =	veq.s32 v9, v0;
	s5 =	sadd.s32 $0x50, s5;
	[tilespmem:v4+s4+$0x0] =	vst.idx.msk vm1, v3  }
0x62: {  	s6 =	sadd.s32 $0x50, s6;
	v13 =	vld [tilespmem:s5+$0x20];
	vm1 =	vne.s32 v7, v0;
	[tilespmem:v1+s4+$0x0] =	vst.idx.msk vm2, v3;
	v1 =	vmov v2;
	v14 =	vmov v7  }
0x63: {  	p0 =	slt.u32 s6, $0x26C0;
	v2 =	vld [tilespmem:s5+$0xFFFFFFE0];
	vm5 =	vmand vm5, vm1;
	vm1 =	veq.s32 v10, v0  }
0x64: {  	v15 =	vld [tilespmem:s7+$0xFFFFFFF0];
	vm2 =	vne.s32 v8, v0;
	[tilespmem:v5+s4+$0x0] =	vst.idx.msk vm3, v3;
	v4 =	vmov v8  }
0x65: {  	v16 =	vld [tilespmem:s5+$0xFFFFFFF0];
	vm3 =	veq.s32 v11, v0;
	vm1 =	vmand vm1, vm2  }
.Ltmp3:
0x66: {  	v9 =	vld [tilespmem:s7+$0x0];
	vm2 =	vmand vm3, vm0;
	(pc) =	sbr.rel @p0 .LBB2_6-.Ltmp3, $4  }
0x67: {  	vm3 =	veq.s32 v12, v0;
	v7 =	vld [tilespmem:s5+$0x0];
	vm6 =	vne.s32 v13, v0;
	[tilespmem:v6+s4+$0x0] =	vst.idx.msk vm4, v3;
	v5 =	vmov v13  }
0x68: {  	vm0 =	vne.s32 v2, v0;
	v10 =	vld [tilespmem:s7+$0x10];
	vm3 =	vmand vm3, vm6  }
0x69: {  	vm4 =	veq.s32 v15, v0;
	v8 =	vld [tilespmem:s5+$0x10];
	[tilespmem:v14+s4+$0x0] =	vst.idx.msk vm5, v3  }
0x6a: {  	v11 =	vld [tilespmem:s7+$0xFFFFFFE0];
	vm5 =	vne.s32 v16, v0;
	s7 =	sadd.s32 $0x50, s7;
	v6 =	vmov v16  }
0x6b: {  	_ =	sdelay $0x1  }
0x6c: {  	vm4 =	vmand vm4, vm5;
	vm13 =	veq.s32 v9, v0;
	vm6 =	vne.s32 v7, v0  }
0x6d: {  	vm5 =	vmand vm13, vm6;
	vm14 =	veq.s32 v10, v0;
	vm7 =	vne.s32 v8, v0  }
0x6e: {  	vm6 =	vmand vm14, vm7;
	vm15 =	veq.s32 v11, v0  }
0x6f: {  	[tilespmem:v4+s4+$0x0] =	vst.idx.msk vm1, v3;
	vm0 =	vmand vm15, vm0  }
0x70: {  	[tilespmem:v1+s4+$0x0] =	vst.idx.msk vm2, v3  }
0x71: {  	[tilespmem:v5+s4+$0x0] =	vst.idx.msk vm3, v3  }
0x72: {  	[tilespmem:v6+s4+$0x0] =	vst.idx.msk vm4, v3  }
0x73: {  	[tilespmem:v7+s4+$0x0] =	vst.idx.msk vm5, v3  }
0x74: {  	[tilespmem:v8+s4+$0x0] =	vst.idx.msk vm6, v3  }
0x75: {  	[tilespmem:v2+s4+$0x0] =	vst.idx.msk vm0, v3  }
.LBB2_8:
0x76: {  	s4 =	simm.s32 $0x0;
	s5 =	simm.s32 $0xC400;
	s22 =	simm.s32 $0x2  }
0x77: {  	[tilespmem:s5], [sflag:$0x1] =	stream.linear.gather [hbm4b:s1+s4], $0x2710, $0x38;
	[tilespmem:$0x17D10] =	vst v63  }
0x78: {  	_ =	swait.ge [sflag:s22], $0x2710  }
0x79: {  	[sflag:s22] =	ssyncset.done $0x0  }
0x7a: {  	s13 =	sadd.s32 $0x4E2, s2;
	s14 =	simm.s32 $0xEBA0;
	[sflag:s22] =	ssyncadd.s32 $0xFFFFD8F0  }
0x7b: {  	s8 =	sadd.s32 $0x320C8, s2;
	s7 =	sadd.s32 $0x9C4, s2;
	s6 =	sadd.s32 $0x325AA, s2;
	v2 =	vld [tilespmem:s14+$0xFFFFFFE0]  }
0x7c: {  	s31 =	sadd.s32 $0x32F6E, s2;
	s30 =	sadd.s32 $0x186A, s2;
	s23 =	sadd.s32 $0x2BF2, s2;
	v3 =	vld [tilespmem:s14+$0xFFFFFFF0]  }
0x7d: {  	s21 =	sadd.s32 s12, s15;
	s15 =	sadd.s32 $0x1880, s19;
	v4 =	vld [tilespmem:s14+$0x0];
	[dreg:$0xa] =	wrdreg s23  }
0x7e: {  	s29 =	sadd.s32 $0x33450, s2;
	s16 =	sadd.s32 $0x3100, s19;
	v5 =	vld [tilespmem:s14+$0x10];
	[dreg:$0x9] =	wrdreg s15  }
0x7f: {  	s28 =	sadd.s32 $0x1D4C, s2;
	s17 =	sadd.s32 $0x4980, s19;
	v6 =	vld [tilespmem:s14+$0x20];
	[dreg:$0x8] =	wrdreg s16  }
0x80: {  	s26 =	sadd.s32 $0x33932, s2;
	s18 =	sadd.s32 $0x6200, s19;
	[dreg:$0x7] =	wrdreg s17  }
0x81: {  	s25 =	sadd.s32 $0x222E, s2;
	s20 =	sadd.s32 $0x7A80, s19;
	[dreg:$0x6] =	wrdreg s18  }
0x82: {  	s24 =	sadd.s32 $0x2710, s2;
	s23 =	sadd.s32 $0x9300, s19;
	[dreg:$0x5] =	wrdreg s20  }
0x83: {  	v1 =	vimm.s32 $0x0;
	s22 =	sadd.s32 s9, s11;
	s9 =	simm.s32 $0xEBF0;
	[dreg:$0x4] =	wrdreg s23;
	vm0 =	veq.s32 v2, v0  }
0x84: {  	s10 =	sadd.s32 s3, s10;
	s3 =	sadd.s32 $0x16F8, s3;
	s12 =	sadd.s32 $0x16F80, s19;
	v2 =	vld [tilespmem:s9+$0xFFFFFFE0];
	vm12 =	veq.s32 v3, v0;
	v7 =	vsel vm0, $0x1, v1  }
0x85: {  	s5 =	sadd.s32 $0xEA6, s2;
	s4 =	sadd.s32 $0x32A8C, s2;
	s1 =	sadd.s32 $0x1388, s2;
	v3 =	vld [tilespmem:s9+$0xFFFFFFF0];
	vm13 =	veq.s32 v4, v0;
	v8 =	vsel vm12, $0x1, v1;
	v7 =	vadd.s32 v7, v1  }
0x86: {  	s2 =	simm.s32 $0x50;
	s11 =	sadd.s32 $0x15700, s19;
	s15 =	sadd.s32 $0x12600, s19;
	v4 =	vld [tilespmem:s9+$0x0];
	vm14 =	veq.s32 v5, v0;
	v7 =	vadd.s32 v8, v7;
	v8 =	vsel vm13, $0x1, v1  }
0x87: {  	s23 =	sadd.s32 $0xAB80, s19;
	s20 =	sadd.s32 $0xC400, s19;
	s18 =	sadd.s32 $0xDC80, s19;
	v5 =	vld [tilespmem:s9+$0x10];
	vm15 =	veq.s32 v6, v0;
	v7 =	vadd.s32 v8, v7;
	v8 =	vsel vm14, $0x1, v1  }
0x88: {  	s17 =	sadd.s32 $0xF500, s19;
	s16 =	sadd.s32 $0x10D80, s19;
	s14 =	sadd.s32 $0x13E80, s19;
	v6 =	vld [tilespmem:s9+$0x20];
	v7 =	vadd.s32 v8, v7;
	v8 =	vsel vm15, $0x1, v1  }
.LBB2_9:
0x89: {  	s2 =	sadd.s32 $0x50, s2  }
0x8a: {  	vm0 =	veq.s32 v2, v0;
	s9 =	sadd.s32 $0x50, s9;
	v7 =	vadd.s32 v8, v7;
	p0 =	slt.u32 s2, $0x26C0  }
.Ltmp4:
0x8b: {  	v2 =	vld [tilespmem:s9+$0xFFFFFFE0];
	v8 =	vsel vm0, $0x1, v1;
	vm0 =	veq.s32 v3, v0;
	(pc) =	sbr.rel @p0 .LBB2_9-.Ltmp4, $4  }
0x8c: {  	v3 =	vld [tilespmem:s9+$0xFFFFFFF0];
	v7 =	vadd.s32 v8, v7;
	v8 =	vsel vm0, $0x1, v1;
	vm0 =	veq.s32 v4, v0  }
0x8d: {  	v4 =	vld [tilespmem:s9+$0x0];
	v7 =	vadd.s32 v8, v7;
	v8 =	vsel vm0, $0x1, v1;
	vm0 =	veq.s32 v5, v0  }
0x8e: {  	v5 =	vld [tilespmem:s9+$0x10];
	v7 =	vadd.s32 v8, v7;
	v8 =	vsel vm0, $0x1, v1;
	vm0 =	veq.s32 v6, v0  }
0x8f: {  	v6 =	vld [tilespmem:s9+$0x20];
	v7 =	vadd.s32 v8, v7;
	v8 =	vsel vm0, $0x1, v1  }
0x90: {  	vm0 =	veq.s32 v2, v0  }
0x91: {  	v2 =	vadd.s32 v8, v7;
	v63 =	vsel vm0, $0x1, v1;
	vm12 =	veq.s32 v3, v0  }
0x92: {  	v2 =	vadd.s32 v63, v2;
	v3 =	vsel vm12, $0x1, v1;
	vm13 =	veq.s32 v4, v0  }
0x93: {  	v2 =	vadd.s32 v3, v2;
	v3 =	vsel vm13, $0x1, v1;
	vm14 =	veq.s32 v5, v0  }
0x94: {  	v2 =	vadd.s32 v3, v2;
	v3 =	vsel vm14, $0x1, v1;
	vm15 =	veq.s32 v6, v0  }
0x95: {  	v2 =	vadd.s32 v3, v2;
	v1 =	vsel vm15, $0x1, v1  }
0x96: {  	v1 =	vadd.s32 v1, v2  }
0x97: {  	v1 =	vxor.u32 $0x80000000, v1  }
0x98: {  	(xrf0) =	vmax.scan.msk.u32 $0xffff, v1;
	_ =	sdelay $0x5  }
0x99: {  	v1, _, _ =	vpop (xrf0)  }
0x9a: {  	(v2sf) =	vpush v1, $0xF;
	_ =	sdelay $0xe  }
0x9b: {  	s2 =	spop (v2sf)  }
0x9c: {  	p0 =	slt.u32 s2, $0x80000001  }
.Ltmp5:
0x9d: {  	_ = 	snop;
	(pc) =	sbr.rel @p0 .LBB2_18-.Ltmp5, $1  }
0x9e: {  	_ =	sdelay $0x3  }
0x9f: {  	s9 =	simm.s32 $0x0;
	s2 =	simm.s32 $0x13A80  }
0xa0: {  	[tilespmem:s2], [sflag:$0x4] =	stream.linear.gather [hbm4b:s13+s9], $0x2710, $0x38;
	[tilespmem:$0x17D10] =	vst v63  }
0xa1: {  	s13 =	simm.s32 $0x4  }
0xa2: {  	_ =	swait.ge [sflag:s13], $0x2710  }
0xa3: {  	[sflag:s13] =	ssyncset.done $0x0  }
0xa4: {  	[sflag:s13] =	ssyncadd.s32 $0xFFFFD8F0  }
0xa5: {  	s2 =	sld [smem:$0x0];
	_ =	sdelay $0x2  }
0xa6: {  	p0 =	sne.s32 s2, $0x0  }
.Ltmp6:
0xa7: {  	_ = 	snop;
	(pc) =	sbr.rel @p0 .LBB2_15-.Ltmp6, $4  }
0xa8: {  	s0 =	smov.u32 s23;
	s23 =	smov.u32 s20  }
0xa9: {  	s20 =	smov.u32 s18;
	s18 =	smov.u32 s17;
	s17 =	smov.u32 s16  }
0xaa: {  	s16 =	smov.u32 s15;
	s15 =	smov.u32 s14;
	s14 =	smov.u32 s11  }
0xab: {  	s11 =	smov.u32 s12;
	s12 =	smov.u32 s3;
	s3 =	smov.u32 s10  }
0xac: {  	s2 =	simm.s32 $0x40;
	v1 =	vimm.f32 $0.0e+00  }
0xad: {  	[tilespmem:s2+$0xFFFFFFC0] =	vst v1  }
0xae: {  	[tilespmem:s2+$0x30] =	vst v1  }
0xaf: {  	[tilespmem:s2+$0x20] =	vst v1  }
0xb0: {  	[tilespmem:s2+$0x10] =	vst v1  }
0xb1: {  	[tilespmem:s2+$0x0] =	vst v1  }
0xb2: {  	[tilespmem:s2+$0xFFFFFFF0] =	vst v1  }
0xb3: {  	s10 =	simm.s32 $0x0;
	[tilespmem:s2+$0xFFFFFFE0] =	vst v1  }
.LBB2_13:
0xb4: {  	s10 =	sadd.s32 $0x80, s10;
	[tilespmem:s2+$0xFFFFFFD0] =	vst v1;
	s2 =	sadd.s32 $0x80, s2  }
0xb5: {  	[tilespmem:s2+$0xFFFFFFC0] =	vst v1;
	p0 =	slt.u32 s10, $0xC380  }
0xb6: {  	[tilespmem:s2+$0x30] =	vst v1  }
.Ltmp7:
0xb7: {  	[tilespmem:s2+$0x20] =	vst v1;
	(pc) =	sbr.rel @p0 .LBB2_13-.Ltmp7, $4  }
0xb8: {  	[tilespmem:s2+$0x10] =	vst v1  }
0xb9: {  	[tilespmem:s2+$0x0] =	vst v1  }
0xba: {  	[tilespmem:s2+$0xFFFFFFF0] =	vst v1  }
0xbb: {  	[tilespmem:s2+$0xFFFFFFE0] =	vst v1  }
0xbc: {  	[tilespmem:s2+$0xFFFFFFD0] =	vst v1  }
.LBB2_15:
0xbd: {  	s2 =	simm.s32 $0xEBA0  }
0xbe: {  	s10 =	simm.s32 $0x13AA0;
	v2 =	vld [tilespmem:s2+$0x20]  }
0xbf: {  	v8 =	vld [tilespmem:s10+$0x20]  }
0xc0: {  	v1 =	vld [tilespmem:s10+$0xFFFFFFE0]  }
0xc1: {  	v3 =	vld [tilespmem:s2+$0xFFFFFFF0]  }
0xc2: {  	v11 =	vld [tilespmem:s10+$0xFFFFFFF0]  }
0xc3: {  	v6 =	vld [tilespmem:s2+$0x0]  }
0xc4: {  	v12 =	vld [tilespmem:s10+$0x0]  }
0xc5: {  	v7 =	vld [tilespmem:s2+$0x10];
	vm0 =	veq.s32 v2, v0;
	vm1 =	vne.s32 v8, v0  }
0xc6: {  	v4 =	vld [tilespmem:s10+$0x10];
	vm0 =	vmand vm0, vm1  }
0xc7: {  	s13 =	simm.s32 $0x13AF0;
	v10 =	vld [tilespmem:s2+$0xFFFFFFE0]  }
0xc8: {  	s2 =	simm.s32 $0xEBF0;
	v5 =	vld [tilespmem:s13+$0x20];
	vm2 =	vne.s32 v11, v0;
	vm1 =	veq.s32 v3, v0  }
0xc9: {  	v13 =	vld [tilespmem:s2+$0x20];
	vm3 =	vmand vm1, vm2  }
0xca: {  	v14 =	vld [tilespmem:s2+$0xFFFFFFF0];
	v3 =	vimm.f32 $1.000000000e+00;
	vm1 =	veq.s32 v6, v0;
	vm2 =	vne.s32 v12, v0  }
0xcb: {  	v2 =	vld [tilespmem:s13+$0xFFFFFFE0];
	vm5 =	vmand vm1, vm2;
	vm1 =	veq.s32 v7, v0;
	vm2 =	vne.s32 v4, v0  }
0xcc: {  	vm4 =	veq.s32 v10, v0;
	v6 =	vld [tilespmem:s13+$0xFFFFFFF0];
	vm1 =	vmand vm1, vm2;
	[tilespmem:v8+s9+$0x0] =	vst.idx.msk vm0, v3;
	vm0 =	vne.s32 v1, v0  }
0xcd: {  	v9 =	vld [tilespmem:s2+$0x0];
	vm2 =	vmand vm4, vm0  }
0xce: {  	vm6 =	veq.s32 v13, v0;
	v7 =	vld [tilespmem:s13+$0x0];
	vm4 =	vne.s32 v5, v0  }
0xcf: {  	v10 =	vld [tilespmem:s2+$0x10];
	[tilespmem:v11+s9+$0x0] =	vst.idx.msk vm3, v3;
	vm3 =	vmand vm6, vm4  }
0xd0: {  	s10 =	simm.s32 $0x1;
	v8 =	vld [tilespmem:s13+$0x10];
	vm0 =	vne.s32 v2, v0  }
0xd1: {  	[smem:$0x0] =	sst s10;
	s10 =	simm.s32 $0x50;
	v11 =	vld [tilespmem:s2+$0xFFFFFFE0];
	s2 =	simm.s32 $0xEC40;
	vm4 =	veq.s32 v14, v0;
	[tilespmem:v12+s9+$0x0] =	vst.idx.msk vm5, v3;
	vm5 =	vne.s32 v6, v0  }
.LBB2_16:
0xd2: {  	v12 =	vld [tilespmem:s2+$0x20];
	vm4 =	vmand vm4, vm5;
	vm5 =	veq.s32 v9, v0;
	s13 =	sadd.s32 $0x50, s13;
	[tilespmem:v4+s9+$0x0] =	vst.idx.msk vm1, v3  }
0xd3: {  	s10 =	sadd.s32 $0x50, s10;
	v13 =	vld [tilespmem:s13+$0x20];
	vm1 =	vne.s32 v7, v0;
	[tilespmem:v1+s9+$0x0] =	vst.idx.msk vm2, v3;
	v1 =	vmov v2;
	v14 =	vmov v7  }
0xd4: {  	p0 =	slt.u32 s10, $0x26C0;
	v2 =	vld [tilespmem:s13+$0xFFFFFFE0];
	vm5 =	vmand vm5, vm1;
	vm1 =	veq.s32 v10, v0  }
0xd5: {  	v15 =	vld [tilespmem:s2+$0xFFFFFFF0];
	vm2 =	vne.s32 v8, v0;
	[tilespmem:v5+s9+$0x0] =	vst.idx.msk vm3, v3;
	v4 =	vmov v8  }
0xd6: {  	v16 =	vld [tilespmem:s13+$0xFFFFFFF0];
	vm3 =	veq.s32 v11, v0;
	vm1 =	vmand vm1, vm2  }
.Ltmp8:
0xd7: {  	v9 =	vld [tilespmem:s2+$0x0];
	vm2 =	vmand vm3, vm0;
	(pc) =	sbr.rel @p0 .LBB2_16-.Ltmp8, $4  }
0xd8: {  	vm3 =	veq.s32 v12, v0;
	v7 =	vld [tilespmem:s13+$0x0];
	vm6 =	vne.s32 v13, v0;
	[tilespmem:v6+s9+$0x0] =	vst.idx.msk vm4, v3;
	v5 =	vmov v13  }
0xd9: {  	vm0 =	vne.s32 v2, v0;
	v10 =	vld [tilespmem:s2+$0x10];
	vm3 =	vmand vm3, vm6  }
0xda: {  	vm4 =	veq.s32 v15, v0;
	v8 =	vld [tilespmem:s13+$0x10];
	[tilespmem:v14+s9+$0x0] =	vst.idx.msk vm5, v3  }
0xdb: {  	v11 =	vld [tilespmem:s2+$0xFFFFFFE0];
	vm5 =	vne.s32 v16, v0;
	s2 =	sadd.s32 $0x50, s2;
	v6 =	vmov v16  }
0xdc: {  	_ =	sdelay $0x1  }
0xdd: {  	vm4 =	vmand vm4, vm5;
	vm13 =	veq.s32 v9, v0;
	vm6 =	vne.s32 v7, v0  }
0xde: {  	vm5 =	vmand vm13, vm6;
	vm14 =	veq.s32 v10, v0;
	vm7 =	vne.s32 v8, v0  }
0xdf: {  	vm6 =	vmand vm14, vm7;
	vm15 =	veq.s32 v11, v0  }
0xe0: {  	[tilespmem:v4+s9+$0x0] =	vst.idx.msk vm1, v3;
	vm0 =	vmand vm15, vm0  }
0xe1: {  	[tilespmem:v1+s9+$0x0] =	vst.idx.msk vm2, v3  }
0xe2: {  	[tilespmem:v5+s9+$0x0] =	vst.idx.msk vm3, v3  }
0xe3: {  	s10 =	smov.u32 s3;
	s3 =	smov.u32 s12;
	s12 =	smov.u32 s11;
	[tilespmem:v6+s9+$0x0] =	vst.idx.msk vm4, v3  }
0xe4: {  	s11 =	smov.u32 s14;
	s14 =	smov.u32 s15;
	s15 =	smov.u32 s16;
	[tilespmem:v7+s9+$0x0] =	vst.idx.msk vm5, v3  }
0xe5: {  	s16 =	smov.u32 s17;
	s17 =	smov.u32 s18;
	s18 =	smov.u32 s20;
	[tilespmem:v8+s9+$0x0] =	vst.idx.msk vm6, v3  }
0xe6: {  	s20 =	smov.u32 s23;
	s23 =	smov.u32 s0;
	s0 =	stileid.u32;
	[tilespmem:v2+s9+$0x0] =	vst.idx.msk vm0, v3  }
.LBB2_18:
0xe7: {  	s2 =	simm.s32 $0x0;
	s9 =	simm.s32 $0xEB80  }
0xe8: {  	[tilespmem:s9], [sflag:$0x2] =	stream.linear.gather [hbm4b:s8+s2], $0x2710, $0x38;
	[tilespmem:$0x17D10] =	vst v63  }
0xe9: {  	s9 =	simm.s32 $0x3  }
0xea: {  	_ =	swait.ge [sflag:s9], $0x2710  }
0xeb: {  	[sflag:s9] =	ssyncset.done $0x0  }
0xec: {  	s13 =	simm.s32 $0x11320;
	[sflag:s9] =	ssyncadd.s32 $0xFFFFD8F0  }
0xed: {  	v2 =	vld [tilespmem:s13+$0xFFFFFFE0]  }
0xee: {  	v3 =	vld [tilespmem:s13+$0xFFFFFFF0]  }
0xef: {  	v5 =	vld [tilespmem:s13+$0x0]  }
0xf0: {  	v6 =	vld [tilespmem:s13+$0x10]  }
0xf1: {  	v7 =	vld [tilespmem:s13+$0x20]  }
0xf2: {  	v1 =	vimm.s32 $0x0;
	s2 =	simm.s32 $0x11370;
	vm0 =	veq.s32 v2, v0  }
0xf3: {  	v4 =	vld [tilespmem:s2+$0xFFFFFFE0];
	vm12 =	veq.s32 v3, v0;
	v8 =	vsel vm0, $0x1, v1  }
0xf4: {  	v2 =	vld [tilespmem:s2+$0xFFFFFFF0];
	vm13 =	veq.s32 v5, v0;
	v9 =	vsel vm12, $0x1, v1;
	v8 =	vadd.s32 v8, v1  }
0xf5: {  	v3 =	vld [tilespmem:s2+$0x0];
	vm14 =	veq.s32 v6, v0;
	v8 =	vadd.s32 v9, v8;
	v9 =	vsel vm13, $0x1, v1  }
0xf6: {  	v5 =	vld [tilespmem:s2+$0x10];
	vm15 =	veq.s32 v7, v0;
	v8 =	vadd.s32 v9, v8;
	v9 =	vsel vm14, $0x1, v1  }
0xf7: {  	s8 =	simm.s32 $0x50;
	v6 =	vld [tilespmem:s2+$0x20];
	v7 =	vadd.s32 v9, v8;
	v8 =	vsel vm15, $0x1, v1  }
.LBB2_19:
0xf8: {  	s8 =	sadd.s32 $0x50, s8  }
0xf9: {  	vm0 =	veq.s32 v4, v0;
	s2 =	sadd.s32 $0x50, s2;
	v7 =	vadd.s32 v8, v7;
	p0 =	slt.u32 s8, $0x26C0  }
.Ltmp9:
0xfa: {  	v4 =	vld [tilespmem:s2+$0xFFFFFFE0];
	v8 =	vsel vm0, $0x1, v1;
	vm0 =	veq.s32 v2, v0;
	(pc) =	sbr.rel @p0 .LBB2_19-.Ltmp9, $4  }
0xfb: {  	v2 =	vld [tilespmem:s2+$0xFFFFFFF0];
	v7 =	vadd.s32 v8, v7;
	v8 =	vsel vm0, $0x1, v1;
	vm0 =	veq.s32 v3, v0  }
0xfc: {  	v3 =	vld [tilespmem:s2+$0x0];
	v7 =	vadd.s32 v8, v7;
	v8 =	vsel vm0, $0x1, v1;
	vm0 =	veq.s32 v5, v0  }
0xfd: {  	v5 =	vld [tilespmem:s2+$0x10];
	v7 =	vadd.s32 v8, v7;
	v8 =	vsel vm0, $0x1, v1;
	vm0 =	veq.s32 v6, v0  }
0xfe: {  	v6 =	vld [tilespmem:s2+$0x20];
	v7 =	vadd.s32 v8, v7;
	v8 =	vsel vm0, $0x1, v1  }
0xff: {  	vm0 =	veq.s32 v4, v0  }
0x100: {  	v61 =	vadd.s32 v8, v7;
	v62 =	vsel vm0, $0x1, v1;
	vm12 =	veq.s32 v2, v0  }
0x101: {  	v2 =	vadd.s32 v62, v61;
	v63 =	vsel vm12, $0x1, v1;
	vm13 =	veq.s32 v3, v0  }
0x102: {  	v2 =	vadd.s32 v63, v2;
	v3 =	vsel vm13, $0x1, v1;
	vm14 =	veq.s32 v5, v0  }
0x103: {  	v2 =	vadd.s32 v3, v2;
	v3 =	vsel vm14, $0x1, v1;
	vm15 =	veq.s32 v6, v0  }
0x104: {  	v2 =	vadd.s32 v3, v2;
	v1 =	vsel vm15, $0x1, v1  }
0x105: {  	v1 =	vadd.s32 v1, v2  }
0x106: {  	v1 =	vxor.u32 $0x80000000, v1  }
0x107: {  	(xrf0) =	vmax.scan.msk.u32 $0xffff, v1;
	_ =	sdelay $0x5  }
0x108: {  	v1, _, _ =	vpop (xrf0)  }
0x109: {  	(v2sf) =	vpush v1, $0xF;
	_ =	sdelay $0xe  }
0x10a: {  	s2 =	spop (v2sf)  }
0x10b: {  	p0 =	slt.u32 s2, $0x80000001  }
.Ltmp10:
0x10c: {  	_ = 	snop;
	(pc) =	sbr.rel @p0 .LBB2_28-.Ltmp10, $1  }
0x10d: {  	_ =	sdelay $0x3  }
0x10e: {  	s8 =	simm.s32 $0x0;
	s2 =	simm.s32 $0x13A80;
	s13 =	simm.s32 $0x4  }
0x10f: {  	[tilespmem:s2], [sflag:$0x4] =	stream.linear.gather [hbm4b:s7+s8], $0x2710, $0x38;
	[tilespmem:$0x17D10] =	vst v63  }
0x110: {  	_ =	swait.ge [sflag:s13], $0x2710  }
0x111: {  	[sflag:s13] =	ssyncset.done $0x0  }
0x112: {  	[sflag:s13] =	ssyncadd.s32 $0xFFFFD8F0  }
0x113: {  	s2 =	sld [smem:$0x0];
	_ =	sdelay $0x2  }
0x114: {  	p0 =	sne.s32 s2, $0x0  }
.Ltmp11:
0x115: {  	_ = 	snop;
	(pc) =	sbr.rel @p0 .LBB2_25-.Ltmp11, $1  }
0x116: {  	_ =	sdelay $0x3  }
0x117: {  	s2 =	simm.s32 $0x40;
	v1 =	vimm.f32 $0.0e+00  }
0x118: {  	[tilespmem:s2+$0xFFFFFFC0] =	vst v1  }
0x119: {  	[tilespmem:s2+$0x30] =	vst v1  }
0x11a: {  	[tilespmem:s2+$0x20] =	vst v1  }
0x11b: {  	[tilespmem:s2+$0x10] =	vst v1  }
0x11c: {  	[tilespmem:s2+$0x0] =	vst v1  }
0x11d: {  	[tilespmem:s2+$0xFFFFFFF0] =	vst v1  }
0x11e: {  	s7 =	simm.s32 $0x0;
	[tilespmem:s2+$0xFFFFFFE0] =	vst v1  }
.LBB2_23:
0x11f: {  	s7 =	sadd.s32 $0x80, s7;
	[tilespmem:s2+$0xFFFFFFD0] =	vst v1;
	s2 =	sadd.s32 $0x80, s2  }
0x120: {  	[tilespmem:s2+$0xFFFFFFC0] =	vst v1;
	p0 =	slt.u32 s7, $0xC380  }
0x121: {  	[tilespmem:s2+$0x30] =	vst v1  }
.Ltmp12:
0x122: {  	[tilespmem:s2+$0x20] =	vst v1;
	(pc) =	sbr.rel @p0 .LBB2_23-.Ltmp12, $4  }
0x123: {  	[tilespmem:s2+$0x10] =	vst v1  }
0x124: {  	[tilespmem:s2+$0x0] =	vst v1  }
0x125: {  	[tilespmem:s2+$0xFFFFFFF0] =	vst v1  }
0x126: {  	[tilespmem:s2+$0xFFFFFFE0] =	vst v1  }
0x127: {  	[tilespmem:s2+$0xFFFFFFD0] =	vst v1  }
.LBB2_25:
0x128: {  	s2 =	simm.s32 $0x11320  }
0x129: {  	s7 =	simm.s32 $0x13AA0;
	v2 =	vld [tilespmem:s2+$0x20]  }
0x12a: {  	v8 =	vld [tilespmem:s7+$0x20]  }
0x12b: {  	v1 =	vld [tilespmem:s7+$0xFFFFFFE0]  }
0x12c: {  	v3 =	vld [tilespmem:s2+$0xFFFFFFF0]  }
0x12d: {  	v11 =	vld [tilespmem:s7+$0xFFFFFFF0]  }
0x12e: {  	v6 =	vld [tilespmem:s2+$0x0]  }
0x12f: {  	v12 =	vld [tilespmem:s7+$0x0]  }
0x130: {  	v7 =	vld [tilespmem:s2+$0x10];
	vm0 =	veq.s32 v2, v0;
	vm1 =	vne.s32 v8, v0  }
0x131: {  	v4 =	vld [tilespmem:s7+$0x10];
	vm0 =	vmand vm0, vm1  }
0x132: {  	s13 =	simm.s32 $0x11370;
	v10 =	vld [tilespmem:s2+$0xFFFFFFE0]  }
0x133: {  	v13 =	vld [tilespmem:s13+$0x20];
	s7 =	simm.s32 $0x13AF0;
	vm2 =	vne.s32 v11, v0;
	vm1 =	veq.s32 v3, v0  }
0x134: {  	v5 =	vld [tilespmem:s7+$0x20];
	vm3 =	vmand vm1, vm2  }
0x135: {  	v14 =	vld [tilespmem:s13+$0xFFFFFFF0];
	v3 =	vimm.f32 $1.000000000e+00;
	vm1 =	veq.s32 v6, v0;
	vm2 =	vne.s32 v12, v0  }
0x136: {  	v2 =	vld [tilespmem:s7+$0xFFFFFFE0];
	vm5 =	vmand vm1, vm2;
	vm1 =	veq.s32 v7, v0;
	vm2 =	vne.s32 v4, v0  }
0x137: {  	vm4 =	veq.s32 v10, v0;
	v6 =	vld [tilespmem:s7+$0xFFFFFFF0];
	vm1 =	vmand vm1, vm2;
	[tilespmem:v8+s8+$0x0] =	vst.idx.msk vm0, v3;
	vm0 =	vne.s32 v1, v0  }
0x138: {  	v9 =	vld [tilespmem:s13+$0x0];
	vm2 =	vmand vm4, vm0  }
0x139: {  	vm6 =	veq.s32 v13, v0;
	v7 =	vld [tilespmem:s7+$0x0];
	vm4 =	vne.s32 v5, v0  }
0x13a: {  	v10 =	vld [tilespmem:s13+$0x10];
	[tilespmem:v11+s8+$0x0] =	vst.idx.msk vm3, v3;
	vm3 =	vmand vm6, vm4  }
0x13b: {  	s9 =	simm.s32 $0x1;
	v8 =	vld [tilespmem:s7+$0x10];
	vm0 =	vne.s32 v2, v0  }
0x13c: {  	[smem:$0x0] =	sst s9;
	s9 =	simm.s32 $0x50;
	s2 =	simm.s32 $0x113C0;
	v11 =	vld [tilespmem:s13+$0xFFFFFFE0];
	vm4 =	veq.s32 v14, v0;
	[tilespmem:v12+s8+$0x0] =	vst.idx.msk vm5, v3;
	vm5 =	vne.s32 v6, v0  }
.LBB2_26:
0x13d: {  	v12 =	vld [tilespmem:s2+$0x20];
	vm4 =	vmand vm4, vm5;
	vm5 =	veq.s32 v9, v0;
	s7 =	sadd.s32 $0x50, s7;
	[tilespmem:v4+s8+$0x0] =	vst.idx.msk vm1, v3  }
0x13e: {  	s9 =	sadd.s32 $0x50, s9;
	v13 =	vld [tilespmem:s7+$0x20];
	vm1 =	vne.s32 v7, v0;
	[tilespmem:v1+s8+$0x0] =	vst.idx.msk vm2, v3;
	v1 =	vmov v2;
	v14 =	vmov v7  }
0x13f: {  	p0 =	slt.u32 s9, $0x26C0;
	v2 =	vld [tilespmem:s7+$0xFFFFFFE0];
	vm5 =	vmand vm5, vm1;
	vm1 =	veq.s32 v10, v0  }
0x140: {  	v15 =	vld [tilespmem:s2+$0xFFFFFFF0];
	vm2 =	vne.s32 v8, v0;
	[tilespmem:v5+s8+$0x0] =	vst.idx.msk vm3, v3;
	v4 =	vmov v8  }
0x141: {  	v16 =	vld [tilespmem:s7+$0xFFFFFFF0];
	vm3 =	veq.s32 v11, v0;
	vm1 =	vmand vm1, vm2  }
.Ltmp13:
0x142: {  	v9 =	vld [tilespmem:s2+$0x0];
	vm2 =	vmand vm3, vm0;
	(pc) =	sbr.rel @p0 .LBB2_26-.Ltmp13, $4  }
0x143: {  	vm3 =	veq.s32 v12, v0;
	v7 =	vld [tilespmem:s7+$0x0];
	vm6 =	vne.s32 v13, v0;
	[tilespmem:v6+s8+$0x0] =	vst.idx.msk vm4, v3;
	v5 =	vmov v13  }
0x144: {  	vm0 =	vne.s32 v2, v0;
	v10 =	vld [tilespmem:s2+$0x10];
	vm3 =	vmand vm3, vm6  }
0x145: {  	vm4 =	veq.s32 v15, v0;
	v8 =	vld [tilespmem:s7+$0x10];
	[tilespmem:v14+s8+$0x0] =	vst.idx.msk vm5, v3  }
0x146: {  	v11 =	vld [tilespmem:s2+$0xFFFFFFE0];
	vm5 =	vne.s32 v16, v0;
	s2 =	sadd.s32 $0x50, s2;
	v6 =	vmov v16  }
0x147: {  	_ =	sdelay $0x1  }
0x148: {  	vm4 =	vmand vm4, vm5;
	vm13 =	veq.s32 v9, v0;
	vm6 =	vne.s32 v7, v0  }
0x149: {  	vm5 =	vmand vm13, vm6;
	vm14 =	veq.s32 v10, v0;
	vm7 =	vne.s32 v8, v0  }
0x14a: {  	vm6 =	vmand vm14, vm7;
	vm15 =	veq.s32 v11, v0  }
0x14b: {  	[tilespmem:v4+s8+$0x0] =	vst.idx.msk vm1, v3;
	vm0 =	vmand vm15, vm0  }
0x14c: {  	[tilespmem:v1+s8+$0x0] =	vst.idx.msk vm2, v3  }
0x14d: {  	[tilespmem:v5+s8+$0x0] =	vst.idx.msk vm3, v3  }
0x14e: {  	[tilespmem:v6+s8+$0x0] =	vst.idx.msk vm4, v3  }
0x14f: {  	[tilespmem:v7+s8+$0x0] =	vst.idx.msk vm5, v3  }
0x150: {  	[tilespmem:v8+s8+$0x0] =	vst.idx.msk vm6, v3  }
0x151: {  	[tilespmem:v2+s8+$0x0] =	vst.idx.msk vm0, v3  }
.LBB2_28:
0x152: {  	s2 =	simm.s32 $0x0;
	s7 =	simm.s32 $0x11300;
	s9 =	simm.s32 $0x1  }
0x153: {  	[tilespmem:s7], [sflag:$0x3] =	stream.linear.gather [hbm4b:s6+s2], $0x2710, $0x38;
	[tilespmem:$0x17D10] =	vst v63  }
0x154: {  	_ =	swait.ge [sflag:s9], $0x2710  }
0x155: {  	[sflag:s9] =	ssyncset.done $0x0  }
0x156: {  	s13 =	simm.s32 $0xC420;
	[sflag:s9] =	ssyncadd.s32 $0xFFFFD8F0  }
0x157: {  	v2 =	vld [tilespmem:s13+$0xFFFFFFE0]  }
0x158: {  	v3 =	vld [tilespmem:s13+$0xFFFFFFF0]  }
0x159: {  	v5 =	vld [tilespmem:s13+$0x0]  }
0x15a: {  	v6 =	vld [tilespmem:s13+$0x10]  }
0x15b: {  	v7 =	vld [tilespmem:s13+$0x20]  }
0x15c: {  	v1 =	vimm.s32 $0x0;
	s2 =	simm.s32 $0xC470;
	vm0 =	veq.s32 v2, v0  }
0x15d: {  	v4 =	vld [tilespmem:s2+$0xFFFFFFE0];
	vm12 =	veq.s32 v3, v0;
	v8 =	vsel vm0, $0x1, v1  }
0x15e: {  	v2 =	vld [tilespmem:s2+$0xFFFFFFF0];
	vm13 =	veq.s32 v5, v0;
	v9 =	vsel vm12, $0x1, v1;
	v8 =	vadd.s32 v8, v1  }
0x15f: {  	v3 =	vld [tilespmem:s2+$0x0];
	vm14 =	veq.s32 v6, v0;
	v8 =	vadd.s32 v9, v8;
	v9 =	vsel vm13, $0x1, v1  }
0x160: {  	v5 =	vld [tilespmem:s2+$0x10];
	vm15 =	veq.s32 v7, v0;
	v8 =	vadd.s32 v9, v8;
	v9 =	vsel vm14, $0x1, v1  }
0x161: {  	s6 =	simm.s32 $0x50;
	v6 =	vld [tilespmem:s2+$0x20];
	v7 =	vadd.s32 v9, v8;
	v8 =	vsel vm15, $0x1, v1  }
.LBB2_29:
0x162: {  	s6 =	sadd.s32 $0x50, s6  }
0x163: {  	vm0 =	veq.s32 v4, v0;
	s2 =	sadd.s32 $0x50, s2;
	v7 =	vadd.s32 v8, v7;
	p0 =	slt.u32 s6, $0x26C0  }
.Ltmp14:
0x164: {  	v4 =	vld [tilespmem:s2+$0xFFFFFFE0];
	v8 =	vsel vm0, $0x1, v1;
	vm0 =	veq.s32 v2, v0;
	(pc) =	sbr.rel @p0 .LBB2_29-.Ltmp14, $4  }
0x165: {  	v2 =	vld [tilespmem:s2+$0xFFFFFFF0];
	v7 =	vadd.s32 v8, v7;
	v8 =	vsel vm0, $0x1, v1;
	vm0 =	veq.s32 v3, v0  }
0x166: {  	v3 =	vld [tilespmem:s2+$0x0];
	v7 =	vadd.s32 v8, v7;
	v8 =	vsel vm0, $0x1, v1;
	vm0 =	veq.s32 v5, v0  }
0x167: {  	v5 =	vld [tilespmem:s2+$0x10];
	v7 =	vadd.s32 v8, v7;
	v8 =	vsel vm0, $0x1, v1;
	vm0 =	veq.s32 v6, v0  }
0x168: {  	v6 =	vld [tilespmem:s2+$0x20];
	v7 =	vadd.s32 v8, v7;
	v8 =	vsel vm0, $0x1, v1  }
0x169: {  	vm0 =	veq.s32 v4, v0  }
0x16a: {  	v61 =	vadd.s32 v8, v7;
	v62 =	vsel vm0, $0x1, v1;
	vm12 =	veq.s32 v2, v0  }
0x16b: {  	v2 =	vadd.s32 v62, v61;
	v63 =	vsel vm12, $0x1, v1;
	vm13 =	veq.s32 v3, v0  }
0x16c: {  	v2 =	vadd.s32 v63, v2;
	v3 =	vsel vm13, $0x1, v1;
	vm14 =	veq.s32 v5, v0  }
0x16d: {  	v2 =	vadd.s32 v3, v2;
	v3 =	vsel vm14, $0x1, v1;
	vm15 =	veq.s32 v6, v0  }
0x16e: {  	v2 =	vadd.s32 v3, v2;
	v1 =	vsel vm15, $0x1, v1  }
0x16f: {  	v1 =	vadd.s32 v1, v2  }
0x170: {  	v1 =	vxor.u32 $0x80000000, v1  }
0x171: {  	(xrf0) =	vmax.scan.msk.u32 $0xffff, v1;
	_ =	sdelay $0x5  }
0x172: {  	v1, _, _ =	vpop (xrf0)  }
0x173: {  	(v2sf) =	vpush v1, $0xF;
	_ =	sdelay $0xe  }
0x174: {  	s2 =	spop (v2sf)  }
0x175: {  	p0 =	slt.u32 s2, $0x80000001  }
.Ltmp15:
0x176: {  	_ = 	snop;
	(pc) =	sbr.rel @p0 .LBB2_38-.Ltmp15, $1  }
0x177: {  	_ =	sdelay $0x3  }
0x178: {  	s6 =	simm.s32 $0x0;
	s2 =	simm.s32 $0x13A80;
	s13 =	simm.s32 $0x4  }
0x179: {  	[tilespmem:s2], [sflag:$0x4] =	stream.linear.gather [hbm4b:s5+s6], $0x2710, $0x38;
	[tilespmem:$0x17D10] =	vst v63  }
0x17a: {  	_ =	swait.ge [sflag:s13], $0x2710  }
0x17b: {  	[sflag:s13] =	ssyncset.done $0x0  }
0x17c: {  	[sflag:s13] =	ssyncadd.s32 $0xFFFFD8F0  }
0x17d: {  	s2 =	sld [smem:$0x0];
	_ =	sdelay $0x2  }
0x17e: {  	p0 =	sne.s32 s2, $0x0  }
.Ltmp16:
0x17f: {  	_ = 	snop;
	(pc) =	sbr.rel @p0 .LBB2_35-.Ltmp16, $1  }
0x180: {  	_ =	sdelay $0x3  }
0x181: {  	s2 =	simm.s32 $0x40;
	v1 =	vimm.f32 $0.0e+00  }
0x182: {  	[tilespmem:s2+$0xFFFFFFC0] =	vst v1  }
0x183: {  	[tilespmem:s2+$0x30] =	vst v1  }
0x184: {  	[tilespmem:s2+$0x20] =	vst v1  }
0x185: {  	[tilespmem:s2+$0x10] =	vst v1  }
0x186: {  	[tilespmem:s2+$0x0] =	vst v1  }
0x187: {  	[tilespmem:s2+$0xFFFFFFF0] =	vst v1  }
0x188: {  	s5 =	simm.s32 $0x0;
	[tilespmem:s2+$0xFFFFFFE0] =	vst v1  }
.LBB2_33:
0x189: {  	s5 =	sadd.s32 $0x80, s5;
	[tilespmem:s2+$0xFFFFFFD0] =	vst v1;
	s2 =	sadd.s32 $0x80, s2  }
0x18a: {  	[tilespmem:s2+$0xFFFFFFC0] =	vst v1;
	p0 =	slt.u32 s5, $0xC380  }
0x18b: {  	[tilespmem:s2+$0x30] =	vst v1  }
.Ltmp17:
0x18c: {  	[tilespmem:s2+$0x20] =	vst v1;
	(pc) =	sbr.rel @p0 .LBB2_33-.Ltmp17, $4  }
0x18d: {  	[tilespmem:s2+$0x10] =	vst v1  }
0x18e: {  	[tilespmem:s2+$0x0] =	vst v1  }
0x18f: {  	[tilespmem:s2+$0xFFFFFFF0] =	vst v1  }
0x190: {  	[tilespmem:s2+$0xFFFFFFE0] =	vst v1  }
0x191: {  	[tilespmem:s2+$0xFFFFFFD0] =	vst v1  }
.LBB2_35:
0x192: {  	s2 =	simm.s32 $0xC420  }
0x193: {  	s5 =	simm.s32 $0x13AA0;
	v2 =	vld [tilespmem:s2+$0x20]  }
0x194: {  	v8 =	vld [tilespmem:s5+$0x20]  }
0x195: {  	v1 =	vld [tilespmem:s5+$0xFFFFFFE0]  }
0x196: {  	v3 =	vld [tilespmem:s2+$0xFFFFFFF0]  }
0x197: {  	v11 =	vld [tilespmem:s5+$0xFFFFFFF0]  }
0x198: {  	v6 =	vld [tilespmem:s2+$0x0]  }
0x199: {  	v12 =	vld [tilespmem:s5+$0x0]  }
0x19a: {  	v7 =	vld [tilespmem:s2+$0x10];
	vm0 =	veq.s32 v2, v0;
	vm1 =	vne.s32 v8, v0  }
0x19b: {  	v4 =	vld [tilespmem:s5+$0x10];
	vm0 =	vmand vm0, vm1  }
0x19c: {  	s13 =	simm.s32 $0xC470;
	v10 =	vld [tilespmem:s2+$0xFFFFFFE0]  }
0x19d: {  	v13 =	vld [tilespmem:s13+$0x20];
	s5 =	simm.s32 $0x13AF0;
	vm2 =	vne.s32 v11, v0;
	vm1 =	veq.s32 v3, v0  }
0x19e: {  	v5 =	vld [tilespmem:s5+$0x20];
	vm3 =	vmand vm1, vm2  }
0x19f: {  	v14 =	vld [tilespmem:s13+$0xFFFFFFF0];
	v3 =	vimm.f32 $1.000000000e+00;
	vm1 =	veq.s32 v6, v0;
	vm2 =	vne.s32 v12, v0  }
0x1a0: {  	v2 =	vld [tilespmem:s5+$0xFFFFFFE0];
	vm5 =	vmand vm1, vm2;
	vm1 =	veq.s32 v7, v0;
	vm2 =	vne.s32 v4, v0  }
0x1a1: {  	vm4 =	veq.s32 v10, v0;
	v6 =	vld [tilespmem:s5+$0xFFFFFFF0];
	vm1 =	vmand vm1, vm2;
	[tilespmem:v8+s6+$0x0] =	vst.idx.msk vm0, v3;
	vm0 =	vne.s32 v1, v0  }
0x1a2: {  	v9 =	vld [tilespmem:s13+$0x0];
	vm2 =	vmand vm4, vm0  }
0x1a3: {  	vm6 =	veq.s32 v13, v0;
	v7 =	vld [tilespmem:s5+$0x0];
	vm4 =	vne.s32 v5, v0  }
0x1a4: {  	v10 =	vld [tilespmem:s13+$0x10];
	[tilespmem:v11+s6+$0x0] =	vst.idx.msk vm3, v3;
	vm3 =	vmand vm6, vm4  }
0x1a5: {  	s7 =	simm.s32 $0x1;
	v8 =	vld [tilespmem:s5+$0x10];
	vm0 =	vne.s32 v2, v0  }
0x1a6: {  	[smem:$0x0] =	sst s7;
	s7 =	simm.s32 $0x50;
	s2 =	simm.s32 $0xC4C0;
	v11 =	vld [tilespmem:s13+$0xFFFFFFE0];
	vm4 =	veq.s32 v14, v0;
	[tilespmem:v12+s6+$0x0] =	vst.idx.msk vm5, v3;
	vm5 =	vne.s32 v6, v0  }
.LBB2_36:
0x1a7: {  	v12 =	vld [tilespmem:s2+$0x20];
	vm4 =	vmand vm4, vm5;
	vm5 =	veq.s32 v9, v0;
	s5 =	sadd.s32 $0x50, s5;
	[tilespmem:v4+s6+$0x0] =	vst.idx.msk vm1, v3  }
0x1a8: {  	s7 =	sadd.s32 $0x50, s7;
	v13 =	vld [tilespmem:s5+$0x20];
	vm1 =	vne.s32 v7, v0;
	[tilespmem:v1+s6+$0x0] =	vst.idx.msk vm2, v3;
	v1 =	vmov v2;
	v14 =	vmov v7  }
0x1a9: {  	p0 =	slt.u32 s7, $0x26C0;
	v2 =	vld [tilespmem:s5+$0xFFFFFFE0];
	vm5 =	vmand vm5, vm1;
	vm1 =	veq.s32 v10, v0  }
0x1aa: {  	v15 =	vld [tilespmem:s2+$0xFFFFFFF0];
	vm2 =	vne.s32 v8, v0;
	[tilespmem:v5+s6+$0x0] =	vst.idx.msk vm3, v3;
	v4 =	vmov v8  }
0x1ab: {  	v16 =	vld [tilespmem:s5+$0xFFFFFFF0];
	vm3 =	veq.s32 v11, v0;
	vm1 =	vmand vm1, vm2  }
.Ltmp18:
0x1ac: {  	v9 =	vld [tilespmem:s2+$0x0];
	vm2 =	vmand vm3, vm0;
	(pc) =	sbr.rel @p0 .LBB2_36-.Ltmp18, $4  }
0x1ad: {  	vm3 =	veq.s32 v12, v0;
	v7 =	vld [tilespmem:s5+$0x0];
	vm6 =	vne.s32 v13, v0;
	[tilespmem:v6+s6+$0x0] =	vst.idx.msk vm4, v3;
	v5 =	vmov v13  }
0x1ae: {  	vm0 =	vne.s32 v2, v0;
	v10 =	vld [tilespmem:s2+$0x10];
	vm3 =	vmand vm3, vm6  }
0x1af: {  	vm4 =	veq.s32 v15, v0;
	v8 =	vld [tilespmem:s5+$0x10];
	[tilespmem:v14+s6+$0x0] =	vst.idx.msk vm5, v3  }
0x1b0: {  	v11 =	vld [tilespmem:s2+$0xFFFFFFE0];
	vm5 =	vne.s32 v16, v0;
	s2 =	sadd.s32 $0x50, s2;
	v6 =	vmov v16  }
0x1b1: {  	_ =	sdelay $0x1  }
0x1b2: {  	vm4 =	vmand vm4, vm5;
	vm13 =	veq.s32 v9, v0;
	vm6 =	vne.s32 v7, v0  }
0x1b3: {  	vm5 =	vmand vm13, vm6;
	vm14 =	veq.s32 v10, v0;
	vm7 =	vne.s32 v8, v0  }
0x1b4: {  	vm6 =	vmand vm14, vm7;
	vm15 =	veq.s32 v11, v0  }
0x1b5: {  	[tilespmem:v4+s6+$0x0] =	vst.idx.msk vm1, v3;
	vm0 =	vmand vm15, vm0  }
0x1b6: {  	[tilespmem:v1+s6+$0x0] =	vst.idx.msk vm2, v3  }
0x1b7: {  	[tilespmem:v5+s6+$0x0] =	vst.idx.msk vm3, v3  }
0x1b8: {  	[tilespmem:v6+s6+$0x0] =	vst.idx.msk vm4, v3  }
0x1b9: {  	[tilespmem:v7+s6+$0x0] =	vst.idx.msk vm5, v3  }
0x1ba: {  	[tilespmem:v8+s6+$0x0] =	vst.idx.msk vm6, v3  }
0x1bb: {  	[tilespmem:v2+s6+$0x0] =	vst.idx.msk vm0, v3  }
.LBB2_38:
0x1bc: {  	s2 =	simm.s32 $0x0;
	s5 =	simm.s32 $0xC400;
	s9 =	simm.s32 $0x2  }
0x1bd: {  	[tilespmem:s5], [sflag:$0x1] =	stream.linear.gather [hbm4b:s4+s2], $0x2710, $0x38;
	[tilespmem:$0x17D10] =	vst v63  }
0x1be: {  	_ =	swait.ge [sflag:s9], $0x2710  }
0x1bf: {  	[sflag:s9] =	ssyncset.done $0x0  }
0x1c0: {  	s13 =	simm.s32 $0xEBA0;
	[sflag:s9] =	ssyncadd.s32 $0xFFFFD8F0  }
0x1c1: {  	v2 =	vld [tilespmem:s13+$0xFFFFFFE0]  }
0x1c2: {  	v3 =	vld [tilespmem:s13+$0xFFFFFFF0]  }
0x1c3: {  	v5 =	vld [tilespmem:s13+$0x0]  }
0x1c4: {  	v6 =	vld [tilespmem:s13+$0x10]  }
0x1c5: {  	v7 =	vld [tilespmem:s13+$0x20]  }
0x1c6: {  	v1 =	vimm.s32 $0x0;
	s2 =	simm.s32 $0xEBF0;
	vm0 =	veq.s32 v2, v0  }
0x1c7: {  	v4 =	vld [tilespmem:s2+$0xFFFFFFE0];
	vm12 =	veq.s32 v3, v0;
	v8 =	vsel vm0, $0x1, v1  }
0x1c8: {  	v2 =	vld [tilespmem:s2+$0xFFFFFFF0];
	vm13 =	veq.s32 v5, v0;
	v9 =	vsel vm12, $0x1, v1;
	v8 =	vadd.s32 v8, v1  }
0x1c9: {  	v3 =	vld [tilespmem:s2+$0x0];
	vm14 =	veq.s32 v6, v0;
	v8 =	vadd.s32 v9, v8;
	v9 =	vsel vm13, $0x1, v1  }
0x1ca: {  	v5 =	vld [tilespmem:s2+$0x10];
	vm15 =	veq.s32 v7, v0;
	v8 =	vadd.s32 v9, v8;
	v9 =	vsel vm14, $0x1, v1  }
0x1cb: {  	s4 =	simm.s32 $0x50;
	v6 =	vld [tilespmem:s2+$0x20];
	v7 =	vadd.s32 v9, v8;
	v8 =	vsel vm15, $0x1, v1  }
.LBB2_39:
0x1cc: {  	s4 =	sadd.s32 $0x50, s4  }
0x1cd: {  	vm0 =	veq.s32 v4, v0;
	s2 =	sadd.s32 $0x50, s2;
	v7 =	vadd.s32 v8, v7;
	p0 =	slt.u32 s4, $0x26C0  }
.Ltmp19:
0x1ce: {  	v4 =	vld [tilespmem:s2+$0xFFFFFFE0];
	v8 =	vsel vm0, $0x1, v1;
	vm0 =	veq.s32 v2, v0;
	(pc) =	sbr.rel @p0 .LBB2_39-.Ltmp19, $4  }
0x1cf: {  	v2 =	vld [tilespmem:s2+$0xFFFFFFF0];
	v7 =	vadd.s32 v8, v7;
	v8 =	vsel vm0, $0x1, v1;
	vm0 =	veq.s32 v3, v0  }
0x1d0: {  	v3 =	vld [tilespmem:s2+$0x0];
	v7 =	vadd.s32 v8, v7;
	v8 =	vsel vm0, $0x1, v1;
	vm0 =	veq.s32 v5, v0  }
0x1d1: {  	v5 =	vld [tilespmem:s2+$0x10];
	v7 =	vadd.s32 v8, v7;
	v8 =	vsel vm0, $0x1, v1;
	vm0 =	veq.s32 v6, v0  }
0x1d2: {  	v6 =	vld [tilespmem:s2+$0x20];
	v7 =	vadd.s32 v8, v7;
	v8 =	vsel vm0, $0x1, v1  }
0x1d3: {  	vm0 =	veq.s32 v4, v0  }
0x1d4: {  	v61 =	vadd.s32 v8, v7;
	v62 =	vsel vm0, $0x1, v1;
	vm12 =	veq.s32 v2, v0  }
0x1d5: {  	v2 =	vadd.s32 v62, v61;
	v63 =	vsel vm12, $0x1, v1;
	vm13 =	veq.s32 v3, v0  }
0x1d6: {  	v2 =	vadd.s32 v63, v2;
	v3 =	vsel vm13, $0x1, v1;
	vm14 =	veq.s32 v5, v0  }
0x1d7: {  	v2 =	vadd.s32 v3, v2;
	v3 =	vsel vm14, $0x1, v1;
	vm15 =	veq.s32 v6, v0  }
0x1d8: {  	v2 =	vadd.s32 v3, v2;
	v1 =	vsel vm15, $0x1, v1  }
0x1d9: {  	v1 =	vadd.s32 v1, v2  }
0x1da: {  	v1 =	vxor.u32 $0x80000000, v1  }
0x1db: {  	(xrf0) =	vmax.scan.msk.u32 $0xffff, v1;
	_ =	sdelay $0x5  }
0x1dc: {  	v1, _, _ =	vpop (xrf0)  }
0x1dd: {  	(v2sf) =	vpush v1, $0xF;
	_ =	sdelay $0xe  }
0x1de: {  	s2 =	spop (v2sf)  }
0x1df: {  	p0 =	slt.u32 s2, $0x80000001  }
.Ltmp20:
0x1e0: {  	_ = 	snop;
	(pc) =	sbr.rel @p0 .LBB2_48-.Ltmp20, $1  }
0x1e1: {  	_ =	sdelay $0x3  }
0x1e2: {  	s4 =	simm.s32 $0x0;
	s2 =	simm.s32 $0x13A80;
	s13 =	simm.s32 $0x4  }
0x1e3: {  	[tilespmem:s2], [sflag:$0x4] =	stream.linear.gather [hbm4b:s1+s4], $0x2710, $0x38;
	[tilespmem:$0x17D10] =	vst v63  }
0x1e4: {  	_ =	swait.ge [sflag:s13], $0x2710  }
0x1e5: {  	[sflag:s13] =	ssyncset.done $0x0  }
0x1e6: {  	[sflag:s13] =	ssyncadd.s32 $0xFFFFD8F0  }
0x1e7: {  	s1 =	sld [smem:$0x0];
	_ =	sdelay $0x2  }
0x1e8: {  	p0 =	sne.s32 s1, $0x0  }
.Ltmp21:
0x1e9: {  	_ = 	snop;
	(pc) =	sbr.rel @p0 .LBB2_45-.Ltmp21, $1  }
0x1ea: {  	_ =	sdelay $0x3  }
0x1eb: {  	s1 =	simm.s32 $0x40;
	v1 =	vimm.f32 $0.0e+00  }
0x1ec: {  	[tilespmem:s1+$0xFFFFFFC0] =	vst v1  }
0x1ed: {  	[tilespmem:s1+$0x30] =	vst v1  }
0x1ee: {  	[tilespmem:s1+$0x20] =	vst v1  }
0x1ef: {  	[tilespmem:s1+$0x10] =	vst v1  }
0x1f0: {  	[tilespmem:s1+$0x0] =	vst v1  }
0x1f1: {  	[tilespmem:s1+$0xFFFFFFF0] =	vst v1  }
0x1f2: {  	s2 =	simm.s32 $0x0;
	[tilespmem:s1+$0xFFFFFFE0] =	vst v1  }
.LBB2_43:
0x1f3: {  	s2 =	sadd.s32 $0x80, s2;
	[tilespmem:s1+$0xFFFFFFD0] =	vst v1;
	s1 =	sadd.s32 $0x80, s1  }
0x1f4: {  	[tilespmem:s1+$0xFFFFFFC0] =	vst v1;
	p0 =	slt.u32 s2, $0xC380  }
0x1f5: {  	[tilespmem:s1+$0x30] =	vst v1  }
.Ltmp22:
0x1f6: {  	[tilespmem:s1+$0x20] =	vst v1;
	(pc) =	sbr.rel @p0 .LBB2_43-.Ltmp22, $4  }
0x1f7: {  	[tilespmem:s1+$0x10] =	vst v1  }
0x1f8: {  	[tilespmem:s1+$0x0] =	vst v1  }
0x1f9: {  	[tilespmem:s1+$0xFFFFFFF0] =	vst v1  }
0x1fa: {  	[tilespmem:s1+$0xFFFFFFE0] =	vst v1  }
0x1fb: {  	[tilespmem:s1+$0xFFFFFFD0] =	vst v1  }
.LBB2_45:
0x1fc: {  	s1 =	simm.s32 $0xEBA0  }
0x1fd: {  	s2 =	simm.s32 $0x13AA0;
	v2 =	vld [tilespmem:s1+$0x20]  }
0x1fe: {  	v8 =	vld [tilespmem:s2+$0x20]  }
0x1ff: {  	v1 =	vld [tilespmem:s2+$0xFFFFFFE0]  }
0x200: {  	v3 =	vld [tilespmem:s1+$0xFFFFFFF0]  }
0x201: {  	v11 =	vld [tilespmem:s2+$0xFFFFFFF0]  }
0x202: {  	v6 =	vld [tilespmem:s1+$0x0]  }
0x203: {  	v12 =	vld [tilespmem:s2+$0x0]  }
0x204: {  	v7 =	vld [tilespmem:s1+$0x10];
	vm0 =	veq.s32 v2, v0;
	vm1 =	vne.s32 v8, v0  }
0x205: {  	v4 =	vld [tilespmem:s2+$0x10];
	vm0 =	vmand vm0, vm1  }
0x206: {  	s13 =	simm.s32 $0xEBF0;
	v10 =	vld [tilespmem:s1+$0xFFFFFFE0]  }
0x207: {  	v13 =	vld [tilespmem:s13+$0x20];
	s1 =	simm.s32 $0x13AF0;
	vm2 =	vne.s32 v11, v0;
	vm1 =	veq.s32 v3, v0  }
0x208: {  	v5 =	vld [tilespmem:s1+$0x20];
	vm3 =	vmand vm1, vm2  }
0x209: {  	v14 =	vld [tilespmem:s13+$0xFFFFFFF0];
	v3 =	vimm.f32 $1.000000000e+00;
	vm1 =	veq.s32 v6, v0;
	vm2 =	vne.s32 v12, v0  }
0x20a: {  	v2 =	vld [tilespmem:s1+$0xFFFFFFE0];
	vm5 =	vmand vm1, vm2;
	vm1 =	veq.s32 v7, v0;
	vm2 =	vne.s32 v4, v0  }
0x20b: {  	vm4 =	veq.s32 v10, v0;
	v6 =	vld [tilespmem:s1+$0xFFFFFFF0];
	vm1 =	vmand vm1, vm2;
	[tilespmem:v8+s4+$0x0] =	vst.idx.msk vm0, v3;
	vm0 =	vne.s32 v1, v0  }
0x20c: {  	v9 =	vld [tilespmem:s13+$0x0];
	vm2 =	vmand vm4, vm0  }
0x20d: {  	vm6 =	veq.s32 v13, v0;
	v7 =	vld [tilespmem:s1+$0x0];
	vm4 =	vne.s32 v5, v0  }
0x20e: {  	v10 =	vld [tilespmem:s13+$0x10];
	[tilespmem:v11+s4+$0x0] =	vst.idx.msk vm3, v3;
	vm3 =	vmand vm6, vm4  }
0x20f: {  	s5 =	simm.s32 $0x1;
	v8 =	vld [tilespmem:s1+$0x10];
	vm0 =	vne.s32 v2, v0  }
0x210: {  	[smem:$0x0] =	sst s5;
	s5 =	simm.s32 $0x50;
	s2 =	simm.s32 $0xEC40;
	v11 =	vld [tilespmem:s13+$0xFFFFFFE0];
	vm4 =	veq.s32 v14, v0;
	[tilespmem:v12+s4+$0x0] =	vst.idx.msk vm5, v3;
	vm5 =	vne.s32 v6, v0  }
.LBB2_46:
0x211: {  	v12 =	vld [tilespmem:s2+$0x20];
	vm4 =	vmand vm4, vm5;
	vm5 =	veq.s32 v9, v0;
	s1 =	sadd.s32 $0x50, s1;
	[tilespmem:v4+s4+$0x0] =	vst.idx.msk vm1, v3  }
0x212: {  	s5 =	sadd.s32 $0x50, s5;
	v13 =	vld [tilespmem:s1+$0x20];
	vm1 =	vne.s32 v7, v0;
	[tilespmem:v1+s4+$0x0] =	vst.idx.msk vm2, v3;
	v1 =	vmov v2;
	v14 =	vmov v7  }
0x213: {  	p0 =	slt.u32 s5, $0x26C0;
	v2 =	vld [tilespmem:s1+$0xFFFFFFE0];
	vm5 =	vmand vm5, vm1;
	vm1 =	veq.s32 v10, v0  }
0x214: {  	v15 =	vld [tilespmem:s2+$0xFFFFFFF0];
	vm2 =	vne.s32 v8, v0;
	[tilespmem:v5+s4+$0x0] =	vst.idx.msk vm3, v3;
	v4 =	vmov v8  }
0x215: {  	v16 =	vld [tilespmem:s1+$0xFFFFFFF0];
	vm3 =	veq.s32 v11, v0;
	vm1 =	vmand vm1, vm2  }
.Ltmp23:
0x216: {  	v9 =	vld [tilespmem:s2+$0x0];
	vm2 =	vmand vm3, vm0;
	(pc) =	sbr.rel @p0 .LBB2_46-.Ltmp23, $4  }
0x217: {  	vm3 =	veq.s32 v12, v0;
	v7 =	vld [tilespmem:s1+$0x0];
	vm6 =	vne.s32 v13, v0;
	[tilespmem:v6+s4+$0x0] =	vst.idx.msk vm4, v3;
	v5 =	vmov v13  }
0x218: {  	vm0 =	vne.s32 v2, v0;
	v10 =	vld [tilespmem:s2+$0x10];
	vm3 =	vmand vm3, vm6  }
0x219: {  	vm4 =	veq.s32 v15, v0;
	v8 =	vld [tilespmem:s1+$0x10];
	[tilespmem:v14+s4+$0x0] =	vst.idx.msk vm5, v3  }
0x21a: {  	v11 =	vld [tilespmem:s2+$0xFFFFFFE0];
	vm5 =	vne.s32 v16, v0;
	s2 =	sadd.s32 $0x50, s2;
	v6 =	vmov v16  }
0x21b: {  	_ =	sdelay $0x1  }
0x21c: {  	vm4 =	vmand vm4, vm5;
	vm13 =	veq.s32 v9, v0;
	vm6 =	vne.s32 v7, v0  }
0x21d: {  	vm5 =	vmand vm13, vm6;
	vm14 =	veq.s32 v10, v0;
	vm7 =	vne.s32 v8, v0  }
0x21e: {  	vm6 =	vmand vm14, vm7;
	vm15 =	veq.s32 v11, v0  }
0x21f: {  	[tilespmem:v4+s4+$0x0] =	vst.idx.msk vm1, v3;
	vm0 =	vmand vm15, vm0  }
0x220: {  	[tilespmem:v1+s4+$0x0] =	vst.idx.msk vm2, v3  }
0x221: {  	[tilespmem:v5+s4+$0x0] =	vst.idx.msk vm3, v3  }
0x222: {  	[tilespmem:v6+s4+$0x0] =	vst.idx.msk vm4, v3  }
0x223: {  	[tilespmem:v7+s4+$0x0] =	vst.idx.msk vm5, v3  }
0x224: {  	[tilespmem:v8+s4+$0x0] =	vst.idx.msk vm6, v3  }
0x225: {  	[tilespmem:v2+s4+$0x0] =	vst.idx.msk vm0, v3  }
.LBB2_48:
0x226: {  	s1 =	simm.s32 $0x0;
	s2 =	simm.s32 $0xEB80;
	s13 =	simm.s32 $0x3  }
0x227: {  	[tilespmem:s2], [sflag:$0x2] =	stream.linear.gather [hbm4b:s31+s1], $0x2710, $0x38;
	[tilespmem:$0x17D10] =	vst v63  }
0x228: {  	_ =	swait.ge [sflag:s13], $0x2710  }
0x229: {  	[sflag:s13] =	ssyncset.done $0x0  }
0x22a: {  	s31 =	simm.s32 $0x11320;
	[sflag:s13] =	ssyncadd.s32 $0xFFFFD8F0  }
0x22b: {  	v2 =	vld [tilespmem:s31+$0xFFFFFFE0]  }
0x22c: {  	v3 =	vld [tilespmem:s31+$0xFFFFFFF0]  }
0x22d: {  	v5 =	vld [tilespmem:s31+$0x0]  }
0x22e: {  	v6 =	vld [tilespmem:s31+$0x10]  }
0x22f: {  	v7 =	vld [tilespmem:s31+$0x20]  }
0x230: {  	v1 =	vimm.s32 $0x0;
	s1 =	simm.s32 $0x11370;
	vm0 =	veq.s32 v2, v0  }
0x231: {  	v4 =	vld [tilespmem:s1+$0xFFFFFFE0];
	vm12 =	veq.s32 v3, v0;
	v8 =	vsel vm0, $0x1, v1  }
0x232: {  	v2 =	vld [tilespmem:s1+$0xFFFFFFF0];
	vm13 =	veq.s32 v5, v0;
	v9 =	vsel vm12, $0x1, v1;
	v8 =	vadd.s32 v8, v1  }
0x233: {  	v3 =	vld [tilespmem:s1+$0x0];
	vm14 =	veq.s32 v6, v0;
	v8 =	vadd.s32 v9, v8;
	v9 =	vsel vm13, $0x1, v1  }
0x234: {  	v5 =	vld [tilespmem:s1+$0x10];
	vm15 =	veq.s32 v7, v0;
	v8 =	vadd.s32 v9, v8;
	v9 =	vsel vm14, $0x1, v1  }
0x235: {  	s2 =	simm.s32 $0x50;
	v6 =	vld [tilespmem:s1+$0x20];
	v7 =	vadd.s32 v9, v8;
	v8 =	vsel vm15, $0x1, v1  }
.LBB2_49:
0x236: {  	s2 =	sadd.s32 $0x50, s2  }
0x237: {  	vm0 =	veq.s32 v4, v0;
	s1 =	sadd.s32 $0x50, s1;
	v7 =	vadd.s32 v8, v7;
	p0 =	slt.u32 s2, $0x26C0  }
.Ltmp24:
0x238: {  	v4 =	vld [tilespmem:s1+$0xFFFFFFE0];
	v8 =	vsel vm0, $0x1, v1;
	vm0 =	veq.s32 v2, v0;
	(pc) =	sbr.rel @p0 .LBB2_49-.Ltmp24, $4  }
0x239: {  	v2 =	vld [tilespmem:s1+$0xFFFFFFF0];
	v7 =	vadd.s32 v8, v7;
	v8 =	vsel vm0, $0x1, v1;
	vm0 =	veq.s32 v3, v0  }
0x23a: {  	v3 =	vld [tilespmem:s1+$0x0];
	v7 =	vadd.s32 v8, v7;
	v8 =	vsel vm0, $0x1, v1;
	vm0 =	veq.s32 v5, v0  }
0x23b: {  	v5 =	vld [tilespmem:s1+$0x10];
	v7 =	vadd.s32 v8, v7;
	v8 =	vsel vm0, $0x1, v1;
	vm0 =	veq.s32 v6, v0  }
0x23c: {  	v6 =	vld [tilespmem:s1+$0x20];
	v7 =	vadd.s32 v8, v7;
	v8 =	vsel vm0, $0x1, v1  }
0x23d: {  	vm0 =	veq.s32 v4, v0  }
0x23e: {  	v61 =	vadd.s32 v8, v7;
	v62 =	vsel vm0, $0x1, v1;
	vm12 =	veq.s32 v2, v0  }
0x23f: {  	v2 =	vadd.s32 v62, v61;
	v63 =	vsel vm12, $0x1, v1;
	vm13 =	veq.s32 v3, v0  }
0x240: {  	v2 =	vadd.s32 v63, v2;
	v3 =	vsel vm13, $0x1, v1;
	vm14 =	veq.s32 v5, v0  }
0x241: {  	v2 =	vadd.s32 v3, v2;
	v3 =	vsel vm14, $0x1, v1;
	vm15 =	veq.s32 v6, v0  }
0x242: {  	v2 =	vadd.s32 v3, v2;
	v1 =	vsel vm15, $0x1, v1  }
0x243: {  	v1 =	vadd.s32 v1, v2  }
0x244: {  	v1 =	vxor.u32 $0x80000000, v1  }
0x245: {  	(xrf0) =	vmax.scan.msk.u32 $0xffff, v1;
	_ =	sdelay $0x5  }
0x246: {  	v1, _, _ =	vpop (xrf0)  }
0x247: {  	(v2sf) =	vpush v1, $0xF;
	_ =	sdelay $0xe  }
0x248: {  	s1 =	spop (v2sf)  }
0x249: {  	p0 =	slt.u32 s1, $0x80000001  }
.Ltmp25:
0x24a: {  	_ = 	snop;
	(pc) =	sbr.rel @p0 .LBB2_58-.Ltmp25, $1  }
0x24b: {  	_ =	sdelay $0x3  }
0x24c: {  	s1 =	simm.s32 $0x0;
	s2 =	simm.s32 $0x13A80;
	s31 =	simm.s32 $0x4  }
0x24d: {  	[tilespmem:s2], [sflag:$0x4] =	stream.linear.gather [hbm4b:s30+s1], $0x2710, $0x38;
	[tilespmem:$0x17D10] =	vst v63  }
0x24e: {  	_ =	swait.ge [sflag:s31], $0x2710  }
0x24f: {  	[sflag:s31] =	ssyncset.done $0x0  }
0x250: {  	[sflag:s31] =	ssyncadd.s32 $0xFFFFD8F0  }
0x251: {  	s2 =	sld [smem:$0x0];
	_ =	sdelay $0x2  }
0x252: {  	p0 =	sne.s32 s2, $0x0  }
.Ltmp26:
0x253: {  	_ = 	snop;
	(pc) =	sbr.rel @p0 .LBB2_55-.Ltmp26, $1  }
0x254: {  	_ =	sdelay $0x3  }
0x255: {  	s2 =	simm.s32 $0x40;
	v1 =	vimm.f32 $0.0e+00  }
0x256: {  	[tilespmem:s2+$0xFFFFFFC0] =	vst v1  }
0x257: {  	[tilespmem:s2+$0x30] =	vst v1  }
0x258: {  	[tilespmem:s2+$0x20] =	vst v1  }
0x259: {  	[tilespmem:s2+$0x10] =	vst v1  }
0x25a: {  	[tilespmem:s2+$0x0] =	vst v1  }
0x25b: {  	[tilespmem:s2+$0xFFFFFFF0] =	vst v1  }
0x25c: {  	s4 =	simm.s32 $0x0;
	[tilespmem:s2+$0xFFFFFFE0] =	vst v1  }
.LBB2_53:
0x25d: {  	s4 =	sadd.s32 $0x80, s4;
	[tilespmem:s2+$0xFFFFFFD0] =	vst v1;
	s2 =	sadd.s32 $0x80, s2  }
0x25e: {  	[tilespmem:s2+$0xFFFFFFC0] =	vst v1;
	p0 =	slt.u32 s4, $0xC380  }
0x25f: {  	[tilespmem:s2+$0x30] =	vst v1  }
.Ltmp27:
0x260: {  	[tilespmem:s2+$0x20] =	vst v1;
	(pc) =	sbr.rel @p0 .LBB2_53-.Ltmp27, $4  }
0x261: {  	[tilespmem:s2+$0x10] =	vst v1  }
0x262: {  	[tilespmem:s2+$0x0] =	vst v1  }
0x263: {  	[tilespmem:s2+$0xFFFFFFF0] =	vst v1  }
0x264: {  	[tilespmem:s2+$0xFFFFFFE0] =	vst v1  }
0x265: {  	[tilespmem:s2+$0xFFFFFFD0] =	vst v1  }
.LBB2_55:
0x266: {  	s2 =	simm.s32 $0x11320  }
0x267: {  	s4 =	simm.s32 $0x13AA0;
	v2 =	vld [tilespmem:s2+$0x20]  }
0x268: {  	v8 =	vld [tilespmem:s4+$0x20]  }
0x269: {  	v1 =	vld [tilespmem:s4+$0xFFFFFFE0]  }
0x26a: {  	v3 =	vld [tilespmem:s2+$0xFFFFFFF0]  }
0x26b: {  	v11 =	vld [tilespmem:s4+$0xFFFFFFF0]  }
0x26c: {  	v6 =	vld [tilespmem:s2+$0x0]  }
0x26d: {  	v12 =	vld [tilespmem:s4+$0x0]  }
0x26e: {  	v7 =	vld [tilespmem:s2+$0x10];
	vm0 =	veq.s32 v2, v0;
	vm1 =	vne.s32 v8, v0  }
0x26f: {  	v4 =	vld [tilespmem:s4+$0x10];
	vm0 =	vmand vm0, vm1  }
0x270: {  	s31 =	simm.s32 $0x11370;
	v10 =	vld [tilespmem:s2+$0xFFFFFFE0]  }
0x271: {  	v13 =	vld [tilespmem:s31+$0x20];
	s4 =	simm.s32 $0x13AF0;
	vm2 =	vne.s32 v11, v0;
	vm1 =	veq.s32 v3, v0  }
0x272: {  	v5 =	vld [tilespmem:s4+$0x20];
	vm3 =	vmand vm1, vm2  }
0x273: {  	v14 =	vld [tilespmem:s31+$0xFFFFFFF0];
	v3 =	vimm.f32 $1.000000000e+00;
	vm1 =	veq.s32 v6, v0;
	vm2 =	vne.s32 v12, v0  }
0x274: {  	v2 =	vld [tilespmem:s4+$0xFFFFFFE0];
	vm5 =	vmand vm1, vm2;
	vm1 =	veq.s32 v7, v0;
	vm2 =	vne.s32 v4, v0  }
0x275: {  	vm4 =	veq.s32 v10, v0;
	v6 =	vld [tilespmem:s4+$0xFFFFFFF0];
	vm1 =	vmand vm1, vm2;
	[tilespmem:v8+s1+$0x0] =	vst.idx.msk vm0, v3;
	vm0 =	vne.s32 v1, v0  }
0x276: {  	v9 =	vld [tilespmem:s31+$0x0];
	vm2 =	vmand vm4, vm0  }
0x277: {  	vm6 =	veq.s32 v13, v0;
	v7 =	vld [tilespmem:s4+$0x0];
	vm4 =	vne.s32 v5, v0  }
0x278: {  	v10 =	vld [tilespmem:s31+$0x10];
	[tilespmem:v11+s1+$0x0] =	vst.idx.msk vm3, v3;
	vm3 =	vmand vm6, vm4  }
0x279: {  	s5 =	simm.s32 $0x1;
	v8 =	vld [tilespmem:s4+$0x10];
	vm0 =	vne.s32 v2, v0  }
0x27a: {  	[smem:$0x0] =	sst s5;
	s5 =	simm.s32 $0x50;
	s2 =	simm.s32 $0x113C0;
	v11 =	vld [tilespmem:s31+$0xFFFFFFE0];
	vm4 =	veq.s32 v14, v0;
	[tilespmem:v12+s1+$0x0] =	vst.idx.msk vm5, v3;
	vm5 =	vne.s32 v6, v0  }
.LBB2_56:
0x27b: {  	v12 =	vld [tilespmem:s2+$0x20];
	vm4 =	vmand vm4, vm5;
	vm5 =	veq.s32 v9, v0;
	s4 =	sadd.s32 $0x50, s4;
	[tilespmem:v4+s1+$0x0] =	vst.idx.msk vm1, v3  }
0x27c: {  	s5 =	sadd.s32 $0x50, s5;
	v13 =	vld [tilespmem:s4+$0x20];
	vm1 =	vne.s32 v7, v0;
	[tilespmem:v1+s1+$0x0] =	vst.idx.msk vm2, v3;
	v1 =	vmov v2;
	v14 =	vmov v7  }
0x27d: {  	p0 =	slt.u32 s5, $0x26C0;
	v2 =	vld [tilespmem:s4+$0xFFFFFFE0];
	vm5 =	vmand vm5, vm1;
	vm1 =	veq.s32 v10, v0  }
0x27e: {  	v15 =	vld [tilespmem:s2+$0xFFFFFFF0];
	vm2 =	vne.s32 v8, v0;
	[tilespmem:v5+s1+$0x0] =	vst.idx.msk vm3, v3;
	v4 =	vmov v8  }
0x27f: {  	v16 =	vld [tilespmem:s4+$0xFFFFFFF0];
	vm3 =	veq.s32 v11, v0;
	vm1 =	vmand vm1, vm2  }
.Ltmp28:
0x280: {  	v9 =	vld [tilespmem:s2+$0x0];
	vm2 =	vmand vm3, vm0;
	(pc) =	sbr.rel @p0 .LBB2_56-.Ltmp28, $4  }
0x281: {  	vm3 =	veq.s32 v12, v0;
	v7 =	vld [tilespmem:s4+$0x0];
	vm6 =	vne.s32 v13, v0;
	[tilespmem:v6+s1+$0x0] =	vst.idx.msk vm4, v3;
	v5 =	vmov v13  }
0x282: {  	vm0 =	vne.s32 v2, v0;
	v10 =	vld [tilespmem:s2+$0x10];
	vm3 =	vmand vm3, vm6  }
0x283: {  	vm4 =	veq.s32 v15, v0;
	v8 =	vld [tilespmem:s4+$0x10];
	[tilespmem:v14+s1+$0x0] =	vst.idx.msk vm5, v3  }
0x284: {  	v11 =	vld [tilespmem:s2+$0xFFFFFFE0];
	vm5 =	vne.s32 v16, v0;
	s2 =	sadd.s32 $0x50, s2;
	v6 =	vmov v16  }
0x285: {  	_ =	sdelay $0x1  }
0x286: {  	vm4 =	vmand vm4, vm5;
	vm13 =	veq.s32 v9, v0;
	vm6 =	vne.s32 v7, v0  }
0x287: {  	vm5 =	vmand vm13, vm6;
	vm14 =	veq.s32 v10, v0;
	vm7 =	vne.s32 v8, v0  }
0x288: {  	vm6 =	vmand vm14, vm7;
	vm15 =	veq.s32 v11, v0  }
0x289: {  	[tilespmem:v4+s1+$0x0] =	vst.idx.msk vm1, v3;
	vm0 =	vmand vm15, vm0  }
0x28a: {  	[tilespmem:v1+s1+$0x0] =	vst.idx.msk vm2, v3  }
0x28b: {  	[tilespmem:v5+s1+$0x0] =	vst.idx.msk vm3, v3  }
0x28c: {  	[tilespmem:v6+s1+$0x0] =	vst.idx.msk vm4, v3  }
0x28d: {  	[tilespmem:v7+s1+$0x0] =	vst.idx.msk vm5, v3  }
0x28e: {  	[tilespmem:v8+s1+$0x0] =	vst.idx.msk vm6, v3  }
0x28f: {  	[tilespmem:v2+s1+$0x0] =	vst.idx.msk vm0, v3  }
.LBB2_58:
0x290: {  	s1 =	simm.s32 $0x0;
	s2 =	simm.s32 $0x11300;
	s30 =	simm.s32 $0x1  }
0x291: {  	[tilespmem:s2], [sflag:$0x3] =	stream.linear.gather [hbm4b:s29+s1], $0x2710, $0x38;
	[tilespmem:$0x17D10] =	vst v63  }
0x292: {  	_ =	swait.ge [sflag:s30], $0x2710  }
0x293: {  	[sflag:s30] =	ssyncset.done $0x0  }
0x294: {  	s31 =	simm.s32 $0xC420;
	[sflag:s30] =	ssyncadd.s32 $0xFFFFD8F0  }
0x295: {  	v2 =	vld [tilespmem:s31+$0xFFFFFFE0]  }
0x296: {  	v3 =	vld [tilespmem:s31+$0xFFFFFFF0]  }
0x297: {  	v5 =	vld [tilespmem:s31+$0x0]  }
0x298: {  	v6 =	vld [tilespmem:s31+$0x10]  }
0x299: {  	v7 =	vld [tilespmem:s31+$0x20]  }
0x29a: {  	v1 =	vimm.s32 $0x0;
	s1 =	simm.s32 $0xC470;
	vm0 =	veq.s32 v2, v0  }
0x29b: {  	v4 =	vld [tilespmem:s1+$0xFFFFFFE0];
	vm12 =	veq.s32 v3, v0;
	v8 =	vsel vm0, $0x1, v1  }
0x29c: {  	v2 =	vld [tilespmem:s1+$0xFFFFFFF0];
	vm13 =	veq.s32 v5, v0;
	v9 =	vsel vm12, $0x1, v1;
	v8 =	vadd.s32 v8, v1  }
0x29d: {  	v3 =	vld [tilespmem:s1+$0x0];
	vm14 =	veq.s32 v6, v0;
	v8 =	vadd.s32 v9, v8;
	v9 =	vsel vm13, $0x1, v1  }
0x29e: {  	v5 =	vld [tilespmem:s1+$0x10];
	vm15 =	veq.s32 v7, v0;
	v8 =	vadd.s32 v9, v8;
	v9 =	vsel vm14, $0x1, v1  }
0x29f: {  	s2 =	simm.s32 $0x50;
	v6 =	vld [tilespmem:s1+$0x20];
	v7 =	vadd.s32 v9, v8;
	v8 =	vsel vm15, $0x1, v1  }
.LBB2_59:
0x2a0: {  	s2 =	sadd.s32 $0x50, s2  }
0x2a1: {  	vm0 =	veq.s32 v4, v0;
	s1 =	sadd.s32 $0x50, s1;
	v7 =	vadd.s32 v8, v7;
	p0 =	slt.u32 s2, $0x26C0  }
.Ltmp29:
0x2a2: {  	v4 =	vld [tilespmem:s1+$0xFFFFFFE0];
	v8 =	vsel vm0, $0x1, v1;
	vm0 =	veq.s32 v2, v0;
	(pc) =	sbr.rel @p0 .LBB2_59-.Ltmp29, $4  }
0x2a3: {  	v2 =	vld [tilespmem:s1+$0xFFFFFFF0];
	v7 =	vadd.s32 v8, v7;
	v8 =	vsel vm0, $0x1, v1;
	vm0 =	veq.s32 v3, v0  }
0x2a4: {  	v3 =	vld [tilespmem:s1+$0x0];
	v7 =	vadd.s32 v8, v7;
	v8 =	vsel vm0, $0x1, v1;
	vm0 =	veq.s32 v5, v0  }
0x2a5: {  	v5 =	vld [tilespmem:s1+$0x10];
	v7 =	vadd.s32 v8, v7;
	v8 =	vsel vm0, $0x1, v1;
	vm0 =	veq.s32 v6, v0  }
0x2a6: {  	v6 =	vld [tilespmem:s1+$0x20];
	v7 =	vadd.s32 v8, v7;
	v8 =	vsel vm0, $0x1, v1  }
0x2a7: {  	vm0 =	veq.s32 v4, v0  }
0x2a8: {  	v61 =	vadd.s32 v8, v7;
	v62 =	vsel vm0, $0x1, v1;
	vm12 =	veq.s32 v2, v0  }
0x2a9: {  	v2 =	vadd.s32 v62, v61;
	v63 =	vsel vm12, $0x1, v1;
	vm13 =	veq.s32 v3, v0  }
0x2aa: {  	v2 =	vadd.s32 v63, v2;
	v3 =	vsel vm13, $0x1, v1;
	vm14 =	veq.s32 v5, v0  }
0x2ab: {  	v2 =	vadd.s32 v3, v2;
	v3 =	vsel vm14, $0x1, v1;
	vm15 =	veq.s32 v6, v0  }
0x2ac: {  	v2 =	vadd.s32 v3, v2;
	v1 =	vsel vm15, $0x1, v1  }
0x2ad: {  	v1 =	vadd.s32 v1, v2  }
0x2ae: {  	v1 =	vxor.u32 $0x80000000, v1  }
0x2af: {  	(xrf0) =	vmax.scan.msk.u32 $0xffff, v1;
	_ =	sdelay $0x5  }
0x2b0: {  	v1, _, _ =	vpop (xrf0)  }
0x2b1: {  	(v2sf) =	vpush v1, $0xF;
	_ =	sdelay $0xe  }
0x2b2: {  	s1 =	spop (v2sf)  }
0x2b3: {  	p0 =	slt.u32 s1, $0x80000001  }
.Ltmp30:
0x2b4: {  	_ = 	snop;
	(pc) =	sbr.rel @p0 .LBB2_68-.Ltmp30, $1  }
0x2b5: {  	_ =	sdelay $0x3  }
0x2b6: {  	s1 =	simm.s32 $0x0;
	s2 =	simm.s32 $0x13A80;
	s31 =	simm.s32 $0x4  }
0x2b7: {  	[tilespmem:s2], [sflag:$0x4] =	stream.linear.gather [hbm4b:s28+s1], $0x2710, $0x38;
	[tilespmem:$0x17D10] =	vst v63  }
0x2b8: {  	_ =	swait.ge [sflag:s31], $0x2710  }
0x2b9: {  	[sflag:s31] =	ssyncset.done $0x0  }
0x2ba: {  	[sflag:s31] =	ssyncadd.s32 $0xFFFFD8F0  }
0x2bb: {  	s2 =	sld [smem:$0x0];
	_ =	sdelay $0x2  }
0x2bc: {  	p0 =	sne.s32 s2, $0x0  }
.Ltmp31:
0x2bd: {  	_ = 	snop;
	(pc) =	sbr.rel @p0 .LBB2_65-.Ltmp31, $1  }
0x2be: {  	_ =	sdelay $0x3  }
0x2bf: {  	s2 =	simm.s32 $0x40;
	v1 =	vimm.f32 $0.0e+00  }
0x2c0: {  	[tilespmem:s2+$0xFFFFFFC0] =	vst v1  }
0x2c1: {  	[tilespmem:s2+$0x30] =	vst v1  }
0x2c2: {  	[tilespmem:s2+$0x20] =	vst v1  }
0x2c3: {  	[tilespmem:s2+$0x10] =	vst v1  }
0x2c4: {  	[tilespmem:s2+$0x0] =	vst v1  }
0x2c5: {  	[tilespmem:s2+$0xFFFFFFF0] =	vst v1  }
0x2c6: {  	s4 =	simm.s32 $0x0;
	[tilespmem:s2+$0xFFFFFFE0] =	vst v1  }
.LBB2_63:
0x2c7: {  	s4 =	sadd.s32 $0x80, s4;
	[tilespmem:s2+$0xFFFFFFD0] =	vst v1;
	s2 =	sadd.s32 $0x80, s2  }
0x2c8: {  	[tilespmem:s2+$0xFFFFFFC0] =	vst v1;
	p0 =	slt.u32 s4, $0xC380  }
0x2c9: {  	[tilespmem:s2+$0x30] =	vst v1  }
.Ltmp32:
0x2ca: {  	[tilespmem:s2+$0x20] =	vst v1;
	(pc) =	sbr.rel @p0 .LBB2_63-.Ltmp32, $4  }
0x2cb: {  	[tilespmem:s2+$0x10] =	vst v1  }
0x2cc: {  	[tilespmem:s2+$0x0] =	vst v1  }
0x2cd: {  	[tilespmem:s2+$0xFFFFFFF0] =	vst v1  }
0x2ce: {  	[tilespmem:s2+$0xFFFFFFE0] =	vst v1  }
0x2cf: {  	[tilespmem:s2+$0xFFFFFFD0] =	vst v1  }
.LBB2_65:
0x2d0: {  	s2 =	simm.s32 $0xC420  }
0x2d1: {  	s4 =	simm.s32 $0x13AA0;
	v2 =	vld [tilespmem:s2+$0x20]  }
0x2d2: {  	v8 =	vld [tilespmem:s4+$0x20]  }
0x2d3: {  	v1 =	vld [tilespmem:s4+$0xFFFFFFE0]  }
0x2d4: {  	v3 =	vld [tilespmem:s2+$0xFFFFFFF0]  }
0x2d5: {  	v11 =	vld [tilespmem:s4+$0xFFFFFFF0]  }
0x2d6: {  	v6 =	vld [tilespmem:s2+$0x0]  }
0x2d7: {  	v12 =	vld [tilespmem:s4+$0x0]  }
0x2d8: {  	v7 =	vld [tilespmem:s2+$0x10];
	vm0 =	veq.s32 v2, v0;
	vm1 =	vne.s32 v8, v0  }
0x2d9: {  	v4 =	vld [tilespmem:s4+$0x10];
	vm0 =	vmand vm0, vm1  }
0x2da: {  	s31 =	simm.s32 $0xC470;
	v10 =	vld [tilespmem:s2+$0xFFFFFFE0]  }
0x2db: {  	v13 =	vld [tilespmem:s31+$0x20];
	s4 =	simm.s32 $0x13AF0;
	vm2 =	vne.s32 v11, v0;
	vm1 =	veq.s32 v3, v0  }
0x2dc: {  	v5 =	vld [tilespmem:s4+$0x20];
	vm3 =	vmand vm1, vm2  }
0x2dd: {  	v14 =	vld [tilespmem:s31+$0xFFFFFFF0];
	v3 =	vimm.f32 $1.000000000e+00;
	vm1 =	veq.s32 v6, v0;
	vm2 =	vne.s32 v12, v0  }
0x2de: {  	v2 =	vld [tilespmem:s4+$0xFFFFFFE0];
	vm5 =	vmand vm1, vm2;
	vm1 =	veq.s32 v7, v0;
	vm2 =	vne.s32 v4, v0  }
0x2df: {  	vm4 =	veq.s32 v10, v0;
	v6 =	vld [tilespmem:s4+$0xFFFFFFF0];
	vm1 =	vmand vm1, vm2;
	[tilespmem:v8+s1+$0x0] =	vst.idx.msk vm0, v3;
	vm0 =	vne.s32 v1, v0  }
0x2e0: {  	v9 =	vld [tilespmem:s31+$0x0];
	vm2 =	vmand vm4, vm0  }
0x2e1: {  	vm6 =	veq.s32 v13, v0;
	v7 =	vld [tilespmem:s4+$0x0];
	vm4 =	vne.s32 v5, v0  }
0x2e2: {  	v10 =	vld [tilespmem:s31+$0x10];
	[tilespmem:v11+s1+$0x0] =	vst.idx.msk vm3, v3;
	vm3 =	vmand vm6, vm4  }
0x2e3: {  	s5 =	simm.s32 $0x1;
	v8 =	vld [tilespmem:s4+$0x10];
	vm0 =	vne.s32 v2, v0  }
0x2e4: {  	[smem:$0x0] =	sst s5;
	s5 =	simm.s32 $0x50;
	s2 =	simm.s32 $0xC4C0;
	v11 =	vld [tilespmem:s31+$0xFFFFFFE0];
	vm4 =	veq.s32 v14, v0;
	[tilespmem:v12+s1+$0x0] =	vst.idx.msk vm5, v3;
	vm5 =	vne.s32 v6, v0  }
.LBB2_66:
0x2e5: {  	v12 =	vld [tilespmem:s2+$0x20];
	vm4 =	vmand vm4, vm5;
	vm5 =	veq.s32 v9, v0;
	s4 =	sadd.s32 $0x50, s4;
	[tilespmem:v4+s1+$0x0] =	vst.idx.msk vm1, v3  }
0x2e6: {  	s5 =	sadd.s32 $0x50, s5;
	v13 =	vld [tilespmem:s4+$0x20];
	vm1 =	vne.s32 v7, v0;
	[tilespmem:v1+s1+$0x0] =	vst.idx.msk vm2, v3;
	v1 =	vmov v2;
	v14 =	vmov v7  }
0x2e7: {  	p0 =	slt.u32 s5, $0x26C0;
	v2 =	vld [tilespmem:s4+$0xFFFFFFE0];
	vm5 =	vmand vm5, vm1;
	vm1 =	veq.s32 v10, v0  }
0x2e8: {  	v15 =	vld [tilespmem:s2+$0xFFFFFFF0];
	vm2 =	vne.s32 v8, v0;
	[tilespmem:v5+s1+$0x0] =	vst.idx.msk vm3, v3;
	v4 =	vmov v8  }
0x2e9: {  	v16 =	vld [tilespmem:s4+$0xFFFFFFF0];
	vm3 =	veq.s32 v11, v0;
	vm1 =	vmand vm1, vm2  }
.Ltmp33:
0x2ea: {  	v9 =	vld [tilespmem:s2+$0x0];
	vm2 =	vmand vm3, vm0;
	(pc) =	sbr.rel @p0 .LBB2_66-.Ltmp33, $4  }
0x2eb: {  	vm3 =	veq.s32 v12, v0;
	v7 =	vld [tilespmem:s4+$0x0];
	vm6 =	vne.s32 v13, v0;
	[tilespmem:v6+s1+$0x0] =	vst.idx.msk vm4, v3;
	v5 =	vmov v13  }
0x2ec: {  	vm0 =	vne.s32 v2, v0;
	v10 =	vld [tilespmem:s2+$0x10];
	vm3 =	vmand vm3, vm6  }
0x2ed: {  	vm4 =	veq.s32 v15, v0;
	v8 =	vld [tilespmem:s4+$0x10];
	[tilespmem:v14+s1+$0x0] =	vst.idx.msk vm5, v3  }
0x2ee: {  	v11 =	vld [tilespmem:s2+$0xFFFFFFE0];
	vm5 =	vne.s32 v16, v0;
	s2 =	sadd.s32 $0x50, s2;
	v6 =	vmov v16  }
0x2ef: {  	_ =	sdelay $0x1  }
0x2f0: {  	vm4 =	vmand vm4, vm5;
	vm13 =	veq.s32 v9, v0;
	vm6 =	vne.s32 v7, v0  }
0x2f1: {  	vm5 =	vmand vm13, vm6;
	vm14 =	veq.s32 v10, v0;
	vm7 =	vne.s32 v8, v0  }
0x2f2: {  	vm6 =	vmand vm14, vm7;
	vm15 =	veq.s32 v11, v0  }
0x2f3: {  	[tilespmem:v4+s1+$0x0] =	vst.idx.msk vm1, v3;
	vm0 =	vmand vm15, vm0  }
0x2f4: {  	[tilespmem:v1+s1+$0x0] =	vst.idx.msk vm2, v3  }
0x2f5: {  	[tilespmem:v5+s1+$0x0] =	vst.idx.msk vm3, v3  }
0x2f6: {  	[tilespmem:v6+s1+$0x0] =	vst.idx.msk vm4, v3  }
0x2f7: {  	[tilespmem:v7+s1+$0x0] =	vst.idx.msk vm5, v3  }
0x2f8: {  	[tilespmem:v8+s1+$0x0] =	vst.idx.msk vm6, v3  }
0x2f9: {  	[tilespmem:v2+s1+$0x0] =	vst.idx.msk vm0, v3  }
.LBB2_68:
0x2fa: {  	s1 =	simm.s32 $0x0;
	s2 =	simm.s32 $0xC400;
	s30 =	simm.s32 $0x2  }
0x2fb: {  	[tilespmem:s2], [sflag:$0x1] =	stream.linear.gather [hbm4b:s26+s1], $0x2710, $0x38;
	[tilespmem:$0x17D10] =	vst v63  }
0x2fc: {  	_ =	swait.ge [sflag:s30], $0x2710  }
0x2fd: {  	[sflag:s30] =	ssyncset.done $0x0  }
0x2fe: {  	s31 =	simm.s32 $0xEBA0;
	[sflag:s30] =	ssyncadd.s32 $0xFFFFD8F0  }
0x2ff: {  	v2 =	vld [tilespmem:s31+$0xFFFFFFE0]  }
0x300: {  	v3 =	vld [tilespmem:s31+$0xFFFFFFF0]  }
0x301: {  	v5 =	vld [tilespmem:s31+$0x0]  }
0x302: {  	v6 =	vld [tilespmem:s31+$0x10]  }
0x303: {  	v7 =	vld [tilespmem:s31+$0x20]  }
0x304: {  	v1 =	vimm.s32 $0x0;
	s1 =	simm.s32 $0xEBF0;
	vm0 =	veq.s32 v2, v0  }
0x305: {  	v4 =	vld [tilespmem:s1+$0xFFFFFFE0];
	vm12 =	veq.s32 v3, v0;
	v8 =	vsel vm0, $0x1, v1  }
0x306: {  	v2 =	vld [tilespmem:s1+$0xFFFFFFF0];
	vm13 =	veq.s32 v5, v0;
	v9 =	vsel vm12, $0x1, v1;
	v8 =	vadd.s32 v8, v1  }
0x307: {  	v3 =	vld [tilespmem:s1+$0x0];
	vm14 =	veq.s32 v6, v0;
	v8 =	vadd.s32 v9, v8;
	v9 =	vsel vm13, $0x1, v1  }
0x308: {  	v5 =	vld [tilespmem:s1+$0x10];
	vm15 =	veq.s32 v7, v0;
	v8 =	vadd.s32 v9, v8;
	v9 =	vsel vm14, $0x1, v1  }
0x309: {  	s2 =	simm.s32 $0x50;
	v6 =	vld [tilespmem:s1+$0x20];
	v7 =	vadd.s32 v9, v8;
	v8 =	vsel vm15, $0x1, v1  }
.LBB2_69:
0x30a: {  	s2 =	sadd.s32 $0x50, s2  }
0x30b: {  	vm0 =	veq.s32 v4, v0;
	s1 =	sadd.s32 $0x50, s1;
	v7 =	vadd.s32 v8, v7;
	p0 =	slt.u32 s2, $0x26C0  }
.Ltmp34:
0x30c: {  	v4 =	vld [tilespmem:s1+$0xFFFFFFE0];
	v8 =	vsel vm0, $0x1, v1;
	vm0 =	veq.s32 v2, v0;
	(pc) =	sbr.rel @p0 .LBB2_69-.Ltmp34, $4  }
0x30d: {  	v2 =	vld [tilespmem:s1+$0xFFFFFFF0];
	v7 =	vadd.s32 v8, v7;
	v8 =	vsel vm0, $0x1, v1;
	vm0 =	veq.s32 v3, v0  }
0x30e: {  	v3 =	vld [tilespmem:s1+$0x0];
	v7 =	vadd.s32 v8, v7;
	v8 =	vsel vm0, $0x1, v1;
	vm0 =	veq.s32 v5, v0  }
0x30f: {  	v5 =	vld [tilespmem:s1+$0x10];
	v7 =	vadd.s32 v8, v7;
	v8 =	vsel vm0, $0x1, v1;
	vm0 =	veq.s32 v6, v0  }
0x310: {  	v6 =	vld [tilespmem:s1+$0x20];
	v7 =	vadd.s32 v8, v7;
	v8 =	vsel vm0, $0x1, v1  }
0x311: {  	vm0 =	veq.s32 v4, v0  }
0x312: {  	v61 =	vadd.s32 v8, v7;
	v62 =	vsel vm0, $0x1, v1;
	vm12 =	veq.s32 v2, v0  }
0x313: {  	v2 =	vadd.s32 v62, v61;
	v63 =	vsel vm12, $0x1, v1;
	vm13 =	veq.s32 v3, v0  }
0x314: {  	v2 =	vadd.s32 v63, v2;
	v3 =	vsel vm13, $0x1, v1;
	vm14 =	veq.s32 v5, v0  }
0x315: {  	v2 =	vadd.s32 v3, v2;
	v3 =	vsel vm14, $0x1, v1;
	vm15 =	veq.s32 v6, v0  }
0x316: {  	v2 =	vadd.s32 v3, v2;
	v1 =	vsel vm15, $0x1, v1  }
0x317: {  	v1 =	vadd.s32 v1, v2  }
0x318: {  	v1 =	vxor.u32 $0x80000000, v1  }
0x319: {  	(xrf0) =	vmax.scan.msk.u32 $0xffff, v1;
	_ =	sdelay $0x5  }
0x31a: {  	v1, _, _ =	vpop (xrf0)  }
0x31b: {  	(v2sf) =	vpush v1, $0xF;
	_ =	sdelay $0xe  }
0x31c: {  	s1 =	spop (v2sf)  }
0x31d: {  	p0 =	slt.u32 s1, $0x80000001  }
.Ltmp35:
0x31e: {  	_ = 	snop;
	(pc) =	sbr.rel @p0 .LBB2_78-.Ltmp35, $1  }
0x31f: {  	_ =	sdelay $0x3  }
0x320: {  	s1 =	simm.s32 $0x0;
	s2 =	simm.s32 $0x13A80;
	s31 =	simm.s32 $0x4  }
0x321: {  	[tilespmem:s2], [sflag:$0x4] =	stream.linear.gather [hbm4b:s25+s1], $0x2710, $0x38;
	[tilespmem:$0x17D10] =	vst v63  }
0x322: {  	_ =	swait.ge [sflag:s31], $0x2710  }
0x323: {  	[sflag:s31] =	ssyncset.done $0x0  }
0x324: {  	[sflag:s31] =	ssyncadd.s32 $0xFFFFD8F0  }
0x325: {  	s2 =	sld [smem:$0x0];
	_ =	sdelay $0x2  }
0x326: {  	p0 =	sne.s32 s2, $0x0  }
.Ltmp36:
0x327: {  	_ = 	snop;
	(pc) =	sbr.rel @p0 .LBB2_75-.Ltmp36, $1  }
0x328: {  	_ =	sdelay $0x3  }
0x329: {  	s2 =	simm.s32 $0x40;
	v1 =	vimm.f32 $0.0e+00  }
0x32a: {  	[tilespmem:s2+$0xFFFFFFC0] =	vst v1  }
0x32b: {  	[tilespmem:s2+$0x30] =	vst v1  }
0x32c: {  	[tilespmem:s2+$0x20] =	vst v1  }
0x32d: {  	[tilespmem:s2+$0x10] =	vst v1  }
0x32e: {  	[tilespmem:s2+$0x0] =	vst v1  }
0x32f: {  	[tilespmem:s2+$0xFFFFFFF0] =	vst v1  }
0x330: {  	s4 =	simm.s32 $0x0;
	[tilespmem:s2+$0xFFFFFFE0] =	vst v1  }
.LBB2_73:
0x331: {  	s4 =	sadd.s32 $0x80, s4;
	[tilespmem:s2+$0xFFFFFFD0] =	vst v1;
	s2 =	sadd.s32 $0x80, s2  }
0x332: {  	[tilespmem:s2+$0xFFFFFFC0] =	vst v1;
	p0 =	slt.u32 s4, $0xC380  }
0x333: {  	[tilespmem:s2+$0x30] =	vst v1  }
.Ltmp37:
0x334: {  	[tilespmem:s2+$0x20] =	vst v1;
	(pc) =	sbr.rel @p0 .LBB2_73-.Ltmp37, $4  }
0x335: {  	[tilespmem:s2+$0x10] =	vst v1  }
0x336: {  	[tilespmem:s2+$0x0] =	vst v1  }
0x337: {  	[tilespmem:s2+$0xFFFFFFF0] =	vst v1  }
0x338: {  	[tilespmem:s2+$0xFFFFFFE0] =	vst v1  }
0x339: {  	[tilespmem:s2+$0xFFFFFFD0] =	vst v1  }
.LBB2_75:
0x33a: {  	s2 =	simm.s32 $0xEBA0  }
0x33b: {  	s4 =	simm.s32 $0x13AA0;
	v2 =	vld [tilespmem:s2+$0x20]  }
0x33c: {  	v8 =	vld [tilespmem:s4+$0x20]  }
0x33d: {  	v1 =	vld [tilespmem:s4+$0xFFFFFFE0]  }
0x33e: {  	v3 =	vld [tilespmem:s2+$0xFFFFFFF0]  }
0x33f: {  	v11 =	vld [tilespmem:s4+$0xFFFFFFF0]  }
0x340: {  	v6 =	vld [tilespmem:s2+$0x0]  }
0x341: {  	v12 =	vld [tilespmem:s4+$0x0]  }
0x342: {  	v7 =	vld [tilespmem:s2+$0x10];
	vm0 =	veq.s32 v2, v0;
	vm1 =	vne.s32 v8, v0  }
0x343: {  	v4 =	vld [tilespmem:s4+$0x10];
	vm0 =	vmand vm0, vm1  }
0x344: {  	s31 =	simm.s32 $0xEBF0;
	v10 =	vld [tilespmem:s2+$0xFFFFFFE0]  }
0x345: {  	v13 =	vld [tilespmem:s31+$0x20];
	s4 =	simm.s32 $0x13AF0;
	vm2 =	vne.s32 v11, v0;
	vm1 =	veq.s32 v3, v0  }
0x346: {  	v5 =	vld [tilespmem:s4+$0x20];
	vm3 =	vmand vm1, vm2  }
0x347: {  	v14 =	vld [tilespmem:s31+$0xFFFFFFF0];
	v3 =	vimm.f32 $1.000000000e+00;
	vm1 =	veq.s32 v6, v0;
	vm2 =	vne.s32 v12, v0  }
0x348: {  	v2 =	vld [tilespmem:s4+$0xFFFFFFE0];
	vm5 =	vmand vm1, vm2;
	vm1 =	veq.s32 v7, v0;
	vm2 =	vne.s32 v4, v0  }
0x349: {  	vm4 =	veq.s32 v10, v0;
	v6 =	vld [tilespmem:s4+$0xFFFFFFF0];
	vm1 =	vmand vm1, vm2;
	[tilespmem:v8+s1+$0x0] =	vst.idx.msk vm0, v3;
	vm0 =	vne.s32 v1, v0  }
0x34a: {  	v9 =	vld [tilespmem:s31+$0x0];
	vm2 =	vmand vm4, vm0  }
0x34b: {  	vm6 =	veq.s32 v13, v0;
	v7 =	vld [tilespmem:s4+$0x0];
	vm4 =	vne.s32 v5, v0  }
0x34c: {  	v10 =	vld [tilespmem:s31+$0x10];
	[tilespmem:v11+s1+$0x0] =	vst.idx.msk vm3, v3;
	vm3 =	vmand vm6, vm4  }
0x34d: {  	s5 =	simm.s32 $0x1;
	v8 =	vld [tilespmem:s4+$0x10];
	vm0 =	vne.s32 v2, v0  }
0x34e: {  	[smem:$0x0] =	sst s5;
	s5 =	simm.s32 $0x50;
	s2 =	simm.s32 $0xEC40;
	v11 =	vld [tilespmem:s31+$0xFFFFFFE0];
	vm4 =	veq.s32 v14, v0;
	[tilespmem:v12+s1+$0x0] =	vst.idx.msk vm5, v3;
	vm5 =	vne.s32 v6, v0  }
.LBB2_76:
0x34f: {  	v12 =	vld [tilespmem:s2+$0x20];
	vm4 =	vmand vm4, vm5;
	vm5 =	veq.s32 v9, v0;
	s4 =	sadd.s32 $0x50, s4;
	[tilespmem:v4+s1+$0x0] =	vst.idx.msk vm1, v3  }
0x350: {  	s5 =	sadd.s32 $0x50, s5;
	v13 =	vld [tilespmem:s4+$0x20];
	vm1 =	vne.s32 v7, v0;
	[tilespmem:v1+s1+$0x0] =	vst.idx.msk vm2, v3;
	v1 =	vmov v2;
	v14 =	vmov v7  }
0x351: {  	p0 =	slt.u32 s5, $0x26C0;
	v2 =	vld [tilespmem:s4+$0xFFFFFFE0];
	vm5 =	vmand vm5, vm1;
	vm1 =	veq.s32 v10, v0  }
0x352: {  	v15 =	vld [tilespmem:s2+$0xFFFFFFF0];
	vm2 =	vne.s32 v8, v0;
	[tilespmem:v5+s1+$0x0] =	vst.idx.msk vm3, v3;
	v4 =	vmov v8  }
0x353: {  	v16 =	vld [tilespmem:s4+$0xFFFFFFF0];
	vm3 =	veq.s32 v11, v0;
	vm1 =	vmand vm1, vm2  }
.Ltmp38:
0x354: {  	v9 =	vld [tilespmem:s2+$0x0];
	vm2 =	vmand vm3, vm0;
	(pc) =	sbr.rel @p0 .LBB2_76-.Ltmp38, $4  }
0x355: {  	vm3 =	veq.s32 v12, v0;
	v7 =	vld [tilespmem:s4+$0x0];
	vm6 =	vne.s32 v13, v0;
	[tilespmem:v6+s1+$0x0] =	vst.idx.msk vm4, v3;
	v5 =	vmov v13  }
0x356: {  	vm0 =	vne.s32 v2, v0;
	v10 =	vld [tilespmem:s2+$0x10];
	vm3 =	vmand vm3, vm6  }
0x357: {  	vm4 =	veq.s32 v15, v0;
	v8 =	vld [tilespmem:s4+$0x10];
	[tilespmem:v14+s1+$0x0] =	vst.idx.msk vm5, v3  }
0x358: {  	v11 =	vld [tilespmem:s2+$0xFFFFFFE0];
	vm5 =	vne.s32 v16, v0;
	s2 =	sadd.s32 $0x50, s2;
	v6 =	vmov v16  }
0x359: {  	_ =	sdelay $0x1  }
0x35a: {  	vm4 =	vmand vm4, vm5;
	vm13 =	veq.s32 v9, v0;
	vm6 =	vne.s32 v7, v0  }
0x35b: {  	vm5 =	vmand vm13, vm6;
	vm14 =	veq.s32 v10, v0;
	vm7 =	vne.s32 v8, v0  }
0x35c: {  	vm6 =	vmand vm14, vm7;
	vm15 =	veq.s32 v11, v0  }
0x35d: {  	[tilespmem:v4+s1+$0x0] =	vst.idx.msk vm1, v3;
	vm0 =	vmand vm15, vm0  }
0x35e: {  	[tilespmem:v1+s1+$0x0] =	vst.idx.msk vm2, v3  }
0x35f: {  	[tilespmem:v5+s1+$0x0] =	vst.idx.msk vm3, v3  }
0x360: {  	[tilespmem:v6+s1+$0x0] =	vst.idx.msk vm4, v3  }
0x361: {  	[tilespmem:v7+s1+$0x0] =	vst.idx.msk vm5, v3  }
0x362: {  	[tilespmem:v8+s1+$0x0] =	vst.idx.msk vm6, v3  }
0x363: {  	[tilespmem:v2+s1+$0x0] =	vst.idx.msk vm0, v3  }
.LBB2_78:
0x364: {  	s1 =	simm.s32 $0x3  }
0x365: {  	_ =	swait.ge [sflag:s1], $0x2710  }
0x366: {  	[sflag:s1] =	ssyncset.done $0x0  }
0x367: {  	s31 =	simm.s32 $0x11320;
	[sflag:s1] =	ssyncadd.s32 $0xFFFFD8F0  }
0x368: {  	v2 =	vld [tilespmem:s31+$0xFFFFFFE0]  }
0x369: {  	v3 =	vld [tilespmem:s31+$0xFFFFFFF0]  }
0x36a: {  	v5 =	vld [tilespmem:s31+$0x0]  }
0x36b: {  	v6 =	vld [tilespmem:s31+$0x10]  }
0x36c: {  	v7 =	vld [tilespmem:s31+$0x20]  }
0x36d: {  	v1 =	vimm.s32 $0x0;
	s1 =	simm.s32 $0x11370;
	vm0 =	veq.s32 v2, v0  }
0x36e: {  	v4 =	vld [tilespmem:s1+$0xFFFFFFE0];
	vm12 =	veq.s32 v3, v0;
	v8 =	vsel vm0, $0x1, v1  }
0x36f: {  	v2 =	vld [tilespmem:s1+$0xFFFFFFF0];
	vm13 =	veq.s32 v5, v0;
	v9 =	vsel vm12, $0x1, v1;
	v8 =	vadd.s32 v8, v1  }
0x370: {  	v3 =	vld [tilespmem:s1+$0x0];
	vm14 =	veq.s32 v6, v0;
	v8 =	vadd.s32 v9, v8;
	v9 =	vsel vm13, $0x1, v1  }
0x371: {  	v5 =	vld [tilespmem:s1+$0x10];
	vm15 =	veq.s32 v7, v0;
	v8 =	vadd.s32 v9, v8;
	v9 =	vsel vm14, $0x1, v1  }
0x372: {  	s2 =	simm.s32 $0x50;
	v6 =	vld [tilespmem:s1+$0x20];
	v7 =	vadd.s32 v9, v8;
	v8 =	vsel vm15, $0x1, v1  }
.LBB2_79:
0x373: {  	s2 =	sadd.s32 $0x50, s2  }
0x374: {  	vm0 =	veq.s32 v4, v0;
	s1 =	sadd.s32 $0x50, s1;
	v7 =	vadd.s32 v8, v7;
	p0 =	slt.u32 s2, $0x26C0  }
.Ltmp39:
0x375: {  	v4 =	vld [tilespmem:s1+$0xFFFFFFE0];
	v8 =	vsel vm0, $0x1, v1;
	vm0 =	veq.s32 v2, v0;
	(pc) =	sbr.rel @p0 .LBB2_79-.Ltmp39, $4  }
0x376: {  	v2 =	vld [tilespmem:s1+$0xFFFFFFF0];
	v7 =	vadd.s32 v8, v7;
	v8 =	vsel vm0, $0x1, v1;
	vm0 =	veq.s32 v3, v0  }
0x377: {  	v3 =	vld [tilespmem:s1+$0x0];
	v7 =	vadd.s32 v8, v7;
	v8 =	vsel vm0, $0x1, v1;
	vm0 =	veq.s32 v5, v0  }
0x378: {  	v5 =	vld [tilespmem:s1+$0x10];
	v7 =	vadd.s32 v8, v7;
	v8 =	vsel vm0, $0x1, v1;
	vm0 =	veq.s32 v6, v0  }
0x379: {  	v6 =	vld [tilespmem:s1+$0x20];
	v7 =	vadd.s32 v8, v7;
	v8 =	vsel vm0, $0x1, v1  }
0x37a: {  	vm0 =	veq.s32 v4, v0  }
0x37b: {  	v61 =	vadd.s32 v8, v7;
	v62 =	vsel vm0, $0x1, v1;
	vm12 =	veq.s32 v2, v0  }
0x37c: {  	v2 =	vadd.s32 v62, v61;
	v63 =	vsel vm12, $0x1, v1;
	vm13 =	veq.s32 v3, v0  }
0x37d: {  	v2 =	vadd.s32 v63, v2;
	v3 =	vsel vm13, $0x1, v1;
	vm14 =	veq.s32 v5, v0  }
0x37e: {  	v2 =	vadd.s32 v3, v2;
	v3 =	vsel vm14, $0x1, v1;
	vm15 =	veq.s32 v6, v0  }
0x37f: {  	v2 =	vadd.s32 v3, v2;
	v1 =	vsel vm15, $0x1, v1  }
0x380: {  	v1 =	vadd.s32 v1, v2  }
0x381: {  	v1 =	vxor.u32 $0x80000000, v1  }
0x382: {  	(xrf0) =	vmax.scan.msk.u32 $0xffff, v1;
	_ =	sdelay $0x5  }
0x383: {  	v1, _, _ =	vpop (xrf0)  }
0x384: {  	(v2sf) =	vpush v1, $0xF;
	_ =	sdelay $0xe  }
0x385: {  	s1 =	spop (v2sf)  }
0x386: {  	p0 =	slt.u32 s1, $0x80000001  }
.Ltmp40:
0x387: {  	_ = 	snop;
	(pc) =	sbr.rel @p0 .LBB2_88-.Ltmp40, $1  }
0x388: {  	_ =	sdelay $0x3  }
0x389: {  	s1 =	simm.s32 $0x0;
	s2 =	simm.s32 $0x13A80;
	s31 =	simm.s32 $0x4  }
0x38a: {  	[tilespmem:s2], [sflag:$0x4] =	stream.linear.gather [hbm4b:s24+s1], $0x2710, $0x38;
	[tilespmem:$0x17D10] =	vst v63  }
0x38b: {  	_ =	swait.ge [sflag:s31], $0x2710  }
0x38c: {  	[sflag:s31] =	ssyncset.done $0x0  }
0x38d: {  	[sflag:s31] =	ssyncadd.s32 $0xFFFFD8F0  }
0x38e: {  	s2 =	sld [smem:$0x0];
	_ =	sdelay $0x2  }
0x38f: {  	p0 =	sne.s32 s2, $0x0  }
.Ltmp41:
0x390: {  	_ = 	snop;
	(pc) =	sbr.rel @p0 .LBB2_85-.Ltmp41, $1  }
0x391: {  	_ =	sdelay $0x3  }
0x392: {  	s2 =	simm.s32 $0x40;
	v1 =	vimm.f32 $0.0e+00  }
0x393: {  	[tilespmem:s2+$0xFFFFFFC0] =	vst v1  }
0x394: {  	[tilespmem:s2+$0x30] =	vst v1  }
0x395: {  	[tilespmem:s2+$0x20] =	vst v1  }
0x396: {  	[tilespmem:s2+$0x10] =	vst v1  }
0x397: {  	[tilespmem:s2+$0x0] =	vst v1  }
0x398: {  	[tilespmem:s2+$0xFFFFFFF0] =	vst v1  }
0x399: {  	s4 =	simm.s32 $0x0;
	[tilespmem:s2+$0xFFFFFFE0] =	vst v1  }
.LBB2_83:
0x39a: {  	s4 =	sadd.s32 $0x80, s4;
	[tilespmem:s2+$0xFFFFFFD0] =	vst v1;
	s2 =	sadd.s32 $0x80, s2  }
0x39b: {  	[tilespmem:s2+$0xFFFFFFC0] =	vst v1;
	p0 =	slt.u32 s4, $0xC380  }
0x39c: {  	[tilespmem:s2+$0x30] =	vst v1  }
.Ltmp42:
0x39d: {  	[tilespmem:s2+$0x20] =	vst v1;
	(pc) =	sbr.rel @p0 .LBB2_83-.Ltmp42, $4  }
0x39e: {  	[tilespmem:s2+$0x10] =	vst v1  }
0x39f: {  	[tilespmem:s2+$0x0] =	vst v1  }
0x3a0: {  	[tilespmem:s2+$0xFFFFFFF0] =	vst v1  }
0x3a1: {  	[tilespmem:s2+$0xFFFFFFE0] =	vst v1  }
0x3a2: {  	[tilespmem:s2+$0xFFFFFFD0] =	vst v1  }
.LBB2_85:
0x3a3: {  	s2 =	simm.s32 $0x11320  }
0x3a4: {  	s4 =	simm.s32 $0x13AA0;
	v2 =	vld [tilespmem:s2+$0x20]  }
0x3a5: {  	v8 =	vld [tilespmem:s4+$0x20]  }
0x3a6: {  	v1 =	vld [tilespmem:s4+$0xFFFFFFE0]  }
0x3a7: {  	v3 =	vld [tilespmem:s2+$0xFFFFFFF0]  }
0x3a8: {  	v11 =	vld [tilespmem:s4+$0xFFFFFFF0]  }
0x3a9: {  	v6 =	vld [tilespmem:s2+$0x0]  }
0x3aa: {  	v12 =	vld [tilespmem:s4+$0x0]  }
0x3ab: {  	v7 =	vld [tilespmem:s2+$0x10];
	vm0 =	veq.s32 v2, v0;
	vm1 =	vne.s32 v8, v0  }
0x3ac: {  	v4 =	vld [tilespmem:s4+$0x10];
	vm0 =	vmand vm0, vm1  }
0x3ad: {  	s31 =	simm.s32 $0x11370;
	v10 =	vld [tilespmem:s2+$0xFFFFFFE0]  }
0x3ae: {  	v13 =	vld [tilespmem:s31+$0x20];
	s4 =	simm.s32 $0x13AF0;
	vm2 =	vne.s32 v11, v0;
	vm1 =	veq.s32 v3, v0  }
0x3af: {  	v5 =	vld [tilespmem:s4+$0x20];
	vm3 =	vmand vm1, vm2  }
0x3b0: {  	v14 =	vld [tilespmem:s31+$0xFFFFFFF0];
	v3 =	vimm.f32 $1.000000000e+00;
	vm1 =	veq.s32 v6, v0;
	vm2 =	vne.s32 v12, v0  }
0x3b1: {  	v2 =	vld [tilespmem:s4+$0xFFFFFFE0];
	vm5 =	vmand vm1, vm2;
	vm1 =	veq.s32 v7, v0;
	vm2 =	vne.s32 v4, v0  }
0x3b2: {  	vm4 =	veq.s32 v10, v0;
	v6 =	vld [tilespmem:s4+$0xFFFFFFF0];
	vm1 =	vmand vm1, vm2;
	[tilespmem:v8+s1+$0x0] =	vst.idx.msk vm0, v3;
	vm0 =	vne.s32 v1, v0  }
0x3b3: {  	v9 =	vld [tilespmem:s31+$0x0];
	vm2 =	vmand vm4, vm0  }
0x3b4: {  	vm6 =	veq.s32 v13, v0;
	v7 =	vld [tilespmem:s4+$0x0];
	vm4 =	vne.s32 v5, v0  }
0x3b5: {  	v10 =	vld [tilespmem:s31+$0x10];
	[tilespmem:v11+s1+$0x0] =	vst.idx.msk vm3, v3;
	vm3 =	vmand vm6, vm4  }
0x3b6: {  	s5 =	simm.s32 $0x1;
	v8 =	vld [tilespmem:s4+$0x10];
	vm0 =	vne.s32 v2, v0  }
0x3b7: {  	[smem:$0x0] =	sst s5;
	s5 =	simm.s32 $0x50;
	s2 =	simm.s32 $0x113C0;
	v11 =	vld [tilespmem:s31+$0xFFFFFFE0];
	vm4 =	veq.s32 v14, v0;
	[tilespmem:v12+s1+$0x0] =	vst.idx.msk vm5, v3;
	vm5 =	vne.s32 v6, v0  }
.LBB2_86:
0x3b8: {  	v12 =	vld [tilespmem:s2+$0x20];
	vm4 =	vmand vm4, vm5;
	vm5 =	veq.s32 v9, v0;
	s4 =	sadd.s32 $0x50, s4;
	[tilespmem:v4+s1+$0x0] =	vst.idx.msk vm1, v3  }
0x3b9: {  	s5 =	sadd.s32 $0x50, s5;
	v13 =	vld [tilespmem:s4+$0x20];
	vm1 =	vne.s32 v7, v0;
	[tilespmem:v1+s1+$0x0] =	vst.idx.msk vm2, v3;
	v1 =	vmov v2;
	v14 =	vmov v7  }
0x3ba: {  	p0 =	slt.u32 s5, $0x26C0;
	v2 =	vld [tilespmem:s4+$0xFFFFFFE0];
	vm5 =	vmand vm5, vm1;
	vm1 =	veq.s32 v10, v0  }
0x3bb: {  	v15 =	vld [tilespmem:s2+$0xFFFFFFF0];
	vm2 =	vne.s32 v8, v0;
	[tilespmem:v5+s1+$0x0] =	vst.idx.msk vm3, v3;
	v4 =	vmov v8  }
0x3bc: {  	v16 =	vld [tilespmem:s4+$0xFFFFFFF0];
	vm3 =	veq.s32 v11, v0;
	vm1 =	vmand vm1, vm2  }
.Ltmp43:
0x3bd: {  	v9 =	vld [tilespmem:s2+$0x0];
	vm2 =	vmand vm3, vm0;
	(pc) =	sbr.rel @p0 .LBB2_86-.Ltmp43, $4  }
0x3be: {  	vm3 =	veq.s32 v12, v0;
	v7 =	vld [tilespmem:s4+$0x0];
	vm6 =	vne.s32 v13, v0;
	[tilespmem:v6+s1+$0x0] =	vst.idx.msk vm4, v3;
	v5 =	vmov v13  }
0x3bf: {  	vm0 =	vne.s32 v2, v0;
	v10 =	vld [tilespmem:s2+$0x10];
	vm3 =	vmand vm3, vm6  }
0x3c0: {  	vm4 =	veq.s32 v15, v0;
	v8 =	vld [tilespmem:s4+$0x10];
	[tilespmem:v14+s1+$0x0] =	vst.idx.msk vm5, v3  }
0x3c1: {  	v11 =	vld [tilespmem:s2+$0xFFFFFFE0];
	vm5 =	vne.s32 v16, v0;
	s2 =	sadd.s32 $0x50, s2;
	v6 =	vmov v16  }
0x3c2: {  	_ =	sdelay $0x1  }
0x3c3: {  	vm4 =	vmand vm4, vm5;
	vm13 =	veq.s32 v9, v0;
	vm6 =	vne.s32 v7, v0  }
0x3c4: {  	vm5 =	vmand vm13, vm6;
	vm14 =	veq.s32 v10, v0;
	vm7 =	vne.s32 v8, v0  }
0x3c5: {  	vm6 =	vmand vm14, vm7;
	vm15 =	veq.s32 v11, v0  }
0x3c6: {  	[tilespmem:v4+s1+$0x0] =	vst.idx.msk vm1, v3;
	vm0 =	vmand vm15, vm0  }
0x3c7: {  	[tilespmem:v1+s1+$0x0] =	vst.idx.msk vm2, v3  }
0x3c8: {  	[tilespmem:v5+s1+$0x0] =	vst.idx.msk vm3, v3  }
0x3c9: {  	[tilespmem:v6+s1+$0x0] =	vst.idx.msk vm4, v3  }
0x3ca: {  	[tilespmem:v7+s1+$0x0] =	vst.idx.msk vm5, v3  }
0x3cb: {  	[tilespmem:v8+s1+$0x0] =	vst.idx.msk vm6, v3  }
0x3cc: {  	[tilespmem:v2+s1+$0x0] =	vst.idx.msk vm0, v3  }
.LBB2_88:
0x3cd: {  	s1 =	simm.s32 $0x1  }
0x3ce: {  	_ =	swait.ge [sflag:s1], $0x2710  }
0x3cf: {  	[sflag:s1] =	ssyncset.done $0x0  }
0x3d0: {  	s31 =	simm.s32 $0xC420;
	[sflag:s1] =	ssyncadd.s32 $0xFFFFD8F0  }
0x3d1: {  	v2 =	vld [tilespmem:s31+$0xFFFFFFE0]  }
0x3d2: {  	v3 =	vld [tilespmem:s31+$0xFFFFFFF0]  }
0x3d3: {  	v5 =	vld [tilespmem:s31+$0x0]  }
0x3d4: {  	v6 =	vld [tilespmem:s31+$0x10]  }
0x3d5: {  	v7 =	vld [tilespmem:s31+$0x20]  }
0x3d6: {  	v1 =	vimm.s32 $0x0;
	s1 =	simm.s32 $0xC470;
	vm0 =	veq.s32 v2, v0  }
0x3d7: {  	v4 =	vld [tilespmem:s1+$0xFFFFFFE0];
	vm12 =	veq.s32 v3, v0;
	v8 =	vsel vm0, $0x1, v1  }
0x3d8: {  	v2 =	vld [tilespmem:s1+$0xFFFFFFF0];
	vm13 =	veq.s32 v5, v0;
	v9 =	vsel vm12, $0x1, v1;
	v8 =	vadd.s32 v8, v1  }
0x3d9: {  	v3 =	vld [tilespmem:s1+$0x0];
	vm14 =	veq.s32 v6, v0;
	v8 =	vadd.s32 v9, v8;
	v9 =	vsel vm13, $0x1, v1  }
0x3da: {  	v5 =	vld [tilespmem:s1+$0x10];
	vm15 =	veq.s32 v7, v0;
	v8 =	vadd.s32 v9, v8;
	v9 =	vsel vm14, $0x1, v1  }
0x3db: {  	s2 =	simm.s32 $0x50;
	v6 =	vld [tilespmem:s1+$0x20];
	v7 =	vadd.s32 v9, v8;
	v8 =	vsel vm15, $0x1, v1  }
.LBB2_89:
0x3dc: {  	s2 =	sadd.s32 $0x50, s2  }
0x3dd: {  	vm0 =	veq.s32 v4, v0;
	s1 =	sadd.s32 $0x50, s1;
	v7 =	vadd.s32 v8, v7;
	p0 =	slt.u32 s2, $0x26C0  }
.Ltmp44:
0x3de: {  	v4 =	vld [tilespmem:s1+$0xFFFFFFE0];
	v8 =	vsel vm0, $0x1, v1;
	vm0 =	veq.s32 v2, v0;
	(pc) =	sbr.rel @p0 .LBB2_89-.Ltmp44, $4  }
0x3df: {  	v2 =	vld [tilespmem:s1+$0xFFFFFFF0];
	v7 =	vadd.s32 v8, v7;
	v8 =	vsel vm0, $0x1, v1;
	vm0 =	veq.s32 v3, v0  }
0x3e0: {  	v3 =	vld [tilespmem:s1+$0x0];
	v7 =	vadd.s32 v8, v7;
	v8 =	vsel vm0, $0x1, v1;
	vm0 =	veq.s32 v5, v0  }
0x3e1: {  	v5 =	vld [tilespmem:s1+$0x10];
	v7 =	vadd.s32 v8, v7;
	v8 =	vsel vm0, $0x1, v1;
	vm0 =	veq.s32 v6, v0  }
0x3e2: {  	v6 =	vld [tilespmem:s1+$0x20];
	v7 =	vadd.s32 v8, v7;
	v8 =	vsel vm0, $0x1, v1  }
0x3e3: {  	vm0 =	veq.s32 v4, v0  }
0x3e4: {  	v61 =	vadd.s32 v8, v7;
	v62 =	vsel vm0, $0x1, v1;
	vm12 =	veq.s32 v2, v0  }
0x3e5: {  	v2 =	vadd.s32 v62, v61;
	v63 =	vsel vm12, $0x1, v1;
	vm13 =	veq.s32 v3, v0  }
0x3e6: {  	v2 =	vadd.s32 v63, v2;
	v3 =	vsel vm13, $0x1, v1;
	vm14 =	veq.s32 v5, v0  }
0x3e7: {  	v2 =	vadd.s32 v3, v2;
	v3 =	vsel vm14, $0x1, v1;
	vm15 =	veq.s32 v6, v0  }
0x3e8: {  	v2 =	vadd.s32 v3, v2;
	v1 =	vsel vm15, $0x1, v1  }
0x3e9: {  	v1 =	vadd.s32 v1, v2  }
0x3ea: {  	v1 =	vxor.u32 $0x80000000, v1  }
0x3eb: {  	(xrf0) =	vmax.scan.msk.u32 $0xffff, v1;
	_ =	sdelay $0x5  }
0x3ec: {  	v1, _, _ =	vpop (xrf0)  }
0x3ed: {  	(v2sf) =	vpush v1, $0xF;
	_ =	sdelay $0xe  }
0x3ee: {  	s1 =	spop (v2sf)  }
0x3ef: {  	p0 =	slt.u32 s1, $0x80000001  }
.Ltmp45:
0x3f0: {  	_ = 	snop;
	(pc) =	sbr.rel @p0 .LBB2_98-.Ltmp45, $1  }
0x3f1: {  	_ =	sdelay $0x3  }
0x3f2: {  	s1 =	simm.s32 $0x0  }
0x3f3: {  	s2 =	simm.s32 $0x13A80;
	s4 =	rddreg [dreg:$0xa];
	s31 =	simm.s32 $0x4  }
0x3f4: {  	[tilespmem:s2], [sflag:$0x4] =	stream.linear.gather [hbm4b:s4+s1], $0x2710, $0x38;
	[tilespmem:$0x17D10] =	vst v63  }
0x3f5: {  	_ =	swait.ge [sflag:s31], $0x2710  }
0x3f6: {  	[sflag:s31] =	ssyncset.done $0x0  }
0x3f7: {  	[sflag:s31] =	ssyncadd.s32 $0xFFFFD8F0  }
0x3f8: {  	s2 =	sld [smem:$0x0];
	_ =	sdelay $0x2  }
0x3f9: {  	p0 =	sne.s32 s2, $0x0  }
.Ltmp46:
0x3fa: {  	_ = 	snop;
	(pc) =	sbr.rel @p0 .LBB2_95-.Ltmp46, $1  }
0x3fb: {  	_ =	sdelay $0x3  }
0x3fc: {  	s2 =	simm.s32 $0x40;
	v1 =	vimm.f32 $0.0e+00  }
0x3fd: {  	[tilespmem:s2+$0xFFFFFFC0] =	vst v1  }
0x3fe: {  	[tilespmem:s2+$0x30] =	vst v1  }
0x3ff: {  	[tilespmem:s2+$0x20] =	vst v1  }
0x400: {  	[tilespmem:s2+$0x10] =	vst v1  }
0x401: {  	[tilespmem:s2+$0x0] =	vst v1  }
0x402: {  	[tilespmem:s2+$0xFFFFFFF0] =	vst v1  }
0x403: {  	s4 =	simm.s32 $0x0;
	[tilespmem:s2+$0xFFFFFFE0] =	vst v1  }
.LBB2_93:
0x404: {  	s4 =	sadd.s32 $0x80, s4;
	[tilespmem:s2+$0xFFFFFFD0] =	vst v1;
	s2 =	sadd.s32 $0x80, s2  }
0x405: {  	[tilespmem:s2+$0xFFFFFFC0] =	vst v1;
	p0 =	slt.u32 s4, $0xC380  }
0x406: {  	[tilespmem:s2+$0x30] =	vst v1  }
.Ltmp47:
0x407: {  	[tilespmem:s2+$0x20] =	vst v1;
	(pc) =	sbr.rel @p0 .LBB2_93-.Ltmp47, $4  }
0x408: {  	[tilespmem:s2+$0x10] =	vst v1  }
0x409: {  	[tilespmem:s2+$0x0] =	vst v1  }
0x40a: {  	[tilespmem:s2+$0xFFFFFFF0] =	vst v1  }
0x40b: {  	[tilespmem:s2+$0xFFFFFFE0] =	vst v1  }
0x40c: {  	[tilespmem:s2+$0xFFFFFFD0] =	vst v1  }
.LBB2_95:
0x40d: {  	s2 =	simm.s32 $0xC420  }
0x40e: {  	s4 =	simm.s32 $0x13AA0;
	v2 =	vld [tilespmem:s2+$0x20]  }
0x40f: {  	v8 =	vld [tilespmem:s4+$0x20]  }
0x410: {  	v1 =	vld [tilespmem:s4+$0xFFFFFFE0]  }
0x411: {  	v3 =	vld [tilespmem:s2+$0xFFFFFFF0]  }
0x412: {  	v11 =	vld [tilespmem:s4+$0xFFFFFFF0]  }
0x413: {  	v6 =	vld [tilespmem:s2+$0x0]  }
0x414: {  	v12 =	vld [tilespmem:s4+$0x0]  }
0x415: {  	v7 =	vld [tilespmem:s2+$0x10];
	vm0 =	veq.s32 v2, v0;
	vm1 =	vne.s32 v8, v0  }
0x416: {  	v4 =	vld [tilespmem:s4+$0x10];
	vm0 =	vmand vm0, vm1  }
0x417: {  	s31 =	simm.s32 $0xC470;
	v10 =	vld [tilespmem:s2+$0xFFFFFFE0]  }
0x418: {  	s5 =	simm.s32 $0x13AF0;
	v13 =	vld [tilespmem:s31+$0x20];
	vm2 =	vne.s32 v11, v0;
	vm1 =	veq.s32 v3, v0  }
0x419: {  	v5 =	vld [tilespmem:s5+$0x20];
	vm3 =	vmand vm1, vm2  }
0x41a: {  	v14 =	vld [tilespmem:s31+$0xFFFFFFF0];
	v3 =	vimm.f32 $1.000000000e+00;
	vm1 =	veq.s32 v6, v0;
	vm2 =	vne.s32 v12, v0  }
0x41b: {  	v2 =	vld [tilespmem:s5+$0xFFFFFFE0];
	vm5 =	vmand vm1, vm2;
	vm1 =	veq.s32 v7, v0;
	vm2 =	vne.s32 v4, v0  }
0x41c: {  	vm4 =	veq.s32 v10, v0;
	v6 =	vld [tilespmem:s5+$0xFFFFFFF0];
	vm1 =	vmand vm1, vm2;
	[tilespmem:v8+s1+$0x0] =	vst.idx.msk vm0, v3;
	vm0 =	vne.s32 v1, v0  }
0x41d: {  	v9 =	vld [tilespmem:s31+$0x0];
	vm2 =	vmand vm4, vm0  }
0x41e: {  	vm6 =	veq.s32 v13, v0;
	v7 =	vld [tilespmem:s5+$0x0];
	vm4 =	vne.s32 v5, v0  }
0x41f: {  	v10 =	vld [tilespmem:s31+$0x10];
	[tilespmem:v11+s1+$0x0] =	vst.idx.msk vm3, v3;
	vm3 =	vmand vm6, vm4  }
0x420: {  	s4 =	simm.s32 $0x1;
	v8 =	vld [tilespmem:s5+$0x10];
	vm0 =	vne.s32 v2, v0  }
0x421: {  	s6 =	simm.s32 $0x50;
	s2 =	simm.s32 $0xC4C0;
	[smem:$0x0] =	sst s4;
	v11 =	vld [tilespmem:s31+$0xFFFFFFE0];
	vm4 =	veq.s32 v14, v0;
	[tilespmem:v12+s1+$0x0] =	vst.idx.msk vm5, v3;
	vm5 =	vne.s32 v6, v0  }
.LBB2_96:
0x422: {  	v12 =	vld [tilespmem:s2+$0x20];
	vm4 =	vmand vm4, vm5;
	vm5 =	veq.s32 v9, v0;
	s5 =	sadd.s32 $0x50, s5;
	[tilespmem:v4+s1+$0x0] =	vst.idx.msk vm1, v3  }
0x423: {  	s6 =	sadd.s32 $0x50, s6;
	v13 =	vld [tilespmem:s5+$0x20];
	vm1 =	vne.s32 v7, v0;
	[tilespmem:v1+s1+$0x0] =	vst.idx.msk vm2, v3;
	v1 =	vmov v2;
	v14 =	vmov v7  }
0x424: {  	p0 =	slt.u32 s6, $0x26C0;
	v2 =	vld [tilespmem:s5+$0xFFFFFFE0];
	vm5 =	vmand vm5, vm1;
	vm1 =	veq.s32 v10, v0  }
0x425: {  	v15 =	vld [tilespmem:s2+$0xFFFFFFF0];
	vm2 =	vne.s32 v8, v0;
	[tilespmem:v5+s1+$0x0] =	vst.idx.msk vm3, v3;
	v4 =	vmov v8  }
0x426: {  	v16 =	vld [tilespmem:s5+$0xFFFFFFF0];
	vm3 =	veq.s32 v11, v0;
	vm1 =	vmand vm1, vm2  }
.Ltmp48:
0x427: {  	v9 =	vld [tilespmem:s2+$0x0];
	vm2 =	vmand vm3, vm0;
	(pc) =	sbr.rel @p0 .LBB2_96-.Ltmp48, $4  }
0x428: {  	vm3 =	veq.s32 v12, v0;
	v7 =	vld [tilespmem:s5+$0x0];
	vm6 =	vne.s32 v13, v0;
	[tilespmem:v6+s1+$0x0] =	vst.idx.msk vm4, v3;
	v5 =	vmov v13  }
0x429: {  	vm0 =	vne.s32 v2, v0;
	v10 =	vld [tilespmem:s2+$0x10];
	vm3 =	vmand vm3, vm6  }
0x42a: {  	vm4 =	veq.s32 v15, v0;
	v8 =	vld [tilespmem:s5+$0x10];
	[tilespmem:v14+s1+$0x0] =	vst.idx.msk vm5, v3  }
0x42b: {  	v11 =	vld [tilespmem:s2+$0xFFFFFFE0];
	vm5 =	vne.s32 v16, v0;
	s2 =	sadd.s32 $0x50, s2;
	v6 =	vmov v16  }
0x42c: {  	_ =	sdelay $0x1  }
0x42d: {  	vm4 =	vmand vm4, vm5;
	vm13 =	veq.s32 v9, v0;
	vm6 =	vne.s32 v7, v0  }
0x42e: {  	vm5 =	vmand vm13, vm6;
	vm14 =	veq.s32 v10, v0;
	vm7 =	vne.s32 v8, v0  }
0x42f: {  	vm6 =	vmand vm14, vm7;
	vm15 =	veq.s32 v11, v0  }
0x430: {  	[tilespmem:v4+s1+$0x0] =	vst.idx.msk vm1, v3;
	vm0 =	vmand vm15, vm0  }
0x431: {  	[tilespmem:v1+s1+$0x0] =	vst.idx.msk vm2, v3  }
.Ltmp49:
0x432: {  	[tilespmem:v5+s1+$0x0] =	vst.idx.msk vm3, v3;
	(pc) =	sbr.rel .LBB2_99-.Ltmp49, $4  }
0x433: {  	[tilespmem:v6+s1+$0x0] =	vst.idx.msk vm4, v3  }
0x434: {  	[tilespmem:v7+s1+$0x0] =	vst.idx.msk vm5, v3  }
0x435: {  	[tilespmem:v8+s1+$0x0] =	vst.idx.msk vm6, v3  }
0x436: {  	[tilespmem:v2+s1+$0x0] =	vst.idx.msk vm0, v3  }
.LBB2_98:
0x437: {  	s4 =	sld [smem:$0x0];
	_ =	sdelay $0x2  }
0x438: {  	p0 =	slt.s32 s4, $0x1  }
.Ltmp50:
0x439: {  	_ = 	snop;
	(pc) =	sbr.rel @p0 .LBB2_100-.Ltmp50, $1  }
0x43a: {  	_ =	sdelay $0x3  }
.LBB2_99:
0x43b: {  	s1 =	simm.s32 $0x0;
	s31 =	simm.s32 $0x4  }
0x43c: {  	[hbm4b:s22+s1] =	stream.linear.scatter [tilespmem:s1], [sflag:$0x4], $0xC400, $0x38;
	[tilespmem:$0x17D10] =	vst v63  }
0x43d: {  	_ =	swait.ge [sflag:s31], $0xC400  }
0x43e: {  	[sflag:s31] =	ssyncset.done $0x0  }
0x43f: {  	[sflag:s31] =	ssyncadd.s32 $0xFFFF3C00  }
.LBB2_100:
0x440: {  	v1 =	vmov s4  }
0x441: {  	s1 =	simm.s32 $0x17B80;
	s31 =	simm.s32 $0x4;
	[tilespmem:$0x17B80] =	vst v1  }
0x442: {  	[spmem:s21] =	stream.linear.scatter [tilespmem:s1], [sflag:$0x4], $0x10, $0x38;
	[tilespmem:$0x17D10] =	vst v63  }
0x443: {  	_ =	swait.ge [sflag:s31], $0x10  }
0x444: {  	[sflag:s31] =	ssyncset.done $0x0  }
0x445: {  	[sflag:s31] =	ssyncadd.s32 $0xFFFFFFF0  }
0x446: {  	v1 =	vimm.f32 $0.0e+00;
	s1 =	simm.s32 $0x16F40;
	[bflag:$0x0] =	sbarrier.arrive $0xFFFF  }
0x447: {  	[tilespmem:s1+$0xFFFFFFC0] =	vst v1  }
0x448: {  	[tilespmem:s1+$0x30] =	vst v1  }
0x449: {  	[tilespmem:s1+$0x20] =	vst v1  }
0x44a: {  	[tilespmem:s1+$0x10] =	vst v1  }
0x44b: {  	[tilespmem:s1+$0x0] =	vst v1  }
0x44c: {  	[tilespmem:s1+$0xFFFFFFF0] =	vst v1  }
0x44d: {  	s2 =	simm.s32 $0x0;
	[tilespmem:s1+$0xFFFFFFE0] =	vst v1  }
.LBB2_101:
0x44e: {  	s2 =	sadd.s32 $0x80, s2;
	[tilespmem:s1+$0xFFFFFFD0] =	vst v1;
	s1 =	sadd.s32 $0x80, s1  }
0x44f: {  	[tilespmem:s1+$0xFFFFFFC0] =	vst v1;
	p0 =	slt.u32 s2, $0xB80  }
0x450: {  	[tilespmem:s1+$0x30] =	vst v1  }
.Ltmp51:
0x451: {  	[tilespmem:s1+$0x20] =	vst v1;
	(pc) =	sbr.rel @p0 .LBB2_101-.Ltmp51, $4  }
0x452: {  	[tilespmem:s1+$0x10] =	vst v1  }
0x453: {  	[tilespmem:s1+$0x0] =	vst v1  }
0x454: {  	[tilespmem:s1+$0xFFFFFFF0] =	vst v1  }
0x455: {  	[tilespmem:s1+$0xFFFFFFE0] =	vst v1  }
0x456: {  	[tilespmem:s1+$0xFFFFFFD0] =	vst v1;
	s1 =	simm.s32 $0xBF0;
	s2 =	simm.s32 $0x17B00;
	v1 =	vimm.f32 $0.0e+00  }
.LBB2_103:
0x457: {  	s1 =	sadd.s32 $0x10, s1  }
0x458: {  	p0 =	slt.u32 s1, $0xC30  }
.Ltmp52:
0x459: {  	_ = 	snop;
	(pc) =	sbr.rel @p0 .LBB2_103-.Ltmp52, $2  }
0x45a: {  	_ =	sdelay $0x2  }
0x45b: {  	[tilespmem:s2+$0x0] =	vst v1;
	s2 =	sadd.s32 $0x10, s2  }
0x45c: {  	s1 =	simm.s32 $0x17C00;
	s2 =	rddreg [dreg:$0x2]  }
0x45d: {  	[tilespmem:s1], [sflag:$0x4] =	stream.linear.gather [spmem:s2], $0x100, $0x38;
	[tilespmem:$0x17D10] =	vst v63  }
0x45e: {  	s1 =	simm.s32 $0x4  }
0x45f: {  	_ =	swait.ge [sflag:s1], $0x100  }
0x460: {  	[sflag:s1] =	ssyncset.done $0x0  }
0x461: {  	[sflag:s1] =	ssyncadd.s32 $0xFFFFFF00  }
0x462: {  	v1 =	vld [tilespmem:$0x17C00];
	_ =	sdelay $0x4  }
0x463: {  	v1 =	vxor.u32 $0x80000000, v1  }
0x464: {  	(xrf0) =	vmax.scan.msk.u32 $0xffff, v1;
	_ =	sdelay $0x5  }
0x465: {  	v1, _, _ =	vpop (xrf0)  }
0x466: {  	(v2sf) =	vpush v1, $0xF;
	_ =	sdelay $0xe  }
0x467: {  	s31 =	spop (v2sf)  }
0x468: {  	p0 =	slt.u32 s31, $0x80000001  }
.Ltmp53:
0x469: {  	_ = 	snop;
	(pc) =	sbr.rel @p0 .LBB2_109-.Ltmp53, $1  }
0x46a: {  	_ =	sdelay $0x3  }
0x46b: {  	s2 =	simm.s32 $0x0;
	s4 =	simm.s32 $0x16280  }
0x46c: {  	[tilespmem:s4], [sflag:$0x4] =	stream.linear.gather [hbm4b:s19+s2], $0xC40, $0x38;
	[tilespmem:$0x17D10] =	vst v63  }
0x46d: {  	_ =	swait.ge [sflag:s1], $0xC40  }
0x46e: {  	[sflag:s1] =	ssyncset.done $0x0  }
0x46f: {  	[sflag:s1] =	ssyncadd.s32 $0xFFFFF3C0;
	s1 =	simm.s32 $0x16F40  }
0x470: {  	s4 =	simm.s32 $0x162C0;
	v2 =	vld [tilespmem:s1+$0x30]  }
0x471: {  	v3 =	vld [tilespmem:s4+$0x30]  }
0x472: {  	v1 =	vld [tilespmem:s4+$0xFFFFFFC0]  }
0x473: {  	v4 =	vld [tilespmem:s1+$0xFFFFFFD0]  }
0x474: {  	v5 =	vld [tilespmem:s4+$0xFFFFFFD0]  }
0x475: {  	v6 =	vld [tilespmem:s1+$0xFFFFFFE0]  }
0x476: {  	v7 =	vld [tilespmem:s4+$0xFFFFFFE0]  }
0x477: {  	v8 =	vld [tilespmem:s1+$0xFFFFFFF0]  }
0x478: {  	v9 =	vld [tilespmem:s4+$0xFFFFFFF0]  }
0x479: {  	v10 =	vld [tilespmem:s1+$0x0]  }
0x47a: {  	v11 =	vld [tilespmem:s4+$0x0];
	v3 =	vadd.f32 v3, v2  }
0x47b: {  	v5 =	vadd.f32 v5, v4;
	v2 =	vld [tilespmem:s1+$0x10]  }
0x47c: {  	v6 =	vadd.f32 v7, v6;
	v4 =	vld [tilespmem:s4+$0x10];
	[tilespmem:s1+$0x30] =	vst v3  }
0x47d: {  	v7 =	vadd.f32 v9, v8;
	[tilespmem:s1+$0xFFFFFFD0] =	vst v5;
	v3 =	vld [tilespmem:s1+$0x20]  }
0x47e: {  	[tilespmem:s1+$0xFFFFFFE0] =	vst v6;
	v6 =	vld [tilespmem:s4+$0x20]  }
0x47f: {  	s5 =	simm.s32 $0x0;
	s6 =	simm.s32 $0x16FC0;
	v5 =	vld [tilespmem:s1+$0xFFFFFFC0];
	[tilespmem:s1+$0xFFFFFFF0] =	vst v7;
	v7 =	vadd.f32 v11, v10  }
.LBB2_106:
0x480: {  	v8 =	vld [tilespmem:s6+$0x30];
	s4 =	sadd.s32 $0x80, s4  }
0x481: {  	s5 =	sadd.s32 $0x80, s5;
	v9 =	vld [tilespmem:s4+$0x30];
	[tilespmem:s1+$0x0] =	vst v7;
	v2 =	vadd.f32 v4, v2  }
0x482: {  	p0 =	slt.u32 s5, $0xB80;
	v4 =	vld [tilespmem:s4+$0xFFFFFFC0]  }
0x483: {  	v7 =	vld [tilespmem:s6+$0xFFFFFFD0];
	[tilespmem:s1+$0x10] =	vst v2;
	v2 =	vadd.f32 v6, v3  }
0x484: {  	v3 =	vld [tilespmem:s4+$0xFFFFFFD0];
	v10 =	vadd.f32 v1, v5  }
0x485: {  	v5 =	vld [tilespmem:s6+$0xFFFFFFE0];
	[tilespmem:s1+$0x20] =	vst v2  }
0x486: {  	v2 =	vld [tilespmem:s4+$0xFFFFFFE0];
	v6 =	vadd.f32 v9, v8;
	[tilespmem:s1+$0xFFFFFFC0] =	vst v10;
	s1 =	smov.u32 s6  }
0x487: {  	v8 =	vld [tilespmem:s6+$0xFFFFFFF0];
	v1 =	vmov v4  }
0x488: {  	v9 =	vld [tilespmem:s4+$0xFFFFFFF0];
	[tilespmem:s6+$0x30] =	vst v6  }
0x489: {  	v3 =	vadd.f32 v3, v7;
	v7 =	vld [tilespmem:s6+$0x0]  }
0x48a: {  	v10 =	vld [tilespmem:s4+$0x0]  }
.Ltmp54:
0x48b: {  	[tilespmem:s6+$0xFFFFFFD0] =	vst v3;
	v3 =	vadd.f32 v2, v5;
	v2 =	vld [tilespmem:s6+$0x10];
	(pc) =	sbr.rel @p0 .LBB2_106-.Ltmp54, $4  }
0x48c: {  	v4 =	vld [tilespmem:s4+$0x10]  }
0x48d: {  	[tilespmem:s6+$0xFFFFFFE0] =	vst v3;
	v8 =	vadd.f32 v9, v8;
	v3 =	vld [tilespmem:s6+$0x20]  }
0x48e: {  	v6 =	vld [tilespmem:s4+$0x20]  }
0x48f: {  	s6 =	sadd.s32 $0x80, s6;
	v5 =	vld [tilespmem:s1+$0xFFFFFFC0];
	[tilespmem:s1+$0xFFFFFFF0] =	vst v8;
	v7 =	vadd.f32 v10, v7  }
0x490: {  	_ =	sdelay $0x1  }
0x491: {  	v2 =	vadd.f32 v4, v2  }
0x492: {  	[tilespmem:s1+$0x0] =	vst v7;
	v3 =	vadd.f32 v6, v3  }
0x493: {  	[tilespmem:s1+$0x10] =	vst v2;
	v1 =	vadd.f32 v1, v5  }
0x494: {  	[tilespmem:s1+$0x20] =	vst v3  }
0x495: {  	s2 =	simm.s32 $0x16E80;
	s4 =	simm.s32 $0x17B00;
	[tilespmem:s1+$0xFFFFFFC0] =	vst v1;
	s1 =	simm.s32 $0xBF0  }
.LBB2_108:
0x496: {  	v1 =	vld [tilespmem:s4+$0x0]  }
0x497: {  	v2 =	vld [tilespmem:s2+$0x0]  }
0x498: {  	s1 =	sadd.s32 $0x10, s1  }
0x499: {  	p0 =	slt.u32 s1, $0xC30  }
.Ltmp55:
0x49a: {  	_ = 	snop;
	(pc) =	sbr.rel @p0 .LBB2_108-.Ltmp55, $3  }
0x49b: {  	_ = 	snop  }
0x49c: {  	v1 =	vadd.f32 v2, v1;
	_ =	sdelay $0x1  }
0x49d: {  	s2 =	sadd.s32 $0x10, s2;
	[tilespmem:s4+$0x0] =	vst v1;
	s4 =	sadd.s32 $0x10, s4  }
.LBB2_109:
0x49e: {  	v1 =	vld [tilespmem:$0x17C10];
	_ =	sdelay $0x4  }
0x49f: {  	v1 =	vxor.u32 $0x80000000, v1  }
0x4a0: {  	(xrf0) =	vmax.scan.msk.u32 $0xffff, v1;
	_ =	sdelay $0x5  }
0x4a1: {  	v1, _, _ =	vpop (xrf0)  }
0x4a2: {  	(v2sf) =	vpush v1, $0xF;
	_ =	sdelay $0xe  }
0x4a3: {  	s1 =	spop (v2sf)  }
0x4a4: {  	p0 =	slt.u32 s1, $0x80000001  }
.Ltmp56:
0x4a5: {  	_ = 	snop;
	(pc) =	sbr.rel @p0 .LBB2_114-.Ltmp56, $1  }
0x4a6: {  	_ =	sdelay $0x3  }
0x4a7: {  	s1 =	simm.s32 $0x0  }
0x4a8: {  	s2 =	simm.s32 $0x16280;
	s4 =	rddreg [dreg:$0x9];
	s31 =	simm.s32 $0x4  }
0x4a9: {  	[tilespmem:s2], [sflag:$0x4] =	stream.linear.gather [hbm4b:s4+s1], $0xC40, $0x38;
	[tilespmem:$0x17D10] =	vst v63  }
0x4aa: {  	_ =	swait.ge [sflag:s31], $0xC40  }
0x4ab: {  	[sflag:s31] =	ssyncset.done $0x0  }
0x4ac: {  	s1 =	simm.s32 $0x16F40;
	[sflag:s31] =	ssyncadd.s32 $0xFFFFF3C0  }
0x4ad: {  	s4 =	simm.s32 $0x162C0;
	v2 =	vld [tilespmem:s1+$0x30]  }
0x4ae: {  	v3 =	vld [tilespmem:s4+$0x30]  }
0x4af: {  	v1 =	vld [tilespmem:s4+$0xFFFFFFC0]  }
0x4b0: {  	v4 =	vld [tilespmem:s1+$0xFFFFFFD0]  }
0x4b1: {  	v5 =	vld [tilespmem:s4+$0xFFFFFFD0]  }
0x4b2: {  	v6 =	vld [tilespmem:s1+$0xFFFFFFE0]  }
0x4b3: {  	v7 =	vld [tilespmem:s4+$0xFFFFFFE0]  }
0x4b4: {  	v8 =	vld [tilespmem:s1+$0xFFFFFFF0]  }
0x4b5: {  	v9 =	vld [tilespmem:s4+$0xFFFFFFF0]  }
0x4b6: {  	v10 =	vld [tilespmem:s1+$0x0]  }
0x4b7: {  	v11 =	vld [tilespmem:s4+$0x0];
	v3 =	vadd.f32 v3, v2  }
0x4b8: {  	v5 =	vadd.f32 v5, v4;
	v2 =	vld [tilespmem:s1+$0x10]  }
0x4b9: {  	v6 =	vadd.f32 v7, v6;
	v4 =	vld [tilespmem:s4+$0x10];
	[tilespmem:s1+$0x30] =	vst v3  }
0x4ba: {  	v7 =	vadd.f32 v9, v8;
	[tilespmem:s1+$0xFFFFFFD0] =	vst v5;
	v3 =	vld [tilespmem:s1+$0x20]  }
0x4bb: {  	[tilespmem:s1+$0xFFFFFFE0] =	vst v6;
	v6 =	vld [tilespmem:s4+$0x20]  }
0x4bc: {  	s5 =	simm.s32 $0x0;
	s6 =	simm.s32 $0x16FC0;
	v5 =	vld [tilespmem:s1+$0xFFFFFFC0];
	[tilespmem:s1+$0xFFFFFFF0] =	vst v7;
	v7 =	vadd.f32 v11, v10  }
.LBB2_111:
0x4bd: {  	v8 =	vld [tilespmem:s6+$0x30];
	s4 =	sadd.s32 $0x80, s4  }
0x4be: {  	s5 =	sadd.s32 $0x80, s5;
	v9 =	vld [tilespmem:s4+$0x30];
	[tilespmem:s1+$0x0] =	vst v7;
	v2 =	vadd.f32 v4, v2  }
0x4bf: {  	p0 =	slt.u32 s5, $0xB80;
	v4 =	vld [tilespmem:s4+$0xFFFFFFC0]  }
0x4c0: {  	v7 =	vld [tilespmem:s6+$0xFFFFFFD0];
	[tilespmem:s1+$0x10] =	vst v2;
	v2 =	vadd.f32 v6, v3  }
0x4c1: {  	v3 =	vld [tilespmem:s4+$0xFFFFFFD0];
	v10 =	vadd.f32 v1, v5  }
0x4c2: {  	v5 =	vld [tilespmem:s6+$0xFFFFFFE0];
	[tilespmem:s1+$0x20] =	vst v2  }
0x4c3: {  	v2 =	vld [tilespmem:s4+$0xFFFFFFE0];
	v6 =	vadd.f32 v9, v8;
	[tilespmem:s1+$0xFFFFFFC0] =	vst v10;
	s1 =	smov.u32 s6  }
0x4c4: {  	v8 =	vld [tilespmem:s6+$0xFFFFFFF0];
	v1 =	vmov v4  }
0x4c5: {  	v9 =	vld [tilespmem:s4+$0xFFFFFFF0];
	[tilespmem:s6+$0x30] =	vst v6  }
0x4c6: {  	v3 =	vadd.f32 v3, v7;
	v7 =	vld [tilespmem:s6+$0x0]  }
0x4c7: {  	v10 =	vld [tilespmem:s4+$0x0]  }
.Ltmp57:
0x4c8: {  	[tilespmem:s6+$0xFFFFFFD0] =	vst v3;
	v3 =	vadd.f32 v2, v5;
	v2 =	vld [tilespmem:s6+$0x10];
	(pc) =	sbr.rel @p0 .LBB2_111-.Ltmp57, $4  }
0x4c9: {  	v4 =	vld [tilespmem:s4+$0x10]  }
0x4ca: {  	[tilespmem:s6+$0xFFFFFFE0] =	vst v3;
	v8 =	vadd.f32 v9, v8;
	v3 =	vld [tilespmem:s6+$0x20]  }
0x4cb: {  	v6 =	vld [tilespmem:s4+$0x20]  }
0x4cc: {  	s6 =	sadd.s32 $0x80, s6;
	v5 =	vld [tilespmem:s1+$0xFFFFFFC0];
	[tilespmem:s1+$0xFFFFFFF0] =	vst v8;
	v7 =	vadd.f32 v10, v7  }
0x4cd: {  	_ =	sdelay $0x1  }
0x4ce: {  	v2 =	vadd.f32 v4, v2  }
0x4cf: {  	[tilespmem:s1+$0x0] =	vst v7;
	v3 =	vadd.f32 v6, v3  }
0x4d0: {  	[tilespmem:s1+$0x10] =	vst v2;
	v1 =	vadd.f32 v1, v5  }
0x4d1: {  	[tilespmem:s1+$0x20] =	vst v3  }
0x4d2: {  	s2 =	simm.s32 $0x16E80;
	s4 =	simm.s32 $0x17B00;
	[tilespmem:s1+$0xFFFFFFC0] =	vst v1;
	s1 =	simm.s32 $0xBF0  }
.LBB2_113:
0x4d3: {  	v1 =	vld [tilespmem:s4+$0x0]  }
0x4d4: {  	v2 =	vld [tilespmem:s2+$0x0]  }
0x4d5: {  	s1 =	sadd.s32 $0x10, s1  }
0x4d6: {  	p0 =	slt.u32 s1, $0xC30  }
.Ltmp58:
0x4d7: {  	_ = 	snop;
	(pc) =	sbr.rel @p0 .LBB2_113-.Ltmp58, $3  }
0x4d8: {  	_ = 	snop  }
0x4d9: {  	v1 =	vadd.f32 v2, v1;
	_ =	sdelay $0x1  }
0x4da: {  	s2 =	sadd.s32 $0x10, s2;
	[tilespmem:s4+$0x0] =	vst v1;
	s4 =	sadd.s32 $0x10, s4  }
.LBB2_114:
0x4db: {  	v1 =	vld [tilespmem:$0x17C20];
	_ =	sdelay $0x4  }
0x4dc: {  	v1 =	vxor.u32 $0x80000000, v1  }
0x4dd: {  	(xrf0) =	vmax.scan.msk.u32 $0xffff, v1;
	_ =	sdelay $0x5  }
0x4de: {  	v1, _, _ =	vpop (xrf0)  }
0x4df: {  	(v2sf) =	vpush v1, $0xF;
	_ =	sdelay $0xe  }
0x4e0: {  	s1 =	spop (v2sf)  }
0x4e1: {  	p0 =	slt.u32 s1, $0x80000001  }
.Ltmp59:
0x4e2: {  	_ = 	snop;
	(pc) =	sbr.rel @p0 .LBB2_119-.Ltmp59, $1  }
0x4e3: {  	_ =	sdelay $0x3  }
0x4e4: {  	s1 =	simm.s32 $0x0  }
0x4e5: {  	s2 =	simm.s32 $0x16280;
	s4 =	rddreg [dreg:$0x8];
	s31 =	simm.s32 $0x4  }
0x4e6: {  	[tilespmem:s2], [sflag:$0x4] =	stream.linear.gather [hbm4b:s4+s1], $0xC40, $0x38;
	[tilespmem:$0x17D10] =	vst v63  }
0x4e7: {  	_ =	swait.ge [sflag:s31], $0xC40  }
0x4e8: {  	[sflag:s31] =	ssyncset.done $0x0  }
0x4e9: {  	s1 =	simm.s32 $0x16F40;
	[sflag:s31] =	ssyncadd.s32 $0xFFFFF3C0  }
0x4ea: {  	s4 =	simm.s32 $0x162C0;
	v2 =	vld [tilespmem:s1+$0x30]  }
0x4eb: {  	v3 =	vld [tilespmem:s4+$0x30]  }
0x4ec: {  	v1 =	vld [tilespmem:s4+$0xFFFFFFC0]  }
0x4ed: {  	v4 =	vld [tilespmem:s1+$0xFFFFFFD0]  }
0x4ee: {  	v5 =	vld [tilespmem:s4+$0xFFFFFFD0]  }
0x4ef: {  	v6 =	vld [tilespmem:s1+$0xFFFFFFE0]  }
0x4f0: {  	v7 =	vld [tilespmem:s4+$0xFFFFFFE0]  }
0x4f1: {  	v8 =	vld [tilespmem:s1+$0xFFFFFFF0]  }
0x4f2: {  	v9 =	vld [tilespmem:s4+$0xFFFFFFF0]  }
0x4f3: {  	v10 =	vld [tilespmem:s1+$0x0]  }
0x4f4: {  	v11 =	vld [tilespmem:s4+$0x0];
	v3 =	vadd.f32 v3, v2  }
0x4f5: {  	v5 =	vadd.f32 v5, v4;
	v2 =	vld [tilespmem:s1+$0x10]  }
0x4f6: {  	v6 =	vadd.f32 v7, v6;
	v4 =	vld [tilespmem:s4+$0x10];
	[tilespmem:s1+$0x30] =	vst v3  }
0x4f7: {  	v7 =	vadd.f32 v9, v8;
	[tilespmem:s1+$0xFFFFFFD0] =	vst v5;
	v3 =	vld [tilespmem:s1+$0x20]  }
0x4f8: {  	[tilespmem:s1+$0xFFFFFFE0] =	vst v6;
	v6 =	vld [tilespmem:s4+$0x20]  }
0x4f9: {  	s5 =	simm.s32 $0x0;
	s6 =	simm.s32 $0x16FC0;
	v5 =	vld [tilespmem:s1+$0xFFFFFFC0];
	[tilespmem:s1+$0xFFFFFFF0] =	vst v7;
	v7 =	vadd.f32 v11, v10  }
.LBB2_116:
0x4fa: {  	v8 =	vld [tilespmem:s6+$0x30];
	s4 =	sadd.s32 $0x80, s4  }
0x4fb: {  	s5 =	sadd.s32 $0x80, s5;
	v9 =	vld [tilespmem:s4+$0x30];
	[tilespmem:s1+$0x0] =	vst v7;
	v2 =	vadd.f32 v4, v2  }
0x4fc: {  	p0 =	slt.u32 s5, $0xB80;
	v4 =	vld [tilespmem:s4+$0xFFFFFFC0]  }
0x4fd: {  	v7 =	vld [tilespmem:s6+$0xFFFFFFD0];
	[tilespmem:s1+$0x10] =	vst v2;
	v2 =	vadd.f32 v6, v3  }
0x4fe: {  	v3 =	vld [tilespmem:s4+$0xFFFFFFD0];
	v10 =	vadd.f32 v1, v5  }
0x4ff: {  	v5 =	vld [tilespmem:s6+$0xFFFFFFE0];
	[tilespmem:s1+$0x20] =	vst v2  }
0x500: {  	v2 =	vld [tilespmem:s4+$0xFFFFFFE0];
	v6 =	vadd.f32 v9, v8;
	[tilespmem:s1+$0xFFFFFFC0] =	vst v10;
	s1 =	smov.u32 s6  }
0x501: {  	v8 =	vld [tilespmem:s6+$0xFFFFFFF0];
	v1 =	vmov v4  }
0x502: {  	v9 =	vld [tilespmem:s4+$0xFFFFFFF0];
	[tilespmem:s6+$0x30] =	vst v6  }
0x503: {  	v3 =	vadd.f32 v3, v7;
	v7 =	vld [tilespmem:s6+$0x0]  }
0x504: {  	v10 =	vld [tilespmem:s4+$0x0]  }
.Ltmp60:
0x505: {  	[tilespmem:s6+$0xFFFFFFD0] =	vst v3;
	v3 =	vadd.f32 v2, v5;
	v2 =	vld [tilespmem:s6+$0x10];
	(pc) =	sbr.rel @p0 .LBB2_116-.Ltmp60, $4  }
0x506: {  	v4 =	vld [tilespmem:s4+$0x10]  }
0x507: {  	[tilespmem:s6+$0xFFFFFFE0] =	vst v3;
	v8 =	vadd.f32 v9, v8;
	v3 =	vld [tilespmem:s6+$0x20]  }
0x508: {  	v6 =	vld [tilespmem:s4+$0x20]  }
0x509: {  	s6 =	sadd.s32 $0x80, s6;
	v5 =	vld [tilespmem:s1+$0xFFFFFFC0];
	[tilespmem:s1+$0xFFFFFFF0] =	vst v8;
	v7 =	vadd.f32 v10, v7  }
0x50a: {  	_ =	sdelay $0x1  }
0x50b: {  	v2 =	vadd.f32 v4, v2  }
0x50c: {  	[tilespmem:s1+$0x0] =	vst v7;
	v3 =	vadd.f32 v6, v3  }
0x50d: {  	[tilespmem:s1+$0x10] =	vst v2;
	v1 =	vadd.f32 v1, v5  }
0x50e: {  	[tilespmem:s1+$0x20] =	vst v3  }
0x50f: {  	s2 =	simm.s32 $0x16E80;
	s4 =	simm.s32 $0x17B00;
	[tilespmem:s1+$0xFFFFFFC0] =	vst v1;
	s1 =	simm.s32 $0xBF0  }
.LBB2_118:
0x510: {  	v1 =	vld [tilespmem:s4+$0x0]  }
0x511: {  	v2 =	vld [tilespmem:s2+$0x0]  }
0x512: {  	s1 =	sadd.s32 $0x10, s1  }
0x513: {  	p0 =	slt.u32 s1, $0xC30  }
.Ltmp61:
0x514: {  	_ = 	snop;
	(pc) =	sbr.rel @p0 .LBB2_118-.Ltmp61, $3  }
0x515: {  	_ = 	snop  }
0x516: {  	v1 =	vadd.f32 v2, v1;
	_ =	sdelay $0x1  }
0x517: {  	s2 =	sadd.s32 $0x10, s2;
	[tilespmem:s4+$0x0] =	vst v1;
	s4 =	sadd.s32 $0x10, s4  }
.LBB2_119:
0x518: {  	v1 =	vld [tilespmem:$0x17C30];
	_ =	sdelay $0x4  }
0x519: {  	v1 =	vxor.u32 $0x80000000, v1  }
0x51a: {  	(xrf0) =	vmax.scan.msk.u32 $0xffff, v1;
	_ =	sdelay $0x5  }
0x51b: {  	v1, _, _ =	vpop (xrf0)  }
0x51c: {  	(v2sf) =	vpush v1, $0xF;
	_ =	sdelay $0xe  }
0x51d: {  	s1 =	spop (v2sf)  }
0x51e: {  	p0 =	slt.u32 s1, $0x80000001  }
.Ltmp62:
0x51f: {  	_ = 	snop;
	(pc) =	sbr.rel @p0 .LBB2_124-.Ltmp62, $1  }
0x520: {  	_ =	sdelay $0x3  }
0x521: {  	s1 =	simm.s32 $0x0  }
0x522: {  	s2 =	simm.s32 $0x16280;
	s4 =	rddreg [dreg:$0x7];
	s31 =	simm.s32 $0x4  }
0x523: {  	[tilespmem:s2], [sflag:$0x4] =	stream.linear.gather [hbm4b:s4+s1], $0xC40, $0x38;
	[tilespmem:$0x17D10] =	vst v63  }
0x524: {  	_ =	swait.ge [sflag:s31], $0xC40  }
0x525: {  	[sflag:s31] =	ssyncset.done $0x0  }
0x526: {  	s1 =	simm.s32 $0x16F40;
	[sflag:s31] =	ssyncadd.s32 $0xFFFFF3C0  }
0x527: {  	s4 =	simm.s32 $0x162C0;
	v2 =	vld [tilespmem:s1+$0x30]  }
0x528: {  	v3 =	vld [tilespmem:s4+$0x30]  }
0x529: {  	v1 =	vld [tilespmem:s4+$0xFFFFFFC0]  }
0x52a: {  	v4 =	vld [tilespmem:s1+$0xFFFFFFD0]  }
0x52b: {  	v5 =	vld [tilespmem:s4+$0xFFFFFFD0]  }
0x52c: {  	v6 =	vld [tilespmem:s1+$0xFFFFFFE0]  }
0x52d: {  	v7 =	vld [tilespmem:s4+$0xFFFFFFE0]  }
0x52e: {  	v8 =	vld [tilespmem:s1+$0xFFFFFFF0]  }
0x52f: {  	v9 =	vld [tilespmem:s4+$0xFFFFFFF0]  }
0x530: {  	v10 =	vld [tilespmem:s1+$0x0]  }
0x531: {  	v11 =	vld [tilespmem:s4+$0x0];
	v3 =	vadd.f32 v3, v2  }
0x532: {  	v5 =	vadd.f32 v5, v4;
	v2 =	vld [tilespmem:s1+$0x10]  }
0x533: {  	v6 =	vadd.f32 v7, v6;
	v4 =	vld [tilespmem:s4+$0x10];
	[tilespmem:s1+$0x30] =	vst v3  }
0x534: {  	v7 =	vadd.f32 v9, v8;
	[tilespmem:s1+$0xFFFFFFD0] =	vst v5;
	v3 =	vld [tilespmem:s1+$0x20]  }
0x535: {  	[tilespmem:s1+$0xFFFFFFE0] =	vst v6;
	v6 =	vld [tilespmem:s4+$0x20]  }
0x536: {  	s5 =	simm.s32 $0x0;
	s6 =	simm.s32 $0x16FC0;
	v5 =	vld [tilespmem:s1+$0xFFFFFFC0];
	[tilespmem:s1+$0xFFFFFFF0] =	vst v7;
	v7 =	vadd.f32 v11, v10  }
.LBB2_121:
0x537: {  	v8 =	vld [tilespmem:s6+$0x30];
	s4 =	sadd.s32 $0x80, s4  }
0x538: {  	s5 =	sadd.s32 $0x80, s5;
	v9 =	vld [tilespmem:s4+$0x30];
	[tilespmem:s1+$0x0] =	vst v7;
	v2 =	vadd.f32 v4, v2  }
0x539: {  	p0 =	slt.u32 s5, $0xB80;
	v4 =	vld [tilespmem:s4+$0xFFFFFFC0]  }
0x53a: {  	v7 =	vld [tilespmem:s6+$0xFFFFFFD0];
	[tilespmem:s1+$0x10] =	vst v2;
	v2 =	vadd.f32 v6, v3  }
0x53b: {  	v3 =	vld [tilespmem:s4+$0xFFFFFFD0];
	v10 =	vadd.f32 v1, v5  }
0x53c: {  	v5 =	vld [tilespmem:s6+$0xFFFFFFE0];
	[tilespmem:s1+$0x20] =	vst v2  }
0x53d: {  	v2 =	vld [tilespmem:s4+$0xFFFFFFE0];
	v6 =	vadd.f32 v9, v8;
	[tilespmem:s1+$0xFFFFFFC0] =	vst v10;
	s1 =	smov.u32 s6  }
0x53e: {  	v8 =	vld [tilespmem:s6+$0xFFFFFFF0];
	v1 =	vmov v4  }
0x53f: {  	v9 =	vld [tilespmem:s4+$0xFFFFFFF0];
	[tilespmem:s6+$0x30] =	vst v6  }
0x540: {  	v3 =	vadd.f32 v3, v7;
	v7 =	vld [tilespmem:s6+$0x0]  }
0x541: {  	v10 =	vld [tilespmem:s4+$0x0]  }
.Ltmp63:
0x542: {  	[tilespmem:s6+$0xFFFFFFD0] =	vst v3;
	v3 =	vadd.f32 v2, v5;
	v2 =	vld [tilespmem:s6+$0x10];
	(pc) =	sbr.rel @p0 .LBB2_121-.Ltmp63, $4  }
0x543: {  	v4 =	vld [tilespmem:s4+$0x10]  }
0x544: {  	[tilespmem:s6+$0xFFFFFFE0] =	vst v3;
	v8 =	vadd.f32 v9, v8;
	v3 =	vld [tilespmem:s6+$0x20]  }
0x545: {  	v6 =	vld [tilespmem:s4+$0x20]  }
0x546: {  	s6 =	sadd.s32 $0x80, s6;
	v5 =	vld [tilespmem:s1+$0xFFFFFFC0];
	[tilespmem:s1+$0xFFFFFFF0] =	vst v8;
	v7 =	vadd.f32 v10, v7  }
0x547: {  	_ =	sdelay $0x1  }
0x548: {  	v2 =	vadd.f32 v4, v2  }
0x549: {  	[tilespmem:s1+$0x0] =	vst v7;
	v3 =	vadd.f32 v6, v3  }
0x54a: {  	[tilespmem:s1+$0x10] =	vst v2;
	v1 =	vadd.f32 v1, v5  }
0x54b: {  	[tilespmem:s1+$0x20] =	vst v3  }
0x54c: {  	s2 =	simm.s32 $0x16E80;
	s4 =	simm.s32 $0x17B00;
	[tilespmem:s1+$0xFFFFFFC0] =	vst v1;
	s1 =	simm.s32 $0xBF0  }
.LBB2_123:
0x54d: {  	v1 =	vld [tilespmem:s4+$0x0]  }
0x54e: {  	v2 =	vld [tilespmem:s2+$0x0]  }
0x54f: {  	s1 =	sadd.s32 $0x10, s1  }
0x550: {  	p0 =	slt.u32 s1, $0xC30  }
.Ltmp64:
0x551: {  	_ = 	snop;
	(pc) =	sbr.rel @p0 .LBB2_123-.Ltmp64, $3  }
0x552: {  	_ = 	snop  }
0x553: {  	v1 =	vadd.f32 v2, v1;
	_ =	sdelay $0x1  }
0x554: {  	s2 =	sadd.s32 $0x10, s2;
	[tilespmem:s4+$0x0] =	vst v1;
	s4 =	sadd.s32 $0x10, s4  }
.LBB2_124:
0x555: {  	v1 =	vld [tilespmem:$0x17C40];
	_ =	sdelay $0x4  }
0x556: {  	v1 =	vxor.u32 $0x80000000, v1  }
0x557: {  	(xrf0) =	vmax.scan.msk.u32 $0xffff, v1;
	_ =	sdelay $0x5  }
0x558: {  	v1, _, _ =	vpop (xrf0)  }
0x559: {  	(v2sf) =	vpush v1, $0xF;
	_ =	sdelay $0xe  }
0x55a: {  	s1 =	spop (v2sf)  }
0x55b: {  	p0 =	slt.u32 s1, $0x80000001  }
.Ltmp65:
0x55c: {  	_ = 	snop;
	(pc) =	sbr.rel @p0 .LBB2_129-.Ltmp65, $1  }
0x55d: {  	_ =	sdelay $0x3  }
0x55e: {  	s1 =	simm.s32 $0x0  }
0x55f: {  	s2 =	simm.s32 $0x16280;
	s4 =	rddreg [dreg:$0x6];
	s31 =	simm.s32 $0x4  }
0x560: {  	[tilespmem:s2], [sflag:$0x4] =	stream.linear.gather [hbm4b:s4+s1], $0xC40, $0x38;
	[tilespmem:$0x17D10] =	vst v63  }
0x561: {  	_ =	swait.ge [sflag:s31], $0xC40  }
0x562: {  	[sflag:s31] =	ssyncset.done $0x0  }
0x563: {  	s1 =	simm.s32 $0x16F40;
	[sflag:s31] =	ssyncadd.s32 $0xFFFFF3C0  }
0x564: {  	s4 =	simm.s32 $0x162C0;
	v2 =	vld [tilespmem:s1+$0x30]  }
0x565: {  	v3 =	vld [tilespmem:s4+$0x30]  }
0x566: {  	v1 =	vld [tilespmem:s4+$0xFFFFFFC0]  }
0x567: {  	v4 =	vld [tilespmem:s1+$0xFFFFFFD0]  }
0x568: {  	v5 =	vld [tilespmem:s4+$0xFFFFFFD0]  }
0x569: {  	v6 =	vld [tilespmem:s1+$0xFFFFFFE0]  }
0x56a: {  	v7 =	vld [tilespmem:s4+$0xFFFFFFE0]  }
0x56b: {  	v8 =	vld [tilespmem:s1+$0xFFFFFFF0]  }
0x56c: {  	v9 =	vld [tilespmem:s4+$0xFFFFFFF0]  }
0x56d: {  	v10 =	vld [tilespmem:s1+$0x0]  }
0x56e: {  	v11 =	vld [tilespmem:s4+$0x0];
	v3 =	vadd.f32 v3, v2  }
0x56f: {  	v5 =	vadd.f32 v5, v4;
	v2 =	vld [tilespmem:s1+$0x10]  }
0x570: {  	v6 =	vadd.f32 v7, v6;
	v4 =	vld [tilespmem:s4+$0x10];
	[tilespmem:s1+$0x30] =	vst v3  }
0x571: {  	v7 =	vadd.f32 v9, v8;
	[tilespmem:s1+$0xFFFFFFD0] =	vst v5;
	v3 =	vld [tilespmem:s1+$0x20]  }
0x572: {  	[tilespmem:s1+$0xFFFFFFE0] =	vst v6;
	v6 =	vld [tilespmem:s4+$0x20]  }
0x573: {  	s5 =	simm.s32 $0x0;
	s6 =	simm.s32 $0x16FC0;
	v5 =	vld [tilespmem:s1+$0xFFFFFFC0];
	[tilespmem:s1+$0xFFFFFFF0] =	vst v7;
	v7 =	vadd.f32 v11, v10  }
.LBB2_126:
0x574: {  	v8 =	vld [tilespmem:s6+$0x30];
	s4 =	sadd.s32 $0x80, s4  }
0x575: {  	s5 =	sadd.s32 $0x80, s5;
	v9 =	vld [tilespmem:s4+$0x30];
	[tilespmem:s1+$0x0] =	vst v7;
	v2 =	vadd.f32 v4, v2  }
0x576: {  	p0 =	slt.u32 s5, $0xB80;
	v4 =	vld [tilespmem:s4+$0xFFFFFFC0]  }
0x577: {  	v7 =	vld [tilespmem:s6+$0xFFFFFFD0];
	[tilespmem:s1+$0x10] =	vst v2;
	v2 =	vadd.f32 v6, v3  }
0x578: {  	v3 =	vld [tilespmem:s4+$0xFFFFFFD0];
	v10 =	vadd.f32 v1, v5  }
0x579: {  	v5 =	vld [tilespmem:s6+$0xFFFFFFE0];
	[tilespmem:s1+$0x20] =	vst v2  }
0x57a: {  	v2 =	vld [tilespmem:s4+$0xFFFFFFE0];
	v6 =	vadd.f32 v9, v8;
	[tilespmem:s1+$0xFFFFFFC0] =	vst v10;
	s1 =	smov.u32 s6  }
0x57b: {  	v8 =	vld [tilespmem:s6+$0xFFFFFFF0];
	v1 =	vmov v4  }
0x57c: {  	v9 =	vld [tilespmem:s4+$0xFFFFFFF0];
	[tilespmem:s6+$0x30] =	vst v6  }
0x57d: {  	v3 =	vadd.f32 v3, v7;
	v7 =	vld [tilespmem:s6+$0x0]  }
0x57e: {  	v10 =	vld [tilespmem:s4+$0x0]  }
.Ltmp66:
0x57f: {  	[tilespmem:s6+$0xFFFFFFD0] =	vst v3;
	v3 =	vadd.f32 v2, v5;
	v2 =	vld [tilespmem:s6+$0x10];
	(pc) =	sbr.rel @p0 .LBB2_126-.Ltmp66, $4  }
0x580: {  	v4 =	vld [tilespmem:s4+$0x10]  }
0x581: {  	[tilespmem:s6+$0xFFFFFFE0] =	vst v3;
	v8 =	vadd.f32 v9, v8;
	v3 =	vld [tilespmem:s6+$0x20]  }
0x582: {  	v6 =	vld [tilespmem:s4+$0x20]  }
0x583: {  	s6 =	sadd.s32 $0x80, s6;
	v5 =	vld [tilespmem:s1+$0xFFFFFFC0];
	[tilespmem:s1+$0xFFFFFFF0] =	vst v8;
	v7 =	vadd.f32 v10, v7  }
0x584: {  	_ =	sdelay $0x1  }
0x585: {  	v2 =	vadd.f32 v4, v2  }
0x586: {  	[tilespmem:s1+$0x0] =	vst v7;
	v3 =	vadd.f32 v6, v3  }
0x587: {  	[tilespmem:s1+$0x10] =	vst v2;
	v1 =	vadd.f32 v1, v5  }
0x588: {  	[tilespmem:s1+$0x20] =	vst v3  }
0x589: {  	s2 =	simm.s32 $0x16E80;
	s4 =	simm.s32 $0x17B00;
	[tilespmem:s1+$0xFFFFFFC0] =	vst v1;
	s1 =	simm.s32 $0xBF0  }
.LBB2_128:
0x58a: {  	v1 =	vld [tilespmem:s4+$0x0]  }
0x58b: {  	v2 =	vld [tilespmem:s2+$0x0]  }
0x58c: {  	s1 =	sadd.s32 $0x10, s1  }
0x58d: {  	p0 =	slt.u32 s1, $0xC30  }
.Ltmp67:
0x58e: {  	_ = 	snop;
	(pc) =	sbr.rel @p0 .LBB2_128-.Ltmp67, $3  }
0x58f: {  	_ = 	snop  }
0x590: {  	v1 =	vadd.f32 v2, v1;
	_ =	sdelay $0x1  }
0x591: {  	s2 =	sadd.s32 $0x10, s2;
	[tilespmem:s4+$0x0] =	vst v1;
	s4 =	sadd.s32 $0x10, s4  }
.LBB2_129:
0x592: {  	v1 =	vld [tilespmem:$0x17C50];
	_ =	sdelay $0x4  }
0x593: {  	v1 =	vxor.u32 $0x80000000, v1  }
0x594: {  	(xrf0) =	vmax.scan.msk.u32 $0xffff, v1;
	_ =	sdelay $0x5  }
0x595: {  	v1, _, _ =	vpop (xrf0)  }
0x596: {  	(v2sf) =	vpush v1, $0xF;
	_ =	sdelay $0xe  }
0x597: {  	s1 =	spop (v2sf)  }
0x598: {  	p0 =	slt.u32 s1, $0x80000001  }
.Ltmp68:
0x599: {  	_ = 	snop;
	(pc) =	sbr.rel @p0 .LBB2_134-.Ltmp68, $1  }
0x59a: {  	_ =	sdelay $0x3  }
0x59b: {  	s1 =	simm.s32 $0x0  }
0x59c: {  	s2 =	simm.s32 $0x16280;
	s4 =	rddreg [dreg:$0x5];
	s31 =	simm.s32 $0x4  }
0x59d: {  	[tilespmem:s2], [sflag:$0x4] =	stream.linear.gather [hbm4b:s4+s1], $0xC40, $0x38;
	[tilespmem:$0x17D10] =	vst v63  }
0x59e: {  	_ =	swait.ge [sflag:s31], $0xC40  }
0x59f: {  	[sflag:s31] =	ssyncset.done $0x0  }
0x5a0: {  	s1 =	simm.s32 $0x16F40;
	[sflag:s31] =	ssyncadd.s32 $0xFFFFF3C0  }
0x5a1: {  	s4 =	simm.s32 $0x162C0;
	v2 =	vld [tilespmem:s1+$0x30]  }
0x5a2: {  	v3 =	vld [tilespmem:s4+$0x30]  }
0x5a3: {  	v1 =	vld [tilespmem:s4+$0xFFFFFFC0]  }
0x5a4: {  	v4 =	vld [tilespmem:s1+$0xFFFFFFD0]  }
0x5a5: {  	v5 =	vld [tilespmem:s4+$0xFFFFFFD0]  }
0x5a6: {  	v6 =	vld [tilespmem:s1+$0xFFFFFFE0]  }
0x5a7: {  	v7 =	vld [tilespmem:s4+$0xFFFFFFE0]  }
0x5a8: {  	v8 =	vld [tilespmem:s1+$0xFFFFFFF0]  }
0x5a9: {  	v9 =	vld [tilespmem:s4+$0xFFFFFFF0]  }
0x5aa: {  	v10 =	vld [tilespmem:s1+$0x0]  }
0x5ab: {  	v11 =	vld [tilespmem:s4+$0x0];
	v3 =	vadd.f32 v3, v2  }
0x5ac: {  	v5 =	vadd.f32 v5, v4;
	v2 =	vld [tilespmem:s1+$0x10]  }
0x5ad: {  	v6 =	vadd.f32 v7, v6;
	v4 =	vld [tilespmem:s4+$0x10];
	[tilespmem:s1+$0x30] =	vst v3  }
0x5ae: {  	v7 =	vadd.f32 v9, v8;
	[tilespmem:s1+$0xFFFFFFD0] =	vst v5;
	v3 =	vld [tilespmem:s1+$0x20]  }
0x5af: {  	[tilespmem:s1+$0xFFFFFFE0] =	vst v6;
	v6 =	vld [tilespmem:s4+$0x20]  }
0x5b0: {  	s5 =	simm.s32 $0x0;
	s6 =	simm.s32 $0x16FC0;
	v5 =	vld [tilespmem:s1+$0xFFFFFFC0];
	[tilespmem:s1+$0xFFFFFFF0] =	vst v7;
	v7 =	vadd.f32 v11, v10  }
.LBB2_131:
0x5b1: {  	v8 =	vld [tilespmem:s6+$0x30];
	s4 =	sadd.s32 $0x80, s4  }
0x5b2: {  	s5 =	sadd.s32 $0x80, s5;
	v9 =	vld [tilespmem:s4+$0x30];
	[tilespmem:s1+$0x0] =	vst v7;
	v2 =	vadd.f32 v4, v2  }
0x5b3: {  	p0 =	slt.u32 s5, $0xB80;
	v4 =	vld [tilespmem:s4+$0xFFFFFFC0]  }
0x5b4: {  	v7 =	vld [tilespmem:s6+$0xFFFFFFD0];
	[tilespmem:s1+$0x10] =	vst v2;
	v2 =	vadd.f32 v6, v3  }
0x5b5: {  	v3 =	vld [tilespmem:s4+$0xFFFFFFD0];
	v10 =	vadd.f32 v1, v5  }
0x5b6: {  	v5 =	vld [tilespmem:s6+$0xFFFFFFE0];
	[tilespmem:s1+$0x20] =	vst v2  }
0x5b7: {  	v2 =	vld [tilespmem:s4+$0xFFFFFFE0];
	v6 =	vadd.f32 v9, v8;
	[tilespmem:s1+$0xFFFFFFC0] =	vst v10;
	s1 =	smov.u32 s6  }
0x5b8: {  	v8 =	vld [tilespmem:s6+$0xFFFFFFF0];
	v1 =	vmov v4  }
0x5b9: {  	v9 =	vld [tilespmem:s4+$0xFFFFFFF0];
	[tilespmem:s6+$0x30] =	vst v6  }
0x5ba: {  	v3 =	vadd.f32 v3, v7;
	v7 =	vld [tilespmem:s6+$0x0]  }
0x5bb: {  	v10 =	vld [tilespmem:s4+$0x0]  }
.Ltmp69:
0x5bc: {  	[tilespmem:s6+$0xFFFFFFD0] =	vst v3;
	v3 =	vadd.f32 v2, v5;
	v2 =	vld [tilespmem:s6+$0x10];
	(pc) =	sbr.rel @p0 .LBB2_131-.Ltmp69, $4  }
0x5bd: {  	v4 =	vld [tilespmem:s4+$0x10]  }
0x5be: {  	[tilespmem:s6+$0xFFFFFFE0] =	vst v3;
	v8 =	vadd.f32 v9, v8;
	v3 =	vld [tilespmem:s6+$0x20]  }
0x5bf: {  	v6 =	vld [tilespmem:s4+$0x20]  }
0x5c0: {  	s6 =	sadd.s32 $0x80, s6;
	v5 =	vld [tilespmem:s1+$0xFFFFFFC0];
	[tilespmem:s1+$0xFFFFFFF0] =	vst v8;
	v7 =	vadd.f32 v10, v7  }
0x5c1: {  	_ =	sdelay $0x1  }
0x5c2: {  	v2 =	vadd.f32 v4, v2  }
0x5c3: {  	[tilespmem:s1+$0x0] =	vst v7;
	v3 =	vadd.f32 v6, v3  }
0x5c4: {  	[tilespmem:s1+$0x10] =	vst v2;
	v1 =	vadd.f32 v1, v5  }
0x5c5: {  	[tilespmem:s1+$0x20] =	vst v3  }
0x5c6: {  	s2 =	simm.s32 $0x16E80;
	s4 =	simm.s32 $0x17B00;
	[tilespmem:s1+$0xFFFFFFC0] =	vst v1;
	s1 =	simm.s32 $0xBF0  }
.LBB2_133:
0x5c7: {  	v1 =	vld [tilespmem:s4+$0x0]  }
0x5c8: {  	v2 =	vld [tilespmem:s2+$0x0]  }
0x5c9: {  	s1 =	sadd.s32 $0x10, s1  }
0x5ca: {  	p0 =	slt.u32 s1, $0xC30  }
.Ltmp70:
0x5cb: {  	_ = 	snop;
	(pc) =	sbr.rel @p0 .LBB2_133-.Ltmp70, $3  }
0x5cc: {  	_ = 	snop  }
0x5cd: {  	v1 =	vadd.f32 v2, v1;
	_ =	sdelay $0x1  }
0x5ce: {  	s2 =	sadd.s32 $0x10, s2;
	[tilespmem:s4+$0x0] =	vst v1;
	s4 =	sadd.s32 $0x10, s4  }
.LBB2_134:
0x5cf: {  	v1 =	vld [tilespmem:$0x17C60];
	_ =	sdelay $0x4  }
0x5d0: {  	v1 =	vxor.u32 $0x80000000, v1  }
0x5d1: {  	(xrf0) =	vmax.scan.msk.u32 $0xffff, v1;
	_ =	sdelay $0x5  }
0x5d2: {  	v1, _, _ =	vpop (xrf0)  }
0x5d3: {  	(v2sf) =	vpush v1, $0xF;
	_ =	sdelay $0xe  }
0x5d4: {  	s1 =	spop (v2sf)  }
0x5d5: {  	p0 =	slt.u32 s1, $0x80000001  }
.Ltmp71:
0x5d6: {  	_ = 	snop;
	(pc) =	sbr.rel @p0 .LBB2_139-.Ltmp71, $1  }
0x5d7: {  	_ =	sdelay $0x3  }
0x5d8: {  	s1 =	simm.s32 $0x0  }
0x5d9: {  	s2 =	simm.s32 $0x16280;
	s4 =	rddreg [dreg:$0x4];
	s31 =	simm.s32 $0x4  }
0x5da: {  	[tilespmem:s2], [sflag:$0x4] =	stream.linear.gather [hbm4b:s4+s1], $0xC40, $0x38;
	[tilespmem:$0x17D10] =	vst v63  }
0x5db: {  	_ =	swait.ge [sflag:s31], $0xC40  }
0x5dc: {  	[sflag:s31] =	ssyncset.done $0x0  }
0x5dd: {  	s1 =	simm.s32 $0x16F40;
	[sflag:s31] =	ssyncadd.s32 $0xFFFFF3C0  }
0x5de: {  	s4 =	simm.s32 $0x162C0;
	v2 =	vld [tilespmem:s1+$0x30]  }
0x5df: {  	v3 =	vld [tilespmem:s4+$0x30]  }
0x5e0: {  	v1 =	vld [tilespmem:s4+$0xFFFFFFC0]  }
0x5e1: {  	v4 =	vld [tilespmem:s1+$0xFFFFFFD0]  }
0x5e2: {  	v5 =	vld [tilespmem:s4+$0xFFFFFFD0]  }
0x5e3: {  	v6 =	vld [tilespmem:s1+$0xFFFFFFE0]  }
0x5e4: {  	v7 =	vld [tilespmem:s4+$0xFFFFFFE0]  }
0x5e5: {  	v8 =	vld [tilespmem:s1+$0xFFFFFFF0]  }
0x5e6: {  	v9 =	vld [tilespmem:s4+$0xFFFFFFF0]  }
0x5e7: {  	v10 =	vld [tilespmem:s1+$0x0]  }
0x5e8: {  	v11 =	vld [tilespmem:s4+$0x0];
	v3 =	vadd.f32 v3, v2  }
0x5e9: {  	v5 =	vadd.f32 v5, v4;
	v2 =	vld [tilespmem:s1+$0x10]  }
0x5ea: {  	v6 =	vadd.f32 v7, v6;
	v4 =	vld [tilespmem:s4+$0x10];
	[tilespmem:s1+$0x30] =	vst v3  }
0x5eb: {  	v7 =	vadd.f32 v9, v8;
	[tilespmem:s1+$0xFFFFFFD0] =	vst v5;
	v3 =	vld [tilespmem:s1+$0x20]  }
0x5ec: {  	[tilespmem:s1+$0xFFFFFFE0] =	vst v6;
	v6 =	vld [tilespmem:s4+$0x20]  }
0x5ed: {  	s5 =	simm.s32 $0x0;
	s6 =	simm.s32 $0x16FC0;
	v5 =	vld [tilespmem:s1+$0xFFFFFFC0];
	[tilespmem:s1+$0xFFFFFFF0] =	vst v7;
	v7 =	vadd.f32 v11, v10  }
.LBB2_136:
0x5ee: {  	v8 =	vld [tilespmem:s6+$0x30];
	s4 =	sadd.s32 $0x80, s4  }
0x5ef: {  	s5 =	sadd.s32 $0x80, s5;
	v9 =	vld [tilespmem:s4+$0x30];
	[tilespmem:s1+$0x0] =	vst v7;
	v2 =	vadd.f32 v4, v2  }
0x5f0: {  	p0 =	slt.u32 s5, $0xB80;
	v4 =	vld [tilespmem:s4+$0xFFFFFFC0]  }
0x5f1: {  	v7 =	vld [tilespmem:s6+$0xFFFFFFD0];
	[tilespmem:s1+$0x10] =	vst v2;
	v2 =	vadd.f32 v6, v3  }
0x5f2: {  	v3 =	vld [tilespmem:s4+$0xFFFFFFD0];
	v10 =	vadd.f32 v1, v5  }
0x5f3: {  	v5 =	vld [tilespmem:s6+$0xFFFFFFE0];
	[tilespmem:s1+$0x20] =	vst v2  }
0x5f4: {  	v2 =	vld [tilespmem:s4+$0xFFFFFFE0];
	v6 =	vadd.f32 v9, v8;
	[tilespmem:s1+$0xFFFFFFC0] =	vst v10;
	s1 =	smov.u32 s6  }
0x5f5: {  	v8 =	vld [tilespmem:s6+$0xFFFFFFF0];
	v1 =	vmov v4  }
0x5f6: {  	v9 =	vld [tilespmem:s4+$0xFFFFFFF0];
	[tilespmem:s6+$0x30] =	vst v6  }
0x5f7: {  	v3 =	vadd.f32 v3, v7;
	v7 =	vld [tilespmem:s6+$0x0]  }
0x5f8: {  	v10 =	vld [tilespmem:s4+$0x0]  }
.Ltmp72:
0x5f9: {  	[tilespmem:s6+$0xFFFFFFD0] =	vst v3;
	v3 =	vadd.f32 v2, v5;
	v2 =	vld [tilespmem:s6+$0x10];
	(pc) =	sbr.rel @p0 .LBB2_136-.Ltmp72, $4  }
0x5fa: {  	v4 =	vld [tilespmem:s4+$0x10]  }
0x5fb: {  	[tilespmem:s6+$0xFFFFFFE0] =	vst v3;
	v8 =	vadd.f32 v9, v8;
	v3 =	vld [tilespmem:s6+$0x20]  }
0x5fc: {  	v6 =	vld [tilespmem:s4+$0x20]  }
0x5fd: {  	s6 =	sadd.s32 $0x80, s6;
	v5 =	vld [tilespmem:s1+$0xFFFFFFC0];
	[tilespmem:s1+$0xFFFFFFF0] =	vst v8;
	v7 =	vadd.f32 v10, v7  }
0x5fe: {  	_ =	sdelay $0x1  }
0x5ff: {  	v2 =	vadd.f32 v4, v2  }
0x600: {  	[tilespmem:s1+$0x0] =	vst v7;
	v3 =	vadd.f32 v6, v3  }
0x601: {  	[tilespmem:s1+$0x10] =	vst v2;
	v1 =	vadd.f32 v1, v5  }
0x602: {  	[tilespmem:s1+$0x20] =	vst v3  }
0x603: {  	s2 =	simm.s32 $0x16E80;
	s4 =	simm.s32 $0x17B00;
	[tilespmem:s1+$0xFFFFFFC0] =	vst v1;
	s1 =	simm.s32 $0xBF0  }
.LBB2_138:
0x604: {  	v1 =	vld [tilespmem:s4+$0x0]  }
0x605: {  	v2 =	vld [tilespmem:s2+$0x0]  }
0x606: {  	s1 =	sadd.s32 $0x10, s1  }
0x607: {  	p0 =	slt.u32 s1, $0xC30  }
.Ltmp73:
0x608: {  	_ = 	snop;
	(pc) =	sbr.rel @p0 .LBB2_138-.Ltmp73, $3  }
0x609: {  	_ = 	snop  }
0x60a: {  	v1 =	vadd.f32 v2, v1;
	_ =	sdelay $0x1  }
0x60b: {  	s2 =	sadd.s32 $0x10, s2;
	[tilespmem:s4+$0x0] =	vst v1;
	s4 =	sadd.s32 $0x10, s4  }
.LBB2_139:
0x60c: {  	v1 =	vld [tilespmem:$0x17C70];
	_ =	sdelay $0x4  }
0x60d: {  	v1 =	vxor.u32 $0x80000000, v1  }
0x60e: {  	(xrf0) =	vmax.scan.msk.u32 $0xffff, v1;
	_ =	sdelay $0x5  }
0x60f: {  	v1, _, _ =	vpop (xrf0)  }
0x610: {  	(v2sf) =	vpush v1, $0xF;
	_ =	sdelay $0xe  }
0x611: {  	s1 =	spop (v2sf)  }
0x612: {  	p0 =	slt.u32 s1, $0x80000001  }
.Ltmp74:
0x613: {  	_ = 	snop;
	(pc) =	sbr.rel @p0 .LBB2_144-.Ltmp74, $1  }
0x614: {  	_ =	sdelay $0x3  }
0x615: {  	s1 =	simm.s32 $0x0;
	s2 =	simm.s32 $0x16280;
	s31 =	simm.s32 $0x4  }
0x616: {  	[tilespmem:s2], [sflag:$0x4] =	stream.linear.gather [hbm4b:s23+s1], $0xC40, $0x38;
	[tilespmem:$0x17D10] =	vst v63  }
0x617: {  	_ =	swait.ge [sflag:s31], $0xC40  }
0x618: {  	[sflag:s31] =	ssyncset.done $0x0  }
0x619: {  	s1 =	simm.s32 $0x16F40;
	[sflag:s31] =	ssyncadd.s32 $0xFFFFF3C0  }
0x61a: {  	s4 =	simm.s32 $0x162C0;
	v2 =	vld [tilespmem:s1+$0x30]  }
0x61b: {  	v3 =	vld [tilespmem:s4+$0x30]  }
0x61c: {  	v1 =	vld [tilespmem:s4+$0xFFFFFFC0]  }
0x61d: {  	v4 =	vld [tilespmem:s1+$0xFFFFFFD0]  }
0x61e: {  	v5 =	vld [tilespmem:s4+$0xFFFFFFD0]  }
0x61f: {  	v6 =	vld [tilespmem:s1+$0xFFFFFFE0]  }
0x620: {  	v7 =	vld [tilespmem:s4+$0xFFFFFFE0]  }
0x621: {  	v8 =	vld [tilespmem:s1+$0xFFFFFFF0]  }
0x622: {  	v9 =	vld [tilespmem:s4+$0xFFFFFFF0]  }
0x623: {  	v10 =	vld [tilespmem:s1+$0x0]  }
0x624: {  	v11 =	vld [tilespmem:s4+$0x0];
	v3 =	vadd.f32 v3, v2  }
0x625: {  	v5 =	vadd.f32 v5, v4;
	v2 =	vld [tilespmem:s1+$0x10]  }
0x626: {  	v6 =	vadd.f32 v7, v6;
	v4 =	vld [tilespmem:s4+$0x10];
	[tilespmem:s1+$0x30] =	vst v3  }
0x627: {  	v7 =	vadd.f32 v9, v8;
	[tilespmem:s1+$0xFFFFFFD0] =	vst v5;
	v3 =	vld [tilespmem:s1+$0x20]  }
0x628: {  	[tilespmem:s1+$0xFFFFFFE0] =	vst v6;
	v6 =	vld [tilespmem:s4+$0x20]  }
0x629: {  	s5 =	simm.s32 $0x0;
	s6 =	simm.s32 $0x16FC0;
	v5 =	vld [tilespmem:s1+$0xFFFFFFC0];
	[tilespmem:s1+$0xFFFFFFF0] =	vst v7;
	v7 =	vadd.f32 v11, v10  }
.LBB2_141:
0x62a: {  	v8 =	vld [tilespmem:s6+$0x30];
	s4 =	sadd.s32 $0x80, s4  }
0x62b: {  	s5 =	sadd.s32 $0x80, s5;
	v9 =	vld [tilespmem:s4+$0x30];
	[tilespmem:s1+$0x0] =	vst v7;
	v2 =	vadd.f32 v4, v2  }
0x62c: {  	p0 =	slt.u32 s5, $0xB80;
	v4 =	vld [tilespmem:s4+$0xFFFFFFC0]  }
0x62d: {  	v7 =	vld [tilespmem:s6+$0xFFFFFFD0];
	[tilespmem:s1+$0x10] =	vst v2;
	v2 =	vadd.f32 v6, v3  }
0x62e: {  	v3 =	vld [tilespmem:s4+$0xFFFFFFD0];
	v10 =	vadd.f32 v1, v5  }
0x62f: {  	v5 =	vld [tilespmem:s6+$0xFFFFFFE0];
	[tilespmem:s1+$0x20] =	vst v2  }
0x630: {  	v2 =	vld [tilespmem:s4+$0xFFFFFFE0];
	v6 =	vadd.f32 v9, v8;
	[tilespmem:s1+$0xFFFFFFC0] =	vst v10;
	s1 =	smov.u32 s6  }
0x631: {  	v8 =	vld [tilespmem:s6+$0xFFFFFFF0];
	v1 =	vmov v4  }
0x632: {  	v9 =	vld [tilespmem:s4+$0xFFFFFFF0];
	[tilespmem:s6+$0x30] =	vst v6  }
0x633: {  	v3 =	vadd.f32 v3, v7;
	v7 =	vld [tilespmem:s6+$0x0]  }
0x634: {  	v10 =	vld [tilespmem:s4+$0x0]  }
.Ltmp75:
0x635: {  	[tilespmem:s6+$0xFFFFFFD0] =	vst v3;
	v3 =	vadd.f32 v2, v5;
	v2 =	vld [tilespmem:s6+$0x10];
	(pc) =	sbr.rel @p0 .LBB2_141-.Ltmp75, $4  }
0x636: {  	v4 =	vld [tilespmem:s4+$0x10]  }
0x637: {  	[tilespmem:s6+$0xFFFFFFE0] =	vst v3;
	v8 =	vadd.f32 v9, v8;
	v3 =	vld [tilespmem:s6+$0x20]  }
0x638: {  	v6 =	vld [tilespmem:s4+$0x20]  }
0x639: {  	s6 =	sadd.s32 $0x80, s6;
	v5 =	vld [tilespmem:s1+$0xFFFFFFC0];
	[tilespmem:s1+$0xFFFFFFF0] =	vst v8;
	v7 =	vadd.f32 v10, v7  }
0x63a: {  	_ =	sdelay $0x1  }
0x63b: {  	v2 =	vadd.f32 v4, v2  }
0x63c: {  	[tilespmem:s1+$0x0] =	vst v7;
	v3 =	vadd.f32 v6, v3  }
0x63d: {  	[tilespmem:s1+$0x10] =	vst v2;
	v1 =	vadd.f32 v1, v5  }
0x63e: {  	[tilespmem:s1+$0x20] =	vst v3  }
0x63f: {  	s2 =	simm.s32 $0x16E80;
	s4 =	simm.s32 $0x17B00;
	[tilespmem:s1+$0xFFFFFFC0] =	vst v1;
	s1 =	simm.s32 $0xBF0  }
.LBB2_143:
0x640: {  	v1 =	vld [tilespmem:s4+$0x0]  }
0x641: {  	v2 =	vld [tilespmem:s2+$0x0]  }
0x642: {  	s1 =	sadd.s32 $0x10, s1  }
0x643: {  	p0 =	slt.u32 s1, $0xC30  }
.Ltmp76:
0x644: {  	_ = 	snop;
	(pc) =	sbr.rel @p0 .LBB2_143-.Ltmp76, $3  }
0x645: {  	_ = 	snop  }
0x646: {  	v1 =	vadd.f32 v2, v1;
	_ =	sdelay $0x1  }
0x647: {  	s2 =	sadd.s32 $0x10, s2;
	[tilespmem:s4+$0x0] =	vst v1;
	s4 =	sadd.s32 $0x10, s4  }
.LBB2_144:
0x648: {  	v1 =	vld [tilespmem:$0x17C80];
	_ =	sdelay $0x4  }
0x649: {  	v1 =	vxor.u32 $0x80000000, v1  }
0x64a: {  	(xrf0) =	vmax.scan.msk.u32 $0xffff, v1;
	_ =	sdelay $0x5  }
0x64b: {  	v1, _, _ =	vpop (xrf0)  }
0x64c: {  	(v2sf) =	vpush v1, $0xF;
	_ =	sdelay $0xe  }
0x64d: {  	s1 =	spop (v2sf)  }
0x64e: {  	p0 =	slt.u32 s1, $0x80000001  }
.Ltmp77:
0x64f: {  	_ = 	snop;
	(pc) =	sbr.rel @p0 .LBB2_149-.Ltmp77, $1  }
0x650: {  	_ =	sdelay $0x3  }
0x651: {  	s1 =	simm.s32 $0x0;
	s2 =	simm.s32 $0x16280;
	s31 =	simm.s32 $0x4  }
0x652: {  	[tilespmem:s2], [sflag:$0x4] =	stream.linear.gather [hbm4b:s20+s1], $0xC40, $0x38;
	[tilespmem:$0x17D10] =	vst v63  }
0x653: {  	_ =	swait.ge [sflag:s31], $0xC40  }
0x654: {  	[sflag:s31] =	ssyncset.done $0x0  }
0x655: {  	s1 =	simm.s32 $0x16F40;
	[sflag:s31] =	ssyncadd.s32 $0xFFFFF3C0  }
0x656: {  	s4 =	simm.s32 $0x162C0;
	v2 =	vld [tilespmem:s1+$0x30]  }
0x657: {  	v3 =	vld [tilespmem:s4+$0x30]  }
0x658: {  	v1 =	vld [tilespmem:s4+$0xFFFFFFC0]  }
0x659: {  	v4 =	vld [tilespmem:s1+$0xFFFFFFD0]  }
0x65a: {  	v5 =	vld [tilespmem:s4+$0xFFFFFFD0]  }
0x65b: {  	v6 =	vld [tilespmem:s1+$0xFFFFFFE0]  }
0x65c: {  	v7 =	vld [tilespmem:s4+$0xFFFFFFE0]  }
0x65d: {  	v8 =	vld [tilespmem:s1+$0xFFFFFFF0]  }
0x65e: {  	v9 =	vld [tilespmem:s4+$0xFFFFFFF0]  }
0x65f: {  	v10 =	vld [tilespmem:s1+$0x0]  }
0x660: {  	v11 =	vld [tilespmem:s4+$0x0];
	v3 =	vadd.f32 v3, v2  }
0x661: {  	v5 =	vadd.f32 v5, v4;
	v2 =	vld [tilespmem:s1+$0x10]  }
0x662: {  	v6 =	vadd.f32 v7, v6;
	v4 =	vld [tilespmem:s4+$0x10];
	[tilespmem:s1+$0x30] =	vst v3  }
0x663: {  	v7 =	vadd.f32 v9, v8;
	[tilespmem:s1+$0xFFFFFFD0] =	vst v5;
	v3 =	vld [tilespmem:s1+$0x20]  }
0x664: {  	[tilespmem:s1+$0xFFFFFFE0] =	vst v6;
	v6 =	vld [tilespmem:s4+$0x20]  }
0x665: {  	s5 =	simm.s32 $0x0;
	s6 =	simm.s32 $0x16FC0;
	v5 =	vld [tilespmem:s1+$0xFFFFFFC0];
	[tilespmem:s1+$0xFFFFFFF0] =	vst v7;
	v7 =	vadd.f32 v11, v10  }
.LBB2_146:
0x666: {  	v8 =	vld [tilespmem:s6+$0x30];
	s4 =	sadd.s32 $0x80, s4  }
0x667: {  	s5 =	sadd.s32 $0x80, s5;
	v9 =	vld [tilespmem:s4+$0x30];
	[tilespmem:s1+$0x0] =	vst v7;
	v2 =	vadd.f32 v4, v2  }
0x668: {  	p0 =	slt.u32 s5, $0xB80;
	v4 =	vld [tilespmem:s4+$0xFFFFFFC0]  }
0x669: {  	v7 =	vld [tilespmem:s6+$0xFFFFFFD0];
	[tilespmem:s1+$0x10] =	vst v2;
	v2 =	vadd.f32 v6, v3  }
0x66a: {  	v3 =	vld [tilespmem:s4+$0xFFFFFFD0];
	v10 =	vadd.f32 v1, v5  }
0x66b: {  	v5 =	vld [tilespmem:s6+$0xFFFFFFE0];
	[tilespmem:s1+$0x20] =	vst v2  }
0x66c: {  	v2 =	vld [tilespmem:s4+$0xFFFFFFE0];
	v6 =	vadd.f32 v9, v8;
	[tilespmem:s1+$0xFFFFFFC0] =	vst v10;
	s1 =	smov.u32 s6  }
0x66d: {  	v8 =	vld [tilespmem:s6+$0xFFFFFFF0];
	v1 =	vmov v4  }
0x66e: {  	v9 =	vld [tilespmem:s4+$0xFFFFFFF0];
	[tilespmem:s6+$0x30] =	vst v6  }
0x66f: {  	v3 =	vadd.f32 v3, v7;
	v7 =	vld [tilespmem:s6+$0x0]  }
0x670: {  	v10 =	vld [tilespmem:s4+$0x0]  }
.Ltmp78:
0x671: {  	[tilespmem:s6+$0xFFFFFFD0] =	vst v3;
	v3 =	vadd.f32 v2, v5;
	v2 =	vld [tilespmem:s6+$0x10];
	(pc) =	sbr.rel @p0 .LBB2_146-.Ltmp78, $4  }
0x672: {  	v4 =	vld [tilespmem:s4+$0x10]  }
0x673: {  	[tilespmem:s6+$0xFFFFFFE0] =	vst v3;
	v8 =	vadd.f32 v9, v8;
	v3 =	vld [tilespmem:s6+$0x20]  }
0x674: {  	v6 =	vld [tilespmem:s4+$0x20]  }
0x675: {  	s6 =	sadd.s32 $0x80, s6;
	v5 =	vld [tilespmem:s1+$0xFFFFFFC0];
	[tilespmem:s1+$0xFFFFFFF0] =	vst v8;
	v7 =	vadd.f32 v10, v7  }
0x676: {  	_ =	sdelay $0x1  }
0x677: {  	v2 =	vadd.f32 v4, v2  }
0x678: {  	[tilespmem:s1+$0x0] =	vst v7;
	v3 =	vadd.f32 v6, v3  }
0x679: {  	[tilespmem:s1+$0x10] =	vst v2;
	v1 =	vadd.f32 v1, v5  }
0x67a: {  	[tilespmem:s1+$0x20] =	vst v3  }
0x67b: {  	s2 =	simm.s32 $0x16E80;
	s4 =	simm.s32 $0x17B00;
	[tilespmem:s1+$0xFFFFFFC0] =	vst v1;
	s1 =	simm.s32 $0xBF0  }
.LBB2_148:
0x67c: {  	v1 =	vld [tilespmem:s4+$0x0]  }
0x67d: {  	v2 =	vld [tilespmem:s2+$0x0]  }
0x67e: {  	s1 =	sadd.s32 $0x10, s1  }
0x67f: {  	p0 =	slt.u32 s1, $0xC30  }
.Ltmp79:
0x680: {  	_ = 	snop;
	(pc) =	sbr.rel @p0 .LBB2_148-.Ltmp79, $3  }
0x681: {  	_ = 	snop  }
0x682: {  	v1 =	vadd.f32 v2, v1;
	_ =	sdelay $0x1  }
0x683: {  	s2 =	sadd.s32 $0x10, s2;
	[tilespmem:s4+$0x0] =	vst v1;
	s4 =	sadd.s32 $0x10, s4  }
.LBB2_149:
0x684: {  	v1 =	vld [tilespmem:$0x17C90];
	_ =	sdelay $0x4  }
0x685: {  	v1 =	vxor.u32 $0x80000000, v1  }
0x686: {  	(xrf0) =	vmax.scan.msk.u32 $0xffff, v1;
	_ =	sdelay $0x5  }
0x687: {  	v1, _, _ =	vpop (xrf0)  }
0x688: {  	(v2sf) =	vpush v1, $0xF;
	_ =	sdelay $0xe  }
0x689: {  	s1 =	spop (v2sf)  }
0x68a: {  	p0 =	slt.u32 s1, $0x80000001  }
.Ltmp80:
0x68b: {  	_ = 	snop;
	(pc) =	sbr.rel @p0 .LBB2_154-.Ltmp80, $1  }
0x68c: {  	_ =	sdelay $0x3  }
0x68d: {  	s1 =	simm.s32 $0x0;
	s2 =	simm.s32 $0x16280;
	s31 =	simm.s32 $0x4  }
0x68e: {  	[tilespmem:s2], [sflag:$0x4] =	stream.linear.gather [hbm4b:s18+s1], $0xC40, $0x38;
	[tilespmem:$0x17D10] =	vst v63  }
0x68f: {  	_ =	swait.ge [sflag:s31], $0xC40  }
0x690: {  	[sflag:s31] =	ssyncset.done $0x0  }
0x691: {  	s1 =	simm.s32 $0x16F40;
	[sflag:s31] =	ssyncadd.s32 $0xFFFFF3C0  }
0x692: {  	s4 =	simm.s32 $0x162C0;
	v2 =	vld [tilespmem:s1+$0x30]  }
0x693: {  	v3 =	vld [tilespmem:s4+$0x30]  }
0x694: {  	v1 =	vld [tilespmem:s4+$0xFFFFFFC0]  }
0x695: {  	v4 =	vld [tilespmem:s1+$0xFFFFFFD0]  }
0x696: {  	v5 =	vld [tilespmem:s4+$0xFFFFFFD0]  }
0x697: {  	v6 =	vld [tilespmem:s1+$0xFFFFFFE0]  }
0x698: {  	v7 =	vld [tilespmem:s4+$0xFFFFFFE0]  }
0x699: {  	v8 =	vld [tilespmem:s1+$0xFFFFFFF0]  }
0x69a: {  	v9 =	vld [tilespmem:s4+$0xFFFFFFF0]  }
0x69b: {  	v10 =	vld [tilespmem:s1+$0x0]  }
0x69c: {  	v11 =	vld [tilespmem:s4+$0x0];
	v3 =	vadd.f32 v3, v2  }
0x69d: {  	v5 =	vadd.f32 v5, v4;
	v2 =	vld [tilespmem:s1+$0x10]  }
0x69e: {  	v6 =	vadd.f32 v7, v6;
	v4 =	vld [tilespmem:s4+$0x10];
	[tilespmem:s1+$0x30] =	vst v3  }
0x69f: {  	v7 =	vadd.f32 v9, v8;
	[tilespmem:s1+$0xFFFFFFD0] =	vst v5;
	v3 =	vld [tilespmem:s1+$0x20]  }
0x6a0: {  	[tilespmem:s1+$0xFFFFFFE0] =	vst v6;
	v6 =	vld [tilespmem:s4+$0x20]  }
0x6a1: {  	s5 =	simm.s32 $0x0;
	s6 =	simm.s32 $0x16FC0;
	v5 =	vld [tilespmem:s1+$0xFFFFFFC0];
	[tilespmem:s1+$0xFFFFFFF0] =	vst v7;
	v7 =	vadd.f32 v11, v10  }
.LBB2_151:
0x6a2: {  	v8 =	vld [tilespmem:s6+$0x30];
	s4 =	sadd.s32 $0x80, s4  }
0x6a3: {  	s5 =	sadd.s32 $0x80, s5;
	v9 =	vld [tilespmem:s4+$0x30];
	[tilespmem:s1+$0x0] =	vst v7;
	v2 =	vadd.f32 v4, v2  }
0x6a4: {  	p0 =	slt.u32 s5, $0xB80;
	v4 =	vld [tilespmem:s4+$0xFFFFFFC0]  }
0x6a5: {  	v7 =	vld [tilespmem:s6+$0xFFFFFFD0];
	[tilespmem:s1+$0x10] =	vst v2;
	v2 =	vadd.f32 v6, v3  }
0x6a6: {  	v3 =	vld [tilespmem:s4+$0xFFFFFFD0];
	v10 =	vadd.f32 v1, v5  }
0x6a7: {  	v5 =	vld [tilespmem:s6+$0xFFFFFFE0];
	[tilespmem:s1+$0x20] =	vst v2  }
0x6a8: {  	v2 =	vld [tilespmem:s4+$0xFFFFFFE0];
	v6 =	vadd.f32 v9, v8;
	[tilespmem:s1+$0xFFFFFFC0] =	vst v10;
	s1 =	smov.u32 s6  }
0x6a9: {  	v8 =	vld [tilespmem:s6+$0xFFFFFFF0];
	v1 =	vmov v4  }
0x6aa: {  	v9 =	vld [tilespmem:s4+$0xFFFFFFF0];
	[tilespmem:s6+$0x30] =	vst v6  }
0x6ab: {  	v3 =	vadd.f32 v3, v7;
	v7 =	vld [tilespmem:s6+$0x0]  }
0x6ac: {  	v10 =	vld [tilespmem:s4+$0x0]  }
.Ltmp81:
0x6ad: {  	[tilespmem:s6+$0xFFFFFFD0] =	vst v3;
	v3 =	vadd.f32 v2, v5;
	v2 =	vld [tilespmem:s6+$0x10];
	(pc) =	sbr.rel @p0 .LBB2_151-.Ltmp81, $4  }
0x6ae: {  	v4 =	vld [tilespmem:s4+$0x10]  }
0x6af: {  	[tilespmem:s6+$0xFFFFFFE0] =	vst v3;
	v8 =	vadd.f32 v9, v8;
	v3 =	vld [tilespmem:s6+$0x20]  }
0x6b0: {  	v6 =	vld [tilespmem:s4+$0x20]  }
0x6b1: {  	s6 =	sadd.s32 $0x80, s6;
	v5 =	vld [tilespmem:s1+$0xFFFFFFC0];
	[tilespmem:s1+$0xFFFFFFF0] =	vst v8;
	v7 =	vadd.f32 v10, v7  }
0x6b2: {  	_ =	sdelay $0x1  }
0x6b3: {  	v2 =	vadd.f32 v4, v2  }
0x6b4: {  	[tilespmem:s1+$0x0] =	vst v7;
	v3 =	vadd.f32 v6, v3  }
0x6b5: {  	[tilespmem:s1+$0x10] =	vst v2;
	v1 =	vadd.f32 v1, v5  }
0x6b6: {  	[tilespmem:s1+$0x20] =	vst v3  }
0x6b7: {  	s2 =	simm.s32 $0x16E80;
	s4 =	simm.s32 $0x17B00;
	[tilespmem:s1+$0xFFFFFFC0] =	vst v1;
	s1 =	simm.s32 $0xBF0  }
.LBB2_153:
0x6b8: {  	v1 =	vld [tilespmem:s4+$0x0]  }
0x6b9: {  	v2 =	vld [tilespmem:s2+$0x0]  }
0x6ba: {  	s1 =	sadd.s32 $0x10, s1  }
0x6bb: {  	p0 =	slt.u32 s1, $0xC30  }
.Ltmp82:
0x6bc: {  	_ = 	snop;
	(pc) =	sbr.rel @p0 .LBB2_153-.Ltmp82, $3  }
0x6bd: {  	_ = 	snop  }
0x6be: {  	v1 =	vadd.f32 v2, v1;
	_ =	sdelay $0x1  }
0x6bf: {  	s2 =	sadd.s32 $0x10, s2;
	[tilespmem:s4+$0x0] =	vst v1;
	s4 =	sadd.s32 $0x10, s4  }
.LBB2_154:
0x6c0: {  	v1 =	vld [tilespmem:$0x17CA0];
	_ =	sdelay $0x4  }
0x6c1: {  	v1 =	vxor.u32 $0x80000000, v1  }
0x6c2: {  	(xrf0) =	vmax.scan.msk.u32 $0xffff, v1;
	_ =	sdelay $0x5  }
0x6c3: {  	v1, _, _ =	vpop (xrf0)  }
0x6c4: {  	(v2sf) =	vpush v1, $0xF;
	_ =	sdelay $0xe  }
0x6c5: {  	s1 =	spop (v2sf)  }
0x6c6: {  	p0 =	slt.u32 s1, $0x80000001  }
.Ltmp83:
0x6c7: {  	_ = 	snop;
	(pc) =	sbr.rel @p0 .LBB2_159-.Ltmp83, $1  }
0x6c8: {  	_ =	sdelay $0x3  }
0x6c9: {  	s1 =	simm.s32 $0x0;
	s2 =	simm.s32 $0x16280;
	s31 =	simm.s32 $0x4  }
0x6ca: {  	[tilespmem:s2], [sflag:$0x4] =	stream.linear.gather [hbm4b:s17+s1], $0xC40, $0x38;
	[tilespmem:$0x17D10] =	vst v63  }
0x6cb: {  	_ =	swait.ge [sflag:s31], $0xC40  }
0x6cc: {  	[sflag:s31] =	ssyncset.done $0x0  }
0x6cd: {  	s1 =	simm.s32 $0x16F40;
	[sflag:s31] =	ssyncadd.s32 $0xFFFFF3C0  }
0x6ce: {  	s4 =	simm.s32 $0x162C0;
	v2 =	vld [tilespmem:s1+$0x30]  }
0x6cf: {  	v3 =	vld [tilespmem:s4+$0x30]  }
0x6d0: {  	v1 =	vld [tilespmem:s4+$0xFFFFFFC0]  }
0x6d1: {  	v4 =	vld [tilespmem:s1+$0xFFFFFFD0]  }
0x6d2: {  	v5 =	vld [tilespmem:s4+$0xFFFFFFD0]  }
0x6d3: {  	v6 =	vld [tilespmem:s1+$0xFFFFFFE0]  }
0x6d4: {  	v7 =	vld [tilespmem:s4+$0xFFFFFFE0]  }
0x6d5: {  	v8 =	vld [tilespmem:s1+$0xFFFFFFF0]  }
0x6d6: {  	v9 =	vld [tilespmem:s4+$0xFFFFFFF0]  }
0x6d7: {  	v10 =	vld [tilespmem:s1+$0x0]  }
0x6d8: {  	v11 =	vld [tilespmem:s4+$0x0];
	v3 =	vadd.f32 v3, v2  }
0x6d9: {  	v5 =	vadd.f32 v5, v4;
	v2 =	vld [tilespmem:s1+$0x10]  }
0x6da: {  	v6 =	vadd.f32 v7, v6;
	v4 =	vld [tilespmem:s4+$0x10];
	[tilespmem:s1+$0x30] =	vst v3  }
0x6db: {  	v7 =	vadd.f32 v9, v8;
	[tilespmem:s1+$0xFFFFFFD0] =	vst v5;
	v3 =	vld [tilespmem:s1+$0x20]  }
0x6dc: {  	[tilespmem:s1+$0xFFFFFFE0] =	vst v6;
	v6 =	vld [tilespmem:s4+$0x20]  }
0x6dd: {  	s5 =	simm.s32 $0x0;
	s6 =	simm.s32 $0x16FC0;
	v5 =	vld [tilespmem:s1+$0xFFFFFFC0];
	[tilespmem:s1+$0xFFFFFFF0] =	vst v7;
	v7 =	vadd.f32 v11, v10  }
.LBB2_156:
0x6de: {  	v8 =	vld [tilespmem:s6+$0x30];
	s4 =	sadd.s32 $0x80, s4  }
0x6df: {  	s5 =	sadd.s32 $0x80, s5;
	v9 =	vld [tilespmem:s4+$0x30];
	[tilespmem:s1+$0x0] =	vst v7;
	v2 =	vadd.f32 v4, v2  }
0x6e0: {  	p0 =	slt.u32 s5, $0xB80;
	v4 =	vld [tilespmem:s4+$0xFFFFFFC0]  }
0x6e1: {  	v7 =	vld [tilespmem:s6+$0xFFFFFFD0];
	[tilespmem:s1+$0x10] =	vst v2;
	v2 =	vadd.f32 v6, v3  }
0x6e2: {  	v3 =	vld [tilespmem:s4+$0xFFFFFFD0];
	v10 =	vadd.f32 v1, v5  }
0x6e3: {  	v5 =	vld [tilespmem:s6+$0xFFFFFFE0];
	[tilespmem:s1+$0x20] =	vst v2  }
0x6e4: {  	v2 =	vld [tilespmem:s4+$0xFFFFFFE0];
	v6 =	vadd.f32 v9, v8;
	[tilespmem:s1+$0xFFFFFFC0] =	vst v10;
	s1 =	smov.u32 s6  }
0x6e5: {  	v8 =	vld [tilespmem:s6+$0xFFFFFFF0];
	v1 =	vmov v4  }
0x6e6: {  	v9 =	vld [tilespmem:s4+$0xFFFFFFF0];
	[tilespmem:s6+$0x30] =	vst v6  }
0x6e7: {  	v3 =	vadd.f32 v3, v7;
	v7 =	vld [tilespmem:s6+$0x0]  }
0x6e8: {  	v10 =	vld [tilespmem:s4+$0x0]  }
.Ltmp84:
0x6e9: {  	[tilespmem:s6+$0xFFFFFFD0] =	vst v3;
	v3 =	vadd.f32 v2, v5;
	v2 =	vld [tilespmem:s6+$0x10];
	(pc) =	sbr.rel @p0 .LBB2_156-.Ltmp84, $4  }
0x6ea: {  	v4 =	vld [tilespmem:s4+$0x10]  }
0x6eb: {  	[tilespmem:s6+$0xFFFFFFE0] =	vst v3;
	v8 =	vadd.f32 v9, v8;
	v3 =	vld [tilespmem:s6+$0x20]  }
0x6ec: {  	v6 =	vld [tilespmem:s4+$0x20]  }
0x6ed: {  	s6 =	sadd.s32 $0x80, s6;
	v5 =	vld [tilespmem:s1+$0xFFFFFFC0];
	[tilespmem:s1+$0xFFFFFFF0] =	vst v8;
	v7 =	vadd.f32 v10, v7  }
0x6ee: {  	_ =	sdelay $0x1  }
0x6ef: {  	v2 =	vadd.f32 v4, v2  }
0x6f0: {  	[tilespmem:s1+$0x0] =	vst v7;
	v3 =	vadd.f32 v6, v3  }
0x6f1: {  	[tilespmem:s1+$0x10] =	vst v2;
	v1 =	vadd.f32 v1, v5  }
0x6f2: {  	[tilespmem:s1+$0x20] =	vst v3  }
0x6f3: {  	s2 =	simm.s32 $0x16E80;
	s4 =	simm.s32 $0x17B00;
	[tilespmem:s1+$0xFFFFFFC0] =	vst v1;
	s1 =	simm.s32 $0xBF0  }
.LBB2_158:
0x6f4: {  	v1 =	vld [tilespmem:s4+$0x0]  }
0x6f5: {  	v2 =	vld [tilespmem:s2+$0x0]  }
0x6f6: {  	s1 =	sadd.s32 $0x10, s1  }
0x6f7: {  	p0 =	slt.u32 s1, $0xC30  }
.Ltmp85:
0x6f8: {  	_ = 	snop;
	(pc) =	sbr.rel @p0 .LBB2_158-.Ltmp85, $3  }
0x6f9: {  	_ = 	snop  }
0x6fa: {  	v1 =	vadd.f32 v2, v1;
	_ =	sdelay $0x1  }
0x6fb: {  	s2 =	sadd.s32 $0x10, s2;
	[tilespmem:s4+$0x0] =	vst v1;
	s4 =	sadd.s32 $0x10, s4  }
.LBB2_159:
0x6fc: {  	v1 =	vld [tilespmem:$0x17CB0];
	_ =	sdelay $0x4  }
0x6fd: {  	v1 =	vxor.u32 $0x80000000, v1  }
0x6fe: {  	(xrf0) =	vmax.scan.msk.u32 $0xffff, v1;
	_ =	sdelay $0x5  }
0x6ff: {  	v1, _, _ =	vpop (xrf0)  }
0x700: {  	(v2sf) =	vpush v1, $0xF;
	_ =	sdelay $0xe  }
0x701: {  	s1 =	spop (v2sf)  }
0x702: {  	p0 =	slt.u32 s1, $0x80000001  }
.Ltmp86:
0x703: {  	_ = 	snop;
	(pc) =	sbr.rel @p0 .LBB2_164-.Ltmp86, $1  }
0x704: {  	_ =	sdelay $0x3  }
0x705: {  	s1 =	simm.s32 $0x0;
	s2 =	simm.s32 $0x16280;
	s31 =	simm.s32 $0x4  }
0x706: {  	[tilespmem:s2], [sflag:$0x4] =	stream.linear.gather [hbm4b:s16+s1], $0xC40, $0x38;
	[tilespmem:$0x17D10] =	vst v63  }
0x707: {  	_ =	swait.ge [sflag:s31], $0xC40  }
0x708: {  	[sflag:s31] =	ssyncset.done $0x0  }
0x709: {  	s1 =	simm.s32 $0x16F40;
	[sflag:s31] =	ssyncadd.s32 $0xFFFFF3C0  }
0x70a: {  	s4 =	simm.s32 $0x162C0;
	v2 =	vld [tilespmem:s1+$0x30]  }
0x70b: {  	v3 =	vld [tilespmem:s4+$0x30]  }
0x70c: {  	v1 =	vld [tilespmem:s4+$0xFFFFFFC0]  }
0x70d: {  	v4 =	vld [tilespmem:s1+$0xFFFFFFD0]  }
0x70e: {  	v5 =	vld [tilespmem:s4+$0xFFFFFFD0]  }
0x70f: {  	v6 =	vld [tilespmem:s1+$0xFFFFFFE0]  }
0x710: {  	v7 =	vld [tilespmem:s4+$0xFFFFFFE0]  }
0x711: {  	v8 =	vld [tilespmem:s1+$0xFFFFFFF0]  }
0x712: {  	v9 =	vld [tilespmem:s4+$0xFFFFFFF0]  }
0x713: {  	v10 =	vld [tilespmem:s1+$0x0]  }
0x714: {  	v11 =	vld [tilespmem:s4+$0x0];
	v3 =	vadd.f32 v3, v2  }
0x715: {  	v5 =	vadd.f32 v5, v4;
	v2 =	vld [tilespmem:s1+$0x10]  }
0x716: {  	v6 =	vadd.f32 v7, v6;
	v4 =	vld [tilespmem:s4+$0x10];
	[tilespmem:s1+$0x30] =	vst v3  }
0x717: {  	v7 =	vadd.f32 v9, v8;
	[tilespmem:s1+$0xFFFFFFD0] =	vst v5;
	v3 =	vld [tilespmem:s1+$0x20]  }
0x718: {  	[tilespmem:s1+$0xFFFFFFE0] =	vst v6;
	v6 =	vld [tilespmem:s4+$0x20]  }
0x719: {  	s5 =	simm.s32 $0x0;
	s6 =	simm.s32 $0x16FC0;
	v5 =	vld [tilespmem:s1+$0xFFFFFFC0];
	[tilespmem:s1+$0xFFFFFFF0] =	vst v7;
	v7 =	vadd.f32 v11, v10  }
.LBB2_161:
0x71a: {  	v8 =	vld [tilespmem:s6+$0x30];
	s4 =	sadd.s32 $0x80, s4  }
0x71b: {  	s5 =	sadd.s32 $0x80, s5;
	v9 =	vld [tilespmem:s4+$0x30];
	[tilespmem:s1+$0x0] =	vst v7;
	v2 =	vadd.f32 v4, v2  }
0x71c: {  	p0 =	slt.u32 s5, $0xB80;
	v4 =	vld [tilespmem:s4+$0xFFFFFFC0]  }
0x71d: {  	v7 =	vld [tilespmem:s6+$0xFFFFFFD0];
	[tilespmem:s1+$0x10] =	vst v2;
	v2 =	vadd.f32 v6, v3  }
0x71e: {  	v3 =	vld [tilespmem:s4+$0xFFFFFFD0];
	v10 =	vadd.f32 v1, v5  }
0x71f: {  	v5 =	vld [tilespmem:s6+$0xFFFFFFE0];
	[tilespmem:s1+$0x20] =	vst v2  }
0x720: {  	v2 =	vld [tilespmem:s4+$0xFFFFFFE0];
	v6 =	vadd.f32 v9, v8;
	[tilespmem:s1+$0xFFFFFFC0] =	vst v10;
	s1 =	smov.u32 s6  }
0x721: {  	v8 =	vld [tilespmem:s6+$0xFFFFFFF0];
	v1 =	vmov v4  }
0x722: {  	v9 =	vld [tilespmem:s4+$0xFFFFFFF0];
	[tilespmem:s6+$0x30] =	vst v6  }
0x723: {  	v3 =	vadd.f32 v3, v7;
	v7 =	vld [tilespmem:s6+$0x0]  }
0x724: {  	v10 =	vld [tilespmem:s4+$0x0]  }
.Ltmp87:
0x725: {  	[tilespmem:s6+$0xFFFFFFD0] =	vst v3;
	v3 =	vadd.f32 v2, v5;
	v2 =	vld [tilespmem:s6+$0x10];
	(pc) =	sbr.rel @p0 .LBB2_161-.Ltmp87, $4  }
0x726: {  	v4 =	vld [tilespmem:s4+$0x10]  }
0x727: {  	[tilespmem:s6+$0xFFFFFFE0] =	vst v3;
	v8 =	vadd.f32 v9, v8;
	v3 =	vld [tilespmem:s6+$0x20]  }
0x728: {  	v6 =	vld [tilespmem:s4+$0x20]  }
0x729: {  	s6 =	sadd.s32 $0x80, s6;
	v5 =	vld [tilespmem:s1+$0xFFFFFFC0];
	[tilespmem:s1+$0xFFFFFFF0] =	vst v8;
	v7 =	vadd.f32 v10, v7  }
0x72a: {  	_ =	sdelay $0x1  }
0x72b: {  	v2 =	vadd.f32 v4, v2  }
0x72c: {  	[tilespmem:s1+$0x0] =	vst v7;
	v3 =	vadd.f32 v6, v3  }
0x72d: {  	[tilespmem:s1+$0x10] =	vst v2;
	v1 =	vadd.f32 v1, v5  }
0x72e: {  	[tilespmem:s1+$0x20] =	vst v3  }
0x72f: {  	s2 =	simm.s32 $0x16E80;
	s4 =	simm.s32 $0x17B00;
	[tilespmem:s1+$0xFFFFFFC0] =	vst v1;
	s1 =	simm.s32 $0xBF0  }
.LBB2_163:
0x730: {  	v1 =	vld [tilespmem:s4+$0x0]  }
0x731: {  	v2 =	vld [tilespmem:s2+$0x0]  }
0x732: {  	s1 =	sadd.s32 $0x10, s1  }
0x733: {  	p0 =	slt.u32 s1, $0xC30  }
.Ltmp88:
0x734: {  	_ = 	snop;
	(pc) =	sbr.rel @p0 .LBB2_163-.Ltmp88, $3  }
0x735: {  	_ = 	snop  }
0x736: {  	v1 =	vadd.f32 v2, v1;
	_ =	sdelay $0x1  }
0x737: {  	s2 =	sadd.s32 $0x10, s2;
	[tilespmem:s4+$0x0] =	vst v1;
	s4 =	sadd.s32 $0x10, s4  }
.LBB2_164:
0x738: {  	v1 =	vld [tilespmem:$0x17CC0];
	_ =	sdelay $0x4  }
0x739: {  	v1 =	vxor.u32 $0x80000000, v1  }
0x73a: {  	(xrf0) =	vmax.scan.msk.u32 $0xffff, v1;
	_ =	sdelay $0x5  }
0x73b: {  	v1, _, _ =	vpop (xrf0)  }
0x73c: {  	(v2sf) =	vpush v1, $0xF;
	_ =	sdelay $0xe  }
0x73d: {  	s1 =	spop (v2sf)  }
0x73e: {  	p0 =	slt.u32 s1, $0x80000001  }
.Ltmp89:
0x73f: {  	_ = 	snop;
	(pc) =	sbr.rel @p0 .LBB2_169-.Ltmp89, $1  }
0x740: {  	_ =	sdelay $0x3  }
0x741: {  	s1 =	simm.s32 $0x0;
	s2 =	simm.s32 $0x16280;
	s31 =	simm.s32 $0x4  }
0x742: {  	[tilespmem:s2], [sflag:$0x4] =	stream.linear.gather [hbm4b:s15+s1], $0xC40, $0x38;
	[tilespmem:$0x17D10] =	vst v63  }
0x743: {  	_ =	swait.ge [sflag:s31], $0xC40  }
0x744: {  	[sflag:s31] =	ssyncset.done $0x0  }
0x745: {  	s1 =	simm.s32 $0x16F40;
	[sflag:s31] =	ssyncadd.s32 $0xFFFFF3C0  }
0x746: {  	s4 =	simm.s32 $0x162C0;
	v2 =	vld [tilespmem:s1+$0x30]  }
0x747: {  	v3 =	vld [tilespmem:s4+$0x30]  }
0x748: {  	v1 =	vld [tilespmem:s4+$0xFFFFFFC0]  }
0x749: {  	v4 =	vld [tilespmem:s1+$0xFFFFFFD0]  }
0x74a: {  	v5 =	vld [tilespmem:s4+$0xFFFFFFD0]  }
0x74b: {  	v6 =	vld [tilespmem:s1+$0xFFFFFFE0]  }
0x74c: {  	v7 =	vld [tilespmem:s4+$0xFFFFFFE0]  }
0x74d: {  	v8 =	vld [tilespmem:s1+$0xFFFFFFF0]  }
0x74e: {  	v9 =	vld [tilespmem:s4+$0xFFFFFFF0]  }
0x74f: {  	v10 =	vld [tilespmem:s1+$0x0]  }
0x750: {  	v11 =	vld [tilespmem:s4+$0x0];
	v3 =	vadd.f32 v3, v2  }
0x751: {  	v5 =	vadd.f32 v5, v4;
	v2 =	vld [tilespmem:s1+$0x10]  }
0x752: {  	v6 =	vadd.f32 v7, v6;
	v4 =	vld [tilespmem:s4+$0x10];
	[tilespmem:s1+$0x30] =	vst v3  }
0x753: {  	v7 =	vadd.f32 v9, v8;
	[tilespmem:s1+$0xFFFFFFD0] =	vst v5;
	v3 =	vld [tilespmem:s1+$0x20]  }
0x754: {  	[tilespmem:s1+$0xFFFFFFE0] =	vst v6;
	v6 =	vld [tilespmem:s4+$0x20]  }
0x755: {  	s5 =	simm.s32 $0x0;
	s6 =	simm.s32 $0x16FC0;
	v5 =	vld [tilespmem:s1+$0xFFFFFFC0];
	[tilespmem:s1+$0xFFFFFFF0] =	vst v7;
	v7 =	vadd.f32 v11, v10  }
.LBB2_166:
0x756: {  	v8 =	vld [tilespmem:s6+$0x30];
	s4 =	sadd.s32 $0x80, s4  }
0x757: {  	s5 =	sadd.s32 $0x80, s5;
	v9 =	vld [tilespmem:s4+$0x30];
	[tilespmem:s1+$0x0] =	vst v7;
	v2 =	vadd.f32 v4, v2  }
0x758: {  	p0 =	slt.u32 s5, $0xB80;
	v4 =	vld [tilespmem:s4+$0xFFFFFFC0]  }
0x759: {  	v7 =	vld [tilespmem:s6+$0xFFFFFFD0];
	[tilespmem:s1+$0x10] =	vst v2;
	v2 =	vadd.f32 v6, v3  }
0x75a: {  	v3 =	vld [tilespmem:s4+$0xFFFFFFD0];
	v10 =	vadd.f32 v1, v5  }
0x75b: {  	v5 =	vld [tilespmem:s6+$0xFFFFFFE0];
	[tilespmem:s1+$0x20] =	vst v2  }
0x75c: {  	v2 =	vld [tilespmem:s4+$0xFFFFFFE0];
	v6 =	vadd.f32 v9, v8;
	[tilespmem:s1+$0xFFFFFFC0] =	vst v10;
	s1 =	smov.u32 s6  }
0x75d: {  	v8 =	vld [tilespmem:s6+$0xFFFFFFF0];
	v1 =	vmov v4  }
0x75e: {  	v9 =	vld [tilespmem:s4+$0xFFFFFFF0];
	[tilespmem:s6+$0x30] =	vst v6  }
0x75f: {  	v3 =	vadd.f32 v3, v7;
	v7 =	vld [tilespmem:s6+$0x0]  }
0x760: {  	v10 =	vld [tilespmem:s4+$0x0]  }
.Ltmp90:
0x761: {  	[tilespmem:s6+$0xFFFFFFD0] =	vst v3;
	v3 =	vadd.f32 v2, v5;
	v2 =	vld [tilespmem:s6+$0x10];
	(pc) =	sbr.rel @p0 .LBB2_166-.Ltmp90, $4  }
0x762: {  	v4 =	vld [tilespmem:s4+$0x10]  }
0x763: {  	[tilespmem:s6+$0xFFFFFFE0] =	vst v3;
	v8 =	vadd.f32 v9, v8;
	v3 =	vld [tilespmem:s6+$0x20]  }
0x764: {  	v6 =	vld [tilespmem:s4+$0x20]  }
0x765: {  	s6 =	sadd.s32 $0x80, s6;
	v5 =	vld [tilespmem:s1+$0xFFFFFFC0];
	[tilespmem:s1+$0xFFFFFFF0] =	vst v8;
	v7 =	vadd.f32 v10, v7  }
0x766: {  	_ =	sdelay $0x1  }
0x767: {  	v2 =	vadd.f32 v4, v2  }
0x768: {  	[tilespmem:s1+$0x0] =	vst v7;
	v3 =	vadd.f32 v6, v3  }
0x769: {  	[tilespmem:s1+$0x10] =	vst v2;
	v1 =	vadd.f32 v1, v5  }
0x76a: {  	[tilespmem:s1+$0x20] =	vst v3  }
0x76b: {  	s2 =	simm.s32 $0x16E80;
	s4 =	simm.s32 $0x17B00;
	[tilespmem:s1+$0xFFFFFFC0] =	vst v1;
	s1 =	simm.s32 $0xBF0  }
.LBB2_168:
0x76c: {  	v1 =	vld [tilespmem:s4+$0x0]  }
0x76d: {  	v2 =	vld [tilespmem:s2+$0x0]  }
0x76e: {  	s1 =	sadd.s32 $0x10, s1  }
0x76f: {  	p0 =	slt.u32 s1, $0xC30  }
.Ltmp91:
0x770: {  	_ = 	snop;
	(pc) =	sbr.rel @p0 .LBB2_168-.Ltmp91, $3  }
0x771: {  	_ = 	snop  }
0x772: {  	v1 =	vadd.f32 v2, v1;
	_ =	sdelay $0x1  }
0x773: {  	s2 =	sadd.s32 $0x10, s2;
	[tilespmem:s4+$0x0] =	vst v1;
	s4 =	sadd.s32 $0x10, s4  }
.LBB2_169:
0x774: {  	v1 =	vld [tilespmem:$0x17CD0];
	_ =	sdelay $0x4  }
0x775: {  	v1 =	vxor.u32 $0x80000000, v1  }
0x776: {  	(xrf0) =	vmax.scan.msk.u32 $0xffff, v1;
	_ =	sdelay $0x5  }
0x777: {  	v1, _, _ =	vpop (xrf0)  }
0x778: {  	(v2sf) =	vpush v1, $0xF;
	_ =	sdelay $0xe  }
0x779: {  	s1 =	spop (v2sf)  }
0x77a: {  	p0 =	slt.u32 s1, $0x80000001  }
.Ltmp92:
0x77b: {  	_ = 	snop;
	(pc) =	sbr.rel @p0 .LBB2_174-.Ltmp92, $1  }
0x77c: {  	_ =	sdelay $0x3  }
0x77d: {  	s1 =	simm.s32 $0x0;
	s2 =	simm.s32 $0x16280;
	s31 =	simm.s32 $0x4  }
0x77e: {  	[tilespmem:s2], [sflag:$0x4] =	stream.linear.gather [hbm4b:s14+s1], $0xC40, $0x38;
	[tilespmem:$0x17D10] =	vst v63  }
0x77f: {  	_ =	swait.ge [sflag:s31], $0xC40  }
0x780: {  	[sflag:s31] =	ssyncset.done $0x0  }
0x781: {  	s1 =	simm.s32 $0x16F40;
	[sflag:s31] =	ssyncadd.s32 $0xFFFFF3C0  }
0x782: {  	s4 =	simm.s32 $0x162C0;
	v2 =	vld [tilespmem:s1+$0x30]  }
0x783: {  	v3 =	vld [tilespmem:s4+$0x30]  }
0x784: {  	v1 =	vld [tilespmem:s4+$0xFFFFFFC0]  }
0x785: {  	v4 =	vld [tilespmem:s1+$0xFFFFFFD0]  }
0x786: {  	v5 =	vld [tilespmem:s4+$0xFFFFFFD0]  }
0x787: {  	v6 =	vld [tilespmem:s1+$0xFFFFFFE0]  }
0x788: {  	v7 =	vld [tilespmem:s4+$0xFFFFFFE0]  }
0x789: {  	v8 =	vld [tilespmem:s1+$0xFFFFFFF0]  }
0x78a: {  	v9 =	vld [tilespmem:s4+$0xFFFFFFF0]  }
0x78b: {  	v10 =	vld [tilespmem:s1+$0x0]  }
0x78c: {  	v11 =	vld [tilespmem:s4+$0x0];
	v3 =	vadd.f32 v3, v2  }
0x78d: {  	v5 =	vadd.f32 v5, v4;
	v2 =	vld [tilespmem:s1+$0x10]  }
0x78e: {  	v6 =	vadd.f32 v7, v6;
	v4 =	vld [tilespmem:s4+$0x10];
	[tilespmem:s1+$0x30] =	vst v3  }
0x78f: {  	v7 =	vadd.f32 v9, v8;
	[tilespmem:s1+$0xFFFFFFD0] =	vst v5;
	v3 =	vld [tilespmem:s1+$0x20]  }
0x790: {  	[tilespmem:s1+$0xFFFFFFE0] =	vst v6;
	v6 =	vld [tilespmem:s4+$0x20]  }
0x791: {  	s5 =	simm.s32 $0x0;
	s6 =	simm.s32 $0x16FC0;
	v5 =	vld [tilespmem:s1+$0xFFFFFFC0];
	[tilespmem:s1+$0xFFFFFFF0] =	vst v7;
	v7 =	vadd.f32 v11, v10  }
.LBB2_171:
0x792: {  	v8 =	vld [tilespmem:s6+$0x30];
	s4 =	sadd.s32 $0x80, s4  }
0x793: {  	s5 =	sadd.s32 $0x80, s5;
	v9 =	vld [tilespmem:s4+$0x30];
	[tilespmem:s1+$0x0] =	vst v7;
	v2 =	vadd.f32 v4, v2  }
0x794: {  	p0 =	slt.u32 s5, $0xB80;
	v4 =	vld [tilespmem:s4+$0xFFFFFFC0]  }
0x795: {  	v7 =	vld [tilespmem:s6+$0xFFFFFFD0];
	[tilespmem:s1+$0x10] =	vst v2;
	v2 =	vadd.f32 v6, v3  }
0x796: {  	v3 =	vld [tilespmem:s4+$0xFFFFFFD0];
	v10 =	vadd.f32 v1, v5  }
0x797: {  	v5 =	vld [tilespmem:s6+$0xFFFFFFE0];
	[tilespmem:s1+$0x20] =	vst v2  }
0x798: {  	v2 =	vld [tilespmem:s4+$0xFFFFFFE0];
	v6 =	vadd.f32 v9, v8;
	[tilespmem:s1+$0xFFFFFFC0] =	vst v10;
	s1 =	smov.u32 s6  }
0x799: {  	v8 =	vld [tilespmem:s6+$0xFFFFFFF0];
	v1 =	vmov v4  }
0x79a: {  	v9 =	vld [tilespmem:s4+$0xFFFFFFF0];
	[tilespmem:s6+$0x30] =	vst v6  }
0x79b: {  	v3 =	vadd.f32 v3, v7;
	v7 =	vld [tilespmem:s6+$0x0]  }
0x79c: {  	v10 =	vld [tilespmem:s4+$0x0]  }
.Ltmp93:
0x79d: {  	[tilespmem:s6+$0xFFFFFFD0] =	vst v3;
	v3 =	vadd.f32 v2, v5;
	v2 =	vld [tilespmem:s6+$0x10];
	(pc) =	sbr.rel @p0 .LBB2_171-.Ltmp93, $4  }
0x79e: {  	v4 =	vld [tilespmem:s4+$0x10]  }
0x79f: {  	[tilespmem:s6+$0xFFFFFFE0] =	vst v3;
	v8 =	vadd.f32 v9, v8;
	v3 =	vld [tilespmem:s6+$0x20]  }
0x7a0: {  	v6 =	vld [tilespmem:s4+$0x20]  }
0x7a1: {  	s6 =	sadd.s32 $0x80, s6;
	v5 =	vld [tilespmem:s1+$0xFFFFFFC0];
	[tilespmem:s1+$0xFFFFFFF0] =	vst v8;
	v7 =	vadd.f32 v10, v7  }
0x7a2: {  	_ =	sdelay $0x1  }
0x7a3: {  	v2 =	vadd.f32 v4, v2  }
0x7a4: {  	[tilespmem:s1+$0x0] =	vst v7;
	v3 =	vadd.f32 v6, v3  }
0x7a5: {  	[tilespmem:s1+$0x10] =	vst v2;
	v1 =	vadd.f32 v1, v5  }
0x7a6: {  	[tilespmem:s1+$0x20] =	vst v3  }
0x7a7: {  	s2 =	simm.s32 $0x16E80;
	s4 =	simm.s32 $0x17B00;
	[tilespmem:s1+$0xFFFFFFC0] =	vst v1;
	s1 =	simm.s32 $0xBF0  }
.LBB2_173:
0x7a8: {  	v1 =	vld [tilespmem:s4+$0x0]  }
0x7a9: {  	v2 =	vld [tilespmem:s2+$0x0]  }
0x7aa: {  	s1 =	sadd.s32 $0x10, s1  }
0x7ab: {  	p0 =	slt.u32 s1, $0xC30  }
.Ltmp94:
0x7ac: {  	_ = 	snop;
	(pc) =	sbr.rel @p0 .LBB2_173-.Ltmp94, $3  }
0x7ad: {  	_ = 	snop  }
0x7ae: {  	v1 =	vadd.f32 v2, v1;
	_ =	sdelay $0x1  }
0x7af: {  	s2 =	sadd.s32 $0x10, s2;
	[tilespmem:s4+$0x0] =	vst v1;
	s4 =	sadd.s32 $0x10, s4  }
.LBB2_174:
0x7b0: {  	v1 =	vld [tilespmem:$0x17CE0];
	_ =	sdelay $0x4  }
0x7b1: {  	v1 =	vxor.u32 $0x80000000, v1  }
0x7b2: {  	(xrf0) =	vmax.scan.msk.u32 $0xffff, v1;
	_ =	sdelay $0x5  }
0x7b3: {  	v1, _, _ =	vpop (xrf0)  }
0x7b4: {  	(v2sf) =	vpush v1, $0xF;
	_ =	sdelay $0xe  }
0x7b5: {  	s1 =	spop (v2sf)  }
0x7b6: {  	p0 =	slt.u32 s1, $0x80000001  }
.Ltmp95:
0x7b7: {  	_ = 	snop;
	(pc) =	sbr.rel @p0 .LBB2_179-.Ltmp95, $1  }
0x7b8: {  	_ =	sdelay $0x3  }
0x7b9: {  	s1 =	simm.s32 $0x0;
	s2 =	simm.s32 $0x16280;
	s31 =	simm.s32 $0x4  }
0x7ba: {  	[tilespmem:s2], [sflag:$0x4] =	stream.linear.gather [hbm4b:s11+s1], $0xC40, $0x38;
	[tilespmem:$0x17D10] =	vst v63  }
0x7bb: {  	_ =	swait.ge [sflag:s31], $0xC40  }
0x7bc: {  	[sflag:s31] =	ssyncset.done $0x0  }
0x7bd: {  	s1 =	simm.s32 $0x16F40;
	[sflag:s31] =	ssyncadd.s32 $0xFFFFF3C0  }
0x7be: {  	s4 =	simm.s32 $0x162C0;
	v2 =	vld [tilespmem:s1+$0x30]  }
0x7bf: {  	v3 =	vld [tilespmem:s4+$0x30]  }
0x7c0: {  	v1 =	vld [tilespmem:s4+$0xFFFFFFC0]  }
0x7c1: {  	v4 =	vld [tilespmem:s1+$0xFFFFFFD0]  }
0x7c2: {  	v5 =	vld [tilespmem:s4+$0xFFFFFFD0]  }
0x7c3: {  	v6 =	vld [tilespmem:s1+$0xFFFFFFE0]  }
0x7c4: {  	v7 =	vld [tilespmem:s4+$0xFFFFFFE0]  }
0x7c5: {  	v8 =	vld [tilespmem:s1+$0xFFFFFFF0]  }
0x7c6: {  	v9 =	vld [tilespmem:s4+$0xFFFFFFF0]  }
0x7c7: {  	v10 =	vld [tilespmem:s1+$0x0]  }
0x7c8: {  	v11 =	vld [tilespmem:s4+$0x0];
	v3 =	vadd.f32 v3, v2  }
0x7c9: {  	v5 =	vadd.f32 v5, v4;
	v2 =	vld [tilespmem:s1+$0x10]  }
0x7ca: {  	v6 =	vadd.f32 v7, v6;
	v4 =	vld [tilespmem:s4+$0x10];
	[tilespmem:s1+$0x30] =	vst v3  }
0x7cb: {  	v7 =	vadd.f32 v9, v8;
	[tilespmem:s1+$0xFFFFFFD0] =	vst v5;
	v3 =	vld [tilespmem:s1+$0x20]  }
0x7cc: {  	[tilespmem:s1+$0xFFFFFFE0] =	vst v6;
	v6 =	vld [tilespmem:s4+$0x20]  }
0x7cd: {  	s5 =	simm.s32 $0x0;
	s6 =	simm.s32 $0x16FC0;
	v5 =	vld [tilespmem:s1+$0xFFFFFFC0];
	[tilespmem:s1+$0xFFFFFFF0] =	vst v7;
	v7 =	vadd.f32 v11, v10  }
.LBB2_176:
0x7ce: {  	v8 =	vld [tilespmem:s6+$0x30];
	s4 =	sadd.s32 $0x80, s4  }
0x7cf: {  	s5 =	sadd.s32 $0x80, s5;
	v9 =	vld [tilespmem:s4+$0x30];
	[tilespmem:s1+$0x0] =	vst v7;
	v2 =	vadd.f32 v4, v2  }
0x7d0: {  	p0 =	slt.u32 s5, $0xB80;
	v4 =	vld [tilespmem:s4+$0xFFFFFFC0]  }
0x7d1: {  	v7 =	vld [tilespmem:s6+$0xFFFFFFD0];
	[tilespmem:s1+$0x10] =	vst v2;
	v2 =	vadd.f32 v6, v3  }
0x7d2: {  	v3 =	vld [tilespmem:s4+$0xFFFFFFD0];
	v10 =	vadd.f32 v1, v5  }
0x7d3: {  	v5 =	vld [tilespmem:s6+$0xFFFFFFE0];
	[tilespmem:s1+$0x20] =	vst v2  }
0x7d4: {  	v2 =	vld [tilespmem:s4+$0xFFFFFFE0];
	v6 =	vadd.f32 v9, v8;
	[tilespmem:s1+$0xFFFFFFC0] =	vst v10;
	s1 =	smov.u32 s6  }
0x7d5: {  	v8 =	vld [tilespmem:s6+$0xFFFFFFF0];
	v1 =	vmov v4  }
0x7d6: {  	v9 =	vld [tilespmem:s4+$0xFFFFFFF0];
	[tilespmem:s6+$0x30] =	vst v6  }
0x7d7: {  	v3 =	vadd.f32 v3, v7;
	v7 =	vld [tilespmem:s6+$0x0]  }
0x7d8: {  	v10 =	vld [tilespmem:s4+$0x0]  }
.Ltmp96:
0x7d9: {  	[tilespmem:s6+$0xFFFFFFD0] =	vst v3;
	v3 =	vadd.f32 v2, v5;
	v2 =	vld [tilespmem:s6+$0x10];
	(pc) =	sbr.rel @p0 .LBB2_176-.Ltmp96, $4  }
0x7da: {  	v4 =	vld [tilespmem:s4+$0x10]  }
0x7db: {  	[tilespmem:s6+$0xFFFFFFE0] =	vst v3;
	v8 =	vadd.f32 v9, v8;
	v3 =	vld [tilespmem:s6+$0x20]  }
0x7dc: {  	v6 =	vld [tilespmem:s4+$0x20]  }
0x7dd: {  	s6 =	sadd.s32 $0x80, s6;
	v5 =	vld [tilespmem:s1+$0xFFFFFFC0];
	[tilespmem:s1+$0xFFFFFFF0] =	vst v8;
	v7 =	vadd.f32 v10, v7  }
0x7de: {  	_ =	sdelay $0x1  }
0x7df: {  	v2 =	vadd.f32 v4, v2  }
0x7e0: {  	[tilespmem:s1+$0x0] =	vst v7;
	v3 =	vadd.f32 v6, v3  }
0x7e1: {  	[tilespmem:s1+$0x10] =	vst v2;
	v1 =	vadd.f32 v1, v5  }
0x7e2: {  	[tilespmem:s1+$0x20] =	vst v3  }
0x7e3: {  	s2 =	simm.s32 $0x16E80;
	s4 =	simm.s32 $0x17B00;
	[tilespmem:s1+$0xFFFFFFC0] =	vst v1;
	s1 =	simm.s32 $0xBF0  }
.LBB2_178:
0x7e4: {  	v1 =	vld [tilespmem:s4+$0x0]  }
0x7e5: {  	v2 =	vld [tilespmem:s2+$0x0]  }
0x7e6: {  	s1 =	sadd.s32 $0x10, s1  }
0x7e7: {  	p0 =	slt.u32 s1, $0xC30  }
.Ltmp97:
0x7e8: {  	_ = 	snop;
	(pc) =	sbr.rel @p0 .LBB2_178-.Ltmp97, $3  }
0x7e9: {  	_ = 	snop  }
0x7ea: {  	v1 =	vadd.f32 v2, v1;
	_ =	sdelay $0x1  }
0x7eb: {  	s2 =	sadd.s32 $0x10, s2;
	[tilespmem:s4+$0x0] =	vst v1;
	s4 =	sadd.s32 $0x10, s4  }
.LBB2_179:
0x7ec: {  	v1 =	vld [tilespmem:$0x17CF0];
	_ =	sdelay $0x4  }
0x7ed: {  	v1 =	vxor.u32 $0x80000000, v1  }
0x7ee: {  	(xrf0) =	vmax.scan.msk.u32 $0xffff, v1;
	_ =	sdelay $0x5  }
0x7ef: {  	v1, _, _ =	vpop (xrf0)  }
0x7f0: {  	(v2sf) =	vpush v1, $0xF;
	_ =	sdelay $0xe  }
0x7f1: {  	s1 =	spop (v2sf)  }
0x7f2: {  	p0 =	slt.u32 s1, $0x80000001  }
.Ltmp98:
0x7f3: {  	_ = 	snop;
	(pc) =	sbr.rel @p0 .LBB2_184-.Ltmp98, $1  }
0x7f4: {  	_ =	sdelay $0x3  }
0x7f5: {  	s1 =	simm.s32 $0x0;
	s2 =	simm.s32 $0x16280;
	s31 =	simm.s32 $0x4  }
0x7f6: {  	[tilespmem:s2], [sflag:$0x4] =	stream.linear.gather [hbm4b:s12+s1], $0xC40, $0x38;
	[tilespmem:$0x17D10] =	vst v63  }
0x7f7: {  	_ =	swait.ge [sflag:s31], $0xC40  }
0x7f8: {  	[sflag:s31] =	ssyncset.done $0x0  }
0x7f9: {  	s1 =	simm.s32 $0x16F40;
	[sflag:s31] =	ssyncadd.s32 $0xFFFFF3C0  }
0x7fa: {  	s4 =	simm.s32 $0x162C0;
	v2 =	vld [tilespmem:s1+$0x30]  }
0x7fb: {  	v3 =	vld [tilespmem:s4+$0x30]  }
0x7fc: {  	v1 =	vld [tilespmem:s4+$0xFFFFFFC0]  }
0x7fd: {  	v4 =	vld [tilespmem:s1+$0xFFFFFFD0]  }
0x7fe: {  	v5 =	vld [tilespmem:s4+$0xFFFFFFD0]  }
0x7ff: {  	v6 =	vld [tilespmem:s1+$0xFFFFFFE0]  }
0x800: {  	v7 =	vld [tilespmem:s4+$0xFFFFFFE0]  }
0x801: {  	v8 =	vld [tilespmem:s1+$0xFFFFFFF0]  }
0x802: {  	v9 =	vld [tilespmem:s4+$0xFFFFFFF0]  }
0x803: {  	v10 =	vld [tilespmem:s1+$0x0]  }
0x804: {  	v11 =	vld [tilespmem:s4+$0x0];
	v3 =	vadd.f32 v3, v2  }
0x805: {  	v5 =	vadd.f32 v5, v4;
	v2 =	vld [tilespmem:s1+$0x10]  }
0x806: {  	v6 =	vadd.f32 v7, v6;
	v4 =	vld [tilespmem:s4+$0x10];
	[tilespmem:s1+$0x30] =	vst v3  }
0x807: {  	v7 =	vadd.f32 v9, v8;
	[tilespmem:s1+$0xFFFFFFD0] =	vst v5;
	v3 =	vld [tilespmem:s1+$0x20]  }
0x808: {  	[tilespmem:s1+$0xFFFFFFE0] =	vst v6;
	v6 =	vld [tilespmem:s4+$0x20]  }
0x809: {  	s5 =	simm.s32 $0x0;
	s6 =	simm.s32 $0x16FC0;
	v5 =	vld [tilespmem:s1+$0xFFFFFFC0];
	[tilespmem:s1+$0xFFFFFFF0] =	vst v7;
	v7 =	vadd.f32 v11, v10  }
.LBB2_181:
0x80a: {  	v8 =	vld [tilespmem:s6+$0x30];
	s4 =	sadd.s32 $0x80, s4  }
0x80b: {  	s5 =	sadd.s32 $0x80, s5;
	v9 =	vld [tilespmem:s4+$0x30];
	[tilespmem:s1+$0x0] =	vst v7;
	v2 =	vadd.f32 v4, v2  }
0x80c: {  	p0 =	slt.u32 s5, $0xB80;
	v4 =	vld [tilespmem:s4+$0xFFFFFFC0]  }
0x80d: {  	v7 =	vld [tilespmem:s6+$0xFFFFFFD0];
	[tilespmem:s1+$0x10] =	vst v2;
	v2 =	vadd.f32 v6, v3  }
0x80e: {  	v3 =	vld [tilespmem:s4+$0xFFFFFFD0];
	v10 =	vadd.f32 v1, v5  }
0x80f: {  	v5 =	vld [tilespmem:s6+$0xFFFFFFE0];
	[tilespmem:s1+$0x20] =	vst v2  }
0x810: {  	v2 =	vld [tilespmem:s4+$0xFFFFFFE0];
	v6 =	vadd.f32 v9, v8;
	[tilespmem:s1+$0xFFFFFFC0] =	vst v10;
	s1 =	smov.u32 s6  }
0x811: {  	v8 =	vld [tilespmem:s6+$0xFFFFFFF0];
	v1 =	vmov v4  }
0x812: {  	v9 =	vld [tilespmem:s4+$0xFFFFFFF0];
	[tilespmem:s6+$0x30] =	vst v6  }
0x813: {  	v3 =	vadd.f32 v3, v7;
	v7 =	vld [tilespmem:s6+$0x0]  }
0x814: {  	v10 =	vld [tilespmem:s4+$0x0]  }
.Ltmp99:
0x815: {  	[tilespmem:s6+$0xFFFFFFD0] =	vst v3;
	v3 =	vadd.f32 v2, v5;
	v2 =	vld [tilespmem:s6+$0x10];
	(pc) =	sbr.rel @p0 .LBB2_181-.Ltmp99, $4  }
0x816: {  	v4 =	vld [tilespmem:s4+$0x10]  }
0x817: {  	[tilespmem:s6+$0xFFFFFFE0] =	vst v3;
	v8 =	vadd.f32 v9, v8;
	v3 =	vld [tilespmem:s6+$0x20]  }
0x818: {  	v6 =	vld [tilespmem:s4+$0x20]  }
0x819: {  	s6 =	sadd.s32 $0x80, s6;
	v5 =	vld [tilespmem:s1+$0xFFFFFFC0];
	[tilespmem:s1+$0xFFFFFFF0] =	vst v8;
	v7 =	vadd.f32 v10, v7  }
0x81a: {  	_ =	sdelay $0x1  }
0x81b: {  	v2 =	vadd.f32 v4, v2  }
0x81c: {  	[tilespmem:s1+$0x0] =	vst v7;
	v3 =	vadd.f32 v6, v3  }
0x81d: {  	[tilespmem:s1+$0x10] =	vst v2;
	v1 =	vadd.f32 v1, v5  }
0x81e: {  	[tilespmem:s1+$0x20] =	vst v3  }
0x81f: {  	s2 =	simm.s32 $0x16E80;
	s4 =	simm.s32 $0x17B00;
	[tilespmem:s1+$0xFFFFFFC0] =	vst v1;
	s1 =	simm.s32 $0xBF0  }
.LBB2_183:
0x820: {  	v1 =	vld [tilespmem:s4+$0x0]  }
0x821: {  	v2 =	vld [tilespmem:s2+$0x0]  }
0x822: {  	s1 =	sadd.s32 $0x10, s1  }
0x823: {  	p0 =	slt.u32 s1, $0xC30  }
.Ltmp100:
0x824: {  	_ = 	snop;
	(pc) =	sbr.rel @p0 .LBB2_183-.Ltmp100, $3  }
0x825: {  	_ = 	snop  }
0x826: {  	v1 =	vadd.f32 v2, v1;
	_ =	sdelay $0x1  }
0x827: {  	s2 =	sadd.s32 $0x10, s2;
	[tilespmem:s4+$0x0] =	vst v1;
	s4 =	sadd.s32 $0x10, s4  }
.LBB2_184:
0x828: {  	s1 =	simm.s32 $0x16F40  }
0x829: {  	v2 =	vld [tilespmem:s1+$0x30]  }
0x82a: {  	v4 =	vld [tilespmem:s1+$0xFFFFFFD0]  }
0x82b: {  	v6 =	vld [tilespmem:s1+$0xFFFFFFE0]  }
0x82c: {  	v5 =	vld [tilespmem:s1+$0xFFFFFFF0]  }
0x82d: {  	v3 =	vld [tilespmem:s1+$0x0]  }
0x82e: {  	vm0 =	veq.s32 v0, $0xFFFFFFFF;
	v1 =	vld [tilespmem:s1+$0x10];
	vm1 =	vgt.f32 v2, $0.0e+00  }
0x82f: {  	v0 =	vimm.f32 $-Inf;
	vm2 =	vgt.f32 v4, $0.0e+00;
	v2 =	vld [tilespmem:s1+$0x20];
	vm3 =	vmor vm0, vm1  }
0x830: {  	s4 =	simm.s32 $0x0;
	s5 =	simm.s32 $0x16FC0;
	v4 =	vld [tilespmem:s1+$0xFFFFFFC0];
	vm1 =	vmor vm0, vm2;
	vm2 =	vgt.f32 v6, $0.0e+00;
	v6 =	vsel vm3, $0x0, v0  }
.LBB2_185:
0x831: {  	v7 =	vld [tilespmem:s5+$0x30];
	s4 =	sadd.s32 $0x80, s4;
	v8 =	vsel vm1, $0x0, v0;
	vm1 =	vmor vm0, vm2;
	vm2 =	vgt.f32 v5, $0.0e+00;
	[tilespmem:s1+$0x30] =	vst v6  }
0x832: {  	v6 =	vld [tilespmem:s5+$0xFFFFFFD0];
	p0 =	slt.u32 s4, $0xB80;
	[tilespmem:s1+$0xFFFFFFD0] =	vst v8;
	v5 =	vsel vm1, $0x0, v0;
	vm1 =	vmor vm0, vm2;
	vm2 =	vgt.f32 v3, $0.0e+00  }
0x833: {  	v8 =	vld [tilespmem:s5+$0xFFFFFFE0];
	[tilespmem:s1+$0xFFFFFFE0] =	vst v5;
	v3 =	vsel vm1, $0x0, v0;
	vm1 =	vmor vm0, vm2;
	vm2 =	vgt.f32 v1, $0.0e+00  }
.Ltmp101:
0x834: {  	v5 =	vld [tilespmem:s5+$0xFFFFFFF0];
	[tilespmem:s1+$0xFFFFFFF0] =	vst v3;
	v1 =	vsel vm1, $0x0, v0;
	vm1 =	vmor vm0, vm2;
	vm2 =	vgt.f32 v2, $0.0e+00;
	(pc) =	sbr.rel @p0 .LBB2_185-.Ltmp101, $4  }
0x835: {  	v3 =	vld [tilespmem:s5+$0x0];
	vm3 =	vgt.f32 v4, $0.0e+00;
	[tilespmem:s1+$0x0] =	vst v1;
	v2 =	vsel vm1, $0x0, v0;
	vm1 =	vmor vm0, vm2  }
0x836: {  	v1 =	vld [tilespmem:s5+$0x10];
	vm2 =	vgt.f32 v7, $0.0e+00;
	vm3 =	vmor vm0, vm3;
	[tilespmem:s1+$0x10] =	vst v2;
	v4 =	vsel vm1, $0x0, v0  }
0x837: {  	vm1 =	vgt.f32 v6, $0.0e+00;
	v2 =	vld [tilespmem:s5+$0x20];
	vm4 =	vmor vm0, vm2;
	v7 =	vsel vm3, $0x0, v0;
	[tilespmem:s1+$0x20] =	vst v4  }
0x838: {  	v4 =	vld [tilespmem:s5+$0xFFFFFFC0];
	vm1 =	vmor vm0, vm1;
	vm2 =	vgt.f32 v8, $0.0e+00;
	v6 =	vsel vm4, $0x0, v0;
	[tilespmem:s1+$0xFFFFFFC0] =	vst v7;
	s1 =	smov.u32 s5;
	s5 =	sadd.s32 $0x80, s5  }
0x839: {  	v7 =	vsel vm1, $0x0, v0;
	vm1 =	vmor vm0, vm2;
	vm2 =	vgt.f32 v5, $0.0e+00;
	[tilespmem:s1+$0x30] =	vst v6  }
0x83a: {  	[tilespmem:s1+$0xFFFFFFD0] =	vst v7;
	v63 =	vsel vm1, $0x0, v0;
	vm1 =	vmor vm0, vm2;
	vm2 =	vgt.f32 v3, $0.0e+00  }
0x83b: {  	[tilespmem:s1+$0xFFFFFFE0] =	vst v63;
	v3 =	vsel vm1, $0x0, v0;
	vm1 =	vmor vm0, vm2;
	vm2 =	vgt.f32 v1, $0.0e+00  }
0x83c: {  	[tilespmem:s1+$0xFFFFFFF0] =	vst v3;
	v1 =	vsel vm1, $0x0, v0;
	vm1 =	vmor vm0, vm2;
	vm2 =	vgt.f32 v2, $0.0e+00  }
0x83d: {  	vm3 =	vgt.f32 v4, $0.0e+00;
	[tilespmem:s1+$0x0] =	vst v1;
	v1 =	vsel vm1, $0x0, v0;
	vm1 =	vmor vm0, vm2  }
0x83e: {  	vm2 =	vmor vm0, vm3;
	[tilespmem:s1+$0x10] =	vst v1;
	v1 =	vsel vm1, $0x0, v0  }
0x83f: {  	v0 =	vsel vm2, $0x0, v0;
	[tilespmem:s1+$0x20] =	vst v1  }
0x840: {  	s2 =	simm.s32 $0x17B00;
	[tilespmem:s1+$0xFFFFFFC0] =	vst v0;
	s1 =	simm.s32 $0xBF0;
	v0 =	vimm.f32 $-Inf  }
.LBB2_187:
0x841: {  	v1 =	vld [tilespmem:s2+$0x0];
	_ =	sdelay $0x1  }
0x842: {  	s1 =	sadd.s32 $0x10, s1  }
0x843: {  	p0 =	slt.u32 s1, $0xC30  }
.Ltmp102:
0x844: {  	_ = 	snop;
	(pc) =	sbr.rel @p0 .LBB2_187-.Ltmp102, $4  }
0x845: {  	vm1 =	vgt.f32 v1, $0.0e+00  }
0x846: {  	vm1 =	vmor vm0, vm1  }
0x847: {  	v1 =	vsel vm1, $0x0, v0  }
0x848: {  	[tilespmem:s2+$0x0] =	vst v1;
	s2 =	sadd.s32 $0x10, s2  }
0x849: {  	p0 =	seq.s32 s0, $0xF  }
0x84a: {  	s1 =	simm.s32 @p0 $0x0;
	s2 =	simm.s32 @p0 $0x16F00  }
0x84b: {  	[hbm4b:s3+s1] =	stream.linear.scatter @p0 [tilespmem:s2], [sflag:$0x4], $0xB90, $0x38;
	[tilespmem:$0x17D10] =	vst v63  }
0x84c: {  	s1 =	simm.s32 @p0 $0x4  }
0x84d: {  	_ =	swait.ge @p0 [sflag:s1], $0xB90  }
0x84e: {  	[sflag:s1] =	ssyncset.done @p0 $0x0  }
0x84f: {  	s2 =	simm.s32 @!p0 $0x16F00;
	[sflag:s1] =	ssyncadd.s32 @p0 $0xFFFFF470;
	s1 =	simm.s32 @!p0 $0x0  }
0x850: {  	[hbm4b:s10+s1] =	stream.linear.scatter @!p0 [tilespmem:s2], [sflag:$0x4], $0xC40, $0x38;
	[tilespmem:$0x17D10] =	vst v63  }
0x851: {  	s1 =	simm.s32 @!p0 $0x4  }
0x852: {  	_ =	swait.ge @!p0 [sflag:s1], $0xC40  }
0x853: {  	[sflag:s1] =	ssyncset.done @!p0 $0x0  }
0x854: {  	[sflag:s1] =	ssyncadd.s32 @!p0 $0xFFFFF3C0  }
0x855: {  	_ =	sfence.sel $0x180000  }
0x856: {  	[bflag:$0x0] =	sbarrier.arrive $0xFFFF  }
0x857: {  	_ =	strace $0x90000047  }
0x858: {  	[bflag:$0x2] =	sbarrier.arrive $0xFFFF  }
0x859: {  	p0 =	sne.s32 s0, $0x0;
	s0 =	rddreg [dreg:$0x3]  }
0x85a: {  	s0 =	sadd.s32 @!p0 $0x100000, s0  }
0x85b: {  	[sflag:s0] =	ssyncadd.tile.s32 @!p0 $0x1;
	_ =	shalt  }
.Lfunc_end2:
_tile_overlayer_lowered:
.L_overlay_start_2:
0x85c: {  	(tag) =	ssettag $0x2  }
0x85d: {  	s0 =	rddreg [dreg:$0x0];
	s2 =	stileid.u32  }
0x85e: {  	s1 =	rddreg [dreg:$0x1];
	p0 =	sne.s32 s2, $0x0  }
0x85f: {  	s3 =	rddreg [dreg:$0x2];
	[bflag:$0x3] =	sbarrier.arrive $0xFFFF;
	s2 =	simm.s32 @!p0 $0x1C04  }
0x860: {  	[timem:s3], [sflag:s2] =	dma.local @!p0 [hbm:s0], s1  }
0x861: {  	s0 =	simm.s32 @!p0 $0x4  }
0x862: {  	_ =	swait.ge @!p0 [sflag:s0], s1  }
0x863: {  	s1 =	ssub.s32 @!p0 $0x0, s1;
	[sflag:s0] =	ssyncset.done @!p0 $0x0  }
0x864: {  	[sflag:s0] =	ssyncadd.s32 @!p0 s1  }
0x865: {  	[bflag:$0x3] =	sbarrier.arrive $0xFFFF  }
0x866: {  	_ =	shalt  }

</sc_bundles>
